<compile_context>
chip_gen: v7x
topology: tpu7x:2x2x1
jax: 0.10.2.dev20260603
libtpu: 0.0.44.dev20260713+nightly
codegen_flags: <defaults>
</compile_context>

<pallas_src>
import functools

import jax
import jax.numpy as jnp
from jax import lax
from jax.experimental import pallas as pl
from jax.experimental.pallas import tpu as pltpu
from jax.experimental.pallas import tpu_sc as plsc

N_NODES = 10000
N_PAD = 10240
N_EDGES = 320000
FEAT = 128

NC, NS, L = 2, 16, 16
NW = NC * NS

_mesh = functools.partial(
    plsc.VectorSubcoreMesh, core_axis_name="c", subcore_axis_name="s")


_EPT_A = N_EDGES // NS
_HALF = N_PAD // NC


@functools.partial(
    pl.kernel,
    out_type=jax.ShapeDtypeStruct((N_PAD,), jnp.int32),
    mesh=_mesh(),
    compiler_params=pltpu.CompilerParams(needs_layout_passes=False),
    scratch_types=[
        pltpu.VMEM((_EPT_A,), jnp.int32),
        pltpu.VMEM((N_PAD,), jnp.int32),
        pltpu.VMEM((NS * (_HALF // NS),), jnp.int32),
        pltpu.VMEM_SHARED((NS * N_PAD,), jnp.int32),
        pltpu.SemaphoreType.DMA,
    ],
)
def _deg_kernel(dst_hbm, cnt_hbm, dst_v, acc_v, stg_v, shared, sem_r):
    cid = lax.axis_index("c")
    sid = lax.axis_index("s")
    zeros = jnp.zeros((L,), jnp.int32)

    def zero_body(i, _):
        acc_v[pl.ds(i * L, L)] = zeros

    lax.fori_loop(0, N_PAD // L, zero_body, None, unroll=8)

    pltpu.sync_copy(dst_hbm.at[pl.ds(sid * _EPT_A, _EPT_A)], dst_v)
    ones = jnp.ones((L,), jnp.int32)

    def body(i, _):
        idx = dst_v[pl.ds(i * L, L)]
        plsc.addupdate_scatter(acc_v, [idx], ones)

    lax.fori_loop(0, _EPT_A // L, body, None, unroll=4)

    pltpu.sync_copy(acc_v, shared.at[pl.ds(sid * N_PAD, N_PAD)])
    plsc.subcore_barrier()

    chunk = _HALF // NS
    base = cid * _HALF + sid * chunk

    for g in range(0, NS, 8):
        hs = [pltpu.async_copy(shared.at[pl.ds(t * N_PAD + base, chunk)],
                               stg_v.at[pl.ds(t * chunk, chunk)], sem_r)
              for t in range(g, g + 8)]
        for h in hs:
            h.wait()

    def red_body(i, _):
        v = stg_v[pl.ds(i * L, L)]
        for t in range(1, NS):
            v = v + stg_v[pl.ds(t * chunk + i * L, L)]
        acc_v[pl.ds(i * L, L)] = v

    lax.fori_loop(0, chunk // L, red_body, None, unroll=4)
    pltpu.sync_copy(acc_v.at[pl.ds(0, chunk)], cnt_hbm.at[pl.ds(base, chunk)])


_EPC = N_EDGES // NC
_EPT_B = _EPC // NS
_BB = 80
_NB = _EPT_B // _BB
_ROWS_PER_TILE = N_PAD // NS


@functools.partial(
    pl.kernel,
    out_type=jax.ShapeDtypeStruct((NC, N_PAD, FEAT), jnp.float32),
    mesh=_mesh(),
    compiler_params=pltpu.CompilerParams(needs_layout_passes=False),
    scratch_types=[
        pltpu.VMEM((_EPT_B,), jnp.int32),
        pltpu.VMEM((_BB,), jnp.int32),
        pltpu.VMEM((_BB,), jnp.int32),
        pltpu.VMEM((_BB, FEAT), jnp.float32),
        pltpu.VMEM((_BB, FEAT), jnp.float32),
        pltpu.VMEM_SHARED((N_PAD, FEAT), jnp.float32),
        pltpu.SemaphoreType.DMA,
        pltpu.SemaphoreType.DMA,
        pltpu.SemaphoreType.DMA,
        pltpu.SemaphoreType.DMA,
        pltpu.SemaphoreType.DMA,
        pltpu.SemaphoreType.DMA,
    ],
)
def _msg_kernel(src_hbm, dst_hbm, p_hbm, out_hbm, src_v, dstb0, dstb1,
                rows0, rows1, acc, sem_i, sem_d, sem_g0, sem_g1,
                sem_s0, sem_s1):
    cid = lax.axis_index("c")
    sid = lax.axis_index("s")
    ebase = cid * _EPC + sid * _EPT_B

    h_src = pltpu.async_copy(src_hbm.at[pl.ds(ebase, _EPT_B)], src_v, sem_i)

    zeros = jnp.zeros((L,), jnp.float32)

    def zero_body(i, _):
        rows0[i // (FEAT // L), pl.ds((i % (FEAT // L)) * L, L)] = zeros

    lax.fori_loop(0, _BB * FEAT // L, zero_body, None, unroll=8)

    row0 = sid * _ROWS_PER_TILE
    for j in range(_ROWS_PER_TILE // _BB):
        pltpu.sync_copy(rows0, acc.at[pl.ds(row0 + j * _BB, _BB)])
    h_src.wait()
    plsc.subcore_barrier()

    def gather(b, rows, sem):
        return pltpu.async_copy(
            p_hbm.at[src_v.at[pl.ds(b * _BB, _BB)]], rows, sem)

    def gather_wait(b, rows, sem):
        pltpu.make_async_copy(
            p_hbm.at[src_v.at[pl.ds(b * _BB, _BB)]], rows, sem).wait()

    def scatter(rows, dst, sem):
        return pltpu.async_copy(rows, acc.at[dst], sem, add=True)

    def scatter_wait(rows, dst, sem):
        pltpu.make_async_copy(rows, acc.at[dst], sem).wait()

    def dst_wait(b, dst):
        pltpu.make_async_copy(dst_hbm.at[pl.ds(ebase + b * _BB, _BB)],
                              dst, sem_d).wait()

    pltpu.async_copy(dst_hbm.at[pl.ds(ebase, _BB)], dstb0, sem_d)
    gather(0, rows0, sem_g0)

    def half(b, dst_cur, dst_nxt, rows_cur, sem_cur, sem_scur,
             rows_nxt, sem_nxt, sem_snxt, first):
        if not first:
            scatter_wait(rows_nxt, dst_nxt, sem_snxt)
        pltpu.async_copy(dst_hbm.at[pl.ds(ebase + (b + 1) * _BB, _BB)],
                         dst_nxt, sem_d)
        gather(b + 1, rows_nxt, sem_nxt)
        gather_wait(b, rows_cur, sem_cur)
        dst_wait(b, dst_cur)
        scatter(rows_cur, dst_cur, sem_scur)

    half(0, dstb0, dstb1, rows0, sem_g0, sem_s0, rows1, sem_g1, sem_s1, True)
    half(1, dstb1, dstb0, rows1, sem_g1, sem_s1, rows0, sem_g0, sem_s0, False)

    def body(jo, _):
        half(jo * 2, dstb0, dstb1, rows0, sem_g0, sem_s0,
             rows1, sem_g1, sem_s1, False)
        half(jo * 2 + 1, dstb1, dstb0, rows1, sem_g1, sem_s1,
             rows0, sem_g0, sem_s0, False)

    lax.fori_loop(1, (_NB - 1) // 2, body, None)

    b_last = _NB - 1
    scatter_wait(rows1, dstb1, sem_s1)
    gather_wait(b_last, rows0, sem_g0)
    dst_wait(b_last, dstb0)
    pltpu.sync_copy(rows0, acc.at[dstb0], add=True)

    plsc.subcore_barrier()
    pltpu.sync_copy(acc.at[pl.ds(row0, _ROWS_PER_TILE)],
                    out_hbm.at[cid, pl.ds(row0, _ROWS_PER_TILE)])


_EPT_C = N_EDGES // NS


@functools.partial(
    pl.kernel,
    out_type=jax.ShapeDtypeStruct((N_PAD,), jnp.float32),
    mesh=_mesh(),
    compiler_params=pltpu.CompilerParams(needs_layout_passes=False),
    scratch_types=[
        pltpu.VMEM((_EPT_C,), jnp.int32),
        pltpu.VMEM((N_PAD,), jnp.float32),
        pltpu.VMEM((N_PAD,), jnp.float32),
        pltpu.VMEM((NS * (_HALF // NS),), jnp.float32),
        pltpu.VMEM((_HALF // NS,), jnp.float32),
        pltpu.VMEM((_HALF // NS,), jnp.float32),
        pltpu.VMEM_SHARED((NS * N_PAD,), jnp.float32),
        pltpu.SemaphoreType.DMA,
    ],
)
def _scalar_kernel(pk_hbm, q_hbm, dinv_hbm, r_hbm, out_hbm,
                   pk_v, q_v, acc_v, stg_v, red_v, aux_v, shared, sem_i):
    cid = lax.axis_index("c")
    sid = lax.axis_index("s")
    zeros = jnp.zeros((L,), jnp.float32)

    h_pk = pltpu.async_copy(pk_hbm.at[pl.ds(sid * _EPT_C, _EPT_C)], pk_v, sem_i)
    h_q = pltpu.async_copy(q_hbm, q_v, sem_i)

    def zero_body(i, _):
        acc_v[pl.ds(i * L, L)] = zeros

    lax.fori_loop(0, N_PAD // L, zero_body, None, unroll=8)
    h_pk.wait()
    h_q.wait()

    def body(i, _):
        v = pk_v[pl.ds(i * L, L)]
        s_idx = v & 0xFFFF
        d_idx = v >> 16
        vals = plsc.load_gather(q_v, [s_idx])
        plsc.addupdate_scatter(acc_v, [d_idx], vals)

    lax.fori_loop(0, _EPT_C // L, body, None, unroll=4)

    pltpu.sync_copy(acc_v, shared.at[pl.ds(sid * N_PAD, N_PAD)])
    plsc.subcore_barrier()

    chunk = _HALF // NS
    base = cid * _HALF + sid * chunk

    h_di = pltpu.async_copy(dinv_hbm.at[pl.ds(base, chunk)], red_v, sem_i)
    h_r = pltpu.async_copy(r_hbm.at[pl.ds(base, chunk)], aux_v, sem_i)
    h_di.wait()
    h_r.wait()
    for g in range(0, NS, 8):
        hs = [pltpu.async_copy(shared.at[pl.ds(t * N_PAD + base, chunk)],
                               stg_v.at[pl.ds(t * chunk, chunk)], sem_i)
              for t in range(g, g + 8)]
        for h in hs:
            h.wait()

    def red_body(i, _):
        v = stg_v[pl.ds(i * L, L)]
        for t in range(1, NS):
            v = v + stg_v[pl.ds(t * chunk + i * L, L)]
        acc_v[pl.ds(i * L, L)] = v * red_v[pl.ds(i * L, L)] + aux_v[pl.ds(i * L, L)]

    lax.fori_loop(0, chunk // L, red_body, None, unroll=4)
    pltpu.sync_copy(acc_v.at[pl.ds(0, chunk)], out_hbm.at[pl.ds(base, chunk)])


_RB = 2048
_NRB = N_PAD // _RB


def _tc1_body(cnt_ref, x_ref, w1_ref, dinv_ref, p_ref):
    deg = cnt_ref[...].astype(jnp.float32) + 1.0
    dinv = lax.rsqrt(deg)
    dinv_ref[...] = dinv
    h = jnp.dot(x_ref[...], w1_ref[...], preferred_element_type=jnp.float32)
    p_ref[...] = dinv * h


def _tc1(cnt, x_pad, W1):
    return pl.pallas_call(
        _tc1_body,
        grid=(_NRB,),
        in_specs=[
            pl.BlockSpec((_RB, 1), lambda i: (i, 0)),
            pl.BlockSpec((_RB, FEAT), lambda i: (i, 0)),
            pl.BlockSpec((FEAT, FEAT), lambda i: (0, 0)),
        ],
        out_specs=[
            pl.BlockSpec((_RB, 1), lambda i: (i, 0)),
            pl.BlockSpec((_RB, FEAT), lambda i: (i, 0)),
        ],
        out_shape=[
            jax.ShapeDtypeStruct((N_PAD, 1), jnp.float32),
            jax.ShapeDtypeStruct((N_PAD, FEAT), jnp.float32),
        ],
    )(cnt, x_pad, W1)


def _tc2_body(s_ref, p_ref, dinv_ref, b1_ref, w2_ref, b2_ref, q_ref, r_ref):
    dinv = dinv_ref[...]
    s = s_ref[0] + s_ref[1] + p_ref[...]
    t = jnp.maximum(dinv * s + b1_ref[...], 0.0)
    z = jnp.dot(t, w2_ref[...], preferred_element_type=jnp.float32)
    q = dinv * z
    q_ref[...] = q
    r_ref[...] = dinv * q + b2_ref[0, 0]


def _tc2(s_parts, p, dinv, b1, W2, b2):
    return pl.pallas_call(
        _tc2_body,
        grid=(_NRB,),
        in_specs=[
            pl.BlockSpec((NC, _RB, FEAT), lambda i: (0, i, 0)),
            pl.BlockSpec((_RB, FEAT), lambda i: (i, 0)),
            pl.BlockSpec((_RB, 1), lambda i: (i, 0)),
            pl.BlockSpec((1, FEAT), lambda i: (0, 0)),
            pl.BlockSpec((FEAT, 1), lambda i: (0, 0)),
            pl.BlockSpec((1, 1), lambda i: (0, 0)),
        ],
        out_specs=[
            pl.BlockSpec((_RB, 1), lambda i: (i, 0)),
            pl.BlockSpec((_RB, 1), lambda i: (i, 0)),
        ],
        out_shape=[
            jax.ShapeDtypeStruct((N_PAD, 1), jnp.float32),
            jax.ShapeDtypeStruct((N_PAD, 1), jnp.float32),
        ],
    )(s_parts, p, dinv, b1, W2, b2)


def kernel(x, edge_index, W1, b1, W2, b2):
    edge_index = edge_index.astype(jnp.int32)
    src_idx = edge_index[0]
    dst_idx = edge_index[1]
    x_pad = jnp.pad(x, ((0, N_PAD - N_NODES), (0, 0)))

    pk = jnp.bitwise_or(src_idx, jnp.left_shift(dst_idx, 16))

    cnt = _deg_kernel(dst_idx)
    dinv, p = _tc1(cnt.reshape(N_PAD, 1), x_pad, W1)
    s_parts = _msg_kernel(src_idx, dst_idx, p)
    q, r = _tc2(s_parts, p, dinv, b1.reshape(1, FEAT), W2, b2.reshape(1, 1))
    out = _scalar_kernel(pk, q.reshape(-1), dinv.reshape(-1), r.reshape(-1))
    return out[:N_NODES]

# --- scband reference (transcript-rebuilt; emitter-appended) ---
"""Pipeline reference for scband-gcn-30717606101013 (READ-ONLY COPY).

The authoritative reference and input builder live on the scoring server;
editing this copy changes nothing except your own understanding.
"""

import jax, jax.numpy as jnp
import numpy as np

N_NODES = 10000
IN_CH = 128
HID_CH = 128


def setup_inputs(seed: int = 0) -> dict:
    key = jax.random.key(seed)
    k1, k2, k3, k4, k5, k6 = jax.random.split(key, 6)
    x = jax.random.normal(k1, (N_NODES, IN_CH), dtype=jnp.float32)
    edge_index = jax.random.randint(k2, (2, 320000), 0, N_NODES, dtype=jnp.int64)
    # GCNConv weights (glorot-ish scaling)
    W1 = jax.random.normal(k3, (IN_CH, HID_CH), dtype=jnp.float32) * (1.0 / np.sqrt(IN_CH))
    b1 = jnp.zeros((HID_CH,), dtype=jnp.float32)
    W2 = jax.random.normal(k4, (HID_CH, 1), dtype=jnp.float32) * (1.0 / np.sqrt(HID_CH))
    b2 = jnp.zeros((1,), dtype=jnp.float32)
    return {"x": x, "edge_index": edge_index, "W1": W1, "b1": b1, "W2": W2, "b2": b2}


def _gcn_conv(x, edge_index, W, b, num_nodes):
    # Faithful PyG GCNConv: linear transform, add self-loops, sym-normalize, scatter-add, bias.
    src = edge_index[0]
    dst = edge_index[1]
    loop = jnp.arange(num_nodes, dtype=src.dtype)
    src = jnp.concatenate([src, loop])
    dst = jnp.concatenate([dst, loop])
    h = x @ W
    ones = jnp.ones_like(dst, dtype=h.dtype)
    deg = jax.ops.segment_sum(ones, dst, num_segments=num_nodes)
    deg_inv_sqrt = jnp.where(deg > 0, 1.0 / jnp.sqrt(deg), 0.0)
    norm = deg_inv_sqrt[src] * deg_inv_sqrt[dst]
    msg = h[src] * norm[:, None]
    out = jax.ops.segment_sum(msg, dst, num_segments=num_nodes)
    return out + b


def reference(x, edge_index, W1, b1, W2, b2):
    num_nodes = x.shape[0]
    h = _gcn_conv(x, edge_index, W1, b1, num_nodes)
    h = jax.nn.relu(h)
    # F.dropout with training=False (eval mode) is identity
    out = _gcn_conv(h, edge_index, W2, b2, num_nodes)
    return out.reshape(-1)

if __name__ == "__main__":
    import jax
    _d = setup_inputs()
    print(jax.jit(kernel)(*tuple(_d.values())))

</pallas_src>

<mosaic_0001>
#map = affine_map<(d0, d1) -> (0)>
module attributes {stable_mosaic.version = 14 : i64} {
  func.func @_deg_kernel(%arg0: i32, %arg1: i32, %arg2: memref<320000xi32, #tpu.memory_space<hbm>>, %arg3: memref<10240xi32, #tpu.memory_space<hbm>>, %arg4: memref<20000xi32, #tpu.memory_space<vmem>>, %arg5: memref<10240xi32, #tpu.memory_space<vmem>>, %arg6: memref<5120xi32, #tpu.memory_space<vmem>>, %arg7: memref<163840xi32, #tpu.memory_space<vmem_shared>>, %arg8: memref<!tpu.dma_semaphore, #tpu.memory_space<semaphore_mem>>) attributes {dimension_semantics = [#tpu.dimension_semantics<core_parallel>, #tpu.dimension_semantics<subcore_parallel>], iteration_bounds = array<i64: 2, 16>, scalar_prefetch = 0 : i64, scratch_operands = 5 : i64, tpu.core_type = #tpu.core_type<sc_vector_subcore>, window_params = [{transform_indices = #map}, {transform_indices = #map}]} {
    %broadcast_in_dim3A = arith.constant 0 : i32
    %broadcast_in_dim3A_0 = vector.broadcast %broadcast_in_dim3A : i32 to vector<16xi32>
    %scan3A = arith.constant 0 : i32
    %scan3A_1 = arith.constant 640 : i32
    %scan3A_2 = arith.addi %scan3A, %scan3A_1 : i32
    %scan3A_3 = arith.constant 8 : i32
    scf.for %scan3A_257 = %scan3A to %scan3A_2 step %scan3A_3  : i32 {
      %mul3A_258 = arith.constant 16 : i32
      %mul3A_259 = arith.muli %scan3A_257, %mul3A_258 : i32
      %swap3A = arith.index_cast %mul3A_259 : i32 to index
      %swap3A_260 = tpu.vector_load %arg5[%swap3A] {strides = array<i32>} : memref<10240xi32, #tpu.memory_space<vmem>>, vector<16xi32>,
      tpu.vector_store %arg5[%swap3A], %broadcast_in_dim3A_0 {strides = array<i32>} : memref<10240xi32, #tpu.memory_space<vmem>>, vector<16xi32>,
      %scan3A_261 = arith.constant 1 : i32
      %scan3A_262 = arith.addi %scan3A_257, %scan3A_261 : i32
      %mul3A_263 = arith.constant 16 : i32
      %mul3A_264 = arith.muli %scan3A_262, %mul3A_263 : i32
      %swap3A_265 = arith.index_cast %mul3A_264 : i32 to index
      %swap3A_266 = tpu.vector_load %arg5[%swap3A_265] {strides = array<i32>} : memref<10240xi32, #tpu.memory_space<vmem>>, vector<16xi32>,
      tpu.vector_store %arg5[%swap3A_265], %broadcast_in_dim3A_0 {strides = array<i32>} : memref<10240xi32, #tpu.memory_space<vmem>>, vector<16xi32>,
      %scan3A_267 = arith.constant 2 : i32
      %scan3A_268 = arith.addi %scan3A_257, %scan3A_267 : i32
      %mul3A_269 = arith.constant 16 : i32
      %mul3A_270 = arith.muli %scan3A_268, %mul3A_269 : i32
      %swap3A_271 = arith.index_cast %mul3A_270 : i32 to index
      %swap3A_272 = tpu.vector_load %arg5[%swap3A_271] {strides = array<i32>} : memref<10240xi32, #tpu.memory_space<vmem>>, vector<16xi32>,
      tpu.vector_store %arg5[%swap3A_271], %broadcast_in_dim3A_0 {strides = array<i32>} : memref<10240xi32, #tpu.memory_space<vmem>>, vector<16xi32>,
      %scan3A_273 = arith.constant 3 : i32
      %scan3A_274 = arith.addi %scan3A_257, %scan3A_273 : i32
      %mul3A_275 = arith.constant 16 : i32
      %mul3A_276 = arith.muli %scan3A_274, %mul3A_275 : i32
      %swap3A_277 = arith.index_cast %mul3A_276 : i32 to index
      %swap3A_278 = tpu.vector_load %arg5[%swap3A_277] {strides = array<i32>} : memref<10240xi32, #tpu.memory_space<vmem>>, vector<16xi32>,
      tpu.vector_store %arg5[%swap3A_277], %broadcast_in_dim3A_0 {strides = array<i32>} : memref<10240xi32, #tpu.memory_space<vmem>>, vector<16xi32>,
      %scan3A_279 = arith.constant 4 : i32
      %scan3A_280 = arith.addi %scan3A_257, %scan3A_279 : i32
      %mul3A_281 = arith.constant 16 : i32
      %mul3A_282 = arith.muli %scan3A_280, %mul3A_281 : i32
      %swap3A_283 = arith.index_cast %mul3A_282 : i32 to index
      %swap3A_284 = tpu.vector_load %arg5[%swap3A_283] {strides = array<i32>} : memref<10240xi32, #tpu.memory_space<vmem>>, vector<16xi32>,
      tpu.vector_store %arg5[%swap3A_283], %broadcast_in_dim3A_0 {strides = array<i32>} : memref<10240xi32, #tpu.memory_space<vmem>>, vector<16xi32>,
      %scan3A_285 = arith.constant 5 : i32
      %scan3A_286 = arith.addi %scan3A_257, %scan3A_285 : i32
      %mul3A_287 = arith.constant 16 : i32
      %mul3A_288 = arith.muli %scan3A_286, %mul3A_287 : i32
      %swap3A_289 = arith.index_cast %mul3A_288 : i32 to index
      %swap3A_290 = tpu.vector_load %arg5[%swap3A_289] {strides = array<i32>} : memref<10240xi32, #tpu.memory_space<vmem>>, vector<16xi32>,
      tpu.vector_store %arg5[%swap3A_289], %broadcast_in_dim3A_0 {strides = array<i32>} : memref<10240xi32, #tpu.memory_space<vmem>>, vector<16xi32>,
      %scan3A_291 = arith.constant 6 : i32
      %scan3A_292 = arith.addi %scan3A_257, %scan3A_291 : i32
      %mul3A_293 = arith.constant 16 : i32
      %mul3A_294 = arith.muli %scan3A_292, %mul3A_293 : i32
      %swap3A_295 = arith.index_cast %mul3A_294 : i32 to index
      %swap3A_296 = tpu.vector_load %arg5[%swap3A_295] {strides = array<i32>} : memref<10240xi32, #tpu.memory_space<vmem>>, vector<16xi32>,
      tpu.vector_store %arg5[%swap3A_295], %broadcast_in_dim3A_0 {strides = array<i32>} : memref<10240xi32, #tpu.memory_space<vmem>>, vector<16xi32>,
      %scan3A_297 = arith.constant 7 : i32
      %scan3A_298 = arith.addi %scan3A_257, %scan3A_297 : i32
      %mul3A_299 = arith.constant 16 : i32
      %mul3A_300 = arith.muli %scan3A_298, %mul3A_299 : i32
      %swap3A_301 = arith.index_cast %mul3A_300 : i32 to index
      %swap3A_302 = tpu.vector_load %arg5[%swap3A_301] {strides = array<i32>} : memref<10240xi32, #tpu.memory_space<vmem>>, vector<16xi32>,
      tpu.vector_store %arg5[%swap3A_301], %broadcast_in_dim3A_0 {strides = array<i32>} : memref<10240xi32, #tpu.memory_space<vmem>>, vector<16xi32>,
    }
    %scan3A_4 = arith.constant 640 : i32
    %mul3A = arith.constant 20000 : i32
    %mul3A_5 = arith.muli %arg1, %mul3A : i32
    "tpu.region"() ({
      %run_scoped3A = tpu.sem_alloc : memref<!tpu.dma_semaphore, #tpu.memory_space<semaphore_mem>>
      %dma_start3A_257 = tpu.memref_slice %arg2[%mul3A_5] : memref<320000xi32, #tpu.memory_space<hbm>> -> memref<20000xi32, #tpu.memory_space<hbm>>
      %dma_start3A_258 = tpu.memref_slice %arg2[%mul3A_5] : memref<320000xi32, #tpu.memory_space<hbm>> -> memref<20000xi32, #tpu.memory_space<hbm>>
      tpu.enqueue_dma source(%dma_start3A_258 : memref<20000xi32, #tpu.memory_space<hbm>>) target(%arg4 : memref<20000xi32, #tpu.memory_space<vmem>>) target_semaphore(%run_scoped3A : memref<!tpu.dma_semaphore, #tpu.memory_space<semaphore_mem>>)
      %dma_wait3A_259 = tpu.memref_slice %arg2[%mul3A_5] : memref<320000xi32, #tpu.memory_space<hbm>> -> memref<20000xi32, #tpu.memory_space<hbm>>
      %dma_wait3A_260 = tpu.memref_slice %arg2[%mul3A_5] : memref<320000xi32, #tpu.memory_space<hbm>> -> memref<20000xi32, #tpu.memory_space<hbm>>
      tpu.wait_dma2 semaphore(%run_scoped3A : memref<!tpu.dma_semaphore, #tpu.memory_space<semaphore_mem>>) src(%dma_wait3A_260 : memref<20000xi32, #tpu.memory_space<hbm>>) dst(%arg4 : memref<20000xi32, #tpu.memory_space<vmem>>)
      tpu.yield
    }) : () -> ()
    %broadcast_in_dim3A_6 = arith.constant 1 : i32
    %broadcast_in_dim3A_7 = vector.broadcast %broadcast_in_dim3A_6 : i32 to vector<16xi32>
    %scan3A_8 = arith.constant 0 : i32
    %scan3A_9 = arith.constant 1248 : i32
    %scan3A_10 = arith.addi %scan3A_8, %scan3A_9 : i32
    %scan3A_11 = arith.constant 4 : i32
    scf.for %scan3A_257 = %scan3A_8 to %scan3A_10 step %scan3A_11  : i32 {
      %mul3A_258 = arith.constant 16 : i32
      %mul3A_259 = arith.muli %scan3A_257, %mul3A_258 : i32
      %get3A_260 = arith.index_cast %mul3A_259 : i32 to index
      %get3A_261 = tpu.vector_load %arg4[%get3A_260] {strides = array<i32>} : memref<20000xi32, #tpu.memory_space<vmem>>, vector<16xi32>,
      tpu.vector_store_idx %arg5[%get3A_261], %broadcast_in_dim3A_7 {add = true} : memref<10240xi32, #tpu.memory_space<vmem>>[vector<16xi32>], vector<16xi32>,
      %scan3A_262 = arith.constant 1 : i32
      %scan3A_263 = arith.addi %scan3A_257, %scan3A_262 : i32
      %mul3A_264 = arith.constant 16 : i32
      %mul3A_265 = arith.muli %scan3A_263, %mul3A_264 : i32
      %get3A_266 = arith.index_cast %mul3A_265 : i32 to index
      %get3A_267 = tpu.vector_load %arg4[%get3A_266] {strides = array<i32>} : memref<20000xi32, #tpu.memory_space<vmem>>, vector<16xi32>,
      tpu.vector_store_idx %arg5[%get3A_267], %broadcast_in_dim3A_7 {add = true} : memref<10240xi32, #tpu.memory_space<vmem>>[vector<16xi32>], vector<16xi32>,
      %scan3A_268 = arith.constant 2 : i32
      %scan3A_269 = arith.addi %scan3A_257, %scan3A_268 : i32
      %mul3A_270 = arith.constant 16 : i32
      %mul3A_271 = arith.muli %scan3A_269, %mul3A_270 : i32
      %get3A_272 = arith.index_cast %mul3A_271 : i32 to index
      %get3A_273 = tpu.vector_load %arg4[%get3A_272] {strides = array<i32>} : memref<20000xi32, #tpu.memory_space<vmem>>, vector<16xi32>,
      tpu.vector_store_idx %arg5[%get3A_273], %broadcast_in_dim3A_7 {add = true} : memref<10240xi32, #tpu.memory_space<vmem>>[vector<16xi32>], vector<16xi32>,
      %scan3A_274 = arith.constant 3 : i32
      %scan3A_275 = arith.addi %scan3A_257, %scan3A_274 : i32
      %mul3A_276 = arith.constant 16 : i32
      %mul3A_277 = arith.muli %scan3A_275, %mul3A_276 : i32
      %get3A_278 = arith.index_cast %mul3A_277 : i32 to index
      %get3A_279 = tpu.vector_load %arg4[%get3A_278] {strides = array<i32>} : memref<20000xi32, #tpu.memory_space<vmem>>, vector<16xi32>,
      tpu.vector_store_idx %arg5[%get3A_279], %broadcast_in_dim3A_7 {add = true} : memref<10240xi32, #tpu.memory_space<vmem>>[vector<16xi32>], vector<16xi32>,
    }
    %scan3A_12 = arith.constant 1248 : i32
    %scan3A_13 = arith.addi %scan3A_8, %scan3A_12 : i32
    %mul3A_14 = arith.constant 16 : i32
    %mul3A_15 = arith.muli %scan3A_13, %mul3A_14 : i32
    %get3A = arith.index_cast %mul3A_15 : i32 to index
    %get3A_16 = tpu.vector_load %arg4[%get3A] {strides = array<i32>} : memref<20000xi32, #tpu.memory_space<vmem>>, vector<16xi32>,
    tpu.vector_store_idx %arg5[%get3A_16], %broadcast_in_dim3A_7 {add = true} : memref<10240xi32, #tpu.memory_space<vmem>>[vector<16xi32>], vector<16xi32>,
    %scan3A_17 = arith.constant 1249 : i32
    %scan3A_18 = arith.addi %scan3A_8, %scan3A_17 : i32
    %mul3A_19 = arith.constant 16 : i32
    %mul3A_20 = arith.muli %scan3A_18, %mul3A_19 : i32
    %get3A_21 = arith.index_cast %mul3A_20 : i32 to index
    %get3A_22 = tpu.vector_load %arg4[%get3A_21] {strides = array<i32>} : memref<20000xi32, #tpu.memory_space<vmem>>, vector<16xi32>,
    tpu.vector_store_idx %arg5[%get3A_22], %broadcast_in_dim3A_7 {add = true} : memref<10240xi32, #tpu.memory_space<vmem>>[vector<16xi32>], vector<16xi32>,
    %scan3A_23 = arith.constant 1250 : i32
    %mul3A_24 = arith.constant 10240 : i32
    %mul3A_25 = arith.muli %arg1, %mul3A_24 : i32
    "tpu.region"() ({
      %run_scoped3A = tpu.sem_alloc : memref<!tpu.dma_semaphore, #tpu.memory_space<semaphore_mem>>
      %dma_start3A_257 = tpu.memref_slice %arg7[%mul3A_25] : memref<163840xi32, #tpu.memory_space<vmem_shared>> -> memref<10240xi32, #tpu.memory_space<vmem_shared>>
      %dma_start3A_258 = tpu.memref_slice %arg7[%mul3A_25] : memref<163840xi32, #tpu.memory_space<vmem_shared>> -> memref<10240xi32, #tpu.memory_space<vmem_shared>>
      tpu.enqueue_dma source(%arg5 : memref<10240xi32, #tpu.memory_space<vmem>>) target(%dma_start3A_258 : memref<10240xi32, #tpu.memory_space<vmem_shared>>) target_semaphore(%run_scoped3A : memref<!tpu.dma_semaphore, #tpu.memory_space<semaphore_mem>>)
      %dma_wait3A_259 = tpu.memref_slice %arg7[%mul3A_25] : memref<163840xi32, #tpu.memory_space<vmem_shared>> -> memref<10240xi32, #tpu.memory_space<vmem_shared>>
      %dma_wait3A_260 = tpu.memref_slice %arg7[%mul3A_25] : memref<163840xi32, #tpu.memory_space<vmem_shared>> -> memref<10240xi32, #tpu.memory_space<vmem_shared>>
      tpu.wait_dma2 semaphore(%run_scoped3A : memref<!tpu.dma_semaphore, #tpu.memory_space<semaphore_mem>>) src(%arg5 : memref<10240xi32, #tpu.memory_space<vmem>>) dst(%dma_wait3A_260 : memref<10240xi32, #tpu.memory_space<vmem_shared>>)
      tpu.yield
    }) : () -> ()
    %barrier3A = arith.constant 0 : index
    tpu.barrier barrier_id(%barrier3A)
    %mul3A_26 = arith.constant 5120 : i32
    %mul3A_27 = arith.muli %arg0, %mul3A_26 : i32
    %mul3A_28 = arith.constant 320 : i32
    %mul3A_29 = arith.muli %arg1, %mul3A_28 : i32
    %add3A = arith.addi %mul3A_27, %mul3A_29 : i32
    %add3A_30 = arith.constant 0 : i32
    %add3A_31 = arith.addi %add3A_30, %add3A : i32
    %dma_start3A = arith.constant 0 : i32
    %dma_start3A_32 = tpu.memref_slice %arg6[%dma_start3A] : memref<5120xi32, #tpu.memory_space<vmem>> -> memref<320xi32, #tpu.memory_space<vmem>>
    %dma_start3A_33 = tpu.memref_slice %arg7[%add3A_31] : memref<163840xi32, #tpu.memory_space<vmem_shared>> -> memref<320xi32, #tpu.memory_space<vmem_shared>>
    %dma_start3A_34 = arith.constant 0 : i32
    %dma_start3A_35 = tpu.memref_slice %arg6[%dma_start3A_34] : memref<5120xi32, #tpu.memory_space<vmem>> -> memref<320xi32, #tpu.memory_space<vmem>>
    %dma_start3A_36 = tpu.memref_slice %arg7[%add3A_31] : memref<163840xi32, #tpu.memory_space<vmem_shared>> -> memref<320xi32, #tpu.memory_space<vmem_shared>>
    tpu.enqueue_dma source(%dma_start3A_36 : memref<320xi32, #tpu.memory_space<vmem_shared>>) target(%dma_start3A_35 : memref<320xi32, #tpu.memory_space<vmem>>) target_semaphore(%arg8 : memref<!tpu.dma_semaphore, #tpu.memory_space<semaphore_mem>>)
    %add3A_37 = arith.constant 10240 : i32
    %add3A_38 = arith.addi %add3A_37, %add3A : i32
    %dma_start3A_39 = arith.constant 320 : i32
    %dma_start3A_40 = tpu.memref_slice %arg6[%dma_start3A_39] : memref<5120xi32, #tpu.memory_space<vmem>> -> memref<320xi32, #tpu.memory_space<vmem>>
    %dma_start3A_41 = tpu.memref_slice %arg7[%add3A_38] : memref<163840xi32, #tpu.memory_space<vmem_shared>> -> memref<320xi32, #tpu.memory_space<vmem_shared>>
    %dma_start3A_42 = arith.constant 320 : i32
    %dma_start3A_43 = tpu.memref_slice %arg6[%dma_start3A_42] : memref<5120xi32, #tpu.memory_space<vmem>> -> memref<320xi32, #tpu.memory_space<vmem>>
    %dma_start3A_44 = tpu.memref_slice %arg7[%add3A_38] : memref<163840xi32, #tpu.memory_space<vmem_shared>> -> memref<320xi32, #tpu.memory_space<vmem_shared>>
    tpu.enqueue_dma source(%dma_start3A_44 : memref<320xi32, #tpu.memory_space<vmem_shared>>) target(%dma_start3A_43 : memref<320xi32, #tpu.memory_space<vmem>>) target_semaphore(%arg8 : memref<!tpu.dma_semaphore, #tpu.memory_space<semaphore_mem>>)
    %add3A_45 = arith.constant 20480 : i32
    %add3A_46 = arith.addi %add3A_45, %add3A : i32
    %dma_start3A_47 = arith.constant 640 : i32
    %dma_start3A_48 = tpu.memref_slice %arg6[%dma_start3A_47] : memref<5120xi32, #tpu.memory_space<vmem>> -> memref<320xi32, #tpu.memory_space<vmem>>
    %dma_start3A_49 = tpu.memref_slice %arg7[%add3A_46] : memref<163840xi32, #tpu.memory_space<vmem_shared>> -> memref<320xi32, #tpu.memory_space<vmem_shared>>
    %dma_start3A_50 = arith.constant 640 : i32
    %dma_start3A_51 = tpu.memref_slice %arg6[%dma_start3A_50] : memref<5120xi32, #tpu.memory_space<vmem>> -> memref<320xi32, #tpu.memory_space<vmem>>
    %dma_start3A_52 = tpu.memref_slice %arg7[%add3A_46] : memref<163840xi32, #tpu.memory_space<vmem_shared>> -> memref<320xi32, #tpu.memory_space<vmem_shared>>
    tpu.enqueue_dma source(%dma_start3A_52 : memref<320xi32, #tpu.memory_space<vmem_shared>>) target(%dma_start3A_51 : memref<320xi32, #tpu.memory_space<vmem>>) target_semaphore(%arg8 : memref<!tpu.dma_semaphore, #tpu.memory_space<semaphore_mem>>)
    %add3A_53 = arith.constant 30720 : i32
    %add3A_54 = arith.addi %add3A_53, %add3A : i32
    %dma_start3A_55 = arith.constant 960 : i32
    %dma_start3A_56 = tpu.memref_slice %arg6[%dma_start3A_55] : memref<5120xi32, #tpu.memory_space<vmem>> -> memref<320xi32, #tpu.memory_space<vmem>>
    %dma_start3A_57 = tpu.memref_slice %arg7[%add3A_54] : memref<163840xi32, #tpu.memory_space<vmem_shared>> -> memref<320xi32, #tpu.memory_space<vmem_shared>>
    %dma_start3A_58 = arith.constant 960 : i32
    %dma_start3A_59 = tpu.memref_slice %arg6[%dma_start3A_58] : memref<5120xi32, #tpu.memory_space<vmem>> -> memref<320xi32, #tpu.memory_space<vmem>>
    %dma_start3A_60 = tpu.memref_slice %arg7[%add3A_54] : memref<163840xi32, #tpu.memory_space<vmem_shared>> -> memref<320xi32, #tpu.memory_space<vmem_shared>>
    tpu.enqueue_dma source(%dma_start3A_60 : memref<320xi32, #tpu.memory_space<vmem_shared>>) target(%dma_start3A_59 : memref<320xi32, #tpu.memory_space<vmem>>) target_semaphore(%arg8 : memref<!tpu.dma_semaphore, #tpu.memory_space<semaphore_mem>>)
    %add3A_61 = arith.constant 40960 : i32
    %add3A_62 = arith.addi %add3A_61, %add3A : i32
    %dma_start3A_63 = arith.constant 1280 : i32
    %dma_start3A_64 = tpu.memref_slice %arg6[%dma_start3A_63] : memref<5120xi32, #tpu.memory_space<vmem>> -> memref<320xi32, #tpu.memory_space<vmem>>
    %dma_start3A_65 = tpu.memref_slice %arg7[%add3A_62] : memref<163840xi32, #tpu.memory_space<vmem_shared>> -> memref<320xi32, #tpu.memory_space<vmem_shared>>
    %dma_start3A_66 = arith.constant 1280 : i32
    %dma_start3A_67 = tpu.memref_slice %arg6[%dma_start3A_66] : memref<5120xi32, #tpu.memory_space<vmem>> -> memref<320xi32, #tpu.memory_space<vmem>>
    %dma_start3A_68 = tpu.memref_slice %arg7[%add3A_62] : memref<163840xi32, #tpu.memory_space<vmem_shared>> -> memref<320xi32, #tpu.memory_space<vmem_shared>>
    tpu.enqueue_dma source(%dma_start3A_68 : memref<320xi32, #tpu.memory_space<vmem_shared>>) target(%dma_start3A_67 : memref<320xi32, #tpu.memory_space<vmem>>) target_semaphore(%arg8 : memref<!tpu.dma_semaphore, #tpu.memory_space<semaphore_mem>>)
    %add3A_69 = arith.constant 51200 : i32
    %add3A_70 = arith.addi %add3A_69, %add3A : i32
    %dma_start3A_71 = arith.constant 1600 : i32
    %dma_start3A_72 = tpu.memref_slice %arg6[%dma_start3A_71] : memref<5120xi32, #tpu.memory_space<vmem>> -> memref<320xi32, #tpu.memory_space<vmem>>
    %dma_start3A_73 = tpu.memref_slice %arg7[%add3A_70] : memref<163840xi32, #tpu.memory_space<vmem_shared>> -> memref<320xi32, #tpu.memory_space<vmem_shared>>
    %dma_start3A_74 = arith.constant 1600 : i32
    %dma_start3A_75 = tpu.memref_slice %arg6[%dma_start3A_74] : memref<5120xi32, #tpu.memory_space<vmem>> -> memref<320xi32, #tpu.memory_space<vmem>>
    %dma_start3A_76 = tpu.memref_slice %arg7[%add3A_70] : memref<163840xi32, #tpu.memory_space<vmem_shared>> -> memref<320xi32, #tpu.memory_space<vmem_shared>>
    tpu.enqueue_dma source(%dma_start3A_76 : memref<320xi32, #tpu.memory_space<vmem_shared>>) target(%dma_start3A_75 : memref<320xi32, #tpu.memory_space<vmem>>) target_semaphore(%arg8 : memref<!tpu.dma_semaphore, #tpu.memory_space<semaphore_mem>>)
    %add3A_77 = arith.constant 61440 : i32
    %add3A_78 = arith.addi %add3A_77, %add3A : i32
    %dma_start3A_79 = arith.constant 1920 : i32
    %dma_start3A_80 = tpu.memref_slice %arg6[%dma_start3A_79] : memref<5120xi32, #tpu.memory_space<vmem>> -> memref<320xi32, #tpu.memory_space<vmem>>
    %dma_start3A_81 = tpu.memref_slice %arg7[%add3A_78] : memref<163840xi32, #tpu.memory_space<vmem_shared>> -> memref<320xi32, #tpu.memory_space<vmem_shared>>
    %dma_start3A_82 = arith.constant 1920 : i32
    %dma_start3A_83 = tpu.memref_slice %arg6[%dma_start3A_82] : memref<5120xi32, #tpu.memory_space<vmem>> -> memref<320xi32, #tpu.memory_space<vmem>>
    %dma_start3A_84 = tpu.memref_slice %arg7[%add3A_78] : memref<163840xi32, #tpu.memory_space<vmem_shared>> -> memref<320xi32, #tpu.memory_space<vmem_shared>>
    tpu.enqueue_dma source(%dma_start3A_84 : memref<320xi32, #tpu.memory_space<vmem_shared>>) target(%dma_start3A_83 : memref<320xi32, #tpu.memory_space<vmem>>) target_semaphore(%arg8 : memref<!tpu.dma_semaphore, #tpu.memory_space<semaphore_mem>>)
    %add3A_85 = arith.constant 71680 : i32
    %add3A_86 = arith.addi %add3A_85, %add3A : i32
    %dma_start3A_87 = arith.constant 2240 : i32
    %dma_start3A_88 = tpu.memref_slice %arg6[%dma_start3A_87] : memref<5120xi32, #tpu.memory_space<vmem>> -> memref<320xi32, #tpu.memory_space<vmem>>
    %dma_start3A_89 = tpu.memref_slice %arg7[%add3A_86] : memref<163840xi32, #tpu.memory_space<vmem_shared>> -> memref<320xi32, #tpu.memory_space<vmem_shared>>
    %dma_start3A_90 = arith.constant 2240 : i32
    %dma_start3A_91 = tpu.memref_slice %arg6[%dma_start3A_90] : memref<5120xi32, #tpu.memory_space<vmem>> -> memref<320xi32, #tpu.memory_space<vmem>>
    %dma_start3A_92 = tpu.memref_slice %arg7[%add3A_86] : memref<163840xi32, #tpu.memory_space<vmem_shared>> -> memref<320xi32, #tpu.memory_space<vmem_shared>>
    tpu.enqueue_dma source(%dma_start3A_92 : memref<320xi32, #tpu.memory_space<vmem_shared>>) target(%dma_start3A_91 : memref<320xi32, #tpu.memory_space<vmem>>) target_semaphore(%arg8 : memref<!tpu.dma_semaphore, #tpu.memory_space<semaphore_mem>>)
    %dma_wait3A = arith.constant 0 : i32
    %dma_wait3A_93 = tpu.memref_slice %arg6[%dma_wait3A] : memref<5120xi32, #tpu.memory_space<vmem>> -> memref<320xi32, #tpu.memory_space<vmem>>
    %dma_wait3A_94 = tpu.memref_slice %arg7[%add3A_31] : memref<163840xi32, #tpu.memory_space<vmem_shared>> -> memref<320xi32, #tpu.memory_space<vmem_shared>>
    %dma_wait3A_95 = arith.constant 0 : i32
    %dma_wait3A_96 = tpu.memref_slice %arg6[%dma_wait3A_95] : memref<5120xi32, #tpu.memory_space<vmem>> -> memref<320xi32, #tpu.memory_space<vmem>>
    %dma_wait3A_97 = tpu.memref_slice %arg7[%add3A_31] : memref<163840xi32, #tpu.memory_space<vmem_shared>> -> memref<320xi32, #tpu.memory_space<vmem_shared>>
    tpu.wait_dma2 semaphore(%arg8 : memref<!tpu.dma_semaphore, #tpu.memory_space<semaphore_mem>>) src(%dma_wait3A_97 : memref<320xi32, #tpu.memory_space<vmem_shared>>) dst(%dma_wait3A_96 : memref<320xi32, #tpu.memory_space<vmem>>)
    %dma_wait3A_98 = arith.constant 320 : i32
    %dma_wait3A_99 = tpu.memref_slice %arg6[%dma_wait3A_98] : memref<5120xi32, #tpu.memory_space<vmem>> -> memref<320xi32, #tpu.memory_space<vmem>>
    %dma_wait3A_100 = tpu.memref_slice %arg7[%add3A_38] : memref<163840xi32, #tpu.memory_space<vmem_shared>> -> memref<320xi32, #tpu.memory_space<vmem_shared>>
    %dma_wait3A_101 = arith.constant 320 : i32
    %dma_wait3A_102 = tpu.memref_slice %arg6[%dma_wait3A_101] : memref<5120xi32, #tpu.memory_space<vmem>> -> memref<320xi32, #tpu.memory_space<vmem>>
    %dma_wait3A_103 = tpu.memref_slice %arg7[%add3A_38] : memref<163840xi32, #tpu.memory_space<vmem_shared>> -> memref<320xi32, #tpu.memory_space<vmem_shared>>
    tpu.wait_dma2 semaphore(%arg8 : memref<!tpu.dma_semaphore, #tpu.memory_space<semaphore_mem>>) src(%dma_wait3A_103 : memref<320xi32, #tpu.memory_space<vmem_shared>>) dst(%dma_wait3A_102 : memref<320xi32, #tpu.memory_space<vmem>>)
    %dma_wait3A_104 = arith.constant 640 : i32
    %dma_wait3A_105 = tpu.memref_slice %arg6[%dma_wait3A_104] : memref<5120xi32, #tpu.memory_space<vmem>> -> memref<320xi32, #tpu.memory_space<vmem>>
    %dma_wait3A_106 = tpu.memref_slice %arg7[%add3A_46] : memref<163840xi32, #tpu.memory_space<vmem_shared>> -> memref<320xi32, #tpu.memory_space<vmem_shared>>
    %dma_wait3A_107 = arith.constant 640 : i32
    %dma_wait3A_108 = tpu.memref_slice %arg6[%dma_wait3A_107] : memref<5120xi32, #tpu.memory_space<vmem>> -> memref<320xi32, #tpu.memory_space<vmem>>
    %dma_wait3A_109 = tpu.memref_slice %arg7[%add3A_46] : memref<163840xi32, #tpu.memory_space<vmem_shared>> -> memref<320xi32, #tpu.memory_space<vmem_shared>>
    tpu.wait_dma2 semaphore(%arg8 : memref<!tpu.dma_semaphore, #tpu.memory_space<semaphore_mem>>) src(%dma_wait3A_109 : memref<320xi32, #tpu.memory_space<vmem_shared>>) dst(%dma_wait3A_108 : memref<320xi32, #tpu.memory_space<vmem>>)
    %dma_wait3A_110 = arith.constant 960 : i32
    %dma_wait3A_111 = tpu.memref_slice %arg6[%dma_wait3A_110] : memref<5120xi32, #tpu.memory_space<vmem>> -> memref<320xi32, #tpu.memory_space<vmem>>
    %dma_wait3A_112 = tpu.memref_slice %arg7[%add3A_54] : memref<163840xi32, #tpu.memory_space<vmem_shared>> -> memref<320xi32, #tpu.memory_space<vmem_shared>>
    %dma_wait3A_113 = arith.constant 960 : i32
    %dma_wait3A_114 = tpu.memref_slice %arg6[%dma_wait3A_113] : memref<5120xi32, #tpu.memory_space<vmem>> -> memref<320xi32, #tpu.memory_space<vmem>>
    %dma_wait3A_115 = tpu.memref_slice %arg7[%add3A_54] : memref<163840xi32, #tpu.memory_space<vmem_shared>> -> memref<320xi32, #tpu.memory_space<vmem_shared>>
    tpu.wait_dma2 semaphore(%arg8 : memref<!tpu.dma_semaphore, #tpu.memory_space<semaphore_mem>>) src(%dma_wait3A_115 : memref<320xi32, #tpu.memory_space<vmem_shared>>) dst(%dma_wait3A_114 : memref<320xi32, #tpu.memory_space<vmem>>)
    %dma_wait3A_116 = arith.constant 1280 : i32
    %dma_wait3A_117 = tpu.memref_slice %arg6[%dma_wait3A_116] : memref<5120xi32, #tpu.memory_space<vmem>> -> memref<320xi32, #tpu.memory_space<vmem>>
    %dma_wait3A_118 = tpu.memref_slice %arg7[%add3A_62] : memref<163840xi32, #tpu.memory_space<vmem_shared>> -> memref<320xi32, #tpu.memory_space<vmem_shared>>
    %dma_wait3A_119 = arith.constant 1280 : i32
    %dma_wait3A_120 = tpu.memref_slice %arg6[%dma_wait3A_119] : memref<5120xi32, #tpu.memory_space<vmem>> -> memref<320xi32, #tpu.memory_space<vmem>>
    %dma_wait3A_121 = tpu.memref_slice %arg7[%add3A_62] : memref<163840xi32, #tpu.memory_space<vmem_shared>> -> memref<320xi32, #tpu.memory_space<vmem_shared>>
    tpu.wait_dma2 semaphore(%arg8 : memref<!tpu.dma_semaphore, #tpu.memory_space<semaphore_mem>>) src(%dma_wait3A_121 : memref<320xi32, #tpu.memory_space<vmem_shared>>) dst(%dma_wait3A_120 : memref<320xi32, #tpu.memory_space<vmem>>)
    %dma_wait3A_122 = arith.constant 1600 : i32
    %dma_wait3A_123 = tpu.memref_slice %arg6[%dma_wait3A_122] : memref<5120xi32, #tpu.memory_space<vmem>> -> memref<320xi32, #tpu.memory_space<vmem>>
    %dma_wait3A_124 = tpu.memref_slice %arg7[%add3A_70] : memref<163840xi32, #tpu.memory_space<vmem_shared>> -> memref<320xi32, #tpu.memory_space<vmem_shared>>
    %dma_wait3A_125 = arith.constant 1600 : i32
    %dma_wait3A_126 = tpu.memref_slice %arg6[%dma_wait3A_125] : memref<5120xi32, #tpu.memory_space<vmem>> -> memref<320xi32, #tpu.memory_space<vmem>>
    %dma_wait3A_127 = tpu.memref_slice %arg7[%add3A_70] : memref<163840xi32, #tpu.memory_space<vmem_shared>> -> memref<320xi32, #tpu.memory_space<vmem_shared>>
    tpu.wait_dma2 semaphore(%arg8 : memref<!tpu.dma_semaphore, #tpu.memory_space<semaphore_mem>>) src(%dma_wait3A_127 : memref<320xi32, #tpu.memory_space<vmem_shared>>) dst(%dma_wait3A_126 : memref<320xi32, #tpu.memory_space<vmem>>)
    %dma_wait3A_128 = arith.constant 1920 : i32
    %dma_wait3A_129 = tpu.memref_slice %arg6[%dma_wait3A_128] : memref<5120xi32, #tpu.memory_space<vmem>> -> memref<320xi32, #tpu.memory_space<vmem>>
    %dma_wait3A_130 = tpu.memref_slice %arg7[%add3A_78] : memref<163840xi32, #tpu.memory_space<vmem_shared>> -> memref<320xi32, #tpu.memory_space<vmem_shared>>
    %dma_wait3A_131 = arith.constant 1920 : i32
    %dma_wait3A_132 = tpu.memref_slice %arg6[%dma_wait3A_131] : memref<5120xi32, #tpu.memory_space<vmem>> -> memref<320xi32, #tpu.memory_space<vmem>>
    %dma_wait3A_133 = tpu.memref_slice %arg7[%add3A_78] : memref<163840xi32, #tpu.memory_space<vmem_shared>> -> memref<320xi32, #tpu.memory_space<vmem_shared>>
    tpu.wait_dma2 semaphore(%arg8 : memref<!tpu.dma_semaphore, #tpu.memory_space<semaphore_mem>>) src(%dma_wait3A_133 : memref<320xi32, #tpu.memory_space<vmem_shared>>) dst(%dma_wait3A_132 : memref<320xi32, #tpu.memory_space<vmem>>)
    %dma_wait3A_134 = arith.constant 2240 : i32
    %dma_wait3A_135 = tpu.memref_slice %arg6[%dma_wait3A_134] : memref<5120xi32, #tpu.memory_space<vmem>> -> memref<320xi32, #tpu.memory_space<vmem>>
    %dma_wait3A_136 = tpu.memref_slice %arg7[%add3A_86] : memref<163840xi32, #tpu.memory_space<vmem_shared>> -> memref<320xi32, #tpu.memory_space<vmem_shared>>
    %dma_wait3A_137 = arith.constant 2240 : i32
    %dma_wait3A_138 = tpu.memref_slice %arg6[%dma_wait3A_137] : memref<5120xi32, #tpu.memory_space<vmem>> -> memref<320xi32, #tpu.memory_space<vmem>>
    %dma_wait3A_139 = tpu.memref_slice %arg7[%add3A_86] : memref<163840xi32, #tpu.memory_space<vmem_shared>> -> memref<320xi32, #tpu.memory_space<vmem_shared>>
    tpu.wait_dma2 semaphore(%arg8 : memref<!tpu.dma_semaphore, #tpu.memory_space<semaphore_mem>>) src(%dma_wait3A_139 : memref<320xi32, #tpu.memory_space<vmem_shared>>) dst(%dma_wait3A_138 : memref<320xi32, #tpu.memory_space<vmem>>)
    %add3A_140 = arith.constant 81920 : i32
    %add3A_141 = arith.addi %add3A_140, %add3A : i32
    %dma_start3A_142 = arith.constant 2560 : i32
    %dma_start3A_143 = tpu.memref_slice %arg6[%dma_start3A_142] : memref<5120xi32, #tpu.memory_space<vmem>> -> memref<320xi32, #tpu.memory_space<vmem>>
    %dma_start3A_144 = tpu.memref_slice %arg7[%add3A_141] : memref<163840xi32, #tpu.memory_space<vmem_shared>> -> memref<320xi32, #tpu.memory_space<vmem_shared>>
    %dma_start3A_145 = arith.constant 2560 : i32
    %dma_start3A_146 = tpu.memref_slice %arg6[%dma_start3A_145] : memref<5120xi32, #tpu.memory_space<vmem>> -> memref<320xi32, #tpu.memory_space<vmem>>
    %dma_start3A_147 = tpu.memref_slice %arg7[%add3A_141] : memref<163840xi32, #tpu.memory_space<vmem_shared>> -> memref<320xi32, #tpu.memory_space<vmem_shared>>
    tpu.enqueue_dma source(%dma_start3A_147 : memref<320xi32, #tpu.memory_space<vmem_shared>>) target(%dma_start3A_146 : memref<320xi32, #tpu.memory_space<vmem>>) target_semaphore(%arg8 : memref<!tpu.dma_semaphore, #tpu.memory_space<semaphore_mem>>)
    %add3A_148 = arith.constant 92160 : i32
    %add3A_149 = arith.addi %add3A_148, %add3A : i32
    %dma_start3A_150 = arith.constant 2880 : i32
    %dma_start3A_151 = tpu.memref_slice %arg6[%dma_start3A_150] : memref<5120xi32, #tpu.memory_space<vmem>> -> memref<320xi32, #tpu.memory_space<vmem>>
    %dma_start3A_152 = tpu.memref_slice %arg7[%add3A_149] : memref<163840xi32, #tpu.memory_space<vmem_shared>> -> memref<320xi32, #tpu.memory_space<vmem_shared>>
    %dma_start3A_153 = arith.constant 2880 : i32
    %dma_start3A_154 = tpu.memref_slice %arg6[%dma_start3A_153] : memref<5120xi32, #tpu.memory_space<vmem>> -> memref<320xi32, #tpu.memory_space<vmem>>
    %dma_start3A_155 = tpu.memref_slice %arg7[%add3A_149] : memref<163840xi32, #tpu.memory_space<vmem_shared>> -> memref<320xi32, #tpu.memory_space<vmem_shared>>
    tpu.enqueue_dma source(%dma_start3A_155 : memref<320xi32, #tpu.memory_space<vmem_shared>>) target(%dma_start3A_154 : memref<320xi32, #tpu.memory_space<vmem>>) target_semaphore(%arg8 : memref<!tpu.dma_semaphore, #tpu.memory_space<semaphore_mem>>)
    %add3A_156 = arith.constant 102400 : i32
    %add3A_157 = arith.addi %add3A_156, %add3A : i32
    %dma_start3A_158 = arith.constant 3200 : i32
    %dma_start3A_159 = tpu.memref_slice %arg6[%dma_start3A_158] : memref<5120xi32, #tpu.memory_space<vmem>> -> memref<320xi32, #tpu.memory_space<vmem>>
    %dma_start3A_160 = tpu.memref_slice %arg7[%add3A_157] : memref<163840xi32, #tpu.memory_space<vmem_shared>> -> memref<320xi32, #tpu.memory_space<vmem_shared>>
    %dma_start3A_161 = arith.constant 3200 : i32
    %dma_start3A_162 = tpu.memref_slice %arg6[%dma_start3A_161] : memref<5120xi32, #tpu.memory_space<vmem>> -> memref<320xi32, #tpu.memory_space<vmem>>
    %dma_start3A_163 = tpu.memref_slice %arg7[%add3A_157] : memref<163840xi32, #tpu.memory_space<vmem_shared>> -> memref<320xi32, #tpu.memory_space<vmem_shared>>
    tpu.enqueue_dma source(%dma_start3A_163 : memref<320xi32, #tpu.memory_space<vmem_shared>>) target(%dma_start3A_162 : memref<320xi32, #tpu.memory_space<vmem>>) target_semaphore(%arg8 : memref<!tpu.dma_semaphore, #tpu.memory_space<semaphore_mem>>)
    %add3A_164 = arith.constant 112640 : i32
    %add3A_165 = arith.addi %add3A_164, %add3A : i32
    %dma_start3A_166 = arith.constant 3520 : i32
    %dma_start3A_167 = tpu.memref_slice %arg6[%dma_start3A_166] : memref<5120xi32, #tpu.memory_space<vmem>> -> memref<320xi32, #tpu.memory_space<vmem>>
    %dma_start3A_168 = tpu.memref_slice %arg7[%add3A_165] : memref<163840xi32, #tpu.memory_space<vmem_shared>> -> memref<320xi32, #tpu.memory_space<vmem_shared>>
    %dma_start3A_169 = arith.constant 3520 : i32
    %dma_start3A_170 = tpu.memref_slice %arg6[%dma_start3A_169] : memref<5120xi32, #tpu.memory_space<vmem>> -> memref<320xi32, #tpu.memory_space<vmem>>
    %dma_start3A_171 = tpu.memref_slice %arg7[%add3A_165] : memref<163840xi32, #tpu.memory_space<vmem_shared>> -> memref<320xi32, #tpu.memory_space<vmem_shared>>
    tpu.enqueue_dma source(%dma_start3A_171 : memref<320xi32, #tpu.memory_space<vmem_shared>>) target(%dma_start3A_170 : memref<320xi32, #tpu.memory_space<vmem>>) target_semaphore(%arg8 : memref<!tpu.dma_semaphore, #tpu.memory_space<semaphore_mem>>)
    %add3A_172 = arith.constant 122880 : i32
    %add3A_173 = arith.addi %add3A_172, %add3A : i32
    %dma_start3A_174 = arith.constant 3840 : i32
    %dma_start3A_175 = tpu.memref_slice %arg6[%dma_start3A_174] : memref<5120xi32, #tpu.memory_space<vmem>> -> memref<320xi32, #tpu.memory_space<vmem>>
    %dma_start3A_176 = tpu.memref_slice %arg7[%add3A_173] : memref<163840xi32, #tpu.memory_space<vmem_shared>> -> memref<320xi32, #tpu.memory_space<vmem_shared>>
    %dma_start3A_177 = arith.constant 3840 : i32
    %dma_start3A_178 = tpu.memref_slice %arg6[%dma_start3A_177] : memref<5120xi32, #tpu.memory_space<vmem>> -> memref<320xi32, #tpu.memory_space<vmem>>
    %dma_start3A_179 = tpu.memref_slice %arg7[%add3A_173] : memref<163840xi32, #tpu.memory_space<vmem_shared>> -> memref<320xi32, #tpu.memory_space<vmem_shared>>
    tpu.enqueue_dma source(%dma_start3A_179 : memref<320xi32, #tpu.memory_space<vmem_shared>>) target(%dma_start3A_178 : memref<320xi32, #tpu.memory_space<vmem>>) target_semaphore(%arg8 : memref<!tpu.dma_semaphore, #tpu.memory_space<semaphore_mem>>)
    %add3A_180 = arith.constant 133120 : i32
    %add3A_181 = arith.addi %add3A_180, %add3A : i32
    %dma_start3A_182 = arith.constant 4160 : i32
    %dma_start3A_183 = tpu.memref_slice %arg6[%dma_start3A_182] : memref<5120xi32, #tpu.memory_space<vmem>> -> memref<320xi32, #tpu.memory_space<vmem>>
    %dma_start3A_184 = tpu.memref_slice %arg7[%add3A_181] : memref<163840xi32, #tpu.memory_space<vmem_shared>> -> memref<320xi32, #tpu.memory_space<vmem_shared>>
    %dma_start3A_185 = arith.constant 4160 : i32
    %dma_start3A_186 = tpu.memref_slice %arg6[%dma_start3A_185] : memref<5120xi32, #tpu.memory_space<vmem>> -> memref<320xi32, #tpu.memory_space<vmem>>
    %dma_start3A_187 = tpu.memref_slice %arg7[%add3A_181] : memref<163840xi32, #tpu.memory_space<vmem_shared>> -> memref<320xi32, #tpu.memory_space<vmem_shared>>
    tpu.enqueue_dma source(%dma_start3A_187 : memref<320xi32, #tpu.memory_space<vmem_shared>>) target(%dma_start3A_186 : memref<320xi32, #tpu.memory_space<vmem>>) target_semaphore(%arg8 : memref<!tpu.dma_semaphore, #tpu.memory_space<semaphore_mem>>)
    %add3A_188 = arith.constant 143360 : i32
    %add3A_189 = arith.addi %add3A_188, %add3A : i32
    %dma_start3A_190 = arith.constant 4480 : i32
    %dma_start3A_191 = tpu.memref_slice %arg6[%dma_start3A_190] : memref<5120xi32, #tpu.memory_space<vmem>> -> memref<320xi32, #tpu.memory_space<vmem>>
    %dma_start3A_192 = tpu.memref_slice %arg7[%add3A_189] : memref<163840xi32, #tpu.memory_space<vmem_shared>> -> memref<320xi32, #tpu.memory_space<vmem_shared>>
    %dma_start3A_193 = arith.constant 4480 : i32
    %dma_start3A_194 = tpu.memref_slice %arg6[%dma_start3A_193] : memref<5120xi32, #tpu.memory_space<vmem>> -> memref<320xi32, #tpu.memory_space<vmem>>
    %dma_start3A_195 = tpu.memref_slice %arg7[%add3A_189] : memref<163840xi32, #tpu.memory_space<vmem_shared>> -> memref<320xi32, #tpu.memory_space<vmem_shared>>
    tpu.enqueue_dma source(%dma_start3A_195 : memref<320xi32, #tpu.memory_space<vmem_shared>>) target(%dma_start3A_194 : memref<320xi32, #tpu.memory_space<vmem>>) target_semaphore(%arg8 : memref<!tpu.dma_semaphore, #tpu.memory_space<semaphore_mem>>)
    %add3A_196 = arith.constant 153600 : i32
    %add3A_197 = arith.addi %add3A_196, %add3A : i32
    %dma_start3A_198 = arith.constant 4800 : i32
    %dma_start3A_199 = tpu.memref_slice %arg6[%dma_start3A_198] : memref<5120xi32, #tpu.memory_space<vmem>> -> memref<320xi32, #tpu.memory_space<vmem>>
    %dma_start3A_200 = tpu.memref_slice %arg7[%add3A_197] : memref<163840xi32, #tpu.memory_space<vmem_shared>> -> memref<320xi32, #tpu.memory_space<vmem_shared>>
    %dma_start3A_201 = arith.constant 4800 : i32
    %dma_start3A_202 = tpu.memref_slice %arg6[%dma_start3A_201] : memref<5120xi32, #tpu.memory_space<vmem>> -> memref<320xi32, #tpu.memory_space<vmem>>
    %dma_start3A_203 = tpu.memref_slice %arg7[%add3A_197] : memref<163840xi32, #tpu.memory_space<vmem_shared>> -> memref<320xi32, #tpu.memory_space<vmem_shared>>
    tpu.enqueue_dma source(%dma_start3A_203 : memref<320xi32, #tpu.memory_space<vmem_shared>>) target(%dma_start3A_202 : memref<320xi32, #tpu.memory_space<vmem>>) target_semaphore(%arg8 : memref<!tpu.dma_semaphore, #tpu.memory_space<semaphore_mem>>)
    %dma_wait3A_204 = arith.constant 2560 : i32
    %dma_wait3A_205 = tpu.memref_slice %arg6[%dma_wait3A_204] : memref<5120xi32, #tpu.memory_space<vmem>> -> memref<320xi32, #tpu.memory_space<vmem>>
    %dma_wait3A_206 = tpu.memref_slice %arg7[%add3A_141] : memref<163840xi32, #tpu.memory_space<vmem_shared>> -> memref<320xi32, #tpu.memory_space<vmem_shared>>
    %dma_wait3A_207 = arith.constant 2560 : i32
    %dma_wait3A_208 = tpu.memref_slice %arg6[%dma_wait3A_207] : memref<5120xi32, #tpu.memory_space<vmem>> -> memref<320xi32, #tpu.memory_space<vmem>>
    %dma_wait3A_209 = tpu.memref_slice %arg7[%add3A_141] : memref<163840xi32, #tpu.memory_space<vmem_shared>> -> memref<320xi32, #tpu.memory_space<vmem_shared>>
    tpu.wait_dma2 semaphore(%arg8 : memref<!tpu.dma_semaphore, #tpu.memory_space<semaphore_mem>>) src(%dma_wait3A_209 : memref<320xi32, #tpu.memory_space<vmem_shared>>) dst(%dma_wait3A_208 : memref<320xi32, #tpu.memory_space<vmem>>)
    %dma_wait3A_210 = arith.constant 2880 : i32
    %dma_wait3A_211 = tpu.memref_slice %arg6[%dma_wait3A_210] : memref<5120xi32, #tpu.memory_space<vmem>> -> memref<320xi32, #tpu.memory_space<vmem>>
    %dma_wait3A_212 = tpu.memref_slice %arg7[%add3A_149] : memref<163840xi32, #tpu.memory_space<vmem_shared>> -> memref<320xi32, #tpu.memory_space<vmem_shared>>
    %dma_wait3A_213 = arith.constant 2880 : i32
    %dma_wait3A_214 = tpu.memref_slice %arg6[%dma_wait3A_213] : memref<5120xi32, #tpu.memory_space<vmem>> -> memref<320xi32, #tpu.memory_space<vmem>>
    %dma_wait3A_215 = tpu.memref_slice %arg7[%add3A_149] : memref<163840xi32, #tpu.memory_space<vmem_shared>> -> memref<320xi32, #tpu.memory_space<vmem_shared>>
    tpu.wait_dma2 semaphore(%arg8 : memref<!tpu.dma_semaphore, #tpu.memory_space<semaphore_mem>>) src(%dma_wait3A_215 : memref<320xi32, #tpu.memory_space<vmem_shared>>) dst(%dma_wait3A_214 : memref<320xi32, #tpu.memory_space<vmem>>)
    %dma_wait3A_216 = arith.constant 3200 : i32
    %dma_wait3A_217 = tpu.memref_slice %arg6[%dma_wait3A_216] : memref<5120xi32, #tpu.memory_space<vmem>> -> memref<320xi32, #tpu.memory_space<vmem>>
    %dma_wait3A_218 = tpu.memref_slice %arg7[%add3A_157] : memref<163840xi32, #tpu.memory_space<vmem_shared>> -> memref<320xi32, #tpu.memory_space<vmem_shared>>
    %dma_wait3A_219 = arith.constant 3200 : i32
    %dma_wait3A_220 = tpu.memref_slice %arg6[%dma_wait3A_219] : memref<5120xi32, #tpu.memory_space<vmem>> -> memref<320xi32, #tpu.memory_space<vmem>>
    %dma_wait3A_221 = tpu.memref_slice %arg7[%add3A_157] : memref<163840xi32, #tpu.memory_space<vmem_shared>> -> memref<320xi32, #tpu.memory_space<vmem_shared>>
    tpu.wait_dma2 semaphore(%arg8 : memref<!tpu.dma_semaphore, #tpu.memory_space<semaphore_mem>>) src(%dma_wait3A_221 : memref<320xi32, #tpu.memory_space<vmem_shared>>) dst(%dma_wait3A_220 : memref<320xi32, #tpu.memory_space<vmem>>)
    %dma_wait3A_222 = arith.constant 3520 : i32
    %dma_wait3A_223 = tpu.memref_slice %arg6[%dma_wait3A_222] : memref<5120xi32, #tpu.memory_space<vmem>> -> memref<320xi32, #tpu.memory_space<vmem>>
    %dma_wait3A_224 = tpu.memref_slice %arg7[%add3A_165] : memref<163840xi32, #tpu.memory_space<vmem_shared>> -> memref<320xi32, #tpu.memory_space<vmem_shared>>
    %dma_wait3A_225 = arith.constant 3520 : i32
    %dma_wait3A_226 = tpu.memref_slice %arg6[%dma_wait3A_225] : memref<5120xi32, #tpu.memory_space<vmem>> -> memref<320xi32, #tpu.memory_space<vmem>>
    %dma_wait3A_227 = tpu.memref_slice %arg7[%add3A_165] : memref<163840xi32, #tpu.memory_space<vmem_shared>> -> memref<320xi32, #tpu.memory_space<vmem_shared>>
    tpu.wait_dma2 semaphore(%arg8 : memref<!tpu.dma_semaphore, #tpu.memory_space<semaphore_mem>>) src(%dma_wait3A_227 : memref<320xi32, #tpu.memory_space<vmem_shared>>) dst(%dma_wait3A_226 : memref<320xi32, #tpu.memory_space<vmem>>)
    %dma_wait3A_228 = arith.constant 3840 : i32
    %dma_wait3A_229 = tpu.memref_slice %arg6[%dma_wait3A_228] : memref<5120xi32, #tpu.memory_space<vmem>> -> memref<320xi32, #tpu.memory_space<vmem>>
    %dma_wait3A_230 = tpu.memref_slice %arg7[%add3A_173] : memref<163840xi32, #tpu.memory_space<vmem_shared>> -> memref<320xi32, #tpu.memory_space<vmem_shared>>
    %dma_wait3A_231 = arith.constant 3840 : i32
    %dma_wait3A_232 = tpu.memref_slice %arg6[%dma_wait3A_231] : memref<5120xi32, #tpu.memory_space<vmem>> -> memref<320xi32, #tpu.memory_space<vmem>>
    %dma_wait3A_233 = tpu.memref_slice %arg7[%add3A_173] : memref<163840xi32, #tpu.memory_space<vmem_shared>> -> memref<320xi32, #tpu.memory_space<vmem_shared>>
    tpu.wait_dma2 semaphore(%arg8 : memref<!tpu.dma_semaphore, #tpu.memory_space<semaphore_mem>>) src(%dma_wait3A_233 : memref<320xi32, #tpu.memory_space<vmem_shared>>) dst(%dma_wait3A_232 : memref<320xi32, #tpu.memory_space<vmem>>)
    %dma_wait3A_234 = arith.constant 4160 : i32
    %dma_wait3A_235 = tpu.memref_slice %arg6[%dma_wait3A_234] : memref<5120xi32, #tpu.memory_space<vmem>> -> memref<320xi32, #tpu.memory_space<vmem>>
    %dma_wait3A_236 = tpu.memref_slice %arg7[%add3A_181] : memref<163840xi32, #tpu.memory_space<vmem_shared>> -> memref<320xi32, #tpu.memory_space<vmem_shared>>
    %dma_wait3A_237 = arith.constant 4160 : i32
    %dma_wait3A_238 = tpu.memref_slice %arg6[%dma_wait3A_237] : memref<5120xi32, #tpu.memory_space<vmem>> -> memref<320xi32, #tpu.memory_space<vmem>>
    %dma_wait3A_239 = tpu.memref_slice %arg7[%add3A_181] : memref<163840xi32, #tpu.memory_space<vmem_shared>> -> memref<320xi32, #tpu.memory_space<vmem_shared>>
    tpu.wait_dma2 semaphore(%arg8 : memref<!tpu.dma_semaphore, #tpu.memory_space<semaphore_mem>>) src(%dma_wait3A_239 : memref<320xi32, #tpu.memory_space<vmem_shared>>) dst(%dma_wait3A_238 : memref<320xi32, #tpu.memory_space<vmem>>)
    %dma_wait3A_240 = arith.constant 4480 : i32
    %dma_wait3A_241 = tpu.memref_slice %arg6[%dma_wait3A_240] : memref<5120xi32, #tpu.memory_space<vmem>> -> memref<320xi32, #tpu.memory_space<vmem>>
    %dma_wait3A_242 = tpu.memref_slice %arg7[%add3A_189] : memref<163840xi32, #tpu.memory_space<vmem_shared>> -> memref<320xi32, #tpu.memory_space<vmem_shared>>
    %dma_wait3A_243 = arith.constant 4480 : i32
    %dma_wait3A_244 = tpu.memref_slice %arg6[%dma_wait3A_243] : memref<5120xi32, #tpu.memory_space<vmem>> -> memref<320xi32, #tpu.memory_space<vmem>>
    %dma_wait3A_245 = tpu.memref_slice %arg7[%add3A_189] : memref<163840xi32, #tpu.memory_space<vmem_shared>> -> memref<320xi32, #tpu.memory_space<vmem_shared>>
    tpu.wait_dma2 semaphore(%arg8 : memref<!tpu.dma_semaphore, #tpu.memory_space<semaphore_mem>>) src(%dma_wait3A_245 : memref<320xi32, #tpu.memory_space<vmem_shared>>) dst(%dma_wait3A_244 : memref<320xi32, #tpu.memory_space<vmem>>)
    %dma_wait3A_246 = arith.constant 4800 : i32
    %dma_wait3A_247 = tpu.memref_slice %arg6[%dma_wait3A_246] : memref<5120xi32, #tpu.memory_space<vmem>> -> memref<320xi32, #tpu.memory_space<vmem>>
    %dma_wait3A_248 = tpu.memref_slice %arg7[%add3A_197] : memref<163840xi32, #tpu.memory_space<vmem_shared>> -> memref<320xi32, #tpu.memory_space<vmem_shared>>
    %dma_wait3A_249 = arith.constant 4800 : i32
    %dma_wait3A_250 = tpu.memref_slice %arg6[%dma_wait3A_249] : memref<5120xi32, #tpu.memory_space<vmem>> -> memref<320xi32, #tpu.memory_space<vmem>>
    %dma_wait3A_251 = tpu.memref_slice %arg7[%add3A_197] : memref<163840xi32, #tpu.memory_space<vmem_shared>> -> memref<320xi32, #tpu.memory_space<vmem_shared>>
    tpu.wait_dma2 semaphore(%arg8 : memref<!tpu.dma_semaphore, #tpu.memory_space<semaphore_mem>>) src(%dma_wait3A_251 : memref<320xi32, #tpu.memory_space<vmem_shared>>) dst(%dma_wait3A_250 : memref<320xi32, #tpu.memory_space<vmem>>)
    %scan3A_252 = arith.constant 0 : i32
    %scan3A_253 = arith.constant 20 : i32
    %scan3A_254 = arith.addi %scan3A_252, %scan3A_253 : i32
    %scan3A_255 = arith.constant 4 : i32
    scf.for %scan3A_257 = %scan3A_252 to %scan3A_254 step %scan3A_255  : i32 {
      %mul3A_258 = arith.constant 16 : i32
      %mul3A_259 = arith.muli %scan3A_257, %mul3A_258 : i32
      %get3A_260 = arith.index_cast %mul3A_259 : i32 to index
      %get3A_261 = tpu.vector_load %arg6[%get3A_260] {strides = array<i32>} : memref<5120xi32, #tpu.memory_space<vmem>>, vector<16xi32>,
      %mul3A_262 = arith.constant 16 : i32
      %mul3A_263 = arith.muli %scan3A_257, %mul3A_262 : i32
      %add3A_264 = arith.constant 320 : i32
      %add3A_265 = arith.addi %add3A_264, %mul3A_263 : i32
      %get3A_266 = arith.index_cast %add3A_265 : i32 to index
      %get3A_267 = tpu.vector_load %arg6[%get3A_266] {strides = array<i32>} : memref<5120xi32, #tpu.memory_space<vmem>>, vector<16xi32>,
      %add3A_268 = arith.addi %get3A_261, %get3A_267 : vector<16xi32>
      %mul3A_269 = arith.constant 16 : i32
      %mul3A_270 = arith.muli %scan3A_257, %mul3A_269 : i32
      %add3A_271 = arith.constant 640 : i32
      %add3A_272 = arith.addi %add3A_271, %mul3A_270 : i32
      %get3A_273 = arith.index_cast %add3A_272 : i32 to index
      %get3A_274 = tpu.vector_load %arg6[%get3A_273] {strides = array<i32>} : memref<5120xi32, #tpu.memory_space<vmem>>, vector<16xi32>,
      %add3A_275 = arith.addi %add3A_268, %get3A_274 : vector<16xi32>
      %mul3A_276 = arith.constant 16 : i32
      %mul3A_277 = arith.muli %scan3A_257, %mul3A_276 : i32
      %add3A_278 = arith.constant 960 : i32
      %add3A_279 = arith.addi %add3A_278, %mul3A_277 : i32
      %get3A_280 = arith.index_cast %add3A_279 : i32 to index
      %get3A_281 = tpu.vector_load %arg6[%get3A_280] {strides = array<i32>} : memref<5120xi32, #tpu.memory_space<vmem>>, vector<16xi32>,
      %add3A_282 = arith.addi %add3A_275, %get3A_281 : vector<16xi32>
      %mul3A_283 = arith.constant 16 : i32
      %mul3A_284 = arith.muli %scan3A_257, %mul3A_283 : i32
      %add3A_285 = arith.constant 1280 : i32
      %add3A_286 = arith.addi %add3A_285, %mul3A_284 : i32
      %get3A_287 = arith.index_cast %add3A_286 : i32 to index
      %get3A_288 = tpu.vector_load %arg6[%get3A_287] {strides = array<i32>} : memref<5120xi32, #tpu.memory_space<vmem>>, vector<16xi32>,
      %add3A_289 = arith.addi %add3A_282, %get3A_288 : vector<16xi32>
      %mul3A_290 = arith.constant 16 : i32
      %mul3A_291 = arith.muli %scan3A_257, %mul3A_290 : i32
      %add3A_292 = arith.constant 1600 : i32
      %add3A_293 = arith.addi %add3A_292, %mul3A_291 : i32
      %get3A_294 = arith.index_cast %add3A_293 : i32 to index
      %get3A_295 = tpu.vector_load %arg6[%get3A_294] {strides = array<i32>} : memref<5120xi32, #tpu.memory_space<vmem>>, vector<16xi32>,
      %add3A_296 = arith.addi %add3A_289, %get3A_295 : vector<16xi32>
      %mul3A_297 = arith.constant 16 : i32
      %mul3A_298 = arith.muli %scan3A_257, %mul3A_297 : i32
      %add3A_299 = arith.constant 1920 : i32
      %add3A_300 = arith.addi %add3A_299, %mul3A_298 : i32
      %get3A_301 = arith.index_cast %add3A_300 : i32 to index
      %get3A_302 = tpu.vector_load %arg6[%get3A_301] {strides = array<i32>} : memref<5120xi32, #tpu.memory_space<vmem>>, vector<16xi32>,
      %add3A_303 = arith.addi %add3A_296, %get3A_302 : vector<16xi32>
      %mul3A_304 = arith.constant 16 : i32
      %mul3A_305 = arith.muli %scan3A_257, %mul3A_304 : i32
      %add3A_306 = arith.constant 2240 : i32
      %add3A_307 = arith.addi %add3A_306, %mul3A_305 : i32
      %get3A_308 = arith.index_cast %add3A_307 : i32 to index
      %get3A_309 = tpu.vector_load %arg6[%get3A_308] {strides = array<i32>} : memref<5120xi32, #tpu.memory_space<vmem>>, vector<16xi32>,
      %add3A_310 = arith.addi %add3A_303, %get3A_309 : vector<16xi32>
      %mul3A_311 = arith.constant 16 : i32
      %mul3A_312 = arith.muli %scan3A_257, %mul3A_311 : i32
      %add3A_313 = arith.constant 2560 : i32
      %add3A_314 = arith.addi %add3A_313, %mul3A_312 : i32
      %get3A_315 = arith.index_cast %add3A_314 : i32 to index
      %get3A_316 = tpu.vector_load %arg6[%get3A_315] {strides = array<i32>} : memref<5120xi32, #tpu.memory_space<vmem>>, vector<16xi32>,
      %add3A_317 = arith.addi %add3A_310, %get3A_316 : vector<16xi32>
      %mul3A_318 = arith.constant 16 : i32
      %mul3A_319 = arith.muli %scan3A_257, %mul3A_318 : i32
      %add3A_320 = arith.constant 2880 : i32
      %add3A_321 = arith.addi %add3A_320, %mul3A_319 : i32
      %get3A_322 = arith.index_cast %add3A_321 : i32 to index
      %get3A_323 = tpu.vector_load %arg6[%get3A_322] {strides = array<i32>} : memref<5120xi32, #tpu.memory_space<vmem>>, vector<16xi32>,
      %add3A_324 = arith.addi %add3A_317, %get3A_323 : vector<16xi32>
      %mul3A_325 = arith.constant 16 : i32
      %mul3A_326 = arith.muli %scan3A_257, %mul3A_325 : i32
      %add3A_327 = arith.constant 3200 : i32
      %add3A_328 = arith.addi %add3A_327, %mul3A_326 : i32
      %get3A_329 = arith.index_cast %add3A_328 : i32 to index
      %get3A_330 = tpu.vector_load %arg6[%get3A_329] {strides = array<i32>} : memref<5120xi32, #tpu.memory_space<vmem>>, vector<16xi32>,
      %add3A_331 = arith.addi %add3A_324, %get3A_330 : vector<16xi32>
      %mul3A_332 = arith.constant 16 : i32
      %mul3A_333 = arith.muli %scan3A_257, %mul3A_332 : i32
      %add3A_334 = arith.constant 3520 : i32
      %add3A_335 = arith.addi %add3A_334, %mul3A_333 : i32
      %get3A_336 = arith.index_cast %add3A_335 : i32 to index
      %get3A_337 = tpu.vector_load %arg6[%get3A_336] {strides = array<i32>} : memref<5120xi32, #tpu.memory_space<vmem>>, vector<16xi32>,
      %add3A_338 = arith.addi %add3A_331, %get3A_337 : vector<16xi32>
      %mul3A_339 = arith.constant 16 : i32
      %mul3A_340 = arith.muli %scan3A_257, %mul3A_339 : i32
      %add3A_341 = arith.constant 3840 : i32
      %add3A_342 = arith.addi %add3A_341, %mul3A_340 : i32
      %get3A_343 = arith.index_cast %add3A_342 : i32 to index
      %get3A_344 = tpu.vector_load %arg6[%get3A_343] {strides = array<i32>} : memref<5120xi32, #tpu.memory_space<vmem>>, vector<16xi32>,
      %add3A_345 = arith.addi %add3A_338, %get3A_344 : vector<16xi32>
      %mul3A_346 = arith.constant 16 : i32
      %mul3A_347 = arith.muli %scan3A_257, %mul3A_346 : i32
      %add3A_348 = arith.constant 4160 : i32
      %add3A_349 = arith.addi %add3A_348, %mul3A_347 : i32
      %get3A_350 = arith.index_cast %add3A_349 : i32 to index
      %get3A_351 = tpu.vector_load %arg6[%get3A_350] {strides = array<i32>} : memref<5120xi32, #tpu.memory_space<vmem>>, vector<16xi32>,
      %add3A_352 = arith.addi %add3A_345, %get3A_351 : vector<16xi32>
      %mul3A_353 = arith.constant 16 : i32
      %mul3A_354 = arith.muli %scan3A_257, %mul3A_353 : i32
      %add3A_355 = arith.constant 4480 : i32
      %add3A_356 = arith.addi %add3A_355, %mul3A_354 : i32
      %get3A_357 = arith.index_cast %add3A_356 : i32 to index
      %get3A_358 = tpu.vector_load %arg6[%get3A_357] {strides = array<i32>} : memref<5120xi32, #tpu.memory_space<vmem>>, vector<16xi32>,
      %add3A_359 = arith.addi %add3A_352, %get3A_358 : vector<16xi32>
      %mul3A_360 = arith.constant 16 : i32
      %mul3A_361 = arith.muli %scan3A_257, %mul3A_360 : i32
      %add3A_362 = arith.constant 4800 : i32
      %add3A_363 = arith.addi %add3A_362, %mul3A_361 : i32
      %get3A_364 = arith.index_cast %add3A_363 : i32 to index
      %get3A_365 = tpu.vector_load %arg6[%get3A_364] {strides = array<i32>} : memref<5120xi32, #tpu.memory_space<vmem>>, vector<16xi32>,
      %add3A_366 = arith.addi %add3A_359, %get3A_365 : vector<16xi32>
      %mul3A_367 = arith.constant 16 : i32
      %mul3A_368 = arith.muli %scan3A_257, %mul3A_367 : i32
      %swap3A = arith.index_cast %mul3A_368 : i32 to index
      %swap3A_369 = tpu.vector_load %arg5[%swap3A] {strides = array<i32>} : memref<10240xi32, #tpu.memory_space<vmem>>, vector<16xi32>,
      tpu.vector_store %arg5[%swap3A], %add3A_366 {strides = array<i32>} : memref<10240xi32, #tpu.memory_space<vmem>>, vector<16xi32>,
      %scan3A_370 = arith.constant 1 : i32
      %scan3A_371 = arith.addi %scan3A_257, %scan3A_370 : i32
      %mul3A_372 = arith.constant 16 : i32
      %mul3A_373 = arith.muli %scan3A_371, %mul3A_372 : i32
      %get3A_374 = arith.index_cast %mul3A_373 : i32 to index
      %get3A_375 = tpu.vector_load %arg6[%get3A_374] {strides = array<i32>} : memref<5120xi32, #tpu.memory_space<vmem>>, vector<16xi32>,
      %mul3A_376 = arith.constant 16 : i32
      %mul3A_377 = arith.muli %scan3A_371, %mul3A_376 : i32
      %add3A_378 = arith.constant 320 : i32
      %add3A_379 = arith.addi %add3A_378, %mul3A_377 : i32
      %get3A_380 = arith.index_cast %add3A_379 : i32 to index
      %get3A_381 = tpu.vector_load %arg6[%get3A_380] {strides = array<i32>} : memref<5120xi32, #tpu.memory_space<vmem>>, vector<16xi32>,
      %add3A_382 = arith.addi %get3A_375, %get3A_381 : vector<16xi32>
      %mul3A_383 = arith.constant 16 : i32
      %mul3A_384 = arith.muli %scan3A_371, %mul3A_383 : i32
      %add3A_385 = arith.constant 640 : i32
      %add3A_386 = arith.addi %add3A_385, %mul3A_384 : i32
      %get3A_387 = arith.index_cast %add3A_386 : i32 to index
      %get3A_388 = tpu.vector_load %arg6[%get3A_387] {strides = array<i32>} : memref<5120xi32, #tpu.memory_space<vmem>>, vector<16xi32>,
      %add3A_389 = arith.addi %add3A_382, %get3A_388 : vector<16xi32>
      %mul3A_390 = arith.constant 16 : i32
      %mul3A_391 = arith.muli %scan3A_371, %mul3A_390 : i32
      %add3A_392 = arith.constant 960 : i32
      %add3A_393 = arith.addi %add3A_392, %mul3A_391 : i32
      %get3A_394 = arith.index_cast %add3A_393 : i32 to index
      %get3A_395 = tpu.vector_load %arg6[%get3A_394] {strides = array<i32>} : memref<5120xi32, #tpu.memory_space<vmem>>, vector<16xi32>,
      %add3A_396 = arith.addi %add3A_389, %get3A_395 : vector<16xi32>
      %mul3A_397 = arith.constant 16 : i32
      %mul3A_398 = arith.muli %scan3A_371, %mul3A_397 : i32
      %add3A_399 = arith.constant 1280 : i32
      %add3A_400 = arith.addi %add3A_399, %mul3A_398 : i32
      %get3A_401 = arith.index_cast %add3A_400 : i32 to index
      %get3A_402 = tpu.vector_load %arg6[%get3A_401] {strides = array<i32>} : memref<5120xi32, #tpu.memory_space<vmem>>, vector<16xi32>,
      %add3A_403 = arith.addi %add3A_396, %get3A_402 : vector<16xi32>
      %mul3A_404 = arith.constant 16 : i32
      %mul3A_405 = arith.muli %scan3A_371, %mul3A_404 : i32
      %add3A_406 = arith.constant 1600 : i32
      %add3A_407 = arith.addi %add3A_406, %mul3A_405 : i32
      %get3A_408 = arith.index_cast %add3A_407 : i32 to index
      %get3A_409 = tpu.vector_load %arg6[%get3A_408] {strides = array<i32>} : memref<5120xi32, #tpu.memory_space<vmem>>, vector<16xi32>,
      %add3A_410 = arith.addi %add3A_403, %get3A_409 : vector<16xi32>
      %mul3A_411 = arith.constant 16 : i32
      %mul3A_412 = arith.muli %scan3A_371, %mul3A_411 : i32
      %add3A_413 = arith.constant 1920 : i32
      %add3A_414 = arith.addi %add3A_413, %mul3A_412 : i32
      %get3A_415 = arith.index_cast %add3A_414 : i32 to index
      %get3A_416 = tpu.vector_load %arg6[%get3A_415] {strides = array<i32>} : memref<5120xi32, #tpu.memory_space<vmem>>, vector<16xi32>,
      %add3A_417 = arith.addi %add3A_410, %get3A_416 : vector<16xi32>
      %mul3A_418 = arith.constant 16 : i32
      %mul3A_419 = arith.muli %scan3A_371, %mul3A_418 : i32
      %add3A_420 = arith.constant 2240 : i32
      %add3A_421 = arith.addi %add3A_420, %mul3A_419 : i32
      %get3A_422 = arith.index_cast %add3A_421 : i32 to index
      %get3A_423 = tpu.vector_load %arg6[%get3A_422] {strides = array<i32>} : memref<5120xi32, #tpu.memory_space<vmem>>, vector<16xi32>,
      %add3A_424 = arith.addi %add3A_417, %get3A_423 : vector<16xi32>
      %mul3A_425 = arith.constant 16 : i32
      %mul3A_426 = arith.muli %scan3A_371, %mul3A_425 : i32
      %add3A_427 = arith.constant 2560 : i32
      %add3A_428 = arith.addi %add3A_427, %mul3A_426 : i32
      %get3A_429 = arith.index_cast %add3A_428 : i32 to index
      %get3A_430 = tpu.vector_load %arg6[%get3A_429] {strides = array<i32>} : memref<5120xi32, #tpu.memory_space<vmem>>, vector<16xi32>,
      %add3A_431 = arith.addi %add3A_424, %get3A_430 : vector<16xi32>
      %mul3A_432 = arith.constant 16 : i32
      %mul3A_433 = arith.muli %scan3A_371, %mul3A_432 : i32
      %add3A_434 = arith.constant 2880 : i32
      %add3A_435 = arith.addi %add3A_434, %mul3A_433 : i32
      %get3A_436 = arith.index_cast %add3A_435 : i32 to index
      %get3A_437 = tpu.vector_load %arg6[%get3A_436] {strides = array<i32>} : memref<5120xi32, #tpu.memory_space<vmem>>, vector<16xi32>,
      %add3A_438 = arith.addi %add3A_431, %get3A_437 : vector<16xi32>
      %mul3A_439 = arith.constant 16 : i32
      %mul3A_440 = arith.muli %scan3A_371, %mul3A_439 : i32
      %add3A_441 = arith.constant 3200 : i32
      %add3A_442 = arith.addi %add3A_441, %mul3A_440 : i32
      %get3A_443 = arith.index_cast %add3A_442 : i32 to index
      %get3A_444 = tpu.vector_load %arg6[%get3A_443] {strides = array<i32>} : memref<5120xi32, #tpu.memory_space<vmem>>, vector<16xi32>,
      %add3A_445 = arith.addi %add3A_438, %get3A_444 : vector<16xi32>
      %mul3A_446 = arith.constant 16 : i32
      %mul3A_447 = arith.muli %scan3A_371, %mul3A_446 : i32
      %add3A_448 = arith.constant 3520 : i32
      %add3A_449 = arith.addi %add3A_448, %mul3A_447 : i32
      %get3A_450 = arith.index_cast %add3A_449 : i32 to index
      %get3A_451 = tpu.vector_load %arg6[%get3A_450] {strides = array<i32>} : memref<5120xi32, #tpu.memory_space<vmem>>, vector<16xi32>,
      %add3A_452 = arith.addi %add3A_445, %get3A_451 : vector<16xi32>
      %mul3A_453 = arith.constant 16 : i32
      %mul3A_454 = arith.muli %scan3A_371, %mul3A_453 : i32
      %add3A_455 = arith.constant 3840 : i32
      %add3A_456 = arith.addi %add3A_455, %mul3A_454 : i32
      %get3A_457 = arith.index_cast %add3A_456 : i32 to index
      %get3A_458 = tpu.vector_load %arg6[%get3A_457] {strides = array<i32>} : memref<5120xi32, #tpu.memory_space<vmem>>, vector<16xi32>,
      %add3A_459 = arith.addi %add3A_452, %get3A_458 : vector<16xi32>
      %mul3A_460 = arith.constant 16 : i32
      %mul3A_461 = arith.muli %scan3A_371, %mul3A_460 : i32
      %add3A_462 = arith.constant 4160 : i32
      %add3A_463 = arith.addi %add3A_462, %mul3A_461 : i32
      %get3A_464 = arith.index_cast %add3A_463 : i32 to index
      %get3A_465 = tpu.vector_load %arg6[%get3A_464] {strides = array<i32>} : memref<5120xi32, #tpu.memory_space<vmem>>, vector<16xi32>,
      %add3A_466 = arith.addi %add3A_459, %get3A_465 : vector<16xi32>
      %mul3A_467 = arith.constant 16 : i32
      %mul3A_468 = arith.muli %scan3A_371, %mul3A_467 : i32
      %add3A_469 = arith.constant 4480 : i32
      %add3A_470 = arith.addi %add3A_469, %mul3A_468 : i32
      %get3A_471 = arith.index_cast %add3A_470 : i32 to index
      %get3A_472 = tpu.vector_load %arg6[%get3A_471] {strides = array<i32>} : memref<5120xi32, #tpu.memory_space<vmem>>, vector<16xi32>,
      %add3A_473 = arith.addi %add3A_466, %get3A_472 : vector<16xi32>
      %mul3A_474 = arith.constant 16 : i32
      %mul3A_475 = arith.muli %scan3A_371, %mul3A_474 : i32
      %add3A_476 = arith.constant 4800 : i32
      %add3A_477 = arith.addi %add3A_476, %mul3A_475 : i32
      %get3A_478 = arith.index_cast %add3A_477 : i32 to index
      %get3A_479 = tpu.vector_load %arg6[%get3A_478] {strides = array<i32>} : memref<5120xi32, #tpu.memory_space<vmem>>, vector<16xi32>,
      %add3A_480 = arith.addi %add3A_473, %get3A_479 : vector<16xi32>
      %mul3A_481 = arith.constant 16 : i32
      %mul3A_482 = arith.muli %scan3A_371, %mul3A_481 : i32
      %swap3A_483 = arith.index_cast %mul3A_482 : i32 to index
      %swap3A_484 = tpu.vector_load %arg5[%swap3A_483] {strides = array<i32>} : memref<10240xi32, #tpu.memory_space<vmem>>, vector<16xi32>,
      tpu.vector_store %arg5[%swap3A_483], %add3A_480 {strides = array<i32>} : memref<10240xi32, #tpu.memory_space<vmem>>, vector<16xi32>,
      %scan3A_485 = arith.constant 2 : i32
      %scan3A_486 = arith.addi %scan3A_257, %scan3A_485 : i32
      %mul3A_487 = arith.constant 16 : i32
      %mul3A_488 = arith.muli %scan3A_486, %mul3A_487 : i32
      %get3A_489 = arith.index_cast %mul3A_488 : i32 to index
      %get3A_490 = tpu.vector_load %arg6[%get3A_489] {strides = array<i32>} : memref<5120xi32, #tpu.memory_space<vmem>>, vector<16xi32>,
      %mul3A_491 = arith.constant 16 : i32
      %mul3A_492 = arith.muli %scan3A_486, %mul3A_491 : i32
      %add3A_493 = arith.constant 320 : i32
      %add3A_494 = arith.addi %add3A_493, %mul3A_492 : i32
      %get3A_495 = arith.index_cast %add3A_494 : i32 to index
      %get3A_496 = tpu.vector_load %arg6[%get3A_495] {strides = array<i32>} : memref<5120xi32, #tpu.memory_space<vmem>>, vector<16xi32>,
      %add3A_497 = arith.addi %get3A_490, %get3A_496 : vector<16xi32>
      %mul3A_498 = arith.constant 16 : i32
      %mul3A_499 = arith.muli %scan3A_486, %mul3A_498 : i32
      %add3A_500 = arith.constant 640 : i32
      %add3A_501 = arith.addi %add3A_500, %mul3A_499 : i32
      %get3A_502 = arith.index_cast %add3A_501 : i32 to index
      %get3A_503 = tpu.vector_load %arg6[%get3A_502] {strides = array<i32>} : memref<5120xi32, #tpu.memory_space<vmem>>, vector<16xi32>,
      %add3A_504 = arith.addi %add3A_497, %get3A_503 : vector<16xi32>
      %mul3A_505 = arith.constant 16 : i32
      %mul3A_506 = arith.muli %scan3A_486, %mul3A_505 : i32
      %add3A_507 = arith.constant 960 : i32
      %add3A_508 = arith.addi %add3A_507, %mul3A_506 : i32
      %get3A_509 = arith.index_cast %add3A_508 : i32 to index
      %get3A_510 = tpu.vector_load %arg6[%get3A_509] {strides = array<i32>} : memref<5120xi32, #tpu.memory_space<vmem>>, vector<16xi32>,
      %add3A_511 = arith.addi %add3A_504, %get3A_510 : vector<16xi32>
      %mul3A_512 = arith.constant 16 : i32
      %mul3A_513 = arith.muli %scan3A_486, %mul3A_512 : i32
      %add3A_514 = arith.constant 1280 : i32
      %add3A_515 = arith.addi %add3A_514, %mul3A_513 : i32
      %get3A_516 = arith.index_cast %add3A_515 : i32 to index
      %get3A_517 = tpu.vector_load %arg6[%get3A_516] {strides = array<i32>} : memref<5120xi32, #tpu.memory_space<vmem>>, vector<16xi32>,
      %add3A_518 = arith.addi %add3A_511, %get3A_517 : vector<16xi32>
      %mul3A_519 = arith.constant 16 : i32
      %mul3A_520 = arith.muli %scan3A_486, %mul3A_519 : i32
      %add3A_521 = arith.constant 1600 : i32
      %add3A_522 = arith.addi %add3A_521, %mul3A_520 : i32
      %get3A_523 = arith.index_cast %add3A_522 : i32 to index
      %get3A_524 = tpu.vector_load %arg6[%get3A_523] {strides = array<i32>} : memref<5120xi32, #tpu.memory_space<vmem>>, vector<16xi32>,
      %add3A_525 = arith.addi %add3A_518, %get3A_524 : vector<16xi32>
      %mul3A_526 = arith.constant 16 : i32
      %mul3A_527 = arith.muli %scan3A_486, %mul3A_526 : i32
      %add3A_528 = arith.constant 1920 : i32
      %add3A_529 = arith.addi %add3A_528, %mul3A_527 : i32
      %get3A_530 = arith.index_cast %add3A_529 : i32 to index
      %get3A_531 = tpu.vector_load %arg6[%get3A_530] {strides = array<i32>} : memref<5120xi32, #tpu.memory_space<vmem>>, vector<16xi32>,
      %add3A_532 = arith.addi %add3A_525, %get3A_531 : vector<16xi32>
      %mul3A_533 = arith.constant 16 : i32
      %mul3A_534 = arith.muli %scan3A_486, %mul3A_533 : i32
      %add3A_535 = arith.constant 2240 : i32
      %add3A_536 = arith.addi %add3A_535, %mul3A_534 : i32
      %get3A_537 = arith.index_cast %add3A_536 : i32 to index
      %get3A_538 = tpu.vector_load %arg6[%get3A_537] {strides = array<i32>} : memref<5120xi32, #tpu.memory_space<vmem>>, vector<16xi32>,
      %add3A_539 = arith.addi %add3A_532, %get3A_538 : vector<16xi32>
      %mul3A_540 = arith.constant 16 : i32
      %mul3A_541 = arith.muli %scan3A_486, %mul3A_540 : i32
      %add3A_542 = arith.constant 2560 : i32
      %add3A_543 = arith.addi %add3A_542, %mul3A_541 : i32
      %get3A_544 = arith.index_cast %add3A_543 : i32 to index
      %get3A_545 = tpu.vector_load %arg6[%get3A_544] {strides = array<i32>} : memref<5120xi32, #tpu.memory_space<vmem>>, vector<16xi32>,
      %add3A_546 = arith.addi %add3A_539, %get3A_545 : vector<16xi32>
      %mul3A_547 = arith.constant 16 : i32
      %mul3A_548 = arith.muli %scan3A_486, %mul3A_547 : i32
      %add3A_549 = arith.constant 2880 : i32
      %add3A_550 = arith.addi %add3A_549, %mul3A_548 : i32
      %get3A_551 = arith.index_cast %add3A_550 : i32 to index
      %get3A_552 = tpu.vector_load %arg6[%get3A_551] {strides = array<i32>} : memref<5120xi32, #tpu.memory_space<vmem>>, vector<16xi32>,
      %add3A_553 = arith.addi %add3A_546, %get3A_552 : vector<16xi32>
      %mul3A_554 = arith.constant 16 : i32
      %mul3A_555 = arith.muli %scan3A_486, %mul3A_554 : i32
      %add3A_556 = arith.constant 3200 : i32
      %add3A_557 = arith.addi %add3A_556, %mul3A_555 : i32
      %get3A_558 = arith.index_cast %add3A_557 : i32 to index
      %get3A_559 = tpu.vector_load %arg6[%get3A_558] {strides = array<i32>} : memref<5120xi32, #tpu.memory_space<vmem>>, vector<16xi32>,
      %add3A_560 = arith.addi %add3A_553, %get3A_559 : vector<16xi32>
      %mul3A_561 = arith.constant 16 : i32
      %mul3A_562 = arith.muli %scan3A_486, %mul3A_561 : i32
      %add3A_563 = arith.constant 3520 : i32
      %add3A_564 = arith.addi %add3A_563, %mul3A_562 : i32
      %get3A_565 = arith.index_cast %add3A_564 : i32 to index
      %get3A_566 = tpu.vector_load %arg6[%get3A_565] {strides = array<i32>} : memref<5120xi32, #tpu.memory_space<vmem>>, vector<16xi32>,
      %add3A_567 = arith.addi %add3A_560, %get3A_566 : vector<16xi32>
      %mul3A_568 = arith.constant 16 : i32
      %mul3A_569 = arith.muli %scan3A_486, %mul3A_568 : i32
      %add3A_570 = arith.constant 3840 : i32
      %add3A_571 = arith.addi %add3A_570, %mul3A_569 : i32
      %get3A_572 = arith.index_cast %add3A_571 : i32 to index
      %get3A_573 = tpu.vector_load %arg6[%get3A_572] {strides = array<i32>} : memref<5120xi32, #tpu.memory_space<vmem>>, vector<16xi32>,
      %add3A_574 = arith.addi %add3A_567, %get3A_573 : vector<16xi32>
      %mul3A_575 = arith.constant 16 : i32
      %mul3A_576 = arith.muli %scan3A_486, %mul3A_575 : i32
      %add3A_577 = arith.constant 4160 : i32
      %add3A_578 = arith.addi %add3A_577, %mul3A_576 : i32
      %get3A_579 = arith.index_cast %add3A_578 : i32 to index
      %get3A_580 = tpu.vector_load %arg6[%get3A_579] {strides = array<i32>} : memref<5120xi32, #tpu.memory_space<vmem>>, vector<16xi32>,
      %add3A_581 = arith.addi %add3A_574, %get3A_580 : vector<16xi32>
      %mul3A_582 = arith.constant 16 : i32
      %mul3A_583 = arith.muli %scan3A_486, %mul3A_582 : i32
      %add3A_584 = arith.constant 4480 : i32
      %add3A_585 = arith.addi %add3A_584, %mul3A_583 : i32
      %get3A_586 = arith.index_cast %add3A_585 : i32 to index
      %get3A_587 = tpu.vector_load %arg6[%get3A_586] {strides = array<i32>} : memref<5120xi32, #tpu.memory_space<vmem>>, vector<16xi32>,
      %add3A_588 = arith.addi %add3A_581, %get3A_587 : vector<16xi32>
      %mul3A_589 = arith.constant 16 : i32
      %mul3A_590 = arith.muli %scan3A_486, %mul3A_589 : i32
      %add3A_591 = arith.constant 4800 : i32
      %add3A_592 = arith.addi %add3A_591, %mul3A_590 : i32
      %get3A_593 = arith.index_cast %add3A_592 : i32 to index
      %get3A_594 = tpu.vector_load %arg6[%get3A_593] {strides = array<i32>} : memref<5120xi32, #tpu.memory_space<vmem>>, vector<16xi32>,
      %add3A_595 = arith.addi %add3A_588, %get3A_594 : vector<16xi32>
      %mul3A_596 = arith.constant 16 : i32
      %mul3A_597 = arith.muli %scan3A_486, %mul3A_596 : i32
      %swap3A_598 = arith.index_cast %mul3A_597 : i32 to index
      %swap3A_599 = tpu.vector_load %arg5[%swap3A_598] {strides = array<i32>} : memref<10240xi32, #tpu.memory_space<vmem>>, vector<16xi32>,
      tpu.vector_store %arg5[%swap3A_598], %add3A_595 {strides = array<i32>} : memref<10240xi32, #tpu.memory_space<vmem>>, vector<16xi32>,
      %scan3A_600 = arith.constant 3 : i32
      %scan3A_601 = arith.addi %scan3A_257, %scan3A_600 : i32
      %mul3A_602 = arith.constant 16 : i32
      %mul3A_603 = arith.muli %scan3A_601, %mul3A_602 : i32
      %get3A_604 = arith.index_cast %mul3A_603 : i32 to index
      %get3A_605 = tpu.vector_load %arg6[%get3A_604] {strides = array<i32>} : memref<5120xi32, #tpu.memory_space<vmem>>, vector<16xi32>,
      %mul3A_606 = arith.constant 16 : i32
      %mul3A_607 = arith.muli %scan3A_601, %mul3A_606 : i32
      %add3A_608 = arith.constant 320 : i32
      %add3A_609 = arith.addi %add3A_608, %mul3A_607 : i32
      %get3A_610 = arith.index_cast %add3A_609 : i32 to index
      %get3A_611 = tpu.vector_load %arg6[%get3A_610] {strides = array<i32>} : memref<5120xi32, #tpu.memory_space<vmem>>, vector<16xi32>,
      %add3A_612 = arith.addi %get3A_605, %get3A_611 : vector<16xi32>
      %mul3A_613 = arith.constant 16 : i32
      %mul3A_614 = arith.muli %scan3A_601, %mul3A_613 : i32
      %add3A_615 = arith.constant 640 : i32
      %add3A_616 = arith.addi %add3A_615, %mul3A_614 : i32
      %get3A_617 = arith.index_cast %add3A_616 : i32 to index
      %get3A_618 = tpu.vector_load %arg6[%get3A_617] {strides = array<i32>} : memref<5120xi32, #tpu.memory_space<vmem>>, vector<16xi32>,
      %add3A_619 = arith.addi %add3A_612, %get3A_618 : vector<16xi32>
      %mul3A_620 = arith.constant 16 : i32
      %mul3A_621 = arith.muli %scan3A_601, %mul3A_620 : i32
      %add3A_622 = arith.constant 960 : i32
      %add3A_623 = arith.addi %add3A_622, %mul3A_621 : i32
      %get3A_624 = arith.index_cast %add3A_623 : i32 to index
      %get3A_625 = tpu.vector_load %arg6[%get3A_624] {strides = array<i32>} : memref<5120xi32, #tpu.memory_space<vmem>>, vector<16xi32>,
      %add3A_626 = arith.addi %add3A_619, %get3A_625 : vector<16xi32>
      %mul3A_627 = arith.constant 16 : i32
      %mul3A_628 = arith.muli %scan3A_601, %mul3A_627 : i32
      %add3A_629 = arith.constant 1280 : i32
      %add3A_630 = arith.addi %add3A_629, %mul3A_628 : i32
      %get3A_631 = arith.index_cast %add3A_630 : i32 to index
      %get3A_632 = tpu.vector_load %arg6[%get3A_631] {strides = array<i32>} : memref<5120xi32, #tpu.memory_space<vmem>>, vector<16xi32>,
      %add3A_633 = arith.addi %add3A_626, %get3A_632 : vector<16xi32>
      %mul3A_634 = arith.constant 16 : i32
      %mul3A_635 = arith.muli %scan3A_601, %mul3A_634 : i32
      %add3A_636 = arith.constant 1600 : i32
      %add3A_637 = arith.addi %add3A_636, %mul3A_635 : i32
      %get3A_638 = arith.index_cast %add3A_637 : i32 to index
      %get3A_639 = tpu.vector_load %arg6[%get3A_638] {strides = array<i32>} : memref<5120xi32, #tpu.memory_space<vmem>>, vector<16xi32>,
      %add3A_640 = arith.addi %add3A_633, %get3A_639 : vector<16xi32>
      %mul3A_641 = arith.constant 16 : i32
      %mul3A_642 = arith.muli %scan3A_601, %mul3A_641 : i32
      %add3A_643 = arith.constant 1920 : i32
      %add3A_644 = arith.addi %add3A_643, %mul3A_642 : i32
      %get3A_645 = arith.index_cast %add3A_644 : i32 to index
      %get3A_646 = tpu.vector_load %arg6[%get3A_645] {strides = array<i32>} : memref<5120xi32, #tpu.memory_space<vmem>>, vector<16xi32>,
      %add3A_647 = arith.addi %add3A_640, %get3A_646 : vector<16xi32>
      %mul3A_648 = arith.constant 16 : i32
      %mul3A_649 = arith.muli %scan3A_601, %mul3A_648 : i32
      %add3A_650 = arith.constant 2240 : i32
      %add3A_651 = arith.addi %add3A_650, %mul3A_649 : i32
      %get3A_652 = arith.index_cast %add3A_651 : i32 to index
      %get3A_653 = tpu.vector_load %arg6[%get3A_652] {strides = array<i32>} : memref<5120xi32, #tpu.memory_space<vmem>>, vector<16xi32>,
      %add3A_654 = arith.addi %add3A_647, %get3A_653 : vector<16xi32>
      %mul3A_655 = arith.constant 16 : i32
      %mul3A_656 = arith.muli %scan3A_601, %mul3A_655 : i32
      %add3A_657 = arith.constant 2560 : i32
      %add3A_658 = arith.addi %add3A_657, %mul3A_656 : i32
      %get3A_659 = arith.index_cast %add3A_658 : i32 to index
      %get3A_660 = tpu.vector_load %arg6[%get3A_659] {strides = array<i32>} : memref<5120xi32, #tpu.memory_space<vmem>>, vector<16xi32>,
      %add3A_661 = arith.addi %add3A_654, %get3A_660 : vector<16xi32>
      %mul3A_662 = arith.constant 16 : i32
      %mul3A_663 = arith.muli %scan3A_601, %mul3A_662 : i32
      %add3A_664 = arith.constant 2880 : i32
      %add3A_665 = arith.addi %add3A_664, %mul3A_663 : i32
      %get3A_666 = arith.index_cast %add3A_665 : i32 to index
      %get3A_667 = tpu.vector_load %arg6[%get3A_666] {strides = array<i32>} : memref<5120xi32, #tpu.memory_space<vmem>>, vector<16xi32>,
      %add3A_668 = arith.addi %add3A_661, %get3A_667 : vector<16xi32>
      %mul3A_669 = arith.constant 16 : i32
      %mul3A_670 = arith.muli %scan3A_601, %mul3A_669 : i32
      %add3A_671 = arith.constant 3200 : i32
      %add3A_672 = arith.addi %add3A_671, %mul3A_670 : i32
      %get3A_673 = arith.index_cast %add3A_672 : i32 to index
      %get3A_674 = tpu.vector_load %arg6[%get3A_673] {strides = array<i32>} : memref<5120xi32, #tpu.memory_space<vmem>>, vector<16xi32>,
      %add3A_675 = arith.addi %add3A_668, %get3A_674 : vector<16xi32>
      %mul3A_676 = arith.constant 16 : i32
      %mul3A_677 = arith.muli %scan3A_601, %mul3A_676 : i32
      %add3A_678 = arith.constant 3520 : i32
      %add3A_679 = arith.addi %add3A_678, %mul3A_677 : i32
      %get3A_680 = arith.index_cast %add3A_679 : i32 to index
      %get3A_681 = tpu.vector_load %arg6[%get3A_680] {strides = array<i32>} : memref<5120xi32, #tpu.memory_space<vmem>>, vector<16xi32>,
      %add3A_682 = arith.addi %add3A_675, %get3A_681 : vector<16xi32>
      %mul3A_683 = arith.constant 16 : i32
      %mul3A_684 = arith.muli %scan3A_601, %mul3A_683 : i32
      %add3A_685 = arith.constant 3840 : i32
      %add3A_686 = arith.addi %add3A_685, %mul3A_684 : i32
      %get3A_687 = arith.index_cast %add3A_686 : i32 to index
      %get3A_688 = tpu.vector_load %arg6[%get3A_687] {strides = array<i32>} : memref<5120xi32, #tpu.memory_space<vmem>>, vector<16xi32>,
      %add3A_689 = arith.addi %add3A_682, %get3A_688 : vector<16xi32>
      %mul3A_690 = arith.constant 16 : i32
      %mul3A_691 = arith.muli %scan3A_601, %mul3A_690 : i32
      %add3A_692 = arith.constant 4160 : i32
      %add3A_693 = arith.addi %add3A_692, %mul3A_691 : i32
      %get3A_694 = arith.index_cast %add3A_693 : i32 to index
      %get3A_695 = tpu.vector_load %arg6[%get3A_694] {strides = array<i32>} : memref<5120xi32, #tpu.memory_space<vmem>>, vector<16xi32>,
      %add3A_696 = arith.addi %add3A_689, %get3A_695 : vector<16xi32>
      %mul3A_697 = arith.constant 16 : i32
      %mul3A_698 = arith.muli %scan3A_601, %mul3A_697 : i32
      %add3A_699 = arith.constant 4480 : i32
      %add3A_700 = arith.addi %add3A_699, %mul3A_698 : i32
      %get3A_701 = arith.index_cast %add3A_700 : i32 to index
      %get3A_702 = tpu.vector_load %arg6[%get3A_701] {strides = array<i32>} : memref<5120xi32, #tpu.memory_space<vmem>>, vector<16xi32>,
      %add3A_703 = arith.addi %add3A_696, %get3A_702 : vector<16xi32>
      %mul3A_704 = arith.constant 16 : i32
      %mul3A_705 = arith.muli %scan3A_601, %mul3A_704 : i32
      %add3A_706 = arith.constant 4800 : i32
      %add3A_707 = arith.addi %add3A_706, %mul3A_705 : i32
      %get3A_708 = arith.index_cast %add3A_707 : i32 to index
      %get3A_709 = tpu.vector_load %arg6[%get3A_708] {strides = array<i32>} : memref<5120xi32, #tpu.memory_space<vmem>>, vector<16xi32>,
      %add3A_710 = arith.addi %add3A_703, %get3A_709 : vector<16xi32>
      %mul3A_711 = arith.constant 16 : i32
      %mul3A_712 = arith.muli %scan3A_601, %mul3A_711 : i32
      %swap3A_713 = arith.index_cast %mul3A_712 : i32 to index
      %swap3A_714 = tpu.vector_load %arg5[%swap3A_713] {strides = array<i32>} : memref<10240xi32, #tpu.memory_space<vmem>>, vector<16xi32>,
      tpu.vector_store %arg5[%swap3A_713], %add3A_710 {strides = array<i32>} : memref<10240xi32, #tpu.memory_space<vmem>>, vector<16xi32>,
    }
    %scan3A_256 = arith.constant 20 : i32
    "tpu.region"() ({
      %run_scoped3A = tpu.sem_alloc : memref<!tpu.dma_semaphore, #tpu.memory_space<semaphore_mem>>
      %dma_start3A_257 = arith.constant 0 : i32
      %dma_start3A_258 = tpu.memref_slice %arg5[%dma_start3A_257] : memref<10240xi32, #tpu.memory_space<vmem>> -> memref<320xi32, #tpu.memory_space<vmem>>
      %dma_start3A_259 = tpu.memref_slice %arg3[%add3A] : memref<10240xi32, #tpu.memory_space<hbm>> -> memref<320xi32, #tpu.memory_space<hbm>>
      %dma_start3A_260 = tpu.memref_slice %arg3[%add3A] : memref<10240xi32, #tpu.memory_space<hbm>> -> memref<320xi32, #tpu.memory_space<hbm>>
      %dma_start3A_261 = arith.constant 0 : i32
      %dma_start3A_262 = tpu.memref_slice %arg5[%dma_start3A_261] : memref<10240xi32, #tpu.memory_space<vmem>> -> memref<320xi32, #tpu.memory_space<vmem>>
      tpu.enqueue_dma source(%dma_start3A_262 : memref<320xi32, #tpu.memory_space<vmem>>) target(%dma_start3A_260 : memref<320xi32, #tpu.memory_space<hbm>>) target_semaphore(%run_scoped3A : memref<!tpu.dma_semaphore, #tpu.memory_space<semaphore_mem>>)
      %dma_wait3A_263 = arith.constant 0 : i32
      %dma_wait3A_264 = tpu.memref_slice %arg5[%dma_wait3A_263] : memref<10240xi32, #tpu.memory_space<vmem>> -> memref<320xi32, #tpu.memory_space<vmem>>
      %dma_wait3A_265 = tpu.memref_slice %arg3[%add3A] : memref<10240xi32, #tpu.memory_space<hbm>> -> memref<320xi32, #tpu.memory_space<hbm>>
      %dma_wait3A_266 = tpu.memref_slice %arg3[%add3A] : memref<10240xi32, #tpu.memory_space<hbm>> -> memref<320xi32, #tpu.memory_space<hbm>>
      %dma_wait3A_267 = arith.constant 0 : i32
      %dma_wait3A_268 = tpu.memref_slice %arg5[%dma_wait3A_267] : memref<10240xi32, #tpu.memory_space<vmem>> -> memref<320xi32, #tpu.memory_space<vmem>>
      tpu.wait_dma2 semaphore(%run_scoped3A : memref<!tpu.dma_semaphore, #tpu.memory_space<semaphore_mem>>) src(%dma_wait3A_268 : memref<320xi32, #tpu.memory_space<vmem>>) dst(%dma_wait3A_266 : memref<320xi32, #tpu.memory_space<hbm>>)
      tpu.yield
    }) : () -> ()
    return
  }
}

#map = affine_map<(d0, d1) -> (0)>
module attributes {stable_mosaic.version = 14 : i64} {
  func.func @_scalar_kernel(%arg0: i32, %arg1: i32, %arg2: memref<320000xi32, #tpu.memory_space<hbm>>, %arg3: memref<10240xf32, #tpu.memory_space<hbm>>, %arg4: memref<10240xf32, #tpu.memory_space<hbm>>, %arg5: memref<10240xf32, #tpu.memory_space<hbm>>, %arg6: memref<10240xf32, #tpu.memory_space<hbm>>, %arg7: memref<20000xi32, #tpu.memory_space<vmem>>, %arg8: memref<10240xf32, #tpu.memory_space<vmem>>, %arg9: memref<10240xf32, #tpu.memory_space<vmem>>, %arg10: memref<5120xf32, #tpu.memory_space<vmem>>, %arg11: memref<320xf32, #tpu.memory_space<vmem>>, %arg12: memref<320xf32, #tpu.memory_space<vmem>>, %arg13: memref<163840xf32, #tpu.memory_space<vmem_shared>>, %arg14: memref<!tpu.dma_semaphore, #tpu.memory_space<semaphore_mem>>) attributes {dimension_semantics = [#tpu.dimension_semantics<core_parallel>, #tpu.dimension_semantics<subcore_parallel>], iteration_bounds = array<i64: 2, 16>, scalar_prefetch = 0 : i64, scratch_operands = 8 : i64, tpu.core_type = #tpu.core_type<sc_vector_subcore>, window_params = [{transform_indices = #map}, {transform_indices = #map}, {transform_indices = #map}, {transform_indices = #map}, {transform_indices = #map}]} {
    %broadcast_in_dim3A = arith.constant 0.000000e+00 : f32
    %broadcast_in_dim3A_0 = vector.broadcast %broadcast_in_dim3A : f32 to vector<16xf32>
    %mul3A = arith.constant 20000 : i32
    %mul3A_1 = arith.muli %arg1, %mul3A : i32
    %dma_start3A = tpu.memref_slice %arg2[%mul3A_1] : memref<320000xi32, #tpu.memory_space<hbm>> -> memref<20000xi32, #tpu.memory_space<hbm>>
    %dma_start3A_2 = tpu.memref_slice %arg2[%mul3A_1] : memref<320000xi32, #tpu.memory_space<hbm>> -> memref<20000xi32, #tpu.memory_space<hbm>>
    tpu.enqueue_dma source(%dma_start3A_2 : memref<20000xi32, #tpu.memory_space<hbm>>) target(%arg7 : memref<20000xi32, #tpu.memory_space<vmem>>) target_semaphore(%arg14 : memref<!tpu.dma_semaphore, #tpu.memory_space<semaphore_mem>>)
    tpu.enqueue_dma source(%arg3 : memref<10240xf32, #tpu.memory_space<hbm>>) target(%arg8 : memref<10240xf32, #tpu.memory_space<vmem>>) target_semaphore(%arg14 : memref<!tpu.dma_semaphore, #tpu.memory_space<semaphore_mem>>)
    %scan3A = arith.constant 0 : i32
    %scan3A_3 = arith.constant 640 : i32
    %scan3A_4 = arith.addi %scan3A, %scan3A_3 : i32
    %scan3A_5 = arith.constant 8 : i32
    scf.for %scan3A_278 = %scan3A to %scan3A_4 step %scan3A_5  : i32 {
      %mul3A_279 = arith.constant 16 : i32
      %mul3A_280 = arith.muli %scan3A_278, %mul3A_279 : i32
      %swap3A = arith.index_cast %mul3A_280 : i32 to index
      %swap3A_281 = tpu.vector_load %arg9[%swap3A] {strides = array<i32>} : memref<10240xf32, #tpu.memory_space<vmem>>, vector<16xf32>,
      tpu.vector_store %arg9[%swap3A], %broadcast_in_dim3A_0 {strides = array<i32>} : memref<10240xf32, #tpu.memory_space<vmem>>, vector<16xf32>,
      %scan3A_282 = arith.constant 1 : i32
      %scan3A_283 = arith.addi %scan3A_278, %scan3A_282 : i32
      %mul3A_284 = arith.constant 16 : i32
      %mul3A_285 = arith.muli %scan3A_283, %mul3A_284 : i32
      %swap3A_286 = arith.index_cast %mul3A_285 : i32 to index
      %swap3A_287 = tpu.vector_load %arg9[%swap3A_286] {strides = array<i32>} : memref<10240xf32, #tpu.memory_space<vmem>>, vector<16xf32>,
      tpu.vector_store %arg9[%swap3A_286], %broadcast_in_dim3A_0 {strides = array<i32>} : memref<10240xf32, #tpu.memory_space<vmem>>, vector<16xf32>,
      %scan3A_288 = arith.constant 2 : i32
      %scan3A_289 = arith.addi %scan3A_278, %scan3A_288 : i32
      %mul3A_290 = arith.constant 16 : i32
      %mul3A_291 = arith.muli %scan3A_289, %mul3A_290 : i32
      %swap3A_292 = arith.index_cast %mul3A_291 : i32 to index
      %swap3A_293 = tpu.vector_load %arg9[%swap3A_292] {strides = array<i32>} : memref<10240xf32, #tpu.memory_space<vmem>>, vector<16xf32>,
      tpu.vector_store %arg9[%swap3A_292], %broadcast_in_dim3A_0 {strides = array<i32>} : memref<10240xf32, #tpu.memory_space<vmem>>, vector<16xf32>,
      %scan3A_294 = arith.constant 3 : i32
      %scan3A_295 = arith.addi %scan3A_278, %scan3A_294 : i32
      %mul3A_296 = arith.constant 16 : i32
      %mul3A_297 = arith.muli %scan3A_295, %mul3A_296 : i32
      %swap3A_298 = arith.index_cast %mul3A_297 : i32 to index
      %swap3A_299 = tpu.vector_load %arg9[%swap3A_298] {strides = array<i32>} : memref<10240xf32, #tpu.memory_space<vmem>>, vector<16xf32>,
      tpu.vector_store %arg9[%swap3A_298], %broadcast_in_dim3A_0 {strides = array<i32>} : memref<10240xf32, #tpu.memory_space<vmem>>, vector<16xf32>,
      %scan3A_300 = arith.constant 4 : i32
      %scan3A_301 = arith.addi %scan3A_278, %scan3A_300 : i32
      %mul3A_302 = arith.constant 16 : i32
      %mul3A_303 = arith.muli %scan3A_301, %mul3A_302 : i32
      %swap3A_304 = arith.index_cast %mul3A_303 : i32 to index
      %swap3A_305 = tpu.vector_load %arg9[%swap3A_304] {strides = array<i32>} : memref<10240xf32, #tpu.memory_space<vmem>>, vector<16xf32>,
      tpu.vector_store %arg9[%swap3A_304], %broadcast_in_dim3A_0 {strides = array<i32>} : memref<10240xf32, #tpu.memory_space<vmem>>, vector<16xf32>,
      %scan3A_306 = arith.constant 5 : i32
      %scan3A_307 = arith.addi %scan3A_278, %scan3A_306 : i32
      %mul3A_308 = arith.constant 16 : i32
      %mul3A_309 = arith.muli %scan3A_307, %mul3A_308 : i32
      %swap3A_310 = arith.index_cast %mul3A_309 : i32 to index
      %swap3A_311 = tpu.vector_load %arg9[%swap3A_310] {strides = array<i32>} : memref<10240xf32, #tpu.memory_space<vmem>>, vector<16xf32>,
      tpu.vector_store %arg9[%swap3A_310], %broadcast_in_dim3A_0 {strides = array<i32>} : memref<10240xf32, #tpu.memory_space<vmem>>, vector<16xf32>,
      %scan3A_312 = arith.constant 6 : i32
      %scan3A_313 = arith.addi %scan3A_278, %scan3A_312 : i32
      %mul3A_314 = arith.constant 16 : i32
      %mul3A_315 = arith.muli %scan3A_313, %mul3A_314 : i32
      %swap3A_316 = arith.index_cast %mul3A_315 : i32 to index
      %swap3A_317 = tpu.vector_load %arg9[%swap3A_316] {strides = array<i32>} : memref<10240xf32, #tpu.memory_space<vmem>>, vector<16xf32>,
      tpu.vector_store %arg9[%swap3A_316], %broadcast_in_dim3A_0 {strides = array<i32>} : memref<10240xf32, #tpu.memory_space<vmem>>, vector<16xf32>,
      %scan3A_318 = arith.constant 7 : i32
      %scan3A_319 = arith.addi %scan3A_278, %scan3A_318 : i32
      %mul3A_320 = arith.constant 16 : i32
      %mul3A_321 = arith.muli %scan3A_319, %mul3A_320 : i32
      %swap3A_322 = arith.index_cast %mul3A_321 : i32 to index
      %swap3A_323 = tpu.vector_load %arg9[%swap3A_322] {strides = array<i32>} : memref<10240xf32, #tpu.memory_space<vmem>>, vector<16xf32>,
      tpu.vector_store %arg9[%swap3A_322], %broadcast_in_dim3A_0 {strides = array<i32>} : memref<10240xf32, #tpu.memory_space<vmem>>, vector<16xf32>,
    }
    %scan3A_6 = arith.constant 640 : i32
    %dma_wait3A = tpu.memref_slice %arg2[%mul3A_1] : memref<320000xi32, #tpu.memory_space<hbm>> -> memref<20000xi32, #tpu.memory_space<hbm>>
    %dma_wait3A_7 = tpu.memref_slice %arg2[%mul3A_1] : memref<320000xi32, #tpu.memory_space<hbm>> -> memref<20000xi32, #tpu.memory_space<hbm>>
    tpu.wait_dma2 semaphore(%arg14 : memref<!tpu.dma_semaphore, #tpu.memory_space<semaphore_mem>>) src(%dma_wait3A_7 : memref<20000xi32, #tpu.memory_space<hbm>>) dst(%arg7 : memref<20000xi32, #tpu.memory_space<vmem>>)
    tpu.wait_dma2 semaphore(%arg14 : memref<!tpu.dma_semaphore, #tpu.memory_space<semaphore_mem>>) src(%arg3 : memref<10240xf32, #tpu.memory_space<hbm>>) dst(%arg8 : memref<10240xf32, #tpu.memory_space<vmem>>)
    %scan3A_8 = arith.constant 0 : i32
    %scan3A_9 = arith.constant 1248 : i32
    %scan3A_10 = arith.addi %scan3A_8, %scan3A_9 : i32
    %scan3A_11 = arith.constant 4 : i32
    scf.for %scan3A_278 = %scan3A_8 to %scan3A_10 step %scan3A_11  : i32 {
      %mul3A_279 = arith.constant 16 : i32
      %mul3A_280 = arith.muli %scan3A_278, %mul3A_279 : i32
      %get3A_281 = arith.index_cast %mul3A_280 : i32 to index
      %get3A_282 = tpu.vector_load %arg7[%get3A_281] {strides = array<i32>} : memref<20000xi32, #tpu.memory_space<vmem>>, vector<16xi32>,
      %and3A_283 = arith.constant 65535 : i32
      %and3A_284 = vector.broadcast %and3A_283 : i32 to vector<16xi32>
      %and3A_285 = arith.andi %get3A_282, %and3A_284 : vector<16xi32>
      %shift_right_arithmetic3A_286 = arith.constant 16 : i32
      %shift_right_arithmetic3A_287 = vector.broadcast %shift_right_arithmetic3A_286 : i32 to vector<16xi32>
      %shift_right_arithmetic3A_288 = arith.shrsi %get3A_282, %shift_right_arithmetic3A_287 : vector<16xi32>
      %gather3A_289 = tpu.vector_load_idx %arg8[%and3A_285] : memref<10240xf32, #tpu.memory_space<vmem>>[vector<16xi32>], vector<16xf32>,
      tpu.vector_store_idx %arg9[%shift_right_arithmetic3A_288], %gather3A_289 {add = true} : memref<10240xf32, #tpu.memory_space<vmem>>[vector<16xi32>], vector<16xf32>,
      %scan3A_290 = arith.constant 1 : i32
      %scan3A_291 = arith.addi %scan3A_278, %scan3A_290 : i32
      %mul3A_292 = arith.constant 16 : i32
      %mul3A_293 = arith.muli %scan3A_291, %mul3A_292 : i32
      %get3A_294 = arith.index_cast %mul3A_293 : i32 to index
      %get3A_295 = tpu.vector_load %arg7[%get3A_294] {strides = array<i32>} : memref<20000xi32, #tpu.memory_space<vmem>>, vector<16xi32>,
      %and3A_296 = arith.constant 65535 : i32
      %and3A_297 = vector.broadcast %and3A_296 : i32 to vector<16xi32>
      %and3A_298 = arith.andi %get3A_295, %and3A_297 : vector<16xi32>
      %shift_right_arithmetic3A_299 = arith.constant 16 : i32
      %shift_right_arithmetic3A_300 = vector.broadcast %shift_right_arithmetic3A_299 : i32 to vector<16xi32>
      %shift_right_arithmetic3A_301 = arith.shrsi %get3A_295, %shift_right_arithmetic3A_300 : vector<16xi32>
      %gather3A_302 = tpu.vector_load_idx %arg8[%and3A_298] : memref<10240xf32, #tpu.memory_space<vmem>>[vector<16xi32>], vector<16xf32>,
      tpu.vector_store_idx %arg9[%shift_right_arithmetic3A_301], %gather3A_302 {add = true} : memref<10240xf32, #tpu.memory_space<vmem>>[vector<16xi32>], vector<16xf32>,
      %scan3A_303 = arith.constant 2 : i32
      %scan3A_304 = arith.addi %scan3A_278, %scan3A_303 : i32
      %mul3A_305 = arith.constant 16 : i32
      %mul3A_306 = arith.muli %scan3A_304, %mul3A_305 : i32
      %get3A_307 = arith.index_cast %mul3A_306 : i32 to index
      %get3A_308 = tpu.vector_load %arg7[%get3A_307] {strides = array<i32>} : memref<20000xi32, #tpu.memory_space<vmem>>, vector<16xi32>,
      %and3A_309 = arith.constant 65535 : i32
      %and3A_310 = vector.broadcast %and3A_309 : i32 to vector<16xi32>
      %and3A_311 = arith.andi %get3A_308, %and3A_310 : vector<16xi32>
      %shift_right_arithmetic3A_312 = arith.constant 16 : i32
      %shift_right_arithmetic3A_313 = vector.broadcast %shift_right_arithmetic3A_312 : i32 to vector<16xi32>
      %shift_right_arithmetic3A_314 = arith.shrsi %get3A_308, %shift_right_arithmetic3A_313 : vector<16xi32>
      %gather3A_315 = tpu.vector_load_idx %arg8[%and3A_311] : memref<10240xf32, #tpu.memory_space<vmem>>[vector<16xi32>], vector<16xf32>,
      tpu.vector_store_idx %arg9[%shift_right_arithmetic3A_314], %gather3A_315 {add = true} : memref<10240xf32, #tpu.memory_space<vmem>>[vector<16xi32>], vector<16xf32>,
      %scan3A_316 = arith.constant 3 : i32
      %scan3A_317 = arith.addi %scan3A_278, %scan3A_316 : i32
      %mul3A_318 = arith.constant 16 : i32
      %mul3A_319 = arith.muli %scan3A_317, %mul3A_318 : i32
      %get3A_320 = arith.index_cast %mul3A_319 : i32 to index
      %get3A_321 = tpu.vector_load %arg7[%get3A_320] {strides = array<i32>} : memref<20000xi32, #tpu.memory_space<vmem>>, vector<16xi32>,
      %and3A_322 = arith.constant 65535 : i32
      %and3A_323 = vector.broadcast %and3A_322 : i32 to vector<16xi32>
      %and3A_324 = arith.andi %get3A_321, %and3A_323 : vector<16xi32>
      %shift_right_arithmetic3A_325 = arith.constant 16 : i32
      %shift_right_arithmetic3A_326 = vector.broadcast %shift_right_arithmetic3A_325 : i32 to vector<16xi32>
      %shift_right_arithmetic3A_327 = arith.shrsi %get3A_321, %shift_right_arithmetic3A_326 : vector<16xi32>
      %gather3A_328 = tpu.vector_load_idx %arg8[%and3A_324] : memref<10240xf32, #tpu.memory_space<vmem>>[vector<16xi32>], vector<16xf32>,
      tpu.vector_store_idx %arg9[%shift_right_arithmetic3A_327], %gather3A_328 {add = true} : memref<10240xf32, #tpu.memory_space<vmem>>[vector<16xi32>], vector<16xf32>,
    }
    %scan3A_12 = arith.constant 1248 : i32
    %scan3A_13 = arith.addi %scan3A_8, %scan3A_12 : i32
    %mul3A_14 = arith.constant 16 : i32
    %mul3A_15 = arith.muli %scan3A_13, %mul3A_14 : i32
    %get3A = arith.index_cast %mul3A_15 : i32 to index
    %get3A_16 = tpu.vector_load %arg7[%get3A] {strides = array<i32>} : memref<20000xi32, #tpu.memory_space<vmem>>, vector<16xi32>,
    %and3A = arith.constant 65535 : i32
    %and3A_17 = vector.broadcast %and3A : i32 to vector<16xi32>
    %and3A_18 = arith.andi %get3A_16, %and3A_17 : vector<16xi32>
    %shift_right_arithmetic3A = arith.constant 16 : i32
    %shift_right_arithmetic3A_19 = vector.broadcast %shift_right_arithmetic3A : i32 to vector<16xi32>
    %shift_right_arithmetic3A_20 = arith.shrsi %get3A_16, %shift_right_arithmetic3A_19 : vector<16xi32>
    %gather3A = tpu.vector_load_idx %arg8[%and3A_18] : memref<10240xf32, #tpu.memory_space<vmem>>[vector<16xi32>], vector<16xf32>,
    tpu.vector_store_idx %arg9[%shift_right_arithmetic3A_20], %gather3A {add = true} : memref<10240xf32, #tpu.memory_space<vmem>>[vector<16xi32>], vector<16xf32>,
    %scan3A_21 = arith.constant 1249 : i32
    %scan3A_22 = arith.addi %scan3A_8, %scan3A_21 : i32
    %mul3A_23 = arith.constant 16 : i32
    %mul3A_24 = arith.muli %scan3A_22, %mul3A_23 : i32
    %get3A_25 = arith.index_cast %mul3A_24 : i32 to index
    %get3A_26 = tpu.vector_load %arg7[%get3A_25] {strides = array<i32>} : memref<20000xi32, #tpu.memory_space<vmem>>, vector<16xi32>,
    %and3A_27 = arith.constant 65535 : i32
    %and3A_28 = vector.broadcast %and3A_27 : i32 to vector<16xi32>
    %and3A_29 = arith.andi %get3A_26, %and3A_28 : vector<16xi32>
    %shift_right_arithmetic3A_30 = arith.constant 16 : i32
    %shift_right_arithmetic3A_31 = vector.broadcast %shift_right_arithmetic3A_30 : i32 to vector<16xi32>
    %shift_right_arithmetic3A_32 = arith.shrsi %get3A_26, %shift_right_arithmetic3A_31 : vector<16xi32>
    %gather3A_33 = tpu.vector_load_idx %arg8[%and3A_29] : memref<10240xf32, #tpu.memory_space<vmem>>[vector<16xi32>], vector<16xf32>,
    tpu.vector_store_idx %arg9[%shift_right_arithmetic3A_32], %gather3A_33 {add = true} : memref<10240xf32, #tpu.memory_space<vmem>>[vector<16xi32>], vector<16xf32>,
    %scan3A_34 = arith.constant 1250 : i32
    %mul3A_35 = arith.constant 10240 : i32
    %mul3A_36 = arith.muli %arg1, %mul3A_35 : i32
    "tpu.region"() ({
      %run_scoped3A = tpu.sem_alloc : memref<!tpu.dma_semaphore, #tpu.memory_space<semaphore_mem>>
      %dma_start3A_278 = tpu.memref_slice %arg13[%mul3A_36] : memref<163840xf32, #tpu.memory_space<vmem_shared>> -> memref<10240xf32, #tpu.memory_space<vmem_shared>>
      %dma_start3A_279 = tpu.memref_slice %arg13[%mul3A_36] : memref<163840xf32, #tpu.memory_space<vmem_shared>> -> memref<10240xf32, #tpu.memory_space<vmem_shared>>
      tpu.enqueue_dma source(%arg9 : memref<10240xf32, #tpu.memory_space<vmem>>) target(%dma_start3A_279 : memref<10240xf32, #tpu.memory_space<vmem_shared>>) target_semaphore(%run_scoped3A : memref<!tpu.dma_semaphore, #tpu.memory_space<semaphore_mem>>)
      %dma_wait3A_280 = tpu.memref_slice %arg13[%mul3A_36] : memref<163840xf32, #tpu.memory_space<vmem_shared>> -> memref<10240xf32, #tpu.memory_space<vmem_shared>>
      %dma_wait3A_281 = tpu.memref_slice %arg13[%mul3A_36] : memref<163840xf32, #tpu.memory_space<vmem_shared>> -> memref<10240xf32, #tpu.memory_space<vmem_shared>>
      tpu.wait_dma2 semaphore(%run_scoped3A : memref<!tpu.dma_semaphore, #tpu.memory_space<semaphore_mem>>) src(%arg9 : memref<10240xf32, #tpu.memory_space<vmem>>) dst(%dma_wait3A_281 : memref<10240xf32, #tpu.memory_space<vmem_shared>>)
      tpu.yield
    }) : () -> ()
    %barrier3A = arith.constant 0 : index
    tpu.barrier barrier_id(%barrier3A)
    %mul3A_37 = arith.constant 5120 : i32
    %mul3A_38 = arith.muli %arg0, %mul3A_37 : i32
    %mul3A_39 = arith.constant 320 : i32
    %mul3A_40 = arith.muli %arg1, %mul3A_39 : i32
    %add3A = arith.addi %mul3A_38, %mul3A_40 : i32
    %dma_start3A_41 = tpu.memref_slice %arg4[%add3A] : memref<10240xf32, #tpu.memory_space<hbm>> -> memref<320xf32, #tpu.memory_space<hbm>>
    %dma_start3A_42 = tpu.memref_slice %arg4[%add3A] : memref<10240xf32, #tpu.memory_space<hbm>> -> memref<320xf32, #tpu.memory_space<hbm>>
    tpu.enqueue_dma source(%dma_start3A_42 : memref<320xf32, #tpu.memory_space<hbm>>) target(%arg11 : memref<320xf32, #tpu.memory_space<vmem>>) target_semaphore(%arg14 : memref<!tpu.dma_semaphore, #tpu.memory_space<semaphore_mem>>)
    %dma_start3A_43 = tpu.memref_slice %arg5[%add3A] : memref<10240xf32, #tpu.memory_space<hbm>> -> memref<320xf32, #tpu.memory_space<hbm>>
    %dma_start3A_44 = tpu.memref_slice %arg5[%add3A] : memref<10240xf32, #tpu.memory_space<hbm>> -> memref<320xf32, #tpu.memory_space<hbm>>
    tpu.enqueue_dma source(%dma_start3A_44 : memref<320xf32, #tpu.memory_space<hbm>>) target(%arg12 : memref<320xf32, #tpu.memory_space<vmem>>) target_semaphore(%arg14 : memref<!tpu.dma_semaphore, #tpu.memory_space<semaphore_mem>>)
    %dma_wait3A_45 = tpu.memref_slice %arg4[%add3A] : memref<10240xf32, #tpu.memory_space<hbm>> -> memref<320xf32, #tpu.memory_space<hbm>>
    %dma_wait3A_46 = tpu.memref_slice %arg4[%add3A] : memref<10240xf32, #tpu.memory_space<hbm>> -> memref<320xf32, #tpu.memory_space<hbm>>
    tpu.wait_dma2 semaphore(%arg14 : memref<!tpu.dma_semaphore, #tpu.memory_space<semaphore_mem>>) src(%dma_wait3A_46 : memref<320xf32, #tpu.memory_space<hbm>>) dst(%arg11 : memref<320xf32, #tpu.memory_space<vmem>>)
    %dma_wait3A_47 = tpu.memref_slice %arg5[%add3A] : memref<10240xf32, #tpu.memory_space<hbm>> -> memref<320xf32, #tpu.memory_space<hbm>>
    %dma_wait3A_48 = tpu.memref_slice %arg5[%add3A] : memref<10240xf32, #tpu.memory_space<hbm>> -> memref<320xf32, #tpu.memory_space<hbm>>
    tpu.wait_dma2 semaphore(%arg14 : memref<!tpu.dma_semaphore, #tpu.memory_space<semaphore_mem>>) src(%dma_wait3A_48 : memref<320xf32, #tpu.memory_space<hbm>>) dst(%arg12 : memref<320xf32, #tpu.memory_space<vmem>>)
    %add3A_49 = arith.constant 0 : i32
    %add3A_50 = arith.addi %add3A_49, %add3A : i32
    %dma_start3A_51 = arith.constant 0 : i32
    %dma_start3A_52 = tpu.memref_slice %arg10[%dma_start3A_51] : memref<5120xf32, #tpu.memory_space<vmem>> -> memref<320xf32, #tpu.memory_space<vmem>>
    %dma_start3A_53 = tpu.memref_slice %arg13[%add3A_50] : memref<163840xf32, #tpu.memory_space<vmem_shared>> -> memref<320xf32, #tpu.memory_space<vmem_shared>>
    %dma_start3A_54 = arith.constant 0 : i32
    %dma_start3A_55 = tpu.memref_slice %arg10[%dma_start3A_54] : memref<5120xf32, #tpu.memory_space<vmem>> -> memref<320xf32, #tpu.memory_space<vmem>>
    %dma_start3A_56 = tpu.memref_slice %arg13[%add3A_50] : memref<163840xf32, #tpu.memory_space<vmem_shared>> -> memref<320xf32, #tpu.memory_space<vmem_shared>>
    tpu.enqueue_dma source(%dma_start3A_56 : memref<320xf32, #tpu.memory_space<vmem_shared>>) target(%dma_start3A_55 : memref<320xf32, #tpu.memory_space<vmem>>) target_semaphore(%arg14 : memref<!tpu.dma_semaphore, #tpu.memory_space<semaphore_mem>>)
    %add3A_57 = arith.constant 10240 : i32
    %add3A_58 = arith.addi %add3A_57, %add3A : i32
    %dma_start3A_59 = arith.constant 320 : i32
    %dma_start3A_60 = tpu.memref_slice %arg10[%dma_start3A_59] : memref<5120xf32, #tpu.memory_space<vmem>> -> memref<320xf32, #tpu.memory_space<vmem>>
    %dma_start3A_61 = tpu.memref_slice %arg13[%add3A_58] : memref<163840xf32, #tpu.memory_space<vmem_shared>> -> memref<320xf32, #tpu.memory_space<vmem_shared>>
    %dma_start3A_62 = arith.constant 320 : i32
    %dma_start3A_63 = tpu.memref_slice %arg10[%dma_start3A_62] : memref<5120xf32, #tpu.memory_space<vmem>> -> memref<320xf32, #tpu.memory_space<vmem>>
    %dma_start3A_64 = tpu.memref_slice %arg13[%add3A_58] : memref<163840xf32, #tpu.memory_space<vmem_shared>> -> memref<320xf32, #tpu.memory_space<vmem_shared>>
    tpu.enqueue_dma source(%dma_start3A_64 : memref<320xf32, #tpu.memory_space<vmem_shared>>) target(%dma_start3A_63 : memref<320xf32, #tpu.memory_space<vmem>>) target_semaphore(%arg14 : memref<!tpu.dma_semaphore, #tpu.memory_space<semaphore_mem>>)
    %add3A_65 = arith.constant 20480 : i32
    %add3A_66 = arith.addi %add3A_65, %add3A : i32
    %dma_start3A_67 = arith.constant 640 : i32
    %dma_start3A_68 = tpu.memref_slice %arg10[%dma_start3A_67] : memref<5120xf32, #tpu.memory_space<vmem>> -> memref<320xf32, #tpu.memory_space<vmem>>
    %dma_start3A_69 = tpu.memref_slice %arg13[%add3A_66] : memref<163840xf32, #tpu.memory_space<vmem_shared>> -> memref<320xf32, #tpu.memory_space<vmem_shared>>
    %dma_start3A_70 = arith.constant 640 : i32
    %dma_start3A_71 = tpu.memref_slice %arg10[%dma_start3A_70] : memref<5120xf32, #tpu.memory_space<vmem>> -> memref<320xf32, #tpu.memory_space<vmem>>
    %dma_start3A_72 = tpu.memref_slice %arg13[%add3A_66] : memref<163840xf32, #tpu.memory_space<vmem_shared>> -> memref<320xf32, #tpu.memory_space<vmem_shared>>
    tpu.enqueue_dma source(%dma_start3A_72 : memref<320xf32, #tpu.memory_space<vmem_shared>>) target(%dma_start3A_71 : memref<320xf32, #tpu.memory_space<vmem>>) target_semaphore(%arg14 : memref<!tpu.dma_semaphore, #tpu.memory_space<semaphore_mem>>)
    %add3A_73 = arith.constant 30720 : i32
    %add3A_74 = arith.addi %add3A_73, %add3A : i32
    %dma_start3A_75 = arith.constant 960 : i32
    %dma_start3A_76 = tpu.memref_slice %arg10[%dma_start3A_75] : memref<5120xf32, #tpu.memory_space<vmem>> -> memref<320xf32, #tpu.memory_space<vmem>>
    %dma_start3A_77 = tpu.memref_slice %arg13[%add3A_74] : memref<163840xf32, #tpu.memory_space<vmem_shared>> -> memref<320xf32, #tpu.memory_space<vmem_shared>>
    %dma_start3A_78 = arith.constant 960 : i32
    %dma_start3A_79 = tpu.memref_slice %arg10[%dma_start3A_78] : memref<5120xf32, #tpu.memory_space<vmem>> -> memref<320xf32, #tpu.memory_space<vmem>>
    %dma_start3A_80 = tpu.memref_slice %arg13[%add3A_74] : memref<163840xf32, #tpu.memory_space<vmem_shared>> -> memref<320xf32, #tpu.memory_space<vmem_shared>>
    tpu.enqueue_dma source(%dma_start3A_80 : memref<320xf32, #tpu.memory_space<vmem_shared>>) target(%dma_start3A_79 : memref<320xf32, #tpu.memory_space<vmem>>) target_semaphore(%arg14 : memref<!tpu.dma_semaphore, #tpu.memory_space<semaphore_mem>>)
    %add3A_81 = arith.constant 40960 : i32
    %add3A_82 = arith.addi %add3A_81, %add3A : i32
    %dma_start3A_83 = arith.constant 1280 : i32
    %dma_start3A_84 = tpu.memref_slice %arg10[%dma_start3A_83] : memref<5120xf32, #tpu.memory_space<vmem>> -> memref<320xf32, #tpu.memory_space<vmem>>
    %dma_start3A_85 = tpu.memref_slice %arg13[%add3A_82] : memref<163840xf32, #tpu.memory_space<vmem_shared>> -> memref<320xf32, #tpu.memory_space<vmem_shared>>
    %dma_start3A_86 = arith.constant 1280 : i32
    %dma_start3A_87 = tpu.memref_slice %arg10[%dma_start3A_86] : memref<5120xf32, #tpu.memory_space<vmem>> -> memref<320xf32, #tpu.memory_space<vmem>>
    %dma_start3A_88 = tpu.memref_slice %arg13[%add3A_82] : memref<163840xf32, #tpu.memory_space<vmem_shared>> -> memref<320xf32, #tpu.memory_space<vmem_shared>>
    tpu.enqueue_dma source(%dma_start3A_88 : memref<320xf32, #tpu.memory_space<vmem_shared>>) target(%dma_start3A_87 : memref<320xf32, #tpu.memory_space<vmem>>) target_semaphore(%arg14 : memref<!tpu.dma_semaphore, #tpu.memory_space<semaphore_mem>>)
    %add3A_89 = arith.constant 51200 : i32
    %add3A_90 = arith.addi %add3A_89, %add3A : i32
    %dma_start3A_91 = arith.constant 1600 : i32
    %dma_start3A_92 = tpu.memref_slice %arg10[%dma_start3A_91] : memref<5120xf32, #tpu.memory_space<vmem>> -> memref<320xf32, #tpu.memory_space<vmem>>
    %dma_start3A_93 = tpu.memref_slice %arg13[%add3A_90] : memref<163840xf32, #tpu.memory_space<vmem_shared>> -> memref<320xf32, #tpu.memory_space<vmem_shared>>
    %dma_start3A_94 = arith.constant 1600 : i32
    %dma_start3A_95 = tpu.memref_slice %arg10[%dma_start3A_94] : memref<5120xf32, #tpu.memory_space<vmem>> -> memref<320xf32, #tpu.memory_space<vmem>>
    %dma_start3A_96 = tpu.memref_slice %arg13[%add3A_90] : memref<163840xf32, #tpu.memory_space<vmem_shared>> -> memref<320xf32, #tpu.memory_space<vmem_shared>>
    tpu.enqueue_dma source(%dma_start3A_96 : memref<320xf32, #tpu.memory_space<vmem_shared>>) target(%dma_start3A_95 : memref<320xf32, #tpu.memory_space<vmem>>) target_semaphore(%arg14 : memref<!tpu.dma_semaphore, #tpu.memory_space<semaphore_mem>>)
    %add3A_97 = arith.constant 61440 : i32
    %add3A_98 = arith.addi %add3A_97, %add3A : i32
    %dma_start3A_99 = arith.constant 1920 : i32
    %dma_start3A_100 = tpu.memref_slice %arg10[%dma_start3A_99] : memref<5120xf32, #tpu.memory_space<vmem>> -> memref<320xf32, #tpu.memory_space<vmem>>
    %dma_start3A_101 = tpu.memref_slice %arg13[%add3A_98] : memref<163840xf32, #tpu.memory_space<vmem_shared>> -> memref<320xf32, #tpu.memory_space<vmem_shared>>
    %dma_start3A_102 = arith.constant 1920 : i32
    %dma_start3A_103 = tpu.memref_slice %arg10[%dma_start3A_102] : memref<5120xf32, #tpu.memory_space<vmem>> -> memref<320xf32, #tpu.memory_space<vmem>>
    %dma_start3A_104 = tpu.memref_slice %arg13[%add3A_98] : memref<163840xf32, #tpu.memory_space<vmem_shared>> -> memref<320xf32, #tpu.memory_space<vmem_shared>>
    tpu.enqueue_dma source(%dma_start3A_104 : memref<320xf32, #tpu.memory_space<vmem_shared>>) target(%dma_start3A_103 : memref<320xf32, #tpu.memory_space<vmem>>) target_semaphore(%arg14 : memref<!tpu.dma_semaphore, #tpu.memory_space<semaphore_mem>>)
    %add3A_105 = arith.constant 71680 : i32
    %add3A_106 = arith.addi %add3A_105, %add3A : i32
    %dma_start3A_107 = arith.constant 2240 : i32
    %dma_start3A_108 = tpu.memref_slice %arg10[%dma_start3A_107] : memref<5120xf32, #tpu.memory_space<vmem>> -> memref<320xf32, #tpu.memory_space<vmem>>
    %dma_start3A_109 = tpu.memref_slice %arg13[%add3A_106] : memref<163840xf32, #tpu.memory_space<vmem_shared>> -> memref<320xf32, #tpu.memory_space<vmem_shared>>
    %dma_start3A_110 = arith.constant 2240 : i32
    %dma_start3A_111 = tpu.memref_slice %arg10[%dma_start3A_110] : memref<5120xf32, #tpu.memory_space<vmem>> -> memref<320xf32, #tpu.memory_space<vmem>>
    %dma_start3A_112 = tpu.memref_slice %arg13[%add3A_106] : memref<163840xf32, #tpu.memory_space<vmem_shared>> -> memref<320xf32, #tpu.memory_space<vmem_shared>>
    tpu.enqueue_dma source(%dma_start3A_112 : memref<320xf32, #tpu.memory_space<vmem_shared>>) target(%dma_start3A_111 : memref<320xf32, #tpu.memory_space<vmem>>) target_semaphore(%arg14 : memref<!tpu.dma_semaphore, #tpu.memory_space<semaphore_mem>>)
    %dma_wait3A_113 = arith.constant 0 : i32
    %dma_wait3A_114 = tpu.memref_slice %arg10[%dma_wait3A_113] : memref<5120xf32, #tpu.memory_space<vmem>> -> memref<320xf32, #tpu.memory_space<vmem>>
    %dma_wait3A_115 = tpu.memref_slice %arg13[%add3A_50] : memref<163840xf32, #tpu.memory_space<vmem_shared>> -> memref<320xf32, #tpu.memory_space<vmem_shared>>
    %dma_wait3A_116 = arith.constant 0 : i32
    %dma_wait3A_117 = tpu.memref_slice %arg10[%dma_wait3A_116] : memref<5120xf32, #tpu.memory_space<vmem>> -> memref<320xf32, #tpu.memory_space<vmem>>
    %dma_wait3A_118 = tpu.memref_slice %arg13[%add3A_50] : memref<163840xf32, #tpu.memory_space<vmem_shared>> -> memref<320xf32, #tpu.memory_space<vmem_shared>>
    tpu.wait_dma2 semaphore(%arg14 : memref<!tpu.dma_semaphore, #tpu.memory_space<semaphore_mem>>) src(%dma_wait3A_118 : memref<320xf32, #tpu.memory_space<vmem_shared>>) dst(%dma_wait3A_117 : memref<320xf32, #tpu.memory_space<vmem>>)
    %dma_wait3A_119 = arith.constant 320 : i32
    %dma_wait3A_120 = tpu.memref_slice %arg10[%dma_wait3A_119] : memref<5120xf32, #tpu.memory_space<vmem>> -> memref<320xf32, #tpu.memory_space<vmem>>
    %dma_wait3A_121 = tpu.memref_slice %arg13[%add3A_58] : memref<163840xf32, #tpu.memory_space<vmem_shared>> -> memref<320xf32, #tpu.memory_space<vmem_shared>>
    %dma_wait3A_122 = arith.constant 320 : i32
    %dma_wait3A_123 = tpu.memref_slice %arg10[%dma_wait3A_122] : memref<5120xf32, #tpu.memory_space<vmem>> -> memref<320xf32, #tpu.memory_space<vmem>>
    %dma_wait3A_124 = tpu.memref_slice %arg13[%add3A_58] : memref<163840xf32, #tpu.memory_space<vmem_shared>> -> memref<320xf32, #tpu.memory_space<vmem_shared>>
    tpu.wait_dma2 semaphore(%arg14 : memref<!tpu.dma_semaphore, #tpu.memory_space<semaphore_mem>>) src(%dma_wait3A_124 : memref<320xf32, #tpu.memory_space<vmem_shared>>) dst(%dma_wait3A_123 : memref<320xf32, #tpu.memory_space<vmem>>)
    %dma_wait3A_125 = arith.constant 640 : i32
    %dma_wait3A_126 = tpu.memref_slice %arg10[%dma_wait3A_125] : memref<5120xf32, #tpu.memory_space<vmem>> -> memref<320xf32, #tpu.memory_space<vmem>>
    %dma_wait3A_127 = tpu.memref_slice %arg13[%add3A_66] : memref<163840xf32, #tpu.memory_space<vmem_shared>> -> memref<320xf32, #tpu.memory_space<vmem_shared>>
    %dma_wait3A_128 = arith.constant 640 : i32
    %dma_wait3A_129 = tpu.memref_slice %arg10[%dma_wait3A_128] : memref<5120xf32, #tpu.memory_space<vmem>> -> memref<320xf32, #tpu.memory_space<vmem>>
    %dma_wait3A_130 = tpu.memref_slice %arg13[%add3A_66] : memref<163840xf32, #tpu.memory_space<vmem_shared>> -> memref<320xf32, #tpu.memory_space<vmem_shared>>
    tpu.wait_dma2 semaphore(%arg14 : memref<!tpu.dma_semaphore, #tpu.memory_space<semaphore_mem>>) src(%dma_wait3A_130 : memref<320xf32, #tpu.memory_space<vmem_shared>>) dst(%dma_wait3A_129 : memref<320xf32, #tpu.memory_space<vmem>>)
    %dma_wait3A_131 = arith.constant 960 : i32
    %dma_wait3A_132 = tpu.memref_slice %arg10[%dma_wait3A_131] : memref<5120xf32, #tpu.memory_space<vmem>> -> memref<320xf32, #tpu.memory_space<vmem>>
    %dma_wait3A_133 = tpu.memref_slice %arg13[%add3A_74] : memref<163840xf32, #tpu.memory_space<vmem_shared>> -> memref<320xf32, #tpu.memory_space<vmem_shared>>
    %dma_wait3A_134 = arith.constant 960 : i32
    %dma_wait3A_135 = tpu.memref_slice %arg10[%dma_wait3A_134] : memref<5120xf32, #tpu.memory_space<vmem>> -> memref<320xf32, #tpu.memory_space<vmem>>
    %dma_wait3A_136 = tpu.memref_slice %arg13[%add3A_74] : memref<163840xf32, #tpu.memory_space<vmem_shared>> -> memref<320xf32, #tpu.memory_space<vmem_shared>>
    tpu.wait_dma2 semaphore(%arg14 : memref<!tpu.dma_semaphore, #tpu.memory_space<semaphore_mem>>) src(%dma_wait3A_136 : memref<320xf32, #tpu.memory_space<vmem_shared>>) dst(%dma_wait3A_135 : memref<320xf32, #tpu.memory_space<vmem>>)
    %dma_wait3A_137 = arith.constant 1280 : i32
    %dma_wait3A_138 = tpu.memref_slice %arg10[%dma_wait3A_137] : memref<5120xf32, #tpu.memory_space<vmem>> -> memref<320xf32, #tpu.memory_space<vmem>>
    %dma_wait3A_139 = tpu.memref_slice %arg13[%add3A_82] : memref<163840xf32, #tpu.memory_space<vmem_shared>> -> memref<320xf32, #tpu.memory_space<vmem_shared>>
    %dma_wait3A_140 = arith.constant 1280 : i32
    %dma_wait3A_141 = tpu.memref_slice %arg10[%dma_wait3A_140] : memref<5120xf32, #tpu.memory_space<vmem>> -> memref<320xf32, #tpu.memory_space<vmem>>
    %dma_wait3A_142 = tpu.memref_slice %arg13[%add3A_82] : memref<163840xf32, #tpu.memory_space<vmem_shared>> -> memref<320xf32, #tpu.memory_space<vmem_shared>>
    tpu.wait_dma2 semaphore(%arg14 : memref<!tpu.dma_semaphore, #tpu.memory_space<semaphore_mem>>) src(%dma_wait3A_142 : memref<320xf32, #tpu.memory_space<vmem_shared>>) dst(%dma_wait3A_141 : memref<320xf32, #tpu.memory_space<vmem>>)
    %dma_wait3A_143 = arith.constant 1600 : i32
    %dma_wait3A_144 = tpu.memref_slice %arg10[%dma_wait3A_143] : memref<5120xf32, #tpu.memory_space<vmem>> -> memref<320xf32, #tpu.memory_space<vmem>>
    %dma_wait3A_145 = tpu.memref_slice %arg13[%add3A_90] : memref<163840xf32, #tpu.memory_space<vmem_shared>> -> memref<320xf32, #tpu.memory_space<vmem_shared>>
    %dma_wait3A_146 = arith.constant 1600 : i32
    %dma_wait3A_147 = tpu.memref_slice %arg10[%dma_wait3A_146] : memref<5120xf32, #tpu.memory_space<vmem>> -> memref<320xf32, #tpu.memory_space<vmem>>
    %dma_wait3A_148 = tpu.memref_slice %arg13[%add3A_90] : memref<163840xf32, #tpu.memory_space<vmem_shared>> -> memref<320xf32, #tpu.memory_space<vmem_shared>>
    tpu.wait_dma2 semaphore(%arg14 : memref<!tpu.dma_semaphore, #tpu.memory_space<semaphore_mem>>) src(%dma_wait3A_148 : memref<320xf32, #tpu.memory_space<vmem_shared>>) dst(%dma_wait3A_147 : memref<320xf32, #tpu.memory_space<vmem>>)
    %dma_wait3A_149 = arith.constant 1920 : i32
    %dma_wait3A_150 = tpu.memref_slice %arg10[%dma_wait3A_149] : memref<5120xf32, #tpu.memory_space<vmem>> -> memref<320xf32, #tpu.memory_space<vmem>>
    %dma_wait3A_151 = tpu.memref_slice %arg13[%add3A_98] : memref<163840xf32, #tpu.memory_space<vmem_shared>> -> memref<320xf32, #tpu.memory_space<vmem_shared>>
    %dma_wait3A_152 = arith.constant 1920 : i32
    %dma_wait3A_153 = tpu.memref_slice %arg10[%dma_wait3A_152] : memref<5120xf32, #tpu.memory_space<vmem>> -> memref<320xf32, #tpu.memory_space<vmem>>
    %dma_wait3A_154 = tpu.memref_slice %arg13[%add3A_98] : memref<163840xf32, #tpu.memory_space<vmem_shared>> -> memref<320xf32, #tpu.memory_space<vmem_shared>>
    tpu.wait_dma2 semaphore(%arg14 : memref<!tpu.dma_semaphore, #tpu.memory_space<semaphore_mem>>) src(%dma_wait3A_154 : memref<320xf32, #tpu.memory_space<vmem_shared>>) dst(%dma_wait3A_153 : memref<320xf32, #tpu.memory_space<vmem>>)
    %dma_wait3A_155 = arith.constant 2240 : i32
    %dma_wait3A_156 = tpu.memref_slice %arg10[%dma_wait3A_155] : memref<5120xf32, #tpu.memory_space<vmem>> -> memref<320xf32, #tpu.memory_space<vmem>>
    %dma_wait3A_157 = tpu.memref_slice %arg13[%add3A_106] : memref<163840xf32, #tpu.memory_space<vmem_shared>> -> memref<320xf32, #tpu.memory_space<vmem_shared>>
    %dma_wait3A_158 = arith.constant 2240 : i32
    %dma_wait3A_159 = tpu.memref_slice %arg10[%dma_wait3A_158] : memref<5120xf32, #tpu.memory_space<vmem>> -> memref<320xf32, #tpu.memory_space<vmem>>
    %dma_wait3A_160 = tpu.memref_slice %arg13[%add3A_106] : memref<163840xf32, #tpu.memory_space<vmem_shared>> -> memref<320xf32, #tpu.memory_space<vmem_shared>>
    tpu.wait_dma2 semaphore(%arg14 : memref<!tpu.dma_semaphore, #tpu.memory_space<semaphore_mem>>) src(%dma_wait3A_160 : memref<320xf32, #tpu.memory_space<vmem_shared>>) dst(%dma_wait3A_159 : memref<320xf32, #tpu.memory_space<vmem>>)
    %add3A_161 = arith.constant 81920 : i32
    %add3A_162 = arith.addi %add3A_161, %add3A : i32
    %dma_start3A_163 = arith.constant 2560 : i32
    %dma_start3A_164 = tpu.memref_slice %arg10[%dma_start3A_163] : memref<5120xf32, #tpu.memory_space<vmem>> -> memref<320xf32, #tpu.memory_space<vmem>>
    %dma_start3A_165 = tpu.memref_slice %arg13[%add3A_162] : memref<163840xf32, #tpu.memory_space<vmem_shared>> -> memref<320xf32, #tpu.memory_space<vmem_shared>>
    %dma_start3A_166 = arith.constant 2560 : i32
    %dma_start3A_167 = tpu.memref_slice %arg10[%dma_start3A_166] : memref<5120xf32, #tpu.memory_space<vmem>> -> memref<320xf32, #tpu.memory_space<vmem>>
    %dma_start3A_168 = tpu.memref_slice %arg13[%add3A_162] : memref<163840xf32, #tpu.memory_space<vmem_shared>> -> memref<320xf32, #tpu.memory_space<vmem_shared>>
    tpu.enqueue_dma source(%dma_start3A_168 : memref<320xf32, #tpu.memory_space<vmem_shared>>) target(%dma_start3A_167 : memref<320xf32, #tpu.memory_space<vmem>>) target_semaphore(%arg14 : memref<!tpu.dma_semaphore, #tpu.memory_space<semaphore_mem>>)
    %add3A_169 = arith.constant 92160 : i32
    %add3A_170 = arith.addi %add3A_169, %add3A : i32
    %dma_start3A_171 = arith.constant 2880 : i32
    %dma_start3A_172 = tpu.memref_slice %arg10[%dma_start3A_171] : memref<5120xf32, #tpu.memory_space<vmem>> -> memref<320xf32, #tpu.memory_space<vmem>>
    %dma_start3A_173 = tpu.memref_slice %arg13[%add3A_170] : memref<163840xf32, #tpu.memory_space<vmem_shared>> -> memref<320xf32, #tpu.memory_space<vmem_shared>>
    %dma_start3A_174 = arith.constant 2880 : i32
    %dma_start3A_175 = tpu.memref_slice %arg10[%dma_start3A_174] : memref<5120xf32, #tpu.memory_space<vmem>> -> memref<320xf32, #tpu.memory_space<vmem>>
    %dma_start3A_176 = tpu.memref_slice %arg13[%add3A_170] : memref<163840xf32, #tpu.memory_space<vmem_shared>> -> memref<320xf32, #tpu.memory_space<vmem_shared>>
    tpu.enqueue_dma source(%dma_start3A_176 : memref<320xf32, #tpu.memory_space<vmem_shared>>) target(%dma_start3A_175 : memref<320xf32, #tpu.memory_space<vmem>>) target_semaphore(%arg14 : memref<!tpu.dma_semaphore, #tpu.memory_space<semaphore_mem>>)
    %add3A_177 = arith.constant 102400 : i32
    %add3A_178 = arith.addi %add3A_177, %add3A : i32
    %dma_start3A_179 = arith.constant 3200 : i32
    %dma_start3A_180 = tpu.memref_slice %arg10[%dma_start3A_179] : memref<5120xf32, #tpu.memory_space<vmem>> -> memref<320xf32, #tpu.memory_space<vmem>>
    %dma_start3A_181 = tpu.memref_slice %arg13[%add3A_178] : memref<163840xf32, #tpu.memory_space<vmem_shared>> -> memref<320xf32, #tpu.memory_space<vmem_shared>>
    %dma_start3A_182 = arith.constant 3200 : i32
    %dma_start3A_183 = tpu.memref_slice %arg10[%dma_start3A_182] : memref<5120xf32, #tpu.memory_space<vmem>> -> memref<320xf32, #tpu.memory_space<vmem>>
    %dma_start3A_184 = tpu.memref_slice %arg13[%add3A_178] : memref<163840xf32, #tpu.memory_space<vmem_shared>> -> memref<320xf32, #tpu.memory_space<vmem_shared>>
    tpu.enqueue_dma source(%dma_start3A_184 : memref<320xf32, #tpu.memory_space<vmem_shared>>) target(%dma_start3A_183 : memref<320xf32, #tpu.memory_space<vmem>>) target_semaphore(%arg14 : memref<!tpu.dma_semaphore, #tpu.memory_space<semaphore_mem>>)
    %add3A_185 = arith.constant 112640 : i32
    %add3A_186 = arith.addi %add3A_185, %add3A : i32
    %dma_start3A_187 = arith.constant 3520 : i32
    %dma_start3A_188 = tpu.memref_slice %arg10[%dma_start3A_187] : memref<5120xf32, #tpu.memory_space<vmem>> -> memref<320xf32, #tpu.memory_space<vmem>>
    %dma_start3A_189 = tpu.memref_slice %arg13[%add3A_186] : memref<163840xf32, #tpu.memory_space<vmem_shared>> -> memref<320xf32, #tpu.memory_space<vmem_shared>>
    %dma_start3A_190 = arith.constant 3520 : i32
    %dma_start3A_191 = tpu.memref_slice %arg10[%dma_start3A_190] : memref<5120xf32, #tpu.memory_space<vmem>> -> memref<320xf32, #tpu.memory_space<vmem>>
    %dma_start3A_192 = tpu.memref_slice %arg13[%add3A_186] : memref<163840xf32, #tpu.memory_space<vmem_shared>> -> memref<320xf32, #tpu.memory_space<vmem_shared>>
    tpu.enqueue_dma source(%dma_start3A_192 : memref<320xf32, #tpu.memory_space<vmem_shared>>) target(%dma_start3A_191 : memref<320xf32, #tpu.memory_space<vmem>>) target_semaphore(%arg14 : memref<!tpu.dma_semaphore, #tpu.memory_space<semaphore_mem>>)
    %add3A_193 = arith.constant 122880 : i32
    %add3A_194 = arith.addi %add3A_193, %add3A : i32
    %dma_start3A_195 = arith.constant 3840 : i32
    %dma_start3A_196 = tpu.memref_slice %arg10[%dma_start3A_195] : memref<5120xf32, #tpu.memory_space<vmem>> -> memref<320xf32, #tpu.memory_space<vmem>>
    %dma_start3A_197 = tpu.memref_slice %arg13[%add3A_194] : memref<163840xf32, #tpu.memory_space<vmem_shared>> -> memref<320xf32, #tpu.memory_space<vmem_shared>>
    %dma_start3A_198 = arith.constant 3840 : i32
    %dma_start3A_199 = tpu.memref_slice %arg10[%dma_start3A_198] : memref<5120xf32, #tpu.memory_space<vmem>> -> memref<320xf32, #tpu.memory_space<vmem>>
    %dma_start3A_200 = tpu.memref_slice %arg13[%add3A_194] : memref<163840xf32, #tpu.memory_space<vmem_shared>> -> memref<320xf32, #tpu.memory_space<vmem_shared>>
    tpu.enqueue_dma source(%dma_start3A_200 : memref<320xf32, #tpu.memory_space<vmem_shared>>) target(%dma_start3A_199 : memref<320xf32, #tpu.memory_space<vmem>>) target_semaphore(%arg14 : memref<!tpu.dma_semaphore, #tpu.memory_space<semaphore_mem>>)
    %add3A_201 = arith.constant 133120 : i32
    %add3A_202 = arith.addi %add3A_201, %add3A : i32
    %dma_start3A_203 = arith.constant 4160 : i32
    %dma_start3A_204 = tpu.memref_slice %arg10[%dma_start3A_203] : memref<5120xf32, #tpu.memory_space<vmem>> -> memref<320xf32, #tpu.memory_space<vmem>>
    %dma_start3A_205 = tpu.memref_slice %arg13[%add3A_202] : memref<163840xf32, #tpu.memory_space<vmem_shared>> -> memref<320xf32, #tpu.memory_space<vmem_shared>>
    %dma_start3A_206 = arith.constant 4160 : i32
    %dma_start3A_207 = tpu.memref_slice %arg10[%dma_start3A_206] : memref<5120xf32, #tpu.memory_space<vmem>> -> memref<320xf32, #tpu.memory_space<vmem>>
    %dma_start3A_208 = tpu.memref_slice %arg13[%add3A_202] : memref<163840xf32, #tpu.memory_space<vmem_shared>> -> memref<320xf32, #tpu.memory_space<vmem_shared>>
    tpu.enqueue_dma source(%dma_start3A_208 : memref<320xf32, #tpu.memory_space<vmem_shared>>) target(%dma_start3A_207 : memref<320xf32, #tpu.memory_space<vmem>>) target_semaphore(%arg14 : memref<!tpu.dma_semaphore, #tpu.memory_space<semaphore_mem>>)
    %add3A_209 = arith.constant 143360 : i32
    %add3A_210 = arith.addi %add3A_209, %add3A : i32
    %dma_start3A_211 = arith.constant 4480 : i32
    %dma_start3A_212 = tpu.memref_slice %arg10[%dma_start3A_211] : memref<5120xf32, #tpu.memory_space<vmem>> -> memref<320xf32, #tpu.memory_space<vmem>>
    %dma_start3A_213 = tpu.memref_slice %arg13[%add3A_210] : memref<163840xf32, #tpu.memory_space<vmem_shared>> -> memref<320xf32, #tpu.memory_space<vmem_shared>>
    %dma_start3A_214 = arith.constant 4480 : i32
    %dma_start3A_215 = tpu.memref_slice %arg10[%dma_start3A_214] : memref<5120xf32, #tpu.memory_space<vmem>> -> memref<320xf32, #tpu.memory_space<vmem>>
    %dma_start3A_216 = tpu.memref_slice %arg13[%add3A_210] : memref<163840xf32, #tpu.memory_space<vmem_shared>> -> memref<320xf32, #tpu.memory_space<vmem_shared>>
    tpu.enqueue_dma source(%dma_start3A_216 : memref<320xf32, #tpu.memory_space<vmem_shared>>) target(%dma_start3A_215 : memref<320xf32, #tpu.memory_space<vmem>>) target_semaphore(%arg14 : memref<!tpu.dma_semaphore, #tpu.memory_space<semaphore_mem>>)
    %add3A_217 = arith.constant 153600 : i32
    %add3A_218 = arith.addi %add3A_217, %add3A : i32
    %dma_start3A_219 = arith.constant 4800 : i32
    %dma_start3A_220 = tpu.memref_slice %arg10[%dma_start3A_219] : memref<5120xf32, #tpu.memory_space<vmem>> -> memref<320xf32, #tpu.memory_space<vmem>>
    %dma_start3A_221 = tpu.memref_slice %arg13[%add3A_218] : memref<163840xf32, #tpu.memory_space<vmem_shared>> -> memref<320xf32, #tpu.memory_space<vmem_shared>>
    %dma_start3A_222 = arith.constant 4800 : i32
    %dma_start3A_223 = tpu.memref_slice %arg10[%dma_start3A_222] : memref<5120xf32, #tpu.memory_space<vmem>> -> memref<320xf32, #tpu.memory_space<vmem>>
    %dma_start3A_224 = tpu.memref_slice %arg13[%add3A_218] : memref<163840xf32, #tpu.memory_space<vmem_shared>> -> memref<320xf32, #tpu.memory_space<vmem_shared>>
    tpu.enqueue_dma source(%dma_start3A_224 : memref<320xf32, #tpu.memory_space<vmem_shared>>) target(%dma_start3A_223 : memref<320xf32, #tpu.memory_space<vmem>>) target_semaphore(%arg14 : memref<!tpu.dma_semaphore, #tpu.memory_space<semaphore_mem>>)
    %dma_wait3A_225 = arith.constant 2560 : i32
    %dma_wait3A_226 = tpu.memref_slice %arg10[%dma_wait3A_225] : memref<5120xf32, #tpu.memory_space<vmem>> -> memref<320xf32, #tpu.memory_space<vmem>>
    %dma_wait3A_227 = tpu.memref_slice %arg13[%add3A_162] : memref<163840xf32, #tpu.memory_space<vmem_shared>> -> memref<320xf32, #tpu.memory_space<vmem_shared>>
    %dma_wait3A_228 = arith.constant 2560 : i32
    %dma_wait3A_229 = tpu.memref_slice %arg10[%dma_wait3A_228] : memref<5120xf32, #tpu.memory_space<vmem>> -> memref<320xf32, #tpu.memory_space<vmem>>
    %dma_wait3A_230 = tpu.memref_slice %arg13[%add3A_162] : memref<163840xf32, #tpu.memory_space<vmem_shared>> -> memref<320xf32, #tpu.memory_space<vmem_shared>>
    tpu.wait_dma2 semaphore(%arg14 : memref<!tpu.dma_semaphore, #tpu.memory_space<semaphore_mem>>) src(%dma_wait3A_230 : memref<320xf32, #tpu.memory_space<vmem_shared>>) dst(%dma_wait3A_229 : memref<320xf32, #tpu.memory_space<vmem>>)
    %dma_wait3A_231 = arith.constant 2880 : i32
    %dma_wait3A_232 = tpu.memref_slice %arg10[%dma_wait3A_231] : memref<5120xf32, #tpu.memory_space<vmem>> -> memref<320xf32, #tpu.memory_space<vmem>>
    %dma_wait3A_233 = tpu.memref_slice %arg13[%add3A_170] : memref<163840xf32, #tpu.memory_space<vmem_shared>> -> memref<320xf32, #tpu.memory_space<vmem_shared>>
    %dma_wait3A_234 = arith.constant 2880 : i32
    %dma_wait3A_235 = tpu.memref_slice %arg10[%dma_wait3A_234] : memref<5120xf32, #tpu.memory_space<vmem>> -> memref<320xf32, #tpu.memory_space<vmem>>
    %dma_wait3A_236 = tpu.memref_slice %arg13[%add3A_170] : memref<163840xf32, #tpu.memory_space<vmem_shared>> -> memref<320xf32, #tpu.memory_space<vmem_shared>>
    tpu.wait_dma2 semaphore(%arg14 : memref<!tpu.dma_semaphore, #tpu.memory_space<semaphore_mem>>) src(%dma_wait3A_236 : memref<320xf32, #tpu.memory_space<vmem_shared>>) dst(%dma_wait3A_235 : memref<320xf32, #tpu.memory_space<vmem>>)
    %dma_wait3A_237 = arith.constant 3200 : i32
    %dma_wait3A_238 = tpu.memref_slice %arg10[%dma_wait3A_237] : memref<5120xf32, #tpu.memory_space<vmem>> -> memref<320xf32, #tpu.memory_space<vmem>>
    %dma_wait3A_239 = tpu.memref_slice %arg13[%add3A_178] : memref<163840xf32, #tpu.memory_space<vmem_shared>> -> memref<320xf32, #tpu.memory_space<vmem_shared>>
    %dma_wait3A_240 = arith.constant 3200 : i32
    %dma_wait3A_241 = tpu.memref_slice %arg10[%dma_wait3A_240] : memref<5120xf32, #tpu.memory_space<vmem>> -> memref<320xf32, #tpu.memory_space<vmem>>
    %dma_wait3A_242 = tpu.memref_slice %arg13[%add3A_178] : memref<163840xf32, #tpu.memory_space<vmem_shared>> -> memref<320xf32, #tpu.memory_space<vmem_shared>>
    tpu.wait_dma2 semaphore(%arg14 : memref<!tpu.dma_semaphore, #tpu.memory_space<semaphore_mem>>) src(%dma_wait3A_242 : memref<320xf32, #tpu.memory_space<vmem_shared>>) dst(%dma_wait3A_241 : memref<320xf32, #tpu.memory_space<vmem>>)
    %dma_wait3A_243 = arith.constant 3520 : i32
    %dma_wait3A_244 = tpu.memref_slice %arg10[%dma_wait3A_243] : memref<5120xf32, #tpu.memory_space<vmem>> -> memref<320xf32, #tpu.memory_space<vmem>>
    %dma_wait3A_245 = tpu.memref_slice %arg13[%add3A_186] : memref<163840xf32, #tpu.memory_space<vmem_shared>> -> memref<320xf32, #tpu.memory_space<vmem_shared>>
    %dma_wait3A_246 = arith.constant 3520 : i32
    %dma_wait3A_247 = tpu.memref_slice %arg10[%dma_wait3A_246] : memref<5120xf32, #tpu.memory_space<vmem>> -> memref<320xf32, #tpu.memory_space<vmem>>
    %dma_wait3A_248 = tpu.memref_slice %arg13[%add3A_186] : memref<163840xf32, #tpu.memory_space<vmem_shared>> -> memref<320xf32, #tpu.memory_space<vmem_shared>>
    tpu.wait_dma2 semaphore(%arg14 : memref<!tpu.dma_semaphore, #tpu.memory_space<semaphore_mem>>) src(%dma_wait3A_248 : memref<320xf32, #tpu.memory_space<vmem_shared>>) dst(%dma_wait3A_247 : memref<320xf32, #tpu.memory_space<vmem>>)
    %dma_wait3A_249 = arith.constant 3840 : i32
    %dma_wait3A_250 = tpu.memref_slice %arg10[%dma_wait3A_249] : memref<5120xf32, #tpu.memory_space<vmem>> -> memref<320xf32, #tpu.memory_space<vmem>>
    %dma_wait3A_251 = tpu.memref_slice %arg13[%add3A_194] : memref<163840xf32, #tpu.memory_space<vmem_shared>> -> memref<320xf32, #tpu.memory_space<vmem_shared>>
    %dma_wait3A_252 = arith.constant 3840 : i32
    %dma_wait3A_253 = tpu.memref_slice %arg10[%dma_wait3A_252] : memref<5120xf32, #tpu.memory_space<vmem>> -> memref<320xf32, #tpu.memory_space<vmem>>
    %dma_wait3A_254 = tpu.memref_slice %arg13[%add3A_194] : memref<163840xf32, #tpu.memory_space<vmem_shared>> -> memref<320xf32, #tpu.memory_space<vmem_shared>>
    tpu.wait_dma2 semaphore(%arg14 : memref<!tpu.dma_semaphore, #tpu.memory_space<semaphore_mem>>) src(%dma_wait3A_254 : memref<320xf32, #tpu.memory_space<vmem_shared>>) dst(%dma_wait3A_253 : memref<320xf32, #tpu.memory_space<vmem>>)
    %dma_wait3A_255 = arith.constant 4160 : i32
    %dma_wait3A_256 = tpu.memref_slice %arg10[%dma_wait3A_255] : memref<5120xf32, #tpu.memory_space<vmem>> -> memref<320xf32, #tpu.memory_space<vmem>>
    %dma_wait3A_257 = tpu.memref_slice %arg13[%add3A_202] : memref<163840xf32, #tpu.memory_space<vmem_shared>> -> memref<320xf32, #tpu.memory_space<vmem_shared>>
    %dma_wait3A_258 = arith.constant 4160 : i32
    %dma_wait3A_259 = tpu.memref_slice %arg10[%dma_wait3A_258] : memref<5120xf32, #tpu.memory_space<vmem>> -> memref<320xf32, #tpu.memory_space<vmem>>
    %dma_wait3A_260 = tpu.memref_slice %arg13[%add3A_202] : memref<163840xf32, #tpu.memory_space<vmem_shared>> -> memref<320xf32, #tpu.memory_space<vmem_shared>>
    tpu.wait_dma2 semaphore(%arg14 : memref<!tpu.dma_semaphore, #tpu.memory_space<semaphore_mem>>) src(%dma_wait3A_260 : memref<320xf32, #tpu.memory_space<vmem_shared>>) dst(%dma_wait3A_259 : memref<320xf32, #tpu.memory_space<vmem>>)
    %dma_wait3A_261 = arith.constant 4480 : i32
    %dma_wait3A_262 = tpu.memref_slice %arg10[%dma_wait3A_261] : memref<5120xf32, #tpu.memory_space<vmem>> -> memref<320xf32, #tpu.memory_space<vmem>>
    %dma_wait3A_263 = tpu.memref_slice %arg13[%add3A_210] : memref<163840xf32, #tpu.memory_space<vmem_shared>> -> memref<320xf32, #tpu.memory_space<vmem_shared>>
    %dma_wait3A_264 = arith.constant 4480 : i32
    %dma_wait3A_265 = tpu.memref_slice %arg10[%dma_wait3A_264] : memref<5120xf32, #tpu.memory_space<vmem>> -> memref<320xf32, #tpu.memory_space<vmem>>
    %dma_wait3A_266 = tpu.memref_slice %arg13[%add3A_210] : memref<163840xf32, #tpu.memory_space<vmem_shared>> -> memref<320xf32, #tpu.memory_space<vmem_shared>>
    tpu.wait_dma2 semaphore(%arg14 : memref<!tpu.dma_semaphore, #tpu.memory_space<semaphore_mem>>) src(%dma_wait3A_266 : memref<320xf32, #tpu.memory_space<vmem_shared>>) dst(%dma_wait3A_265 : memref<320xf32, #tpu.memory_space<vmem>>)
    %dma_wait3A_267 = arith.constant 4800 : i32
    %dma_wait3A_268 = tpu.memref_slice %arg10[%dma_wait3A_267] : memref<5120xf32, #tpu.memory_space<vmem>> -> memref<320xf32, #tpu.memory_space<vmem>>
    %dma_wait3A_269 = tpu.memref_slice %arg13[%add3A_218] : memref<163840xf32, #tpu.memory_space<vmem_shared>> -> memref<320xf32, #tpu.memory_space<vmem_shared>>
    %dma_wait3A_270 = arith.constant 4800 : i32
    %dma_wait3A_271 = tpu.memref_slice %arg10[%dma_wait3A_270] : memref<5120xf32, #tpu.memory_space<vmem>> -> memref<320xf32, #tpu.memory_space<vmem>>
    %dma_wait3A_272 = tpu.memref_slice %arg13[%add3A_218] : memref<163840xf32, #tpu.memory_space<vmem_shared>> -> memref<320xf32, #tpu.memory_space<vmem_shared>>
    tpu.wait_dma2 semaphore(%arg14 : memref<!tpu.dma_semaphore, #tpu.memory_space<semaphore_mem>>) src(%dma_wait3A_272 : memref<320xf32, #tpu.memory_space<vmem_shared>>) dst(%dma_wait3A_271 : memref<320xf32, #tpu.memory_space<vmem>>)
    %scan3A_273 = arith.constant 0 : i32
    %scan3A_274 = arith.constant 20 : i32
    %scan3A_275 = arith.addi %scan3A_273, %scan3A_274 : i32
    %scan3A_276 = arith.constant 4 : i32
    scf.for %scan3A_278 = %scan3A_273 to %scan3A_275 step %scan3A_276  : i32 {
      %mul3A_279 = arith.constant 16 : i32
      %mul3A_280 = arith.muli %scan3A_278, %mul3A_279 : i32
      %get3A_281 = arith.index_cast %mul3A_280 : i32 to index
      %get3A_282 = tpu.vector_load %arg10[%get3A_281] {strides = array<i32>} : memref<5120xf32, #tpu.memory_space<vmem>>, vector<16xf32>,
      %mul3A_283 = arith.constant 16 : i32
      %mul3A_284 = arith.muli %scan3A_278, %mul3A_283 : i32
      %add3A_285 = arith.constant 320 : i32
      %add3A_286 = arith.addi %add3A_285, %mul3A_284 : i32
      %get3A_287 = arith.index_cast %add3A_286 : i32 to index
      %get3A_288 = tpu.vector_load %arg10[%get3A_287] {strides = array<i32>} : memref<5120xf32, #tpu.memory_space<vmem>>, vector<16xf32>,
      %add3A_289 = arith.addf %get3A_282, %get3A_288 : vector<16xf32>
      %mul3A_290 = arith.constant 16 : i32
      %mul3A_291 = arith.muli %scan3A_278, %mul3A_290 : i32
      %add3A_292 = arith.constant 640 : i32
      %add3A_293 = arith.addi %add3A_292, %mul3A_291 : i32
      %get3A_294 = arith.index_cast %add3A_293 : i32 to index
      %get3A_295 = tpu.vector_load %arg10[%get3A_294] {strides = array<i32>} : memref<5120xf32, #tpu.memory_space<vmem>>, vector<16xf32>,
      %add3A_296 = arith.addf %add3A_289, %get3A_295 : vector<16xf32>
      %mul3A_297 = arith.constant 16 : i32
      %mul3A_298 = arith.muli %scan3A_278, %mul3A_297 : i32
      %add3A_299 = arith.constant 960 : i32
      %add3A_300 = arith.addi %add3A_299, %mul3A_298 : i32
      %get3A_301 = arith.index_cast %add3A_300 : i32 to index
      %get3A_302 = tpu.vector_load %arg10[%get3A_301] {strides = array<i32>} : memref<5120xf32, #tpu.memory_space<vmem>>, vector<16xf32>,
      %add3A_303 = arith.addf %add3A_296, %get3A_302 : vector<16xf32>
      %mul3A_304 = arith.constant 16 : i32
      %mul3A_305 = arith.muli %scan3A_278, %mul3A_304 : i32
      %add3A_306 = arith.constant 1280 : i32
      %add3A_307 = arith.addi %add3A_306, %mul3A_305 : i32
      %get3A_308 = arith.index_cast %add3A_307 : i32 to index
      %get3A_309 = tpu.vector_load %arg10[%get3A_308] {strides = array<i32>} : memref<5120xf32, #tpu.memory_space<vmem>>, vector<16xf32>,
      %add3A_310 = arith.addf %add3A_303, %get3A_309 : vector<16xf32>
      %mul3A_311 = arith.constant 16 : i32
      %mul3A_312 = arith.muli %scan3A_278, %mul3A_311 : i32
      %add3A_313 = arith.constant 1600 : i32
      %add3A_314 = arith.addi %add3A_313, %mul3A_312 : i32
      %get3A_315 = arith.index_cast %add3A_314 : i32 to index
      %get3A_316 = tpu.vector_load %arg10[%get3A_315] {strides = array<i32>} : memref<5120xf32, #tpu.memory_space<vmem>>, vector<16xf32>,
      %add3A_317 = arith.addf %add3A_310, %get3A_316 : vector<16xf32>
      %mul3A_318 = arith.constant 16 : i32
      %mul3A_319 = arith.muli %scan3A_278, %mul3A_318 : i32
      %add3A_320 = arith.constant 1920 : i32
      %add3A_321 = arith.addi %add3A_320, %mul3A_319 : i32
      %get3A_322 = arith.index_cast %add3A_321 : i32 to index
      %get3A_323 = tpu.vector_load %arg10[%get3A_322] {strides = array<i32>} : memref<5120xf32, #tpu.memory_space<vmem>>, vector<16xf32>,
      %add3A_324 = arith.addf %add3A_317, %get3A_323 : vector<16xf32>
      %mul3A_325 = arith.constant 16 : i32
      %mul3A_326 = arith.muli %scan3A_278, %mul3A_325 : i32
      %add3A_327 = arith.constant 2240 : i32
      %add3A_328 = arith.addi %add3A_327, %mul3A_326 : i32
      %get3A_329 = arith.index_cast %add3A_328 : i32 to index
      %get3A_330 = tpu.vector_load %arg10[%get3A_329] {strides = array<i32>} : memref<5120xf32, #tpu.memory_space<vmem>>, vector<16xf32>,
      %add3A_331 = arith.addf %add3A_324, %get3A_330 : vector<16xf32>
      %mul3A_332 = arith.constant 16 : i32
      %mul3A_333 = arith.muli %scan3A_278, %mul3A_332 : i32
      %add3A_334 = arith.constant 2560 : i32
      %add3A_335 = arith.addi %add3A_334, %mul3A_333 : i32
      %get3A_336 = arith.index_cast %add3A_335 : i32 to index
      %get3A_337 = tpu.vector_load %arg10[%get3A_336] {strides = array<i32>} : memref<5120xf32, #tpu.memory_space<vmem>>, vector<16xf32>,
      %add3A_338 = arith.addf %add3A_331, %get3A_337 : vector<16xf32>
      %mul3A_339 = arith.constant 16 : i32
      %mul3A_340 = arith.muli %scan3A_278, %mul3A_339 : i32
      %add3A_341 = arith.constant 2880 : i32
      %add3A_342 = arith.addi %add3A_341, %mul3A_340 : i32
      %get3A_343 = arith.index_cast %add3A_342 : i32 to index
      %get3A_344 = tpu.vector_load %arg10[%get3A_343] {strides = array<i32>} : memref<5120xf32, #tpu.memory_space<vmem>>, vector<16xf32>,
      %add3A_345 = arith.addf %add3A_338, %get3A_344 : vector<16xf32>
      %mul3A_346 = arith.constant 16 : i32
      %mul3A_347 = arith.muli %scan3A_278, %mul3A_346 : i32
      %add3A_348 = arith.constant 3200 : i32
      %add3A_349 = arith.addi %add3A_348, %mul3A_347 : i32
      %get3A_350 = arith.index_cast %add3A_349 : i32 to index
      %get3A_351 = tpu.vector_load %arg10[%get3A_350] {strides = array<i32>} : memref<5120xf32, #tpu.memory_space<vmem>>, vector<16xf32>,
      %add3A_352 = arith.addf %add3A_345, %get3A_351 : vector<16xf32>
      %mul3A_353 = arith.constant 16 : i32
      %mul3A_354 = arith.muli %scan3A_278, %mul3A_353 : i32
      %add3A_355 = arith.constant 3520 : i32
      %add3A_356 = arith.addi %add3A_355, %mul3A_354 : i32
      %get3A_357 = arith.index_cast %add3A_356 : i32 to index
      %get3A_358 = tpu.vector_load %arg10[%get3A_357] {strides = array<i32>} : memref<5120xf32, #tpu.memory_space<vmem>>, vector<16xf32>,
      %add3A_359 = arith.addf %add3A_352, %get3A_358 : vector<16xf32>
      %mul3A_360 = arith.constant 16 : i32
      %mul3A_361 = arith.muli %scan3A_278, %mul3A_360 : i32
      %add3A_362 = arith.constant 3840 : i32
      %add3A_363 = arith.addi %add3A_362, %mul3A_361 : i32
      %get3A_364 = arith.index_cast %add3A_363 : i32 to index
      %get3A_365 = tpu.vector_load %arg10[%get3A_364] {strides = array<i32>} : memref<5120xf32, #tpu.memory_space<vmem>>, vector<16xf32>,
      %add3A_366 = arith.addf %add3A_359, %get3A_365 : vector<16xf32>
      %mul3A_367 = arith.constant 16 : i32
      %mul3A_368 = arith.muli %scan3A_278, %mul3A_367 : i32
      %add3A_369 = arith.constant 4160 : i32
      %add3A_370 = arith.addi %add3A_369, %mul3A_368 : i32
      %get3A_371 = arith.index_cast %add3A_370 : i32 to index
      %get3A_372 = tpu.vector_load %arg10[%get3A_371] {strides = array<i32>} : memref<5120xf32, #tpu.memory_space<vmem>>, vector<16xf32>,
      %add3A_373 = arith.addf %add3A_366, %get3A_372 : vector<16xf32>
      %mul3A_374 = arith.constant 16 : i32
      %mul3A_375 = arith.muli %scan3A_278, %mul3A_374 : i32
      %add3A_376 = arith.constant 4480 : i32
      %add3A_377 = arith.addi %add3A_376, %mul3A_375 : i32
      %get3A_378 = arith.index_cast %add3A_377 : i32 to index
      %get3A_379 = tpu.vector_load %arg10[%get3A_378] {strides = array<i32>} : memref<5120xf32, #tpu.memory_space<vmem>>, vector<16xf32>,
      %add3A_380 = arith.addf %add3A_373, %get3A_379 : vector<16xf32>
      %mul3A_381 = arith.constant 16 : i32
      %mul3A_382 = arith.muli %scan3A_278, %mul3A_381 : i32
      %add3A_383 = arith.constant 4800 : i32
      %add3A_384 = arith.addi %add3A_383, %mul3A_382 : i32
      %get3A_385 = arith.index_cast %add3A_384 : i32 to index
      %get3A_386 = tpu.vector_load %arg10[%get3A_385] {strides = array<i32>} : memref<5120xf32, #tpu.memory_space<vmem>>, vector<16xf32>,
      %add3A_387 = arith.addf %add3A_380, %get3A_386 : vector<16xf32>
      %mul3A_388 = arith.constant 16 : i32
      %mul3A_389 = arith.muli %scan3A_278, %mul3A_388 : i32
      %get3A_390 = arith.index_cast %mul3A_389 : i32 to index
      %get3A_391 = tpu.vector_load %arg11[%get3A_390] {strides = array<i32>} : memref<320xf32, #tpu.memory_space<vmem>>, vector<16xf32>,
      %mul3A_392 = arith.mulf %add3A_387, %get3A_391 : vector<16xf32>
      %mul3A_393 = arith.constant 16 : i32
      %mul3A_394 = arith.muli %scan3A_278, %mul3A_393 : i32
      %get3A_395 = arith.index_cast %mul3A_394 : i32 to index
      %get3A_396 = tpu.vector_load %arg12[%get3A_395] {strides = array<i32>} : memref<320xf32, #tpu.memory_space<vmem>>, vector<16xf32>,
      %add3A_397 = arith.addf %mul3A_392, %get3A_396 : vector<16xf32>
      %mul3A_398 = arith.constant 16 : i32
      %mul3A_399 = arith.muli %scan3A_278, %mul3A_398 : i32
      %swap3A = arith.index_cast %mul3A_399 : i32 to index
      %swap3A_400 = tpu.vector_load %arg9[%swap3A] {strides = array<i32>} : memref<10240xf32, #tpu.memory_space<vmem>>, vector<16xf32>,
      tpu.vector_store %arg9[%swap3A], %add3A_397 {strides = array<i32>} : memref<10240xf32, #tpu.memory_space<vmem>>, vector<16xf32>,
      %scan3A_401 = arith.constant 1 : i32
      %scan3A_402 = arith.addi %scan3A_278, %scan3A_401 : i32
      %mul3A_403 = arith.constant 16 : i32
      %mul3A_404 = arith.muli %scan3A_402, %mul3A_403 : i32
      %get3A_405 = arith.index_cast %mul3A_404 : i32 to index
      %get3A_406 = tpu.vector_load %arg10[%get3A_405] {strides = array<i32>} : memref<5120xf32, #tpu.memory_space<vmem>>, vector<16xf32>,
      %mul3A_407 = arith.constant 16 : i32
      %mul3A_408 = arith.muli %scan3A_402, %mul3A_407 : i32
      %add3A_409 = arith.constant 320 : i32
      %add3A_410 = arith.addi %add3A_409, %mul3A_408 : i32
      %get3A_411 = arith.index_cast %add3A_410 : i32 to index
      %get3A_412 = tpu.vector_load %arg10[%get3A_411] {strides = array<i32>} : memref<5120xf32, #tpu.memory_space<vmem>>, vector<16xf32>,
      %add3A_413 = arith.addf %get3A_406, %get3A_412 : vector<16xf32>
      %mul3A_414 = arith.constant 16 : i32
      %mul3A_415 = arith.muli %scan3A_402, %mul3A_414 : i32
      %add3A_416 = arith.constant 640 : i32
      %add3A_417 = arith.addi %add3A_416, %mul3A_415 : i32
      %get3A_418 = arith.index_cast %add3A_417 : i32 to index
      %get3A_419 = tpu.vector_load %arg10[%get3A_418] {strides = array<i32>} : memref<5120xf32, #tpu.memory_space<vmem>>, vector<16xf32>,
      %add3A_420 = arith.addf %add3A_413, %get3A_419 : vector<16xf32>
      %mul3A_421 = arith.constant 16 : i32
      %mul3A_422 = arith.muli %scan3A_402, %mul3A_421 : i32
      %add3A_423 = arith.constant 960 : i32
      %add3A_424 = arith.addi %add3A_423, %mul3A_422 : i32
      %get3A_425 = arith.index_cast %add3A_424 : i32 to index
      %get3A_426 = tpu.vector_load %arg10[%get3A_425] {strides = array<i32>} : memref<5120xf32, #tpu.memory_space<vmem>>, vector<16xf32>,
      %add3A_427 = arith.addf %add3A_420, %get3A_426 : vector<16xf32>
      %mul3A_428 = arith.constant 16 : i32
      %mul3A_429 = arith.muli %scan3A_402, %mul3A_428 : i32
      %add3A_430 = arith.constant 1280 : i32
      %add3A_431 = arith.addi %add3A_430, %mul3A_429 : i32
      %get3A_432 = arith.index_cast %add3A_431 : i32 to index
      %get3A_433 = tpu.vector_load %arg10[%get3A_432] {strides = array<i32>} : memref<5120xf32, #tpu.memory_space<vmem>>, vector<16xf32>,
      %add3A_434 = arith.addf %add3A_427, %get3A_433 : vector<16xf32>
      %mul3A_435 = arith.constant 16 : i32
      %mul3A_436 = arith.muli %scan3A_402, %mul3A_435 : i32
      %add3A_437 = arith.constant 1600 : i32
      %add3A_438 = arith.addi %add3A_437, %mul3A_436 : i32
      %get3A_439 = arith.index_cast %add3A_438 : i32 to index
      %get3A_440 = tpu.vector_load %arg10[%get3A_439] {strides = array<i32>} : memref<5120xf32, #tpu.memory_space<vmem>>, vector<16xf32>,
      %add3A_441 = arith.addf %add3A_434, %get3A_440 : vector<16xf32>
      %mul3A_442 = arith.constant 16 : i32
      %mul3A_443 = arith.muli %scan3A_402, %mul3A_442 : i32
      %add3A_444 = arith.constant 1920 : i32
      %add3A_445 = arith.addi %add3A_444, %mul3A_443 : i32
      %get3A_446 = arith.index_cast %add3A_445 : i32 to index
      %get3A_447 = tpu.vector_load %arg10[%get3A_446] {strides = array<i32>} : memref<5120xf32, #tpu.memory_space<vmem>>, vector<16xf32>,
      %add3A_448 = arith.addf %add3A_441, %get3A_447 : vector<16xf32>
      %mul3A_449 = arith.constant 16 : i32
      %mul3A_450 = arith.muli %scan3A_402, %mul3A_449 : i32
      %add3A_451 = arith.constant 2240 : i32
      %add3A_452 = arith.addi %add3A_451, %mul3A_450 : i32
      %get3A_453 = arith.index_cast %add3A_452 : i32 to index
      %get3A_454 = tpu.vector_load %arg10[%get3A_453] {strides = array<i32>} : memref<5120xf32, #tpu.memory_space<vmem>>, vector<16xf32>,
      %add3A_455 = arith.addf %add3A_448, %get3A_454 : vector<16xf32>
      %mul3A_456 = arith.constant 16 : i32
      %mul3A_457 = arith.muli %scan3A_402, %mul3A_456 : i32
      %add3A_458 = arith.constant 2560 : i32
      %add3A_459 = arith.addi %add3A_458, %mul3A_457 : i32
      %get3A_460 = arith.index_cast %add3A_459 : i32 to index
      %get3A_461 = tpu.vector_load %arg10[%get3A_460] {strides = array<i32>} : memref<5120xf32, #tpu.memory_space<vmem>>, vector<16xf32>,
      %add3A_462 = arith.addf %add3A_455, %get3A_461 : vector<16xf32>
      %mul3A_463 = arith.constant 16 : i32
      %mul3A_464 = arith.muli %scan3A_402, %mul3A_463 : i32
      %add3A_465 = arith.constant 2880 : i32
      %add3A_466 = arith.addi %add3A_465, %mul3A_464 : i32
      %get3A_467 = arith.index_cast %add3A_466 : i32 to index
      %get3A_468 = tpu.vector_load %arg10[%get3A_467] {strides = array<i32>} : memref<5120xf32, #tpu.memory_space<vmem>>, vector<16xf32>,
      %add3A_469 = arith.addf %add3A_462, %get3A_468 : vector<16xf32>
      %mul3A_470 = arith.constant 16 : i32
      %mul3A_471 = arith.muli %scan3A_402, %mul3A_470 : i32
      %add3A_472 = arith.constant 3200 : i32
      %add3A_473 = arith.addi %add3A_472, %mul3A_471 : i32
      %get3A_474 = arith.index_cast %add3A_473 : i32 to index
      %get3A_475 = tpu.vector_load %arg10[%get3A_474] {strides = array<i32>} : memref<5120xf32, #tpu.memory_space<vmem>>, vector<16xf32>,
      %add3A_476 = arith.addf %add3A_469, %get3A_475 : vector<16xf32>
      %mul3A_477 = arith.constant 16 : i32
      %mul3A_478 = arith.muli %scan3A_402, %mul3A_477 : i32
      %add3A_479 = arith.constant 3520 : i32
      %add3A_480 = arith.addi %add3A_479, %mul3A_478 : i32
      %get3A_481 = arith.index_cast %add3A_480 : i32 to index
      %get3A_482 = tpu.vector_load %arg10[%get3A_481] {strides = array<i32>} : memref<5120xf32, #tpu.memory_space<vmem>>, vector<16xf32>,
      %add3A_483 = arith.addf %add3A_476, %get3A_482 : vector<16xf32>
      %mul3A_484 = arith.constant 16 : i32
      %mul3A_485 = arith.muli %scan3A_402, %mul3A_484 : i32
      %add3A_486 = arith.constant 3840 : i32
      %add3A_487 = arith.addi %add3A_486, %mul3A_485 : i32
      %get3A_488 = arith.index_cast %add3A_487 : i32 to index
      %get3A_489 = tpu.vector_load %arg10[%get3A_488] {strides = array<i32>} : memref<5120xf32, #tpu.memory_space<vmem>>, vector<16xf32>,
      %add3A_490 = arith.addf %add3A_483, %get3A_489 : vector<16xf32>
      %mul3A_491 = arith.constant 16 : i32
      %mul3A_492 = arith.muli %scan3A_402, %mul3A_491 : i32
      %add3A_493 = arith.constant 4160 : i32
      %add3A_494 = arith.addi %add3A_493, %mul3A_492 : i32
      %get3A_495 = arith.index_cast %add3A_494 : i32 to index
      %get3A_496 = tpu.vector_load %arg10[%get3A_495] {strides = array<i32>} : memref<5120xf32, #tpu.memory_space<vmem>>, vector<16xf32>,
      %add3A_497 = arith.addf %add3A_490, %get3A_496 : vector<16xf32>
      %mul3A_498 = arith.constant 16 : i32
      %mul3A_499 = arith.muli %scan3A_402, %mul3A_498 : i32
      %add3A_500 = arith.constant 4480 : i32
      %add3A_501 = arith.addi %add3A_500, %mul3A_499 : i32
      %get3A_502 = arith.index_cast %add3A_501 : i32 to index
      %get3A_503 = tpu.vector_load %arg10[%get3A_502] {strides = array<i32>} : memref<5120xf32, #tpu.memory_space<vmem>>, vector<16xf32>,
      %add3A_504 = arith.addf %add3A_497, %get3A_503 : vector<16xf32>
      %mul3A_505 = arith.constant 16 : i32
      %mul3A_506 = arith.muli %scan3A_402, %mul3A_505 : i32
      %add3A_507 = arith.constant 4800 : i32
      %add3A_508 = arith.addi %add3A_507, %mul3A_506 : i32
      %get3A_509 = arith.index_cast %add3A_508 : i32 to index
      %get3A_510 = tpu.vector_load %arg10[%get3A_509] {strides = array<i32>} : memref<5120xf32, #tpu.memory_space<vmem>>, vector<16xf32>,
      %add3A_511 = arith.addf %add3A_504, %get3A_510 : vector<16xf32>
      %mul3A_512 = arith.constant 16 : i32
      %mul3A_513 = arith.muli %scan3A_402, %mul3A_512 : i32
      %get3A_514 = arith.index_cast %mul3A_513 : i32 to index
      %get3A_515 = tpu.vector_load %arg11[%get3A_514] {strides = array<i32>} : memref<320xf32, #tpu.memory_space<vmem>>, vector<16xf32>,
      %mul3A_516 = arith.mulf %add3A_511, %get3A_515 : vector<16xf32>
      %mul3A_517 = arith.constant 16 : i32
      %mul3A_518 = arith.muli %scan3A_402, %mul3A_517 : i32
      %get3A_519 = arith.index_cast %mul3A_518 : i32 to index
      %get3A_520 = tpu.vector_load %arg12[%get3A_519] {strides = array<i32>} : memref<320xf32, #tpu.memory_space<vmem>>, vector<16xf32>,
      %add3A_521 = arith.addf %mul3A_516, %get3A_520 : vector<16xf32>
      %mul3A_522 = arith.constant 16 : i32
      %mul3A_523 = arith.muli %scan3A_402, %mul3A_522 : i32
      %swap3A_524 = arith.index_cast %mul3A_523 : i32 to index
      %swap3A_525 = tpu.vector_load %arg9[%swap3A_524] {strides = array<i32>} : memref<10240xf32, #tpu.memory_space<vmem>>, vector<16xf32>,
      tpu.vector_store %arg9[%swap3A_524], %add3A_521 {strides = array<i32>} : memref<10240xf32, #tpu.memory_space<vmem>>, vector<16xf32>,
      %scan3A_526 = arith.constant 2 : i32
      %scan3A_527 = arith.addi %scan3A_278, %scan3A_526 : i32
      %mul3A_528 = arith.constant 16 : i32
      %mul3A_529 = arith.muli %scan3A_527, %mul3A_528 : i32
      %get3A_530 = arith.index_cast %mul3A_529 : i32 to index
      %get3A_531 = tpu.vector_load %arg10[%get3A_530] {strides = array<i32>} : memref<5120xf32, #tpu.memory_space<vmem>>, vector<16xf32>,
      %mul3A_532 = arith.constant 16 : i32
      %mul3A_533 = arith.muli %scan3A_527, %mul3A_532 : i32
      %add3A_534 = arith.constant 320 : i32
      %add3A_535 = arith.addi %add3A_534, %mul3A_533 : i32
      %get3A_536 = arith.index_cast %add3A_535 : i32 to index
      %get3A_537 = tpu.vector_load %arg10[%get3A_536] {strides = array<i32>} : memref<5120xf32, #tpu.memory_space<vmem>>, vector<16xf32>,
      %add3A_538 = arith.addf %get3A_531, %get3A_537 : vector<16xf32>
      %mul3A_539 = arith.constant 16 : i32
      %mul3A_540 = arith.muli %scan3A_527, %mul3A_539 : i32
      %add3A_541 = arith.constant 640 : i32
      %add3A_542 = arith.addi %add3A_541, %mul3A_540 : i32
      %get3A_543 = arith.index_cast %add3A_542 : i32 to index
      %get3A_544 = tpu.vector_load %arg10[%get3A_543] {strides = array<i32>} : memref<5120xf32, #tpu.memory_space<vmem>>, vector<16xf32>,
      %add3A_545 = arith.addf %add3A_538, %get3A_544 : vector<16xf32>
      %mul3A_546 = arith.constant 16 : i32
      %mul3A_547 = arith.muli %scan3A_527, %mul3A_546 : i32
      %add3A_548 = arith.constant 960 : i32
      %add3A_549 = arith.addi %add3A_548, %mul3A_547 : i32
      %get3A_550 = arith.index_cast %add3A_549 : i32 to index
      %get3A_551 = tpu.vector_load %arg10[%get3A_550] {strides = array<i32>} : memref<5120xf32, #tpu.memory_space<vmem>>, vector<16xf32>,
      %add3A_552 = arith.addf %add3A_545, %get3A_551 : vector<16xf32>
      %mul3A_553 = arith.constant 16 : i32
      %mul3A_554 = arith.muli %scan3A_527, %mul3A_553 : i32
      %add3A_555 = arith.constant 1280 : i32
      %add3A_556 = arith.addi %add3A_555, %mul3A_554 : i32
      %get3A_557 = arith.index_cast %add3A_556 : i32 to index
      %get3A_558 = tpu.vector_load %arg10[%get3A_557] {strides = array<i32>} : memref<5120xf32, #tpu.memory_space<vmem>>, vector<16xf32>,
      %add3A_559 = arith.addf %add3A_552, %get3A_558 : vector<16xf32>
      %mul3A_560 = arith.constant 16 : i32
      %mul3A_561 = arith.muli %scan3A_527, %mul3A_560 : i32
      %add3A_562 = arith.constant 1600 : i32
      %add3A_563 = arith.addi %add3A_562, %mul3A_561 : i32
      %get3A_564 = arith.index_cast %add3A_563 : i32 to index
      %get3A_565 = tpu.vector_load %arg10[%get3A_564] {strides = array<i32>} : memref<5120xf32, #tpu.memory_space<vmem>>, vector<16xf32>,
      %add3A_566 = arith.addf %add3A_559, %get3A_565 : vector<16xf32>
      %mul3A_567 = arith.constant 16 : i32
      %mul3A_568 = arith.muli %scan3A_527, %mul3A_567 : i32
      %add3A_569 = arith.constant 1920 : i32
      %add3A_570 = arith.addi %add3A_569, %mul3A_568 : i32
      %get3A_571 = arith.index_cast %add3A_570 : i32 to index
      %get3A_572 = tpu.vector_load %arg10[%get3A_571] {strides = array<i32>} : memref<5120xf32, #tpu.memory_space<vmem>>, vector<16xf32>,
      %add3A_573 = arith.addf %add3A_566, %get3A_572 : vector<16xf32>
      %mul3A_574 = arith.constant 16 : i32
      %mul3A_575 = arith.muli %scan3A_527, %mul3A_574 : i32
      %add3A_576 = arith.constant 2240 : i32
      %add3A_577 = arith.addi %add3A_576, %mul3A_575 : i32
      %get3A_578 = arith.index_cast %add3A_577 : i32 to index
      %get3A_579 = tpu.vector_load %arg10[%get3A_578] {strides = array<i32>} : memref<5120xf32, #tpu.memory_space<vmem>>, vector<16xf32>,
      %add3A_580 = arith.addf %add3A_573, %get3A_579 : vector<16xf32>
      %mul3A_581 = arith.constant 16 : i32
      %mul3A_582 = arith.muli %scan3A_527, %mul3A_581 : i32
      %add3A_583 = arith.constant 2560 : i32
      %add3A_584 = arith.addi %add3A_583, %mul3A_582 : i32
      %get3A_585 = arith.index_cast %add3A_584 : i32 to index
      %get3A_586 = tpu.vector_load %arg10[%get3A_585] {strides = array<i32>} : memref<5120xf32, #tpu.memory_space<vmem>>, vector<16xf32>,
      %add3A_587 = arith.addf %add3A_580, %get3A_586 : vector<16xf32>
      %mul3A_588 = arith.constant 16 : i32
      %mul3A_589 = arith.muli %scan3A_527, %mul3A_588 : i32
      %add3A_590 = arith.constant 2880 : i32
      %add3A_591 = arith.addi %add3A_590, %mul3A_589 : i32
      %get3A_592 = arith.index_cast %add3A_591 : i32 to index
      %get3A_593 = tpu.vector_load %arg10[%get3A_592] {strides = array<i32>} : memref<5120xf32, #tpu.memory_space<vmem>>, vector<16xf32>,
      %add3A_594 = arith.addf %add3A_587, %get3A_593 : vector<16xf32>
      %mul3A_595 = arith.constant 16 : i32
      %mul3A_596 = arith.muli %scan3A_527, %mul3A_595 : i32
      %add3A_597 = arith.constant 3200 : i32
      %add3A_598 = arith.addi %add3A_597, %mul3A_596 : i32
      %get3A_599 = arith.index_cast %add3A_598 : i32 to index
      %get3A_600 = tpu.vector_load %arg10[%get3A_599] {strides = array<i32>} : memref<5120xf32, #tpu.memory_space<vmem>>, vector<16xf32>,
      %add3A_601 = arith.addf %add3A_594, %get3A_600 : vector<16xf32>
      %mul3A_602 = arith.constant 16 : i32
      %mul3A_603 = arith.muli %scan3A_527, %mul3A_602 : i32
      %add3A_604 = arith.constant 3520 : i32
      %add3A_605 = arith.addi %add3A_604, %mul3A_603 : i32
      %get3A_606 = arith.index_cast %add3A_605 : i32 to index
      %get3A_607 = tpu.vector_load %arg10[%get3A_606] {strides = array<i32>} : memref<5120xf32, #tpu.memory_space<vmem>>, vector<16xf32>,
      %add3A_608 = arith.addf %add3A_601, %get3A_607 : vector<16xf32>
      %mul3A_609 = arith.constant 16 : i32
      %mul3A_610 = arith.muli %scan3A_527, %mul3A_609 : i32
      %add3A_611 = arith.constant 3840 : i32
      %add3A_612 = arith.addi %add3A_611, %mul3A_610 : i32
      %get3A_613 = arith.index_cast %add3A_612 : i32 to index
      %get3A_614 = tpu.vector_load %arg10[%get3A_613] {strides = array<i32>} : memref<5120xf32, #tpu.memory_space<vmem>>, vector<16xf32>,
      %add3A_615 = arith.addf %add3A_608, %get3A_614 : vector<16xf32>
      %mul3A_616 = arith.constant 16 : i32
      %mul3A_617 = arith.muli %scan3A_527, %mul3A_616 : i32
      %add3A_618 = arith.constant 4160 : i32
      %add3A_619 = arith.addi %add3A_618, %mul3A_617 : i32
      %get3A_620 = arith.index_cast %add3A_619 : i32 to index
      %get3A_621 = tpu.vector_load %arg10[%get3A_620] {strides = array<i32>} : memref<5120xf32, #tpu.memory_space<vmem>>, vector<16xf32>,
      %add3A_622 = arith.addf %add3A_615, %get3A_621 : vector<16xf32>
      %mul3A_623 = arith.constant 16 : i32
      %mul3A_624 = arith.muli %scan3A_527, %mul3A_623 : i32
      %add3A_625 = arith.constant 4480 : i32
      %add3A_626 = arith.addi %add3A_625, %mul3A_624 : i32
      %get3A_627 = arith.index_cast %add3A_626 : i32 to index
      %get3A_628 = tpu.vector_load %arg10[%get3A_627] {strides = array<i32>} : memref<5120xf32, #tpu.memory_space<vmem>>, vector<16xf32>,
      %add3A_629 = arith.addf %add3A_622, %get3A_628 : vector<16xf32>
      %mul3A_630 = arith.constant 16 : i32
      %mul3A_631 = arith.muli %scan3A_527, %mul3A_630 : i32
      %add3A_632 = arith.constant 4800 : i32
      %add3A_633 = arith.addi %add3A_632, %mul3A_631 : i32
      %get3A_634 = arith.index_cast %add3A_633 : i32 to index
      %get3A_635 = tpu.vector_load %arg10[%get3A_634] {strides = array<i32>} : memref<5120xf32, #tpu.memory_space<vmem>>, vector<16xf32>,
      %add3A_636 = arith.addf %add3A_629, %get3A_635 : vector<16xf32>
      %mul3A_637 = arith.constant 16 : i32
      %mul3A_638 = arith.muli %scan3A_527, %mul3A_637 : i32
      %get3A_639 = arith.index_cast %mul3A_638 : i32 to index
      %get3A_640 = tpu.vector_load %arg11[%get3A_639] {strides = array<i32>} : memref<320xf32, #tpu.memory_space<vmem>>, vector<16xf32>,
      %mul3A_641 = arith.mulf %add3A_636, %get3A_640 : vector<16xf32>
      %mul3A_642 = arith.constant 16 : i32
      %mul3A_643 = arith.muli %scan3A_527, %mul3A_642 : i32
      %get3A_644 = arith.index_cast %mul3A_643 : i32 to index
      %get3A_645 = tpu.vector_load %arg12[%get3A_644] {strides = array<i32>} : memref<320xf32, #tpu.memory_space<vmem>>, vector<16xf32>,
      %add3A_646 = arith.addf %mul3A_641, %get3A_645 : vector<16xf32>
      %mul3A_647 = arith.constant 16 : i32
      %mul3A_648 = arith.muli %scan3A_527, %mul3A_647 : i32
      %swap3A_649 = arith.index_cast %mul3A_648 : i32 to index
      %swap3A_650 = tpu.vector_load %arg9[%swap3A_649] {strides = array<i32>} : memref<10240xf32, #tpu.memory_space<vmem>>, vector<16xf32>,
      tpu.vector_store %arg9[%swap3A_649], %add3A_646 {strides = array<i32>} : memref<10240xf32, #tpu.memory_space<vmem>>, vector<16xf32>,
      %scan3A_651 = arith.constant 3 : i32
      %scan3A_652 = arith.addi %scan3A_278, %scan3A_651 : i32
      %mul3A_653 = arith.constant 16 : i32
      %mul3A_654 = arith.muli %scan3A_652, %mul3A_653 : i32
      %get3A_655 = arith.index_cast %mul3A_654 : i32 to index
      %get3A_656 = tpu.vector_load %arg10[%get3A_655] {strides = array<i32>} : memref<5120xf32, #tpu.memory_space<vmem>>, vector<16xf32>,
      %mul3A_657 = arith.constant 16 : i32
      %mul3A_658 = arith.muli %scan3A_652, %mul3A_657 : i32
      %add3A_659 = arith.constant 320 : i32
      %add3A_660 = arith.addi %add3A_659, %mul3A_658 : i32
      %get3A_661 = arith.index_cast %add3A_660 : i32 to index
      %get3A_662 = tpu.vector_load %arg10[%get3A_661] {strides = array<i32>} : memref<5120xf32, #tpu.memory_space<vmem>>, vector<16xf32>,
      %add3A_663 = arith.addf %get3A_656, %get3A_662 : vector<16xf32>
      %mul3A_664 = arith.constant 16 : i32
      %mul3A_665 = arith.muli %scan3A_652, %mul3A_664 : i32
      %add3A_666 = arith.constant 640 : i32
      %add3A_667 = arith.addi %add3A_666, %mul3A_665 : i32
      %get3A_668 = arith.index_cast %add3A_667 : i32 to index
      %get3A_669 = tpu.vector_load %arg10[%get3A_668] {strides = array<i32>} : memref<5120xf32, #tpu.memory_space<vmem>>, vector<16xf32>,
      %add3A_670 = arith.addf %add3A_663, %get3A_669 : vector<16xf32>
      %mul3A_671 = arith.constant 16 : i32
      %mul3A_672 = arith.muli %scan3A_652, %mul3A_671 : i32
      %add3A_673 = arith.constant 960 : i32
      %add3A_674 = arith.addi %add3A_673, %mul3A_672 : i32
      %get3A_675 = arith.index_cast %add3A_674 : i32 to index
      %get3A_676 = tpu.vector_load %arg10[%get3A_675] {strides = array<i32>} : memref<5120xf32, #tpu.memory_space<vmem>>, vector<16xf32>,
      %add3A_677 = arith.addf %add3A_670, %get3A_676 : vector<16xf32>
      %mul3A_678 = arith.constant 16 : i32
      %mul3A_679 = arith.muli %scan3A_652, %mul3A_678 : i32
      %add3A_680 = arith.constant 1280 : i32
      %add3A_681 = arith.addi %add3A_680, %mul3A_679 : i32
      %get3A_682 = arith.index_cast %add3A_681 : i32 to index
      %get3A_683 = tpu.vector_load %arg10[%get3A_682] {strides = array<i32>} : memref<5120xf32, #tpu.memory_space<vmem>>, vector<16xf32>,
      %add3A_684 = arith.addf %add3A_677, %get3A_683 : vector<16xf32>
      %mul3A_685 = arith.constant 16 : i32
      %mul3A_686 = arith.muli %scan3A_652, %mul3A_685 : i32
      %add3A_687 = arith.constant 1600 : i32
      %add3A_688 = arith.addi %add3A_687, %mul3A_686 : i32
      %get3A_689 = arith.index_cast %add3A_688 : i32 to index
      %get3A_690 = tpu.vector_load %arg10[%get3A_689] {strides = array<i32>} : memref<5120xf32, #tpu.memory_space<vmem>>, vector<16xf32>,
      %add3A_691 = arith.addf %add3A_684, %get3A_690 : vector<16xf32>
      %mul3A_692 = arith.constant 16 : i32
      %mul3A_693 = arith.muli %scan3A_652, %mul3A_692 : i32
      %add3A_694 = arith.constant 1920 : i32
      %add3A_695 = arith.addi %add3A_694, %mul3A_693 : i32
      %get3A_696 = arith.index_cast %add3A_695 : i32 to index
      %get3A_697 = tpu.vector_load %arg10[%get3A_696] {strides = array<i32>} : memref<5120xf32, #tpu.memory_space<vmem>>, vector<16xf32>,
      %add3A_698 = arith.addf %add3A_691, %get3A_697 : vector<16xf32>
      %mul3A_699 = arith.constant 16 : i32
      %mul3A_700 = arith.muli %scan3A_652, %mul3A_699 : i32
      %add3A_701 = arith.constant 2240 : i32
      %add3A_702 = arith.addi %add3A_701, %mul3A_700 : i32
      %get3A_703 = arith.index_cast %add3A_702 : i32 to index
      %get3A_704 = tpu.vector_load %arg10[%get3A_703] {strides = array<i32>} : memref<5120xf32, #tpu.memory_space<vmem>>, vector<16xf32>,
      %add3A_705 = arith.addf %add3A_698, %get3A_704 : vector<16xf32>
      %mul3A_706 = arith.constant 16 : i32
      %mul3A_707 = arith.muli %scan3A_652, %mul3A_706 : i32
      %add3A_708 = arith.constant 2560 : i32
      %add3A_709 = arith.addi %add3A_708, %mul3A_707 : i32
      %get3A_710 = arith.index_cast %add3A_709 : i32 to index
      %get3A_711 = tpu.vector_load %arg10[%get3A_710] {strides = array<i32>} : memref<5120xf32, #tpu.memory_space<vmem>>, vector<16xf32>,
      %add3A_712 = arith.addf %add3A_705, %get3A_711 : vector<16xf32>
      %mul3A_713 = arith.constant 16 : i32
      %mul3A_714 = arith.muli %scan3A_652, %mul3A_713 : i32
      %add3A_715 = arith.constant 2880 : i32
      %add3A_716 = arith.addi %add3A_715, %mul3A_714 : i32
      %get3A_717 = arith.index_cast %add3A_716 : i32 to index
      %get3A_718 = tpu.vector_load %arg10[%get3A_717] {strides = array<i32>} : memref<5120xf32, #tpu.memory_space<vmem>>, vector<16xf32>,
      %add3A_719 = arith.addf %add3A_712, %get3A_718 : vector<16xf32>
      %mul3A_720 = arith.constant 16 : i32
      %mul3A_721 = arith.muli %scan3A_652, %mul3A_720 : i32
      %add3A_722 = arith.constant 3200 : i32
      %add3A_723 = arith.addi %add3A_722, %mul3A_721 : i32
      %get3A_724 = arith.index_cast %add3A_723 : i32 to index
      %get3A_725 = tpu.vector_load %arg10[%get3A_724] {strides = array<i32>} : memref<5120xf32, #tpu.memory_space<vmem>>, vector<16xf32>,
      %add3A_726 = arith.addf %add3A_719, %get3A_725 : vector<16xf32>
      %mul3A_727 = arith.constant 16 : i32
      %mul3A_728 = arith.muli %scan3A_652, %mul3A_727 : i32
      %add3A_729 = arith.constant 3520 : i32
      %add3A_730 = arith.addi %add3A_729, %mul3A_728 : i32
      %get3A_731 = arith.index_cast %add3A_730 : i32 to index
      %get3A_732 = tpu.vector_load %arg10[%get3A_731] {strides = array<i32>} : memref<5120xf32, #tpu.memory_space<vmem>>, vector<16xf32>,
      %add3A_733 = arith.addf %add3A_726, %get3A_732 : vector<16xf32>
      %mul3A_734 = arith.constant 16 : i32
      %mul3A_735 = arith.muli %scan3A_652, %mul3A_734 : i32
      %add3A_736 = arith.constant 3840 : i32
      %add3A_737 = arith.addi %add3A_736, %mul3A_735 : i32
      %get3A_738 = arith.index_cast %add3A_737 : i32 to index
      %get3A_739 = tpu.vector_load %arg10[%get3A_738] {strides = array<i32>} : memref<5120xf32, #tpu.memory_space<vmem>>, vector<16xf32>,
      %add3A_740 = arith.addf %add3A_733, %get3A_739 : vector<16xf32>
      %mul3A_741 = arith.constant 16 : i32
      %mul3A_742 = arith.muli %scan3A_652, %mul3A_741 : i32
      %add3A_743 = arith.constant 4160 : i32
      %add3A_744 = arith.addi %add3A_743, %mul3A_742 : i32
      %get3A_745 = arith.index_cast %add3A_744 : i32 to index
      %get3A_746 = tpu.vector_load %arg10[%get3A_745] {strides = array<i32>} : memref<5120xf32, #tpu.memory_space<vmem>>, vector<16xf32>,
      %add3A_747 = arith.addf %add3A_740, %get3A_746 : vector<16xf32>
      %mul3A_748 = arith.constant 16 : i32
      %mul3A_749 = arith.muli %scan3A_652, %mul3A_748 : i32
      %add3A_750 = arith.constant 4480 : i32
      %add3A_751 = arith.addi %add3A_750, %mul3A_749 : i32
      %get3A_752 = arith.index_cast %add3A_751 : i32 to index
      %get3A_753 = tpu.vector_load %arg10[%get3A_752] {strides = array<i32>} : memref<5120xf32, #tpu.memory_space<vmem>>, vector<16xf32>,
      %add3A_754 = arith.addf %add3A_747, %get3A_753 : vector<16xf32>
      %mul3A_755 = arith.constant 16 : i32
      %mul3A_756 = arith.muli %scan3A_652, %mul3A_755 : i32
      %add3A_757 = arith.constant 4800 : i32
      %add3A_758 = arith.addi %add3A_757, %mul3A_756 : i32
      %get3A_759 = arith.index_cast %add3A_758 : i32 to index
      %get3A_760 = tpu.vector_load %arg10[%get3A_759] {strides = array<i32>} : memref<5120xf32, #tpu.memory_space<vmem>>, vector<16xf32>,
      %add3A_761 = arith.addf %add3A_754, %get3A_760 : vector<16xf32>
      %mul3A_762 = arith.constant 16 : i32
      %mul3A_763 = arith.muli %scan3A_652, %mul3A_762 : i32
      %get3A_764 = arith.index_cast %mul3A_763 : i32 to index
      %get3A_765 = tpu.vector_load %arg11[%get3A_764] {strides = array<i32>} : memref<320xf32, #tpu.memory_space<vmem>>, vector<16xf32>,
      %mul3A_766 = arith.mulf %add3A_761, %get3A_765 : vector<16xf32>
      %mul3A_767 = arith.constant 16 : i32
      %mul3A_768 = arith.muli %scan3A_652, %mul3A_767 : i32
      %get3A_769 = arith.index_cast %mul3A_768 : i32 to index
      %get3A_770 = tpu.vector_load %arg12[%get3A_769] {strides = array<i32>} : memref<320xf32, #tpu.memory_space<vmem>>, vector<16xf32>,
      %add3A_771 = arith.addf %mul3A_766, %get3A_770 : vector<16xf32>
      %mul3A_772 = arith.constant 16 : i32
      %mul3A_773 = arith.muli %scan3A_652, %mul3A_772 : i32
      %swap3A_774 = arith.index_cast %mul3A_773 : i32 to index
      %swap3A_775 = tpu.vector_load %arg9[%swap3A_774] {strides = array<i32>} : memref<10240xf32, #tpu.memory_space<vmem>>, vector<16xf32>,
      tpu.vector_store %arg9[%swap3A_774], %add3A_771 {strides = array<i32>} : memref<10240xf32, #tpu.memory_space<vmem>>, vector<16xf32>,
    }
    %scan3A_277 = arith.constant 20 : i32
    "tpu.region"() ({
      %run_scoped3A = tpu.sem_alloc : memref<!tpu.dma_semaphore, #tpu.memory_space<semaphore_mem>>
      %dma_start3A_278 = arith.constant 0 : i32
      %dma_start3A_279 = tpu.memref_slice %arg9[%dma_start3A_278] : memref<10240xf32, #tpu.memory_space<vmem>> -> memref<320xf32, #tpu.memory_space<vmem>>
      %dma_start3A_280 = tpu.memref_slice %arg6[%add3A] : memref<10240xf32, #tpu.memory_space<hbm>> -> memref<320xf32, #tpu.memory_space<hbm>>
      %dma_start3A_281 = tpu.memref_slice %arg6[%add3A] : memref<10240xf32, #tpu.memory_space<hbm>> -> memref<320xf32, #tpu.memory_space<hbm>>
      %dma_start3A_282 = arith.constant 0 : i32
      %dma_start3A_283 = tpu.memref_slice %arg9[%dma_start3A_282] : memref<10240xf32, #tpu.memory_space<vmem>> -> memref<320xf32, #tpu.memory_space<vmem>>
      tpu.enqueue_dma source(%dma_start3A_283 : memref<320xf32, #tpu.memory_space<vmem>>) target(%dma_start3A_281 : memref<320xf32, #tpu.memory_space<hbm>>) target_semaphore(%run_scoped3A : memref<!tpu.dma_semaphore, #tpu.memory_space<semaphore_mem>>)
      %dma_wait3A_284 = arith.constant 0 : i32
      %dma_wait3A_285 = tpu.memref_slice %arg9[%dma_wait3A_284] : memref<10240xf32, #tpu.memory_space<vmem>> -> memref<320xf32, #tpu.memory_space<vmem>>
      %dma_wait3A_286 = tpu.memref_slice %arg6[%add3A] : memref<10240xf32, #tpu.memory_space<hbm>> -> memref<320xf32, #tpu.memory_space<hbm>>
      %dma_wait3A_287 = tpu.memref_slice %arg6[%add3A] : memref<10240xf32, #tpu.memory_space<hbm>> -> memref<320xf32, #tpu.memory_space<hbm>>
      %dma_wait3A_288 = arith.constant 0 : i32
      %dma_wait3A_289 = tpu.memref_slice %arg9[%dma_wait3A_288] : memref<10240xf32, #tpu.memory_space<vmem>> -> memref<320xf32, #tpu.memory_space<vmem>>
      tpu.wait_dma2 semaphore(%run_scoped3A : memref<!tpu.dma_semaphore, #tpu.memory_space<semaphore_mem>>) src(%dma_wait3A_289 : memref<320xf32, #tpu.memory_space<vmem>>) dst(%dma_wait3A_287 : memref<320xf32, #tpu.memory_space<hbm>>)
      tpu.yield
    }) : () -> ()
    return
  }
}

#map = affine_map<(d0, d1) -> (0)>
#map1 = affine_map<(d0, d1) -> (0, 0)>
#map2 = affine_map<(d0, d1) -> (0, 0, 0)>
module attributes {stable_mosaic.version = 14 : i64} {
  func.func @_msg_kernel(%arg0: i32, %arg1: i32, %arg2: memref<320000xi32, #tpu.memory_space<hbm>>, %arg3: memref<320000xi32, #tpu.memory_space<hbm>>, %arg4: memref<10240x128xf32, #tpu.memory_space<hbm>>, %arg5: memref<2x10240x128xf32, #tpu.memory_space<hbm>>, %arg6: memref<10000xi32, #tpu.memory_space<vmem>>, %arg7: memref<80xi32, #tpu.memory_space<vmem>>, %arg8: memref<80xi32, #tpu.memory_space<vmem>>, %arg9: memref<80x128xf32, #tpu.memory_space<vmem>>, %arg10: memref<80x128xf32, #tpu.memory_space<vmem>>, %arg11: memref<10240x128xf32, #tpu.memory_space<vmem_shared>>, %arg12: memref<!tpu.dma_semaphore, #tpu.memory_space<semaphore_mem>>, %arg13: memref<!tpu.dma_semaphore, #tpu.memory_space<semaphore_mem>>, %arg14: memref<!tpu.dma_semaphore, #tpu.memory_space<semaphore_mem>>, %arg15: memref<!tpu.dma_semaphore, #tpu.memory_space<semaphore_mem>>, %arg16: memref<!tpu.dma_semaphore, #tpu.memory_space<semaphore_mem>>, %arg17: memref<!tpu.dma_semaphore, #tpu.memory_space<semaphore_mem>>) attributes {dimension_semantics = [#tpu.dimension_semantics<core_parallel>, #tpu.dimension_semantics<subcore_parallel>], iteration_bounds = array<i64: 2, 16>, scalar_prefetch = 0 : i64, scratch_operands = 12 : i64, tpu.core_type = #tpu.core_type<sc_vector_subcore>, window_params = [{transform_indices = #map}, {transform_indices = #map}, {transform_indices = #map1}, {transform_indices = #map2}]} {
    %mul3A = arith.constant 160000 : i32
    %mul3A_0 = arith.muli %arg0, %mul3A : i32
    %mul3A_1 = arith.constant 10000 : i32
    %mul3A_2 = arith.muli %arg1, %mul3A_1 : i32
    %add3A = arith.addi %mul3A_0, %mul3A_2 : i32
    %dma_start3A = tpu.memref_slice %arg2[%add3A] : memref<320000xi32, #tpu.memory_space<hbm>> -> memref<10000xi32, #tpu.memory_space<hbm>>
    %dma_start3A_3 = tpu.memref_slice %arg2[%add3A] : memref<320000xi32, #tpu.memory_space<hbm>> -> memref<10000xi32, #tpu.memory_space<hbm>>
    tpu.enqueue_dma source(%dma_start3A_3 : memref<10000xi32, #tpu.memory_space<hbm>>) target(%arg6 : memref<10000xi32, #tpu.memory_space<vmem>>) target_semaphore(%arg12 : memref<!tpu.dma_semaphore, #tpu.memory_space<semaphore_mem>>)
    %broadcast_in_dim3A = arith.constant 0.000000e+00 : f32
    %broadcast_in_dim3A_4 = vector.broadcast %broadcast_in_dim3A : f32 to vector<16xf32>
    %scan3A = arith.constant 0 : i32
    %scan3A_5 = arith.constant 640 : i32
    %scan3A_6 = arith.addi %scan3A, %scan3A_5 : i32
    %scan3A_7 = arith.constant 8 : i32
    scf.for %scan3A_98 = %scan3A to %scan3A_6 step %scan3A_7  : i32 {
      %jit3A = arith.constant 8 : i32
      %div3A = arith.divsi %scan3A_98, %jit3A : i32
      %sign3A = arith.constant 0 : i32
      %sign3A_99 = arith.cmpi sgt, %scan3A_98, %sign3A : i32
      %sign3A_100 = arith.extui %sign3A_99 : i1 to i32
      %sign3A_101 = arith.constant 0 : i32
      %sign3A_102 = arith.cmpi slt, %scan3A_98, %sign3A_101 : i32
      %sign3A_103 = arith.extui %sign3A_102 : i1 to i32
      %sign3A_104 = arith.subi %sign3A_100, %sign3A_103 : i32
      %sign3A_105 = arith.constant 0 : i32
      %sign3A_106 = arith.cmpi sgt, %jit3A, %sign3A_105 : i32
      %sign3A_107 = arith.extui %sign3A_106 : i1 to i32
      %sign3A_108 = arith.constant 0 : i32
      %sign3A_109 = arith.cmpi slt, %jit3A, %sign3A_108 : i32
      %sign3A_110 = arith.extui %sign3A_109 : i1 to i32
      %sign3A_111 = arith.subi %sign3A_107, %sign3A_110 : i32
      %ne3A = arith.cmpi ne, %sign3A_104, %sign3A_111 : i32
      %rem3A = arith.remsi %scan3A_98, %jit3A : i32
      %ne3A_112 = arith.constant 0 : i32
      %ne3A_113 = arith.cmpi ne, %rem3A, %ne3A_112 : i32
      %and3A = arith.andi %ne3A, %ne3A_113 : i1
      %sub3A = arith.constant 1 : i32
      %sub3A_114 = arith.subi %div3A, %sub3A : i32
      %select_n3A = arith.select %and3A, %sub3A_114, %div3A : i32
      %jit3A_115 = arith.constant 8 : i32
      %eq3A = arith.constant 0 : i32
      %eq3A_116 = arith.cmpi eq, %jit3A_115, %eq3A : i32
      %jit3A_117 = arith.constant 1 : i32
      %select_n3A_118 = arith.select %eq3A_116, %jit3A_117, %jit3A_115 : i32
      %rem3A_119 = arith.remsi %scan3A_98, %select_n3A_118 : i32
      %ne3A_120 = arith.constant 0 : i32
      %ne3A_121 = arith.cmpi ne, %rem3A_119, %ne3A_120 : i32
      %lt3A = arith.constant 0 : i32
      %lt3A_122 = arith.cmpi slt, %rem3A_119, %lt3A : i32
      %lt3A_123 = arith.constant 0 : i32
      %lt3A_124 = arith.cmpi slt, %select_n3A_118, %lt3A_123 : i32
      %ne3A_125 = arith.xori %lt3A_122, %lt3A_124 : i1
      %and3A_126 = arith.andi %ne3A_125, %ne3A_121 : i1
      %add3A_127 = arith.addi %rem3A_119, %select_n3A_118 : i32
      %select_n3A_128 = arith.select %and3A_126, %add3A_127, %rem3A_119 : i32
      %mul3A_129 = arith.constant 16 : i32
      %mul3A_130 = arith.muli %select_n3A_128, %mul3A_129 : i32
      %swap3A = arith.index_cast %select_n3A : i32 to index
      %swap3A_131 = arith.index_cast %mul3A_130 : i32 to index
      %swap3A_132 = tpu.vector_load %arg9[%swap3A, %swap3A_131] {strides = array<i32>} : memref<80x128xf32, #tpu.memory_space<vmem>>, vector<16xf32>,
      tpu.vector_store %arg9[%swap3A, %swap3A_131], %broadcast_in_dim3A_4 {strides = array<i32>} : memref<80x128xf32, #tpu.memory_space<vmem>>, vector<16xf32>,
      %scan3A_133 = arith.constant 1 : i32
      %scan3A_134 = arith.addi %scan3A_98, %scan3A_133 : i32
      %jit3A_135 = arith.constant 8 : i32
      %div3A_136 = arith.divsi %scan3A_134, %jit3A_135 : i32
      %sign3A_137 = arith.constant 0 : i32
      %sign3A_138 = arith.cmpi sgt, %scan3A_134, %sign3A_137 : i32
      %sign3A_139 = arith.extui %sign3A_138 : i1 to i32
      %sign3A_140 = arith.constant 0 : i32
      %sign3A_141 = arith.cmpi slt, %scan3A_134, %sign3A_140 : i32
      %sign3A_142 = arith.extui %sign3A_141 : i1 to i32
      %sign3A_143 = arith.subi %sign3A_139, %sign3A_142 : i32
      %sign3A_144 = arith.constant 0 : i32
      %sign3A_145 = arith.cmpi sgt, %jit3A_135, %sign3A_144 : i32
      %sign3A_146 = arith.extui %sign3A_145 : i1 to i32
      %sign3A_147 = arith.constant 0 : i32
      %sign3A_148 = arith.cmpi slt, %jit3A_135, %sign3A_147 : i32
      %sign3A_149 = arith.extui %sign3A_148 : i1 to i32
      %sign3A_150 = arith.subi %sign3A_146, %sign3A_149 : i32
      %ne3A_151 = arith.cmpi ne, %sign3A_143, %sign3A_150 : i32
      %rem3A_152 = arith.remsi %scan3A_134, %jit3A_135 : i32
      %ne3A_153 = arith.constant 0 : i32
      %ne3A_154 = arith.cmpi ne, %rem3A_152, %ne3A_153 : i32
      %and3A_155 = arith.andi %ne3A_151, %ne3A_154 : i1
      %sub3A_156 = arith.constant 1 : i32
      %sub3A_157 = arith.subi %div3A_136, %sub3A_156 : i32
      %select_n3A_158 = arith.select %and3A_155, %sub3A_157, %div3A_136 : i32
      %jit3A_159 = arith.constant 8 : i32
      %eq3A_160 = arith.constant 0 : i32
      %eq3A_161 = arith.cmpi eq, %jit3A_159, %eq3A_160 : i32
      %jit3A_162 = arith.constant 1 : i32
      %select_n3A_163 = arith.select %eq3A_161, %jit3A_162, %jit3A_159 : i32
      %rem3A_164 = arith.remsi %scan3A_134, %select_n3A_163 : i32
      %ne3A_165 = arith.constant 0 : i32
      %ne3A_166 = arith.cmpi ne, %rem3A_164, %ne3A_165 : i32
      %lt3A_167 = arith.constant 0 : i32
      %lt3A_168 = arith.cmpi slt, %rem3A_164, %lt3A_167 : i32
      %lt3A_169 = arith.constant 0 : i32
      %lt3A_170 = arith.cmpi slt, %select_n3A_163, %lt3A_169 : i32
      %ne3A_171 = arith.xori %lt3A_168, %lt3A_170 : i1
      %and3A_172 = arith.andi %ne3A_171, %ne3A_166 : i1
      %add3A_173 = arith.addi %rem3A_164, %select_n3A_163 : i32
      %select_n3A_174 = arith.select %and3A_172, %add3A_173, %rem3A_164 : i32
      %mul3A_175 = arith.constant 16 : i32
      %mul3A_176 = arith.muli %select_n3A_174, %mul3A_175 : i32
      %swap3A_177 = arith.index_cast %select_n3A_158 : i32 to index
      %swap3A_178 = arith.index_cast %mul3A_176 : i32 to index
      %swap3A_179 = tpu.vector_load %arg9[%swap3A_177, %swap3A_178] {strides = array<i32>} : memref<80x128xf32, #tpu.memory_space<vmem>>, vector<16xf32>,
      tpu.vector_store %arg9[%swap3A_177, %swap3A_178], %broadcast_in_dim3A_4 {strides = array<i32>} : memref<80x128xf32, #tpu.memory_space<vmem>>, vector<16xf32>,
      %scan3A_180 = arith.constant 2 : i32
      %scan3A_181 = arith.addi %scan3A_98, %scan3A_180 : i32
      %jit3A_182 = arith.constant 8 : i32
      %div3A_183 = arith.divsi %scan3A_181, %jit3A_182 : i32
      %sign3A_184 = arith.constant 0 : i32
      %sign3A_185 = arith.cmpi sgt, %scan3A_181, %sign3A_184 : i32
      %sign3A_186 = arith.extui %sign3A_185 : i1 to i32
      %sign3A_187 = arith.constant 0 : i32
      %sign3A_188 = arith.cmpi slt, %scan3A_181, %sign3A_187 : i32
      %sign3A_189 = arith.extui %sign3A_188 : i1 to i32
      %sign3A_190 = arith.subi %sign3A_186, %sign3A_189 : i32
      %sign3A_191 = arith.constant 0 : i32
      %sign3A_192 = arith.cmpi sgt, %jit3A_182, %sign3A_191 : i32
      %sign3A_193 = arith.extui %sign3A_192 : i1 to i32
      %sign3A_194 = arith.constant 0 : i32
      %sign3A_195 = arith.cmpi slt, %jit3A_182, %sign3A_194 : i32
      %sign3A_196 = arith.extui %sign3A_195 : i1 to i32
      %sign3A_197 = arith.subi %sign3A_193, %sign3A_196 : i32
      %ne3A_198 = arith.cmpi ne, %sign3A_190, %sign3A_197 : i32
      %rem3A_199 = arith.remsi %scan3A_181, %jit3A_182 : i32
      %ne3A_200 = arith.constant 0 : i32
      %ne3A_201 = arith.cmpi ne, %rem3A_199, %ne3A_200 : i32
      %and3A_202 = arith.andi %ne3A_198, %ne3A_201 : i1
      %sub3A_203 = arith.constant 1 : i32
      %sub3A_204 = arith.subi %div3A_183, %sub3A_203 : i32
      %select_n3A_205 = arith.select %and3A_202, %sub3A_204, %div3A_183 : i32
      %jit3A_206 = arith.constant 8 : i32
      %eq3A_207 = arith.constant 0 : i32
      %eq3A_208 = arith.cmpi eq, %jit3A_206, %eq3A_207 : i32
      %jit3A_209 = arith.constant 1 : i32
      %select_n3A_210 = arith.select %eq3A_208, %jit3A_209, %jit3A_206 : i32
      %rem3A_211 = arith.remsi %scan3A_181, %select_n3A_210 : i32
      %ne3A_212 = arith.constant 0 : i32
      %ne3A_213 = arith.cmpi ne, %rem3A_211, %ne3A_212 : i32
      %lt3A_214 = arith.constant 0 : i32
      %lt3A_215 = arith.cmpi slt, %rem3A_211, %lt3A_214 : i32
      %lt3A_216 = arith.constant 0 : i32
      %lt3A_217 = arith.cmpi slt, %select_n3A_210, %lt3A_216 : i32
      %ne3A_218 = arith.xori %lt3A_215, %lt3A_217 : i1
      %and3A_219 = arith.andi %ne3A_218, %ne3A_213 : i1
      %add3A_220 = arith.addi %rem3A_211, %select_n3A_210 : i32
      %select_n3A_221 = arith.select %and3A_219, %add3A_220, %rem3A_211 : i32
      %mul3A_222 = arith.constant 16 : i32
      %mul3A_223 = arith.muli %select_n3A_221, %mul3A_222 : i32
      %swap3A_224 = arith.index_cast %select_n3A_205 : i32 to index
      %swap3A_225 = arith.index_cast %mul3A_223 : i32 to index
      %swap3A_226 = tpu.vector_load %arg9[%swap3A_224, %swap3A_225] {strides = array<i32>} : memref<80x128xf32, #tpu.memory_space<vmem>>, vector<16xf32>,
      tpu.vector_store %arg9[%swap3A_224, %swap3A_225], %broadcast_in_dim3A_4 {strides = array<i32>} : memref<80x128xf32, #tpu.memory_space<vmem>>, vector<16xf32>,
      %scan3A_227 = arith.constant 3 : i32
      %scan3A_228 = arith.addi %scan3A_98, %scan3A_227 : i32
      %jit3A_229 = arith.constant 8 : i32
      %div3A_230 = arith.divsi %scan3A_228, %jit3A_229 : i32
      %sign3A_231 = arith.constant 0 : i32
      %sign3A_232 = arith.cmpi sgt, %scan3A_228, %sign3A_231 : i32
      %sign3A_233 = arith.extui %sign3A_232 : i1 to i32
      %sign3A_234 = arith.constant 0 : i32
      %sign3A_235 = arith.cmpi slt, %scan3A_228, %sign3A_234 : i32
      %sign3A_236 = arith.extui %sign3A_235 : i1 to i32
      %sign3A_237 = arith.subi %sign3A_233, %sign3A_236 : i32
      %sign3A_238 = arith.constant 0 : i32
      %sign3A_239 = arith.cmpi sgt, %jit3A_229, %sign3A_238 : i32
      %sign3A_240 = arith.extui %sign3A_239 : i1 to i32
      %sign3A_241 = arith.constant 0 : i32
      %sign3A_242 = arith.cmpi slt, %jit3A_229, %sign3A_241 : i32
      %sign3A_243 = arith.extui %sign3A_242 : i1 to i32
      %sign3A_244 = arith.subi %sign3A_240, %sign3A_243 : i32
      %ne3A_245 = arith.cmpi ne, %sign3A_237, %sign3A_244 : i32
      %rem3A_246 = arith.remsi %scan3A_228, %jit3A_229 : i32
      %ne3A_247 = arith.constant 0 : i32
      %ne3A_248 = arith.cmpi ne, %rem3A_246, %ne3A_247 : i32
      %and3A_249 = arith.andi %ne3A_245, %ne3A_248 : i1
      %sub3A_250 = arith.constant 1 : i32
      %sub3A_251 = arith.subi %div3A_230, %sub3A_250 : i32
      %select_n3A_252 = arith.select %and3A_249, %sub3A_251, %div3A_230 : i32
      %jit3A_253 = arith.constant 8 : i32
      %eq3A_254 = arith.constant 0 : i32
      %eq3A_255 = arith.cmpi eq, %jit3A_253, %eq3A_254 : i32
      %jit3A_256 = arith.constant 1 : i32
      %select_n3A_257 = arith.select %eq3A_255, %jit3A_256, %jit3A_253 : i32
      %rem3A_258 = arith.remsi %scan3A_228, %select_n3A_257 : i32
      %ne3A_259 = arith.constant 0 : i32
      %ne3A_260 = arith.cmpi ne, %rem3A_258, %ne3A_259 : i32
      %lt3A_261 = arith.constant 0 : i32
      %lt3A_262 = arith.cmpi slt, %rem3A_258, %lt3A_261 : i32
      %lt3A_263 = arith.constant 0 : i32
      %lt3A_264 = arith.cmpi slt, %select_n3A_257, %lt3A_263 : i32
      %ne3A_265 = arith.xori %lt3A_262, %lt3A_264 : i1
      %and3A_266 = arith.andi %ne3A_265, %ne3A_260 : i1
      %add3A_267 = arith.addi %rem3A_258, %select_n3A_257 : i32
      %select_n3A_268 = arith.select %and3A_266, %add3A_267, %rem3A_258 : i32
      %mul3A_269 = arith.constant 16 : i32
      %mul3A_270 = arith.muli %select_n3A_268, %mul3A_269 : i32
      %swap3A_271 = arith.index_cast %select_n3A_252 : i32 to index
      %swap3A_272 = arith.index_cast %mul3A_270 : i32 to index
      %swap3A_273 = tpu.vector_load %arg9[%swap3A_271, %swap3A_272] {strides = array<i32>} : memref<80x128xf32, #tpu.memory_space<vmem>>, vector<16xf32>,
      tpu.vector_store %arg9[%swap3A_271, %swap3A_272], %broadcast_in_dim3A_4 {strides = array<i32>} : memref<80x128xf32, #tpu.memory_space<vmem>>, vector<16xf32>,
      %scan3A_274 = arith.constant 4 : i32
      %scan3A_275 = arith.addi %scan3A_98, %scan3A_274 : i32
      %jit3A_276 = arith.constant 8 : i32
      %div3A_277 = arith.divsi %scan3A_275, %jit3A_276 : i32
      %sign3A_278 = arith.constant 0 : i32
      %sign3A_279 = arith.cmpi sgt, %scan3A_275, %sign3A_278 : i32
      %sign3A_280 = arith.extui %sign3A_279 : i1 to i32
      %sign3A_281 = arith.constant 0 : i32
      %sign3A_282 = arith.cmpi slt, %scan3A_275, %sign3A_281 : i32
      %sign3A_283 = arith.extui %sign3A_282 : i1 to i32
      %sign3A_284 = arith.subi %sign3A_280, %sign3A_283 : i32
      %sign3A_285 = arith.constant 0 : i32
      %sign3A_286 = arith.cmpi sgt, %jit3A_276, %sign3A_285 : i32
      %sign3A_287 = arith.extui %sign3A_286 : i1 to i32
      %sign3A_288 = arith.constant 0 : i32
      %sign3A_289 = arith.cmpi slt, %jit3A_276, %sign3A_288 : i32
      %sign3A_290 = arith.extui %sign3A_289 : i1 to i32
      %sign3A_291 = arith.subi %sign3A_287, %sign3A_290 : i32
      %ne3A_292 = arith.cmpi ne, %sign3A_284, %sign3A_291 : i32
      %rem3A_293 = arith.remsi %scan3A_275, %jit3A_276 : i32
      %ne3A_294 = arith.constant 0 : i32
      %ne3A_295 = arith.cmpi ne, %rem3A_293, %ne3A_294 : i32
      %and3A_296 = arith.andi %ne3A_292, %ne3A_295 : i1
      %sub3A_297 = arith.constant 1 : i32
      %sub3A_298 = arith.subi %div3A_277, %sub3A_297 : i32
      %select_n3A_299 = arith.select %and3A_296, %sub3A_298, %div3A_277 : i32
      %jit3A_300 = arith.constant 8 : i32
      %eq3A_301 = arith.constant 0 : i32
      %eq3A_302 = arith.cmpi eq, %jit3A_300, %eq3A_301 : i32
      %jit3A_303 = arith.constant 1 : i32
      %select_n3A_304 = arith.select %eq3A_302, %jit3A_303, %jit3A_300 : i32
      %rem3A_305 = arith.remsi %scan3A_275, %select_n3A_304 : i32
      %ne3A_306 = arith.constant 0 : i32
      %ne3A_307 = arith.cmpi ne, %rem3A_305, %ne3A_306 : i32
      %lt3A_308 = arith.constant 0 : i32
      %lt3A_309 = arith.cmpi slt, %rem3A_305, %lt3A_308 : i32
      %lt3A_310 = arith.constant 0 : i32
      %lt3A_311 = arith.cmpi slt, %select_n3A_304, %lt3A_310 : i32
      %ne3A_312 = arith.xori %lt3A_309, %lt3A_311 : i1
      %and3A_313 = arith.andi %ne3A_312, %ne3A_307 : i1
      %add3A_314 = arith.addi %rem3A_305, %select_n3A_304 : i32
      %select_n3A_315 = arith.select %and3A_313, %add3A_314, %rem3A_305 : i32
      %mul3A_316 = arith.constant 16 : i32
      %mul3A_317 = arith.muli %select_n3A_315, %mul3A_316 : i32
      %swap3A_318 = arith.index_cast %select_n3A_299 : i32 to index
      %swap3A_319 = arith.index_cast %mul3A_317 : i32 to index
      %swap3A_320 = tpu.vector_load %arg9[%swap3A_318, %swap3A_319] {strides = array<i32>} : memref<80x128xf32, #tpu.memory_space<vmem>>, vector<16xf32>,
      tpu.vector_store %arg9[%swap3A_318, %swap3A_319], %broadcast_in_dim3A_4 {strides = array<i32>} : memref<80x128xf32, #tpu.memory_space<vmem>>, vector<16xf32>,
      %scan3A_321 = arith.constant 5 : i32
      %scan3A_322 = arith.addi %scan3A_98, %scan3A_321 : i32
      %jit3A_323 = arith.constant 8 : i32
      %div3A_324 = arith.divsi %scan3A_322, %jit3A_323 : i32
      %sign3A_325 = arith.constant 0 : i32
      %sign3A_326 = arith.cmpi sgt, %scan3A_322, %sign3A_325 : i32
      %sign3A_327 = arith.extui %sign3A_326 : i1 to i32
      %sign3A_328 = arith.constant 0 : i32
      %sign3A_329 = arith.cmpi slt, %scan3A_322, %sign3A_328 : i32
      %sign3A_330 = arith.extui %sign3A_329 : i1 to i32
      %sign3A_331 = arith.subi %sign3A_327, %sign3A_330 : i32
      %sign3A_332 = arith.constant 0 : i32
      %sign3A_333 = arith.cmpi sgt, %jit3A_323, %sign3A_332 : i32
      %sign3A_334 = arith.extui %sign3A_333 : i1 to i32
      %sign3A_335 = arith.constant 0 : i32
      %sign3A_336 = arith.cmpi slt, %jit3A_323, %sign3A_335 : i32
      %sign3A_337 = arith.extui %sign3A_336 : i1 to i32
      %sign3A_338 = arith.subi %sign3A_334, %sign3A_337 : i32
      %ne3A_339 = arith.cmpi ne, %sign3A_331, %sign3A_338 : i32
      %rem3A_340 = arith.remsi %scan3A_322, %jit3A_323 : i32
      %ne3A_341 = arith.constant 0 : i32
      %ne3A_342 = arith.cmpi ne, %rem3A_340, %ne3A_341 : i32
      %and3A_343 = arith.andi %ne3A_339, %ne3A_342 : i1
      %sub3A_344 = arith.constant 1 : i32
      %sub3A_345 = arith.subi %div3A_324, %sub3A_344 : i32
      %select_n3A_346 = arith.select %and3A_343, %sub3A_345, %div3A_324 : i32
      %jit3A_347 = arith.constant 8 : i32
      %eq3A_348 = arith.constant 0 : i32
      %eq3A_349 = arith.cmpi eq, %jit3A_347, %eq3A_348 : i32
      %jit3A_350 = arith.constant 1 : i32
      %select_n3A_351 = arith.select %eq3A_349, %jit3A_350, %jit3A_347 : i32
      %rem3A_352 = arith.remsi %scan3A_322, %select_n3A_351 : i32
      %ne3A_353 = arith.constant 0 : i32
      %ne3A_354 = arith.cmpi ne, %rem3A_352, %ne3A_353 : i32
      %lt3A_355 = arith.constant 0 : i32
      %lt3A_356 = arith.cmpi slt, %rem3A_352, %lt3A_355 : i32
      %lt3A_357 = arith.constant 0 : i32
      %lt3A_358 = arith.cmpi slt, %select_n3A_351, %lt3A_357 : i32
      %ne3A_359 = arith.xori %lt3A_356, %lt3A_358 : i1
      %and3A_360 = arith.andi %ne3A_359, %ne3A_354 : i1
      %add3A_361 = arith.addi %rem3A_352, %select_n3A_351 : i32
      %select_n3A_362 = arith.select %and3A_360, %add3A_361, %rem3A_352 : i32
      %mul3A_363 = arith.constant 16 : i32
      %mul3A_364 = arith.muli %select_n3A_362, %mul3A_363 : i32
      %swap3A_365 = arith.index_cast %select_n3A_346 : i32 to index
      %swap3A_366 = arith.index_cast %mul3A_364 : i32 to index
      %swap3A_367 = tpu.vector_load %arg9[%swap3A_365, %swap3A_366] {strides = array<i32>} : memref<80x128xf32, #tpu.memory_space<vmem>>, vector<16xf32>,
      tpu.vector_store %arg9[%swap3A_365, %swap3A_366], %broadcast_in_dim3A_4 {strides = array<i32>} : memref<80x128xf32, #tpu.memory_space<vmem>>, vector<16xf32>,
      %scan3A_368 = arith.constant 6 : i32
      %scan3A_369 = arith.addi %scan3A_98, %scan3A_368 : i32
      %jit3A_370 = arith.constant 8 : i32
      %div3A_371 = arith.divsi %scan3A_369, %jit3A_370 : i32
      %sign3A_372 = arith.constant 0 : i32
      %sign3A_373 = arith.cmpi sgt, %scan3A_369, %sign3A_372 : i32
      %sign3A_374 = arith.extui %sign3A_373 : i1 to i32
      %sign3A_375 = arith.constant 0 : i32
      %sign3A_376 = arith.cmpi slt, %scan3A_369, %sign3A_375 : i32
      %sign3A_377 = arith.extui %sign3A_376 : i1 to i32
      %sign3A_378 = arith.subi %sign3A_374, %sign3A_377 : i32
      %sign3A_379 = arith.constant 0 : i32
      %sign3A_380 = arith.cmpi sgt, %jit3A_370, %sign3A_379 : i32
      %sign3A_381 = arith.extui %sign3A_380 : i1 to i32
      %sign3A_382 = arith.constant 0 : i32
      %sign3A_383 = arith.cmpi slt, %jit3A_370, %sign3A_382 : i32
      %sign3A_384 = arith.extui %sign3A_383 : i1 to i32
      %sign3A_385 = arith.subi %sign3A_381, %sign3A_384 : i32
      %ne3A_386 = arith.cmpi ne, %sign3A_378, %sign3A_385 : i32
      %rem3A_387 = arith.remsi %scan3A_369, %jit3A_370 : i32
      %ne3A_388 = arith.constant 0 : i32
      %ne3A_389 = arith.cmpi ne, %rem3A_387, %ne3A_388 : i32
      %and3A_390 = arith.andi %ne3A_386, %ne3A_389 : i1
      %sub3A_391 = arith.constant 1 : i32
      %sub3A_392 = arith.subi %div3A_371, %sub3A_391 : i32
      %select_n3A_393 = arith.select %and3A_390, %sub3A_392, %div3A_371 : i32
      %jit3A_394 = arith.constant 8 : i32
      %eq3A_395 = arith.constant 0 : i32
      %eq3A_396 = arith.cmpi eq, %jit3A_394, %eq3A_395 : i32
      %jit3A_397 = arith.constant 1 : i32
      %select_n3A_398 = arith.select %eq3A_396, %jit3A_397, %jit3A_394 : i32
      %rem3A_399 = arith.remsi %scan3A_369, %select_n3A_398 : i32
      %ne3A_400 = arith.constant 0 : i32
      %ne3A_401 = arith.cmpi ne, %rem3A_399, %ne3A_400 : i32
      %lt3A_402 = arith.constant 0 : i32
      %lt3A_403 = arith.cmpi slt, %rem3A_399, %lt3A_402 : i32
      %lt3A_404 = arith.constant 0 : i32
      %lt3A_405 = arith.cmpi slt, %select_n3A_398, %lt3A_404 : i32
      %ne3A_406 = arith.xori %lt3A_403, %lt3A_405 : i1
      %and3A_407 = arith.andi %ne3A_406, %ne3A_401 : i1
      %add3A_408 = arith.addi %rem3A_399, %select_n3A_398 : i32
      %select_n3A_409 = arith.select %and3A_407, %add3A_408, %rem3A_399 : i32
      %mul3A_410 = arith.constant 16 : i32
      %mul3A_411 = arith.muli %select_n3A_409, %mul3A_410 : i32
      %swap3A_412 = arith.index_cast %select_n3A_393 : i32 to index
      %swap3A_413 = arith.index_cast %mul3A_411 : i32 to index
      %swap3A_414 = tpu.vector_load %arg9[%swap3A_412, %swap3A_413] {strides = array<i32>} : memref<80x128xf32, #tpu.memory_space<vmem>>, vector<16xf32>,
      tpu.vector_store %arg9[%swap3A_412, %swap3A_413], %broadcast_in_dim3A_4 {strides = array<i32>} : memref<80x128xf32, #tpu.memory_space<vmem>>, vector<16xf32>,
      %scan3A_415 = arith.constant 7 : i32
      %scan3A_416 = arith.addi %scan3A_98, %scan3A_415 : i32
      %jit3A_417 = arith.constant 8 : i32
      %div3A_418 = arith.divsi %scan3A_416, %jit3A_417 : i32
      %sign3A_419 = arith.constant 0 : i32
      %sign3A_420 = arith.cmpi sgt, %scan3A_416, %sign3A_419 : i32
      %sign3A_421 = arith.extui %sign3A_420 : i1 to i32
      %sign3A_422 = arith.constant 0 : i32
      %sign3A_423 = arith.cmpi slt, %scan3A_416, %sign3A_422 : i32
      %sign3A_424 = arith.extui %sign3A_423 : i1 to i32
      %sign3A_425 = arith.subi %sign3A_421, %sign3A_424 : i32
      %sign3A_426 = arith.constant 0 : i32
      %sign3A_427 = arith.cmpi sgt, %jit3A_417, %sign3A_426 : i32
      %sign3A_428 = arith.extui %sign3A_427 : i1 to i32
      %sign3A_429 = arith.constant 0 : i32
      %sign3A_430 = arith.cmpi slt, %jit3A_417, %sign3A_429 : i32
      %sign3A_431 = arith.extui %sign3A_430 : i1 to i32
      %sign3A_432 = arith.subi %sign3A_428, %sign3A_431 : i32
      %ne3A_433 = arith.cmpi ne, %sign3A_425, %sign3A_432 : i32
      %rem3A_434 = arith.remsi %scan3A_416, %jit3A_417 : i32
      %ne3A_435 = arith.constant 0 : i32
      %ne3A_436 = arith.cmpi ne, %rem3A_434, %ne3A_435 : i32
      %and3A_437 = arith.andi %ne3A_433, %ne3A_436 : i1
      %sub3A_438 = arith.constant 1 : i32
      %sub3A_439 = arith.subi %div3A_418, %sub3A_438 : i32
      %select_n3A_440 = arith.select %and3A_437, %sub3A_439, %div3A_418 : i32
      %jit3A_441 = arith.constant 8 : i32
      %eq3A_442 = arith.constant 0 : i32
      %eq3A_443 = arith.cmpi eq, %jit3A_441, %eq3A_442 : i32
      %jit3A_444 = arith.constant 1 : i32
      %select_n3A_445 = arith.select %eq3A_443, %jit3A_444, %jit3A_441 : i32
      %rem3A_446 = arith.remsi %scan3A_416, %select_n3A_445 : i32
      %ne3A_447 = arith.constant 0 : i32
      %ne3A_448 = arith.cmpi ne, %rem3A_446, %ne3A_447 : i32
      %lt3A_449 = arith.constant 0 : i32
      %lt3A_450 = arith.cmpi slt, %rem3A_446, %lt3A_449 : i32
      %lt3A_451 = arith.constant 0 : i32
      %lt3A_452 = arith.cmpi slt, %select_n3A_445, %lt3A_451 : i32
      %ne3A_453 = arith.xori %lt3A_450, %lt3A_452 : i1
      %and3A_454 = arith.andi %ne3A_453, %ne3A_448 : i1
      %add3A_455 = arith.addi %rem3A_446, %select_n3A_445 : i32
      %select_n3A_456 = arith.select %and3A_454, %add3A_455, %rem3A_446 : i32
      %mul3A_457 = arith.constant 16 : i32
      %mul3A_458 = arith.muli %select_n3A_456, %mul3A_457 : i32
      %swap3A_459 = arith.index_cast %select_n3A_440 : i32 to index
      %swap3A_460 = arith.index_cast %mul3A_458 : i32 to index
      %swap3A_461 = tpu.vector_load %arg9[%swap3A_459, %swap3A_460] {strides = array<i32>} : memref<80x128xf32, #tpu.memory_space<vmem>>, vector<16xf32>,
      tpu.vector_store %arg9[%swap3A_459, %swap3A_460], %broadcast_in_dim3A_4 {strides = array<i32>} : memref<80x128xf32, #tpu.memory_space<vmem>>, vector<16xf32>,
    }
    %scan3A_8 = arith.constant 640 : i32
    %mul3A_9 = arith.constant 640 : i32
    %mul3A_10 = arith.muli %arg1, %mul3A_9 : i32
    %add3A_11 = arith.constant 0 : i32
    %add3A_12 = arith.addi %mul3A_10, %add3A_11 : i32
    "tpu.region"() ({
      %run_scoped3A = tpu.sem_alloc : memref<!tpu.dma_semaphore, #tpu.memory_space<semaphore_mem>>
      %dma_start3A_98 = arith.constant 0 : i32
      %dma_start3A_99 = tpu.memref_slice %arg11[%add3A_12, %dma_start3A_98] : memref<10240x128xf32, #tpu.memory_space<vmem_shared>> -> memref<80x128xf32, #tpu.memory_space<vmem_shared>>
      %dma_start3A_100 = arith.constant 0 : i32
      %dma_start3A_101 = tpu.memref_slice %arg11[%add3A_12, %dma_start3A_100] : memref<10240x128xf32, #tpu.memory_space<vmem_shared>> -> memref<80x128xf32, #tpu.memory_space<vmem_shared>>
      tpu.enqueue_dma source(%arg9 : memref<80x128xf32, #tpu.memory_space<vmem>>) target(%dma_start3A_101 : memref<80x128xf32, #tpu.memory_space<vmem_shared>>) target_semaphore(%run_scoped3A : memref<!tpu.dma_semaphore, #tpu.memory_space<semaphore_mem>>)
      %dma_wait3A_102 = arith.constant 0 : i32
      %dma_wait3A_103 = tpu.memref_slice %arg11[%add3A_12, %dma_wait3A_102] : memref<10240x128xf32, #tpu.memory_space<vmem_shared>> -> memref<80x128xf32, #tpu.memory_space<vmem_shared>>
      %dma_wait3A_104 = arith.constant 0 : i32
      %dma_wait3A_105 = tpu.memref_slice %arg11[%add3A_12, %dma_wait3A_104] : memref<10240x128xf32, #tpu.memory_space<vmem_shared>> -> memref<80x128xf32, #tpu.memory_space<vmem_shared>>
      tpu.wait_dma2 semaphore(%run_scoped3A : memref<!tpu.dma_semaphore, #tpu.memory_space<semaphore_mem>>) src(%arg9 : memref<80x128xf32, #tpu.memory_space<vmem>>) dst(%dma_wait3A_105 : memref<80x128xf32, #tpu.memory_space<vmem_shared>>)
      tpu.yield
    }) : () -> ()
    %add3A_13 = arith.constant 80 : i32
    %add3A_14 = arith.addi %mul3A_10, %add3A_13 : i32
    "tpu.region"() ({
      %run_scoped3A = tpu.sem_alloc : memref<!tpu.dma_semaphore, #tpu.memory_space<semaphore_mem>>
      %dma_start3A_98 = arith.constant 0 : i32
      %dma_start3A_99 = tpu.memref_slice %arg11[%add3A_14, %dma_start3A_98] : memref<10240x128xf32, #tpu.memory_space<vmem_shared>> -> memref<80x128xf32, #tpu.memory_space<vmem_shared>>
      %dma_start3A_100 = arith.constant 0 : i32
      %dma_start3A_101 = tpu.memref_slice %arg11[%add3A_14, %dma_start3A_100] : memref<10240x128xf32, #tpu.memory_space<vmem_shared>> -> memref<80x128xf32, #tpu.memory_space<vmem_shared>>
      tpu.enqueue_dma source(%arg9 : memref<80x128xf32, #tpu.memory_space<vmem>>) target(%dma_start3A_101 : memref<80x128xf32, #tpu.memory_space<vmem_shared>>) target_semaphore(%run_scoped3A : memref<!tpu.dma_semaphore, #tpu.memory_space<semaphore_mem>>)
      %dma_wait3A_102 = arith.constant 0 : i32
      %dma_wait3A_103 = tpu.memref_slice %arg11[%add3A_14, %dma_wait3A_102] : memref<10240x128xf32, #tpu.memory_space<vmem_shared>> -> memref<80x128xf32, #tpu.memory_space<vmem_shared>>
      %dma_wait3A_104 = arith.constant 0 : i32
      %dma_wait3A_105 = tpu.memref_slice %arg11[%add3A_14, %dma_wait3A_104] : memref<10240x128xf32, #tpu.memory_space<vmem_shared>> -> memref<80x128xf32, #tpu.memory_space<vmem_shared>>
      tpu.wait_dma2 semaphore(%run_scoped3A : memref<!tpu.dma_semaphore, #tpu.memory_space<semaphore_mem>>) src(%arg9 : memref<80x128xf32, #tpu.memory_space<vmem>>) dst(%dma_wait3A_105 : memref<80x128xf32, #tpu.memory_space<vmem_shared>>)
      tpu.yield
    }) : () -> ()
    %add3A_15 = arith.constant 160 : i32
    %add3A_16 = arith.addi %mul3A_10, %add3A_15 : i32
    "tpu.region"() ({
      %run_scoped3A = tpu.sem_alloc : memref<!tpu.dma_semaphore, #tpu.memory_space<semaphore_mem>>
      %dma_start3A_98 = arith.constant 0 : i32
      %dma_start3A_99 = tpu.memref_slice %arg11[%add3A_16, %dma_start3A_98] : memref<10240x128xf32, #tpu.memory_space<vmem_shared>> -> memref<80x128xf32, #tpu.memory_space<vmem_shared>>
      %dma_start3A_100 = arith.constant 0 : i32
      %dma_start3A_101 = tpu.memref_slice %arg11[%add3A_16, %dma_start3A_100] : memref<10240x128xf32, #tpu.memory_space<vmem_shared>> -> memref<80x128xf32, #tpu.memory_space<vmem_shared>>
      tpu.enqueue_dma source(%arg9 : memref<80x128xf32, #tpu.memory_space<vmem>>) target(%dma_start3A_101 : memref<80x128xf32, #tpu.memory_space<vmem_shared>>) target_semaphore(%run_scoped3A : memref<!tpu.dma_semaphore, #tpu.memory_space<semaphore_mem>>)
      %dma_wait3A_102 = arith.constant 0 : i32
      %dma_wait3A_103 = tpu.memref_slice %arg11[%add3A_16, %dma_wait3A_102] : memref<10240x128xf32, #tpu.memory_space<vmem_shared>> -> memref<80x128xf32, #tpu.memory_space<vmem_shared>>
      %dma_wait3A_104 = arith.constant 0 : i32
      %dma_wait3A_105 = tpu.memref_slice %arg11[%add3A_16, %dma_wait3A_104] : memref<10240x128xf32, #tpu.memory_space<vmem_shared>> -> memref<80x128xf32, #tpu.memory_space<vmem_shared>>
      tpu.wait_dma2 semaphore(%run_scoped3A : memref<!tpu.dma_semaphore, #tpu.memory_space<semaphore_mem>>) src(%arg9 : memref<80x128xf32, #tpu.memory_space<vmem>>) dst(%dma_wait3A_105 : memref<80x128xf32, #tpu.memory_space<vmem_shared>>)
      tpu.yield
    }) : () -> ()
    %add3A_17 = arith.constant 240 : i32
    %add3A_18 = arith.addi %mul3A_10, %add3A_17 : i32
    "tpu.region"() ({
      %run_scoped3A = tpu.sem_alloc : memref<!tpu.dma_semaphore, #tpu.memory_space<semaphore_mem>>
      %dma_start3A_98 = arith.constant 0 : i32
      %dma_start3A_99 = tpu.memref_slice %arg11[%add3A_18, %dma_start3A_98] : memref<10240x128xf32, #tpu.memory_space<vmem_shared>> -> memref<80x128xf32, #tpu.memory_space<vmem_shared>>
      %dma_start3A_100 = arith.constant 0 : i32
      %dma_start3A_101 = tpu.memref_slice %arg11[%add3A_18, %dma_start3A_100] : memref<10240x128xf32, #tpu.memory_space<vmem_shared>> -> memref<80x128xf32, #tpu.memory_space<vmem_shared>>
      tpu.enqueue_dma source(%arg9 : memref<80x128xf32, #tpu.memory_space<vmem>>) target(%dma_start3A_101 : memref<80x128xf32, #tpu.memory_space<vmem_shared>>) target_semaphore(%run_scoped3A : memref<!tpu.dma_semaphore, #tpu.memory_space<semaphore_mem>>)
      %dma_wait3A_102 = arith.constant 0 : i32
      %dma_wait3A_103 = tpu.memref_slice %arg11[%add3A_18, %dma_wait3A_102] : memref<10240x128xf32, #tpu.memory_space<vmem_shared>> -> memref<80x128xf32, #tpu.memory_space<vmem_shared>>
      %dma_wait3A_104 = arith.constant 0 : i32
      %dma_wait3A_105 = tpu.memref_slice %arg11[%add3A_18, %dma_wait3A_104] : memref<10240x128xf32, #tpu.memory_space<vmem_shared>> -> memref<80x128xf32, #tpu.memory_space<vmem_shared>>
      tpu.wait_dma2 semaphore(%run_scoped3A : memref<!tpu.dma_semaphore, #tpu.memory_space<semaphore_mem>>) src(%arg9 : memref<80x128xf32, #tpu.memory_space<vmem>>) dst(%dma_wait3A_105 : memref<80x128xf32, #tpu.memory_space<vmem_shared>>)
      tpu.yield
    }) : () -> ()
    %add3A_19 = arith.constant 320 : i32
    %add3A_20 = arith.addi %mul3A_10, %add3A_19 : i32
    "tpu.region"() ({
      %run_scoped3A = tpu.sem_alloc : memref<!tpu.dma_semaphore, #tpu.memory_space<semaphore_mem>>
      %dma_start3A_98 = arith.constant 0 : i32
      %dma_start3A_99 = tpu.memref_slice %arg11[%add3A_20, %dma_start3A_98] : memref<10240x128xf32, #tpu.memory_space<vmem_shared>> -> memref<80x128xf32, #tpu.memory_space<vmem_shared>>
      %dma_start3A_100 = arith.constant 0 : i32
      %dma_start3A_101 = tpu.memref_slice %arg11[%add3A_20, %dma_start3A_100] : memref<10240x128xf32, #tpu.memory_space<vmem_shared>> -> memref<80x128xf32, #tpu.memory_space<vmem_shared>>
      tpu.enqueue_dma source(%arg9 : memref<80x128xf32, #tpu.memory_space<vmem>>) target(%dma_start3A_101 : memref<80x128xf32, #tpu.memory_space<vmem_shared>>) target_semaphore(%run_scoped3A : memref<!tpu.dma_semaphore, #tpu.memory_space<semaphore_mem>>)
      %dma_wait3A_102 = arith.constant 0 : i32
      %dma_wait3A_103 = tpu.memref_slice %arg11[%add3A_20, %dma_wait3A_102] : memref<10240x128xf32, #tpu.memory_space<vmem_shared>> -> memref<80x128xf32, #tpu.memory_space<vmem_shared>>
      %dma_wait3A_104 = arith.constant 0 : i32
      %dma_wait3A_105 = tpu.memref_slice %arg11[%add3A_20, %dma_wait3A_104] : memref<10240x128xf32, #tpu.memory_space<vmem_shared>> -> memref<80x128xf32, #tpu.memory_space<vmem_shared>>
      tpu.wait_dma2 semaphore(%run_scoped3A : memref<!tpu.dma_semaphore, #tpu.memory_space<semaphore_mem>>) src(%arg9 : memref<80x128xf32, #tpu.memory_space<vmem>>) dst(%dma_wait3A_105 : memref<80x128xf32, #tpu.memory_space<vmem_shared>>)
      tpu.yield
    }) : () -> ()
    %add3A_21 = arith.constant 400 : i32
    %add3A_22 = arith.addi %mul3A_10, %add3A_21 : i32
    "tpu.region"() ({
      %run_scoped3A = tpu.sem_alloc : memref<!tpu.dma_semaphore, #tpu.memory_space<semaphore_mem>>
      %dma_start3A_98 = arith.constant 0 : i32
      %dma_start3A_99 = tpu.memref_slice %arg11[%add3A_22, %dma_start3A_98] : memref<10240x128xf32, #tpu.memory_space<vmem_shared>> -> memref<80x128xf32, #tpu.memory_space<vmem_shared>>
      %dma_start3A_100 = arith.constant 0 : i32
      %dma_start3A_101 = tpu.memref_slice %arg11[%add3A_22, %dma_start3A_100] : memref<10240x128xf32, #tpu.memory_space<vmem_shared>> -> memref<80x128xf32, #tpu.memory_space<vmem_shared>>
      tpu.enqueue_dma source(%arg9 : memref<80x128xf32, #tpu.memory_space<vmem>>) target(%dma_start3A_101 : memref<80x128xf32, #tpu.memory_space<vmem_shared>>) target_semaphore(%run_scoped3A : memref<!tpu.dma_semaphore, #tpu.memory_space<semaphore_mem>>)
      %dma_wait3A_102 = arith.constant 0 : i32
      %dma_wait3A_103 = tpu.memref_slice %arg11[%add3A_22, %dma_wait3A_102] : memref<10240x128xf32, #tpu.memory_space<vmem_shared>> -> memref<80x128xf32, #tpu.memory_space<vmem_shared>>
      %dma_wait3A_104 = arith.constant 0 : i32
      %dma_wait3A_105 = tpu.memref_slice %arg11[%add3A_22, %dma_wait3A_104] : memref<10240x128xf32, #tpu.memory_space<vmem_shared>> -> memref<80x128xf32, #tpu.memory_space<vmem_shared>>
      tpu.wait_dma2 semaphore(%run_scoped3A : memref<!tpu.dma_semaphore, #tpu.memory_space<semaphore_mem>>) src(%arg9 : memref<80x128xf32, #tpu.memory_space<vmem>>) dst(%dma_wait3A_105 : memref<80x128xf32, #tpu.memory_space<vmem_shared>>)
      tpu.yield
    }) : () -> ()
    %add3A_23 = arith.constant 480 : i32
    %add3A_24 = arith.addi %mul3A_10, %add3A_23 : i32
    "tpu.region"() ({
      %run_scoped3A = tpu.sem_alloc : memref<!tpu.dma_semaphore, #tpu.memory_space<semaphore_mem>>
      %dma_start3A_98 = arith.constant 0 : i32
      %dma_start3A_99 = tpu.memref_slice %arg11[%add3A_24, %dma_start3A_98] : memref<10240x128xf32, #tpu.memory_space<vmem_shared>> -> memref<80x128xf32, #tpu.memory_space<vmem_shared>>
      %dma_start3A_100 = arith.constant 0 : i32
      %dma_start3A_101 = tpu.memref_slice %arg11[%add3A_24, %dma_start3A_100] : memref<10240x128xf32, #tpu.memory_space<vmem_shared>> -> memref<80x128xf32, #tpu.memory_space<vmem_shared>>
      tpu.enqueue_dma source(%arg9 : memref<80x128xf32, #tpu.memory_space<vmem>>) target(%dma_start3A_101 : memref<80x128xf32, #tpu.memory_space<vmem_shared>>) target_semaphore(%run_scoped3A : memref<!tpu.dma_semaphore, #tpu.memory_space<semaphore_mem>>)
      %dma_wait3A_102 = arith.constant 0 : i32
      %dma_wait3A_103 = tpu.memref_slice %arg11[%add3A_24, %dma_wait3A_102] : memref<10240x128xf32, #tpu.memory_space<vmem_shared>> -> memref<80x128xf32, #tpu.memory_space<vmem_shared>>
      %dma_wait3A_104 = arith.constant 0 : i32
      %dma_wait3A_105 = tpu.memref_slice %arg11[%add3A_24, %dma_wait3A_104] : memref<10240x128xf32, #tpu.memory_space<vmem_shared>> -> memref<80x128xf32, #tpu.memory_space<vmem_shared>>
      tpu.wait_dma2 semaphore(%run_scoped3A : memref<!tpu.dma_semaphore, #tpu.memory_space<semaphore_mem>>) src(%arg9 : memref<80x128xf32, #tpu.memory_space<vmem>>) dst(%dma_wait3A_105 : memref<80x128xf32, #tpu.memory_space<vmem_shared>>)
      tpu.yield
    }) : () -> ()
    %add3A_25 = arith.constant 560 : i32
    %add3A_26 = arith.addi %mul3A_10, %add3A_25 : i32
    "tpu.region"() ({
      %run_scoped3A = tpu.sem_alloc : memref<!tpu.dma_semaphore, #tpu.memory_space<semaphore_mem>>
      %dma_start3A_98 = arith.constant 0 : i32
      %dma_start3A_99 = tpu.memref_slice %arg11[%add3A_26, %dma_start3A_98] : memref<10240x128xf32, #tpu.memory_space<vmem_shared>> -> memref<80x128xf32, #tpu.memory_space<vmem_shared>>
      %dma_start3A_100 = arith.constant 0 : i32
      %dma_start3A_101 = tpu.memref_slice %arg11[%add3A_26, %dma_start3A_100] : memref<10240x128xf32, #tpu.memory_space<vmem_shared>> -> memref<80x128xf32, #tpu.memory_space<vmem_shared>>
      tpu.enqueue_dma source(%arg9 : memref<80x128xf32, #tpu.memory_space<vmem>>) target(%dma_start3A_101 : memref<80x128xf32, #tpu.memory_space<vmem_shared>>) target_semaphore(%run_scoped3A : memref<!tpu.dma_semaphore, #tpu.memory_space<semaphore_mem>>)
      %dma_wait3A_102 = arith.constant 0 : i32
      %dma_wait3A_103 = tpu.memref_slice %arg11[%add3A_26, %dma_wait3A_102] : memref<10240x128xf32, #tpu.memory_space<vmem_shared>> -> memref<80x128xf32, #tpu.memory_space<vmem_shared>>
      %dma_wait3A_104 = arith.constant 0 : i32
      %dma_wait3A_105 = tpu.memref_slice %arg11[%add3A_26, %dma_wait3A_104] : memref<10240x128xf32, #tpu.memory_space<vmem_shared>> -> memref<80x128xf32, #tpu.memory_space<vmem_shared>>
      tpu.wait_dma2 semaphore(%run_scoped3A : memref<!tpu.dma_semaphore, #tpu.memory_space<semaphore_mem>>) src(%arg9 : memref<80x128xf32, #tpu.memory_space<vmem>>) dst(%dma_wait3A_105 : memref<80x128xf32, #tpu.memory_space<vmem_shared>>)
      tpu.yield
    }) : () -> ()
    %dma_wait3A = tpu.memref_slice %arg2[%add3A] : memref<320000xi32, #tpu.memory_space<hbm>> -> memref<10000xi32, #tpu.memory_space<hbm>>
    %dma_wait3A_27 = tpu.memref_slice %arg2[%add3A] : memref<320000xi32, #tpu.memory_space<hbm>> -> memref<10000xi32, #tpu.memory_space<hbm>>
    tpu.wait_dma2 semaphore(%arg12 : memref<!tpu.dma_semaphore, #tpu.memory_space<semaphore_mem>>) src(%dma_wait3A_27 : memref<10000xi32, #tpu.memory_space<hbm>>) dst(%arg6 : memref<10000xi32, #tpu.memory_space<vmem>>)
    %barrier3A = arith.constant 0 : index
    tpu.barrier barrier_id(%barrier3A)
    %dma_start3A_28 = tpu.memref_slice %arg3[%add3A] : memref<320000xi32, #tpu.memory_space<hbm>> -> memref<80xi32, #tpu.memory_space<hbm>>
    %dma_start3A_29 = tpu.memref_slice %arg3[%add3A] : memref<320000xi32, #tpu.memory_space<hbm>> -> memref<80xi32, #tpu.memory_space<hbm>>
    tpu.enqueue_dma source(%dma_start3A_29 : memref<80xi32, #tpu.memory_space<hbm>>) target(%arg7 : memref<80xi32, #tpu.memory_space<vmem>>) target_semaphore(%arg13 : memref<!tpu.dma_semaphore, #tpu.memory_space<semaphore_mem>>)
    %dma_start3A_30 = arith.constant 0 : i32
    %dma_start3A_31 = tpu.memref_slice %arg6[%dma_start3A_30] : memref<10000xi32, #tpu.memory_space<vmem>> -> memref<80xi32, #tpu.memory_space<vmem>>
    %dma_start3A_32 = arith.constant 0 : i32
    %dma_start3A_33 = arith.constant 0 : i32
    %dma_start3A_34 = tpu.memref_slice %arg4[%dma_start3A_32, %dma_start3A_33] : memref<10240x128xf32, #tpu.memory_space<hbm>> -> memref<10240x128xf32, #tpu.memory_space<hbm>>
    tpu.enqueue_indirect_dma source(%dma_start3A_34 : memref<10240x128xf32, #tpu.memory_space<hbm>>) target(%arg9 : memref<80x128xf32, #tpu.memory_space<vmem>>) offsets(%dma_start3A_31 : memref<80xi32, #tpu.memory_space<vmem>>) semaphore(%arg14 : memref<!tpu.dma_semaphore, #tpu.memory_space<semaphore_mem>>)
    %add3A_35 = arith.constant 80 : i32
    %add3A_36 = arith.addi %add3A, %add3A_35 : i32
    %dma_start3A_37 = tpu.memref_slice %arg3[%add3A_36] : memref<320000xi32, #tpu.memory_space<hbm>> -> memref<80xi32, #tpu.memory_space<hbm>>
    %dma_start3A_38 = tpu.memref_slice %arg3[%add3A_36] : memref<320000xi32, #tpu.memory_space<hbm>> -> memref<80xi32, #tpu.memory_space<hbm>>
    tpu.enqueue_dma source(%dma_start3A_38 : memref<80xi32, #tpu.memory_space<hbm>>) target(%arg8 : memref<80xi32, #tpu.memory_space<vmem>>) target_semaphore(%arg13 : memref<!tpu.dma_semaphore, #tpu.memory_space<semaphore_mem>>)
    %dma_start3A_39 = arith.constant 80 : i32
    %dma_start3A_40 = tpu.memref_slice %arg6[%dma_start3A_39] : memref<10000xi32, #tpu.memory_space<vmem>> -> memref<80xi32, #tpu.memory_space<vmem>>
    %dma_start3A_41 = arith.constant 0 : i32
    %dma_start3A_42 = arith.constant 0 : i32
    %dma_start3A_43 = tpu.memref_slice %arg4[%dma_start3A_41, %dma_start3A_42] : memref<10240x128xf32, #tpu.memory_space<hbm>> -> memref<10240x128xf32, #tpu.memory_space<hbm>>
    tpu.enqueue_indirect_dma source(%dma_start3A_43 : memref<10240x128xf32, #tpu.memory_space<hbm>>) target(%arg10 : memref<80x128xf32, #tpu.memory_space<vmem>>) offsets(%dma_start3A_40 : memref<80xi32, #tpu.memory_space<vmem>>) semaphore(%arg15 : memref<!tpu.dma_semaphore, #tpu.memory_space<semaphore_mem>>)
    %dma_wait3A_44 = arith.constant 0 : i32
    %dma_wait3A_45 = tpu.memref_slice %arg6[%dma_wait3A_44] : memref<10000xi32, #tpu.memory_space<vmem>> -> memref<80xi32, #tpu.memory_space<vmem>>
    %dma_wait3A_46 = arith.constant 0 : i32
    %dma_wait3A_47 = arith.constant 0 : i32
    %dma_wait3A_48 = tpu.memref_slice %arg4[%dma_wait3A_46, %dma_wait3A_47] : memref<10240x128xf32, #tpu.memory_space<hbm>> -> memref<10240x128xf32, #tpu.memory_space<hbm>>
    tpu.wait_indirect_dma semaphore(%arg14 : memref<!tpu.dma_semaphore, #tpu.memory_space<semaphore_mem>>) src(%dma_wait3A_48 : memref<10240x128xf32, #tpu.memory_space<hbm>>) dst(%arg9 : memref<80x128xf32, #tpu.memory_space<vmem>>)
    %add3A_49 = arith.constant 0 : i32
    %add3A_50 = arith.addi %add3A, %add3A_49 : i32
    %dma_wait3A_51 = tpu.memref_slice %arg3[%add3A_50] : memref<320000xi32, #tpu.memory_space<hbm>> -> memref<80xi32, #tpu.memory_space<hbm>>
    %dma_wait3A_52 = tpu.memref_slice %arg3[%add3A_50] : memref<320000xi32, #tpu.memory_space<hbm>> -> memref<80xi32, #tpu.memory_space<hbm>>
    tpu.wait_dma2 semaphore(%arg13 : memref<!tpu.dma_semaphore, #tpu.memory_space<semaphore_mem>>) src(%dma_wait3A_52 : memref<80xi32, #tpu.memory_space<hbm>>) dst(%arg7 : memref<80xi32, #tpu.memory_space<vmem>>)
    %dma_start3A_53 = arith.constant 0 : i32
    %dma_start3A_54 = arith.constant 0 : i32
    %dma_start3A_55 = tpu.memref_slice %arg11[%dma_start3A_53, %dma_start3A_54] : memref<10240x128xf32, #tpu.memory_space<vmem_shared>> -> memref<10240x128xf32, #tpu.memory_space<vmem_shared>>
    tpu.enqueue_indirect_dma source(%arg9 : memref<80x128xf32, #tpu.memory_space<vmem>>) target(%dma_start3A_55 : memref<10240x128xf32, #tpu.memory_space<vmem_shared>>) offsets(%arg7 : memref<80xi32, #tpu.memory_space<vmem>>) semaphore(%arg16 : memref<!tpu.dma_semaphore, #tpu.memory_space<semaphore_mem>>) {add = true}
    %dma_wait3A_56 = arith.constant 0 : i32
    %dma_wait3A_57 = arith.constant 0 : i32
    %dma_wait3A_58 = tpu.memref_slice %arg11[%dma_wait3A_56, %dma_wait3A_57] : memref<10240x128xf32, #tpu.memory_space<vmem_shared>> -> memref<10240x128xf32, #tpu.memory_space<vmem_shared>>
    tpu.wait_indirect_dma semaphore(%arg16 : memref<!tpu.dma_semaphore, #tpu.memory_space<semaphore_mem>>) src(%arg9 : memref<80x128xf32, #tpu.memory_space<vmem>>) dst(%dma_wait3A_58 : memref<10240x128xf32, #tpu.memory_space<vmem_shared>>)
    %add3A_59 = arith.constant 160 : i32
    %add3A_60 = arith.addi %add3A, %add3A_59 : i32
    %dma_start3A_61 = tpu.memref_slice %arg3[%add3A_60] : memref<320000xi32, #tpu.memory_space<hbm>> -> memref<80xi32, #tpu.memory_space<hbm>>
    %dma_start3A_62 = tpu.memref_slice %arg3[%add3A_60] : memref<320000xi32, #tpu.memory_space<hbm>> -> memref<80xi32, #tpu.memory_space<hbm>>
    tpu.enqueue_dma source(%dma_start3A_62 : memref<80xi32, #tpu.memory_space<hbm>>) target(%arg7 : memref<80xi32, #tpu.memory_space<vmem>>) target_semaphore(%arg13 : memref<!tpu.dma_semaphore, #tpu.memory_space<semaphore_mem>>)
    %dma_start3A_63 = arith.constant 160 : i32
    %dma_start3A_64 = tpu.memref_slice %arg6[%dma_start3A_63] : memref<10000xi32, #tpu.memory_space<vmem>> -> memref<80xi32, #tpu.memory_space<vmem>>
    %dma_start3A_65 = arith.constant 0 : i32
    %dma_start3A_66 = arith.constant 0 : i32
    %dma_start3A_67 = tpu.memref_slice %arg4[%dma_start3A_65, %dma_start3A_66] : memref<10240x128xf32, #tpu.memory_space<hbm>> -> memref<10240x128xf32, #tpu.memory_space<hbm>>
    tpu.enqueue_indirect_dma source(%dma_start3A_67 : memref<10240x128xf32, #tpu.memory_space<hbm>>) target(%arg9 : memref<80x128xf32, #tpu.memory_space<vmem>>) offsets(%dma_start3A_64 : memref<80xi32, #tpu.memory_space<vmem>>) semaphore(%arg14 : memref<!tpu.dma_semaphore, #tpu.memory_space<semaphore_mem>>)
    %dma_wait3A_68 = arith.constant 80 : i32
    %dma_wait3A_69 = tpu.memref_slice %arg6[%dma_wait3A_68] : memref<10000xi32, #tpu.memory_space<vmem>> -> memref<80xi32, #tpu.memory_space<vmem>>
    %dma_wait3A_70 = arith.constant 0 : i32
    %dma_wait3A_71 = arith.constant 0 : i32
    %dma_wait3A_72 = tpu.memref_slice %arg4[%dma_wait3A_70, %dma_wait3A_71] : memref<10240x128xf32, #tpu.memory_space<hbm>> -> memref<10240x128xf32, #tpu.memory_space<hbm>>
    tpu.wait_indirect_dma semaphore(%arg15 : memref<!tpu.dma_semaphore, #tpu.memory_space<semaphore_mem>>) src(%dma_wait3A_72 : memref<10240x128xf32, #tpu.memory_space<hbm>>) dst(%arg10 : memref<80x128xf32, #tpu.memory_space<vmem>>)
    %add3A_73 = arith.constant 80 : i32
    %add3A_74 = arith.addi %add3A, %add3A_73 : i32
    %dma_wait3A_75 = tpu.memref_slice %arg3[%add3A_74] : memref<320000xi32, #tpu.memory_space<hbm>> -> memref<80xi32, #tpu.memory_space<hbm>>
    %dma_wait3A_76 = tpu.memref_slice %arg3[%add3A_74] : memref<320000xi32, #tpu.memory_space<hbm>> -> memref<80xi32, #tpu.memory_space<hbm>>
    tpu.wait_dma2 semaphore(%arg13 : memref<!tpu.dma_semaphore, #tpu.memory_space<semaphore_mem>>) src(%dma_wait3A_76 : memref<80xi32, #tpu.memory_space<hbm>>) dst(%arg8 : memref<80xi32, #tpu.memory_space<vmem>>)
    %dma_start3A_77 = arith.constant 0 : i32
    %dma_start3A_78 = arith.constant 0 : i32
    %dma_start3A_79 = tpu.memref_slice %arg11[%dma_start3A_77, %dma_start3A_78] : memref<10240x128xf32, #tpu.memory_space<vmem_shared>> -> memref<10240x128xf32, #tpu.memory_space<vmem_shared>>
    tpu.enqueue_indirect_dma source(%arg10 : memref<80x128xf32, #tpu.memory_space<vmem>>) target(%dma_start3A_79 : memref<10240x128xf32, #tpu.memory_space<vmem_shared>>) offsets(%arg8 : memref<80xi32, #tpu.memory_space<vmem>>) semaphore(%arg17 : memref<!tpu.dma_semaphore, #tpu.memory_space<semaphore_mem>>) {add = true}
    %scan3A_80 = arith.constant 1 : i32
    %scan3A_81 = arith.constant 61 : i32
    %scan3A_82 = arith.addi %scan3A_80, %scan3A_81 : i32
    %scan3A_83 = arith.constant 1 : i32
    scf.for %scan3A_98 = %scan3A_80 to %scan3A_82 step %scan3A_83  : i32 {
      %mul3A_99 = arith.constant 2 : i32
      %mul3A_100 = arith.muli %scan3A_98, %mul3A_99 : i32
      %dma_wait3A_101 = arith.constant 0 : i32
      %dma_wait3A_102 = arith.constant 0 : i32
      %dma_wait3A_103 = tpu.memref_slice %arg11[%dma_wait3A_101, %dma_wait3A_102] : memref<10240x128xf32, #tpu.memory_space<vmem_shared>> -> memref<10240x128xf32, #tpu.memory_space<vmem_shared>>
      tpu.wait_indirect_dma semaphore(%arg17 : memref<!tpu.dma_semaphore, #tpu.memory_space<semaphore_mem>>) src(%arg10 : memref<80x128xf32, #tpu.memory_space<vmem>>) dst(%dma_wait3A_103 : memref<10240x128xf32, #tpu.memory_space<vmem_shared>>)
      %add3A_104 = arith.constant 1 : i32
      %add3A_105 = arith.addi %mul3A_100, %add3A_104 : i32
      %mul3A_106 = arith.constant 80 : i32
      %mul3A_107 = arith.muli %add3A_105, %mul3A_106 : i32
      %add3A_108 = arith.addi %add3A, %mul3A_107 : i32
      %dma_start3A_109 = tpu.memref_slice %arg3[%add3A_108] : memref<320000xi32, #tpu.memory_space<hbm>> -> memref<80xi32, #tpu.memory_space<hbm>>
      %dma_start3A_110 = tpu.memref_slice %arg3[%add3A_108] : memref<320000xi32, #tpu.memory_space<hbm>> -> memref<80xi32, #tpu.memory_space<hbm>>
      tpu.enqueue_dma source(%dma_start3A_110 : memref<80xi32, #tpu.memory_space<hbm>>) target(%arg8 : memref<80xi32, #tpu.memory_space<vmem>>) target_semaphore(%arg13 : memref<!tpu.dma_semaphore, #tpu.memory_space<semaphore_mem>>)
      %add3A_111 = arith.constant 1 : i32
      %add3A_112 = arith.addi %mul3A_100, %add3A_111 : i32
      %mul3A_113 = arith.constant 80 : i32
      %mul3A_114 = arith.muli %add3A_112, %mul3A_113 : i32
      %dma_start3A_115 = tpu.memref_slice %arg6[%mul3A_114] : memref<10000xi32, #tpu.memory_space<vmem>> -> memref<80xi32, #tpu.memory_space<vmem>>
      %dma_start3A_116 = arith.constant 0 : i32
      %dma_start3A_117 = arith.constant 0 : i32
      %dma_start3A_118 = tpu.memref_slice %arg4[%dma_start3A_116, %dma_start3A_117] : memref<10240x128xf32, #tpu.memory_space<hbm>> -> memref<10240x128xf32, #tpu.memory_space<hbm>>
      tpu.enqueue_indirect_dma source(%dma_start3A_118 : memref<10240x128xf32, #tpu.memory_space<hbm>>) target(%arg10 : memref<80x128xf32, #tpu.memory_space<vmem>>) offsets(%dma_start3A_115 : memref<80xi32, #tpu.memory_space<vmem>>) semaphore(%arg15 : memref<!tpu.dma_semaphore, #tpu.memory_space<semaphore_mem>>)
      %mul3A_119 = arith.constant 80 : i32
      %mul3A_120 = arith.muli %mul3A_100, %mul3A_119 : i32
      %dma_wait3A_121 = tpu.memref_slice %arg6[%mul3A_120] : memref<10000xi32, #tpu.memory_space<vmem>> -> memref<80xi32, #tpu.memory_space<vmem>>
      %dma_wait3A_122 = arith.constant 0 : i32
      %dma_wait3A_123 = arith.constant 0 : i32
      %dma_wait3A_124 = tpu.memref_slice %arg4[%dma_wait3A_122, %dma_wait3A_123] : memref<10240x128xf32, #tpu.memory_space<hbm>> -> memref<10240x128xf32, #tpu.memory_space<hbm>>
      tpu.wait_indirect_dma semaphore(%arg14 : memref<!tpu.dma_semaphore, #tpu.memory_space<semaphore_mem>>) src(%dma_wait3A_124 : memref<10240x128xf32, #tpu.memory_space<hbm>>) dst(%arg9 : memref<80x128xf32, #tpu.memory_space<vmem>>)
      %mul3A_125 = arith.constant 80 : i32
      %mul3A_126 = arith.muli %mul3A_100, %mul3A_125 : i32
      %add3A_127 = arith.addi %add3A, %mul3A_126 : i32
      %dma_wait3A_128 = tpu.memref_slice %arg3[%add3A_127] : memref<320000xi32, #tpu.memory_space<hbm>> -> memref<80xi32, #tpu.memory_space<hbm>>
      %dma_wait3A_129 = tpu.memref_slice %arg3[%add3A_127] : memref<320000xi32, #tpu.memory_space<hbm>> -> memref<80xi32, #tpu.memory_space<hbm>>
      tpu.wait_dma2 semaphore(%arg13 : memref<!tpu.dma_semaphore, #tpu.memory_space<semaphore_mem>>) src(%dma_wait3A_129 : memref<80xi32, #tpu.memory_space<hbm>>) dst(%arg7 : memref<80xi32, #tpu.memory_space<vmem>>)
      %dma_start3A_130 = arith.constant 0 : i32
      %dma_start3A_131 = arith.constant 0 : i32
      %dma_start3A_132 = tpu.memref_slice %arg11[%dma_start3A_130, %dma_start3A_131] : memref<10240x128xf32, #tpu.memory_space<vmem_shared>> -> memref<10240x128xf32, #tpu.memory_space<vmem_shared>>
      tpu.enqueue_indirect_dma source(%arg9 : memref<80x128xf32, #tpu.memory_space<vmem>>) target(%dma_start3A_132 : memref<10240x128xf32, #tpu.memory_space<vmem_shared>>) offsets(%arg7 : memref<80xi32, #tpu.memory_space<vmem>>) semaphore(%arg16 : memref<!tpu.dma_semaphore, #tpu.memory_space<semaphore_mem>>) {add = true}
      %mul3A_133 = arith.constant 2 : i32
      %mul3A_134 = arith.muli %scan3A_98, %mul3A_133 : i32
      %add3A_135 = arith.constant 1 : i32
      %add3A_136 = arith.addi %mul3A_134, %add3A_135 : i32
      %dma_wait3A_137 = arith.constant 0 : i32
      %dma_wait3A_138 = arith.constant 0 : i32
      %dma_wait3A_139 = tpu.memref_slice %arg11[%dma_wait3A_137, %dma_wait3A_138] : memref<10240x128xf32, #tpu.memory_space<vmem_shared>> -> memref<10240x128xf32, #tpu.memory_space<vmem_shared>>
      tpu.wait_indirect_dma semaphore(%arg16 : memref<!tpu.dma_semaphore, #tpu.memory_space<semaphore_mem>>) src(%arg9 : memref<80x128xf32, #tpu.memory_space<vmem>>) dst(%dma_wait3A_139 : memref<10240x128xf32, #tpu.memory_space<vmem_shared>>)
      %add3A_140 = arith.constant 1 : i32
      %add3A_141 = arith.addi %add3A_136, %add3A_140 : i32
      %mul3A_142 = arith.constant 80 : i32
      %mul3A_143 = arith.muli %add3A_141, %mul3A_142 : i32
      %add3A_144 = arith.addi %add3A, %mul3A_143 : i32
      %dma_start3A_145 = tpu.memref_slice %arg3[%add3A_144] : memref<320000xi32, #tpu.memory_space<hbm>> -> memref<80xi32, #tpu.memory_space<hbm>>
      %dma_start3A_146 = tpu.memref_slice %arg3[%add3A_144] : memref<320000xi32, #tpu.memory_space<hbm>> -> memref<80xi32, #tpu.memory_space<hbm>>
      tpu.enqueue_dma source(%dma_start3A_146 : memref<80xi32, #tpu.memory_space<hbm>>) target(%arg7 : memref<80xi32, #tpu.memory_space<vmem>>) target_semaphore(%arg13 : memref<!tpu.dma_semaphore, #tpu.memory_space<semaphore_mem>>)
      %add3A_147 = arith.constant 1 : i32
      %add3A_148 = arith.addi %add3A_136, %add3A_147 : i32
      %mul3A_149 = arith.constant 80 : i32
      %mul3A_150 = arith.muli %add3A_148, %mul3A_149 : i32
      %dma_start3A_151 = tpu.memref_slice %arg6[%mul3A_150] : memref<10000xi32, #tpu.memory_space<vmem>> -> memref<80xi32, #tpu.memory_space<vmem>>
      %dma_start3A_152 = arith.constant 0 : i32
      %dma_start3A_153 = arith.constant 0 : i32
      %dma_start3A_154 = tpu.memref_slice %arg4[%dma_start3A_152, %dma_start3A_153] : memref<10240x128xf32, #tpu.memory_space<hbm>> -> memref<10240x128xf32, #tpu.memory_space<hbm>>
      tpu.enqueue_indirect_dma source(%dma_start3A_154 : memref<10240x128xf32, #tpu.memory_space<hbm>>) target(%arg9 : memref<80x128xf32, #tpu.memory_space<vmem>>) offsets(%dma_start3A_151 : memref<80xi32, #tpu.memory_space<vmem>>) semaphore(%arg14 : memref<!tpu.dma_semaphore, #tpu.memory_space<semaphore_mem>>)
      %mul3A_155 = arith.constant 80 : i32
      %mul3A_156 = arith.muli %add3A_136, %mul3A_155 : i32
      %dma_wait3A_157 = tpu.memref_slice %arg6[%mul3A_156] : memref<10000xi32, #tpu.memory_space<vmem>> -> memref<80xi32, #tpu.memory_space<vmem>>
      %dma_wait3A_158 = arith.constant 0 : i32
      %dma_wait3A_159 = arith.constant 0 : i32
      %dma_wait3A_160 = tpu.memref_slice %arg4[%dma_wait3A_158, %dma_wait3A_159] : memref<10240x128xf32, #tpu.memory_space<hbm>> -> memref<10240x128xf32, #tpu.memory_space<hbm>>
      tpu.wait_indirect_dma semaphore(%arg15 : memref<!tpu.dma_semaphore, #tpu.memory_space<semaphore_mem>>) src(%dma_wait3A_160 : memref<10240x128xf32, #tpu.memory_space<hbm>>) dst(%arg10 : memref<80x128xf32, #tpu.memory_space<vmem>>)
      %mul3A_161 = arith.constant 80 : i32
      %mul3A_162 = arith.muli %add3A_136, %mul3A_161 : i32
      %add3A_163 = arith.addi %add3A, %mul3A_162 : i32
      %dma_wait3A_164 = tpu.memref_slice %arg3[%add3A_163] : memref<320000xi32, #tpu.memory_space<hbm>> -> memref<80xi32, #tpu.memory_space<hbm>>
      %dma_wait3A_165 = tpu.memref_slice %arg3[%add3A_163] : memref<320000xi32, #tpu.memory_space<hbm>> -> memref<80xi32, #tpu.memory_space<hbm>>
      tpu.wait_dma2 semaphore(%arg13 : memref<!tpu.dma_semaphore, #tpu.memory_space<semaphore_mem>>) src(%dma_wait3A_165 : memref<80xi32, #tpu.memory_space<hbm>>) dst(%arg8 : memref<80xi32, #tpu.memory_space<vmem>>)
      %dma_start3A_166 = arith.constant 0 : i32
      %dma_start3A_167 = arith.constant 0 : i32
      %dma_start3A_168 = tpu.memref_slice %arg11[%dma_start3A_166, %dma_start3A_167] : memref<10240x128xf32, #tpu.memory_space<vmem_shared>> -> memref<10240x128xf32, #tpu.memory_space<vmem_shared>>
      tpu.enqueue_indirect_dma source(%arg10 : memref<80x128xf32, #tpu.memory_space<vmem>>) target(%dma_start3A_168 : memref<10240x128xf32, #tpu.memory_space<vmem_shared>>) offsets(%arg8 : memref<80xi32, #tpu.memory_space<vmem>>) semaphore(%arg17 : memref<!tpu.dma_semaphore, #tpu.memory_space<semaphore_mem>>) {add = true}
    }
    %scan3A_84 = arith.constant 61 : i32
    %dma_wait3A_85 = arith.constant 0 : i32
    %dma_wait3A_86 = arith.constant 0 : i32
    %dma_wait3A_87 = tpu.memref_slice %arg11[%dma_wait3A_85, %dma_wait3A_86] : memref<10240x128xf32, #tpu.memory_space<vmem_shared>> -> memref<10240x128xf32, #tpu.memory_space<vmem_shared>>
    tpu.wait_indirect_dma semaphore(%arg17 : memref<!tpu.dma_semaphore, #tpu.memory_space<semaphore_mem>>) src(%arg10 : memref<80x128xf32, #tpu.memory_space<vmem>>) dst(%dma_wait3A_87 : memref<10240x128xf32, #tpu.memory_space<vmem_shared>>)
    %dma_wait3A_88 = arith.constant 9920 : i32
    %dma_wait3A_89 = tpu.memref_slice %arg6[%dma_wait3A_88] : memref<10000xi32, #tpu.memory_space<vmem>> -> memref<80xi32, #tpu.memory_space<vmem>>
    %dma_wait3A_90 = arith.constant 0 : i32
    %dma_wait3A_91 = arith.constant 0 : i32
    %dma_wait3A_92 = tpu.memref_slice %arg4[%dma_wait3A_90, %dma_wait3A_91] : memref<10240x128xf32, #tpu.memory_space<hbm>> -> memref<10240x128xf32, #tpu.memory_space<hbm>>
    tpu.wait_indirect_dma semaphore(%arg14 : memref<!tpu.dma_semaphore, #tpu.memory_space<semaphore_mem>>) src(%dma_wait3A_92 : memref<10240x128xf32, #tpu.memory_space<hbm>>) dst(%arg9 : memref<80x128xf32, #tpu.memory_space<vmem>>)
    %add3A_93 = arith.constant 9920 : i32
    %add3A_94 = arith.addi %add3A, %add3A_93 : i32
    %dma_wait3A_95 = tpu.memref_slice %arg3[%add3A_94] : memref<320000xi32, #tpu.memory_space<hbm>> -> memref<80xi32, #tpu.memory_space<hbm>>
    %dma_wait3A_96 = tpu.memref_slice %arg3[%add3A_94] : memref<320000xi32, #tpu.memory_space<hbm>> -> memref<80xi32, #tpu.memory_space<hbm>>
    tpu.wait_dma2 semaphore(%arg13 : memref<!tpu.dma_semaphore, #tpu.memory_space<semaphore_mem>>) src(%dma_wait3A_96 : memref<80xi32, #tpu.memory_space<hbm>>) dst(%arg7 : memref<80xi32, #tpu.memory_space<vmem>>)
    "tpu.region"() ({
      %run_scoped3A = tpu.sem_alloc : memref<!tpu.dma_semaphore, #tpu.memory_space<semaphore_mem>>
      %dma_start3A_98 = arith.constant 0 : i32
      %dma_start3A_99 = arith.constant 0 : i32
      %dma_start3A_100 = tpu.memref_slice %arg11[%dma_start3A_98, %dma_start3A_99] : memref<10240x128xf32, #tpu.memory_space<vmem_shared>> -> memref<10240x128xf32, #tpu.memory_space<vmem_shared>>
      tpu.enqueue_indirect_dma source(%arg9 : memref<80x128xf32, #tpu.memory_space<vmem>>) target(%dma_start3A_100 : memref<10240x128xf32, #tpu.memory_space<vmem_shared>>) offsets(%arg7 : memref<80xi32, #tpu.memory_space<vmem>>) semaphore(%run_scoped3A : memref<!tpu.dma_semaphore, #tpu.memory_space<semaphore_mem>>) {add = true}
      %dma_wait3A_101 = arith.constant 0 : i32
      %dma_wait3A_102 = arith.constant 0 : i32
      %dma_wait3A_103 = tpu.memref_slice %arg11[%dma_wait3A_101, %dma_wait3A_102] : memref<10240x128xf32, #tpu.memory_space<vmem_shared>> -> memref<10240x128xf32, #tpu.memory_space<vmem_shared>>
      tpu.wait_indirect_dma semaphore(%run_scoped3A : memref<!tpu.dma_semaphore, #tpu.memory_space<semaphore_mem>>) src(%arg9 : memref<80x128xf32, #tpu.memory_space<vmem>>) dst(%dma_wait3A_103 : memref<10240x128xf32, #tpu.memory_space<vmem_shared>>)
      tpu.yield
    }) : () -> ()
    %barrier3A_97 = arith.constant 0 : index
    tpu.barrier barrier_id(%barrier3A_97)
    "tpu.region"() ({
      %run_scoped3A = tpu.sem_alloc : memref<!tpu.dma_semaphore, #tpu.memory_space<semaphore_mem>>
      %dma_start3A_98 = arith.constant 0 : i32
      %dma_start3A_99 = tpu.memref_slice %arg5[%arg0, %mul3A_10, %dma_start3A_98] : memref<2x10240x128xf32, #tpu.memory_space<hbm>> -> memref<1x640x128xf32, #tpu.memory_space<hbm>>
      %dma_start3A_100 = tpu.memref_squeeze %dma_start3A_99 : memref<1x640x128xf32, #tpu.memory_space<hbm>> -> memref<640x128xf32, #tpu.memory_space<hbm>>
      %dma_start3A_101 = arith.constant 0 : i32
      %dma_start3A_102 = tpu.memref_slice %arg11[%mul3A_10, %dma_start3A_101] : memref<10240x128xf32, #tpu.memory_space<vmem_shared>> -> memref<640x128xf32, #tpu.memory_space<vmem_shared>>
      tpu.enqueue_dma source(%dma_start3A_102 : memref<640x128xf32, #tpu.memory_space<vmem_shared>>) target(%dma_start3A_100 : memref<640x128xf32, #tpu.memory_space<hbm>>) target_semaphore(%run_scoped3A : memref<!tpu.dma_semaphore, #tpu.memory_space<semaphore_mem>>)
      %dma_wait3A_103 = arith.constant 0 : i32
      %dma_wait3A_104 = tpu.memref_slice %arg5[%arg0, %mul3A_10, %dma_wait3A_103] : memref<2x10240x128xf32, #tpu.memory_space<hbm>> -> memref<1x640x128xf32, #tpu.memory_space<hbm>>
      %dma_wait3A_105 = tpu.memref_squeeze %dma_wait3A_104 : memref<1x640x128xf32, #tpu.memory_space<hbm>> -> memref<640x128xf32, #tpu.memory_space<hbm>>
      %dma_wait3A_106 = arith.constant 0 : i32
      %dma_wait3A_107 = tpu.memref_slice %arg11[%mul3A_10, %dma_wait3A_106] : memref<10240x128xf32, #tpu.memory_space<vmem_shared>> -> memref<640x128xf32, #tpu.memory_space<vmem_shared>>
      tpu.wait_dma2 semaphore(%run_scoped3A : memref<!tpu.dma_semaphore, #tpu.memory_space<semaphore_mem>>) src(%dma_wait3A_107 : memref<640x128xf32, #tpu.memory_space<vmem_shared>>) dst(%dma_wait3A_105 : memref<640x128xf32, #tpu.memory_space<hbm>>)
      tpu.yield
    }) : () -> ()
    return
  }
}

module attributes {stable_mosaic.version = 14 : i64} {
  func.func @_tc1_body(%arg0: i32, %arg1: memref<2048x1xi32, #tpu.memory_space<vmem>>, %arg2: memref<2048x128xf32, #tpu.memory_space<vmem>>, %arg3: memref<128x128xf32, #tpu.memory_space<vmem>>, %arg4: memref<2048x1xf32, #tpu.memory_space<vmem>>, %arg5: memref<2048x128xf32, #tpu.memory_space<vmem>>) attributes {dimension_semantics = [#tpu.dimension_semantics<arbitrary>], iteration_bounds = array<i64: 5>, scalar_prefetch = 0 : i64, scratch_operands = 0 : i64, tpu.core_type = #tpu.core_type<tc>, window_params = [{transform_indices = @transform_0, window_bounds = array<i64: 2048, 1>}, {transform_indices = @transform_1, window_bounds = array<i64: 2048, 128>}, {pipeline_mode = #tpu.pipeline_mode<synchronous>, transform_indices = @transform_2, window_bounds = array<i64: 128, 128>}, {transform_indices = @transform_3, window_bounds = array<i64: 2048, 1>}, {transform_indices = @transform_4, window_bounds = array<i64: 2048, 128>}]} {
    %get3A = arith.constant 0 : index
    %get3A_0 = arith.constant 0 : index
    %get3A_1 = vector.load %arg1[%get3A, %get3A_0] : memref<2048x1xi32, #tpu.memory_space<vmem>>, vector<2048x1xi32>
    %convert_element_type3A = arith.sitofp %get3A_1 : vector<2048x1xi32> to vector<2048x1xf32>
    %add3A = arith.constant 1.000000e+00 : f32
    %add3A_2 = vector.broadcast %add3A : f32 to vector<2048x1xf32>
    %add3A_3 = arith.addf %convert_element_type3A, %add3A_2 : vector<2048x1xf32>
    %rsqrt3A = math.rsqrt %add3A_3 : vector<2048x1xf32>
    %swap3A = arith.constant 0 : index
    %swap3A_4 = arith.constant 0 : index
    %swap3A_5 = vector.load %arg4[%swap3A, %swap3A_4] : memref<2048x1xf32, #tpu.memory_space<vmem>>, vector<2048x1xf32>
    tpu.vector_store %arg4[%swap3A, %swap3A_4], %rsqrt3A {strides = array<i32>} : memref<2048x1xf32, #tpu.memory_space<vmem>>, vector<2048x1xf32>,
    %get3A_6 = arith.constant 0 : index
    %get3A_7 = arith.constant 0 : index
    %get3A_8 = vector.load %arg2[%get3A_6, %get3A_7] : memref<2048x128xf32, #tpu.memory_space<vmem>>, vector<2048x128xf32>
    %get3A_9 = arith.constant 0 : index
    %get3A_10 = arith.constant 0 : index
    %get3A_11 = vector.load %arg3[%get3A_9, %get3A_10] : memref<128x128xf32, #tpu.memory_space<vmem>>, vector<128x128xf32>
    %dot_general3A = arith.constant dense<0.000000e+00> : vector<2048x128xf32>
    %dot_general3A_12 = tpu.matmul %get3A_8, %get3A_11, %dot_general3A {dimension_numbers = #tpu.dot_dimension_numbers<[1], [0], [0], [1], [0, 0, 1, 1], [], []>, transpose_lhs_hint = false} : vector<2048x128xf32>, vector<128x128xf32>, vector<2048x128xf32> -> vector<2048x128xf32>
    %mul3A = vector.broadcast %rsqrt3A : vector<2048x1xf32> to vector<2048x128xf32>
    %mul3A_13 = arith.mulf %mul3A, %dot_general3A_12 : vector<2048x128xf32>
    %swap3A_14 = arith.constant 0 : index
    %swap3A_15 = arith.constant 0 : index
    %swap3A_16 = vector.load %arg5[%swap3A_14, %swap3A_15] : memref<2048x128xf32, #tpu.memory_space<vmem>>, vector<2048x128xf32>
    tpu.vector_store %arg5[%swap3A_14, %swap3A_15], %mul3A_13 {strides = array<i32>} : memref<2048x128xf32, #tpu.memory_space<vmem>>, vector<2048x128xf32>,
    return
  }
  func.func @transform_0(%arg0: i32) -> (i32, i32) {
    %c0_i32 = arith.constant 0 : i32
    %c0_i32_0 = arith.constant 0 : i32
    return %arg0, %c0_i32 : i32, i32
  }
  func.func @transform_1(%arg0: i32) -> (i32, i32) {
    %c0_i32 = arith.constant 0 : i32
    %c0_i32_0 = arith.constant 0 : i32
    return %arg0, %c0_i32 : i32, i32
  }
  func.func @transform_2(%arg0: i32) -> (i32, i32) {
    %c0_i32 = arith.constant 0 : i32
    %c0_i32_0 = arith.constant 0 : i32
    %c0_i32_1 = arith.constant 0 : i32
    return %c0_i32, %c0_i32_0 : i32, i32
  }
  func.func @transform_3(%arg0: i32) -> (i32, i32) {
    %c0_i32 = arith.constant 0 : i32
    %c0_i32_0 = arith.constant 0 : i32
    return %arg0, %c0_i32 : i32, i32
  }
  func.func @transform_4(%arg0: i32) -> (i32, i32) {
    %c0_i32 = arith.constant 0 : i32
    %c0_i32_0 = arith.constant 0 : i32
    return %arg0, %c0_i32 : i32, i32
  }
}

module attributes {stable_mosaic.version = 14 : i64} {
  func.func @_tc2_body(%arg0: i32, %arg1: memref<2x2048x128xf32, #tpu.memory_space<vmem>>, %arg2: memref<2048x128xf32, #tpu.memory_space<vmem>>, %arg3: memref<2048x1xf32, #tpu.memory_space<vmem>>, %arg4: memref<1x128xf32, #tpu.memory_space<vmem>>, %arg5: memref<128x1xf32, #tpu.memory_space<vmem>>, %arg6: memref<1x1xf32, #tpu.memory_space<vmem>>, %arg7: memref<2048x1xf32, #tpu.memory_space<vmem>>, %arg8: memref<2048x1xf32, #tpu.memory_space<vmem>>) attributes {dimension_semantics = [#tpu.dimension_semantics<arbitrary>], iteration_bounds = array<i64: 5>, scalar_prefetch = 0 : i64, scratch_operands = 0 : i64, tpu.core_type = #tpu.core_type<tc>, window_params = [{transform_indices = @transform_0, window_bounds = array<i64: 2, 2048, 128>}, {transform_indices = @transform_1, window_bounds = array<i64: 2048, 128>}, {transform_indices = @transform_2, window_bounds = array<i64: 2048, 1>}, {pipeline_mode = #tpu.pipeline_mode<synchronous>, transform_indices = @transform_3, window_bounds = array<i64: 1, 128>}, {pipeline_mode = #tpu.pipeline_mode<synchronous>, transform_indices = @transform_4, window_bounds = array<i64: 128, 1>}, {pipeline_mode = #tpu.pipeline_mode<synchronous>, transform_indices = @transform_5, window_bounds = array<i64: 1, 1>}, {transform_indices = @transform_6, window_bounds = array<i64: 2048, 1>}, {transform_indices = @transform_7, window_bounds = array<i64: 2048, 1>}]} {
    %get3A = arith.constant 0 : index
    %get3A_0 = arith.constant 0 : index
    %get3A_1 = vector.load %arg3[%get3A, %get3A_0] : memref<2048x1xf32, #tpu.memory_space<vmem>>, vector<2048x1xf32>
    %get3A_2 = arith.constant 0 : index
    %get3A_3 = arith.constant 0 : index
    %get3A_4 = arith.constant 0 : index
    %get3A_5 = vector.load %arg1[%get3A_2, %get3A_3, %get3A_4] : memref<2x2048x128xf32, #tpu.memory_space<vmem>>, vector<1x2048x128xf32>
    %get3A_6 = vector.shape_cast %get3A_5 : vector<1x2048x128xf32> to vector<2048x128xf32>
    %get3A_7 = arith.constant 1 : index
    %get3A_8 = arith.constant 0 : index
    %get3A_9 = arith.constant 0 : index
    %get3A_10 = vector.load %arg1[%get3A_7, %get3A_8, %get3A_9] : memref<2x2048x128xf32, #tpu.memory_space<vmem>>, vector<1x2048x128xf32>
    %get3A_11 = vector.shape_cast %get3A_10 : vector<1x2048x128xf32> to vector<2048x128xf32>
    %add3A = arith.addf %get3A_6, %get3A_11 : vector<2048x128xf32>
    %get3A_12 = arith.constant 0 : index
    %get3A_13 = arith.constant 0 : index
    %get3A_14 = vector.load %arg2[%get3A_12, %get3A_13] : memref<2048x128xf32, #tpu.memory_space<vmem>>, vector<2048x128xf32>
    %add3A_15 = arith.addf %add3A, %get3A_14 : vector<2048x128xf32>
    %mul3A = vector.broadcast %get3A_1 : vector<2048x1xf32> to vector<2048x128xf32>
    %mul3A_16 = arith.mulf %mul3A, %add3A_15 : vector<2048x128xf32>
    %get3A_17 = arith.constant 0 : index
    %get3A_18 = arith.constant 0 : index
    %get3A_19 = vector.load %arg4[%get3A_17, %get3A_18] : memref<1x128xf32, #tpu.memory_space<vmem>>, vector<1x128xf32>
    %add3A_20 = vector.broadcast %get3A_19 : vector<1x128xf32> to vector<2048x128xf32>
    %add3A_21 = arith.addf %mul3A_16, %add3A_20 : vector<2048x128xf32>
    %max3A = arith.constant 0.000000e+00 : f32
    %max3A_22 = vector.broadcast %max3A : f32 to vector<2048x128xf32>
    %max3A_23 = arith.maximumf %add3A_21, %max3A_22 : vector<2048x128xf32>
    %get3A_24 = arith.constant 0 : index
    %get3A_25 = arith.constant 0 : index
    %get3A_26 = vector.load %arg5[%get3A_24, %get3A_25] : memref<128x1xf32, #tpu.memory_space<vmem>>, vector<128x1xf32>
    %dot_general3A = arith.constant dense<0.000000e+00> : vector<2048x1xf32>
    %dot_general3A_27 = tpu.matmul %max3A_23, %get3A_26, %dot_general3A {dimension_numbers = #tpu.dot_dimension_numbers<[1], [0], [0], [1], [0, 0, 1, 1], [], []>, transpose_lhs_hint = false} : vector<2048x128xf32>, vector<128x1xf32>, vector<2048x1xf32> -> vector<2048x1xf32>
    %mul3A_28 = arith.mulf %get3A_1, %dot_general3A_27 : vector<2048x1xf32>
    %swap3A = arith.constant 0 : index
    %swap3A_29 = arith.constant 0 : index
    %swap3A_30 = vector.load %arg7[%swap3A, %swap3A_29] : memref<2048x1xf32, #tpu.memory_space<vmem>>, vector<2048x1xf32>
    tpu.vector_store %arg7[%swap3A, %swap3A_29], %mul3A_28 {strides = array<i32>} : memref<2048x1xf32, #tpu.memory_space<vmem>>, vector<2048x1xf32>,
    %mul3A_31 = arith.mulf %get3A_1, %mul3A_28 : vector<2048x1xf32>
    %get3A_32 = arith.constant 0 : index
    %get3A_33 = arith.constant 0 : index
    %get3A_34 = vector.load %arg6[%get3A_32, %get3A_33] : memref<1x1xf32, #tpu.memory_space<vmem>>, vector<1x1xf32>
    %get3A_35 = vector.extract %get3A_34[0, 0] : f32 from vector<1x1xf32>
    %add3A_36 = vector.broadcast %get3A_35 : f32 to vector<2048x1xf32>
    %add3A_37 = arith.addf %mul3A_31, %add3A_36 : vector<2048x1xf32>
    %swap3A_38 = arith.constant 0 : index
    %swap3A_39 = arith.constant 0 : index
    %swap3A_40 = vector.load %arg8[%swap3A_38, %swap3A_39] : memref<2048x1xf32, #tpu.memory_space<vmem>>, vector<2048x1xf32>
    tpu.vector_store %arg8[%swap3A_38, %swap3A_39], %add3A_37 {strides = array<i32>} : memref<2048x1xf32, #tpu.memory_space<vmem>>, vector<2048x1xf32>,
    return
  }
  func.func @transform_0(%arg0: i32) -> (i32, i32, i32) {
    %c0_i32 = arith.constant 0 : i32
    %c0_i32_0 = arith.constant 0 : i32
    %c0_i32_1 = arith.constant 0 : i32
    return %c0_i32, %arg0, %c0_i32_0 : i32, i32, i32
  }
  func.func @transform_1(%arg0: i32) -> (i32, i32) {
    %c0_i32 = arith.constant 0 : i32
    %c0_i32_0 = arith.constant 0 : i32
    return %arg0, %c0_i32 : i32, i32
  }
  func.func @transform_2(%arg0: i32) -> (i32, i32) {
    %c0_i32 = arith.constant 0 : i32
    %c0_i32_0 = arith.constant 0 : i32
    return %arg0, %c0_i32 : i32, i32
  }
  func.func @transform_3(%arg0: i32) -> (i32, i32) {
    %c0_i32 = arith.constant 0 : i32
    %c0_i32_0 = arith.constant 0 : i32
    %c0_i32_1 = arith.constant 0 : i32
    return %c0_i32, %c0_i32_0 : i32, i32
  }
  func.func @transform_4(%arg0: i32) -> (i32, i32) {
    %c0_i32 = arith.constant 0 : i32
    %c0_i32_0 = arith.constant 0 : i32
    %c0_i32_1 = arith.constant 0 : i32
    return %c0_i32, %c0_i32_0 : i32, i32
  }
  func.func @transform_5(%arg0: i32) -> (i32, i32) {
    %c0_i32 = arith.constant 0 : i32
    %c0_i32_0 = arith.constant 0 : i32
    %c0_i32_1 = arith.constant 0 : i32
    return %c0_i32, %c0_i32_0 : i32, i32
  }
  func.func @transform_6(%arg0: i32) -> (i32, i32) {
    %c0_i32 = arith.constant 0 : i32
    %c0_i32_0 = arith.constant 0 : i32
    return %arg0, %c0_i32 : i32, i32
  }
  func.func @transform_7(%arg0: i32) -> (i32, i32) {
    %c0_i32 = arith.constant 0 : i32
    %c0_i32_0 = arith.constant 0 : i32
    return %arg0, %c0_i32 : i32, i32
  }
}

</mosaic_0001>

<sc_bundles>
// kernel: kernel.10.cloned.1.call-start
scs
__scs_entry_jumppad:
0x0: {  	(pc) =	sbr.rel $0x88, $3  }
0x1: {  	(tag) =	ssettag $0x0;
	lr =	simm.s32 $0x1  }
0x2: {  	[smem:$0x3F9B] =	sst lr;
	_ =	strace $0xD0000000  }
0x3: {  	_ = 	snop  }
0x4: {  	_ = 	snop  }
0x5: {  	_ = 	snop  }
0x6: {  	_ = 	snop  }
0x7: {  	_ = 	snop  }
__scs_overlays_trampoline_lowered:
0x8: {  	[smem:$0x3FAA] =	sst s0  }
0x9: {  	[smem:$0x3FAB] =	sst s1  }
0xa: {  	[smem:$0x3FAC] =	sst s2  }
0xb: {  	[smem:$0x3FAD] =	sst s3  }
0xc: {  	[smem:$0x3FAE] =	sst s4  }
0xd: {  	[smem:$0x3FAF] =	sst s5  }
0xe: {  	[smem:$0x3FB0] =	sst s6  }
0xf: {  	[smem:$0x3FB1] =	sst s7  }
0x10: {  	[smem:$0x3FB2] =	sst s8  }
0x11: {  	[smem:$0x3FB3] =	sst s9;
	s0 =	simm.s32 @!p0 $0x0  }
0x12: {  	s1 =	sld [smem:$0x3F99];
	s0 =	simm.s32 @p0 $0x1  }
0x13: {  	[smem:$0x3FB4] =	sst s0;
	s0 =	simm.s32 @!p1 $0x0  }
0x14: {  	s2 =	sld [smem:$0x3F98];
	s0 =	simm.s32 @p1 $0x1  }
0x15: {  	[smem:$0x3FB5] =	sst s0;
	s0 =	simm.s32 @!p2 $0x0  }
0x16: {  	s3 =	sld [smem:$0x3FDB];
	s0 =	simm.s32 @p2 $0x1  }
0x17: {  	s4 =	simm.s32 $0x1BF5;
	[smem:$0x3FB7] =	sst s0  }
0x18: {  	s0 =	sld [smem:$0x3F9A];
	_ =	swait.ge [sflag:s4], $0x0  }
0x19: {  	s7 =	sld [smem:$0x3F9B]  }
0x1a: {  	s8 =	sadd.s32 $0xFFFFE003, lr  }
0x1b: {  	s9 =	sadd.s32 $0xFFFFFEF7, lr;
	s5 =	simm.s32 $0xFFFFFFFF;
	p2 =	slt.u32 s8, $0xFFFFF086  }
0x1c: {  	p1 =	slt.u32 s9, $0xF7A;
	s5 =	simm.s32 @!p2 $0x0  }
0x1d: {  	s5 =	simm.s32 @p1 $0x1;
	p0 =	seq.s32 s7, s2  }
0x1e: {  	s7 =	smul.u32 @!p0 $0xF7A, s2;
	p2 =	seq.s32 @!p0 s5, $0x0  }
0x1f: {  	s9 =	smul.u32 $0xF7A, s1;
	s8 =	simm.s32 @!p0 $0x1BF5;
	p2 =	por !p2, p0  }
0x20: {  	[sflag:s8] =	ssyncset.s32 @!p0 $0xFFFFF086;
	s6 =	sadd.s32 @!p0 s3, s7;
	s7 =	simm.s32 @!p0 $0x108  }
0x21: {  	s3 =	sadd.s32 s3, s9;
	s6 =	sadd.s32 @!p0 $0x88, s6;
	s7 =	simm.s32 @p2 $0x1082  }
0x22: {  	[simem:s7], [sflag:s8] =	dma.local @!p0 [hbm:s6], $0xF7A  }
0x23: {  	s9 =	sor.u32 $0xD0000000, s2;
	s6 =	simm.s32 $0x108;
	_ =	swait.ge @!p0 [sflag:s8], $0x0  }
0x24: {  	s3 =	sadd.s32 $0x88, s3;
	s6 =	simm.s32 @!p1 $0x1082;
	[sflag:s4] =	ssyncset.s32 $0xFFFFF086  }
0x25: {  	[simem:s6], [sflag:s4] =	dma.local [hbm:s3], $0xF7A  }
0x26: {  	[smem:$0x3F9B] =	sst s1;
	(tag) =	ssettag s2;
	_ =	strace s9  }
0x27: {  	s1 =	sld [smem:$0x3FAB]  }
0x28: {  	s2 =	sld [smem:$0x3FAC]  }
0x29: {  	s4 =	sld [smem:$0x3FAE]  }
0x2a: {  	p0 =	seq.s32 s5, $0x0;
	s5 =	sld [smem:$0x3FAF]  }
0x2b: {  	s6 =	sld [smem:$0x3FB0]  }
0x2c: {  	s7 =	sld [smem:$0x3FB1]  }
0x2d: {  	s3 =	simm.s32 $0x108;
	s8 =	sld [smem:$0x3FB2]  }
0x2e: {  	s3 =	simm.s32 @!p0 $0x1082;
	s9 =	sld [smem:$0x3FB3]  }
0x2f: {  	lr =	sadd.s32 s0, s3;
	s0 =	sld [smem:$0x3FAA]  }
0x30: {  	s3 =	sld [smem:$0x3FAD]  }
0x31: {  	[smem:$0x3FB6] =	sst s10  }
0x32: {  	s10 =	sld [smem:$0x3FB4];
	_ =	sdelay $0x3  }
0x33: {  	p0 =	seq.s32 s10, $0x1;
	s10 =	sld [smem:$0x3FB6];
	_ =	sdelay $0x3  }
0x34: {  	[smem:$0x3FB6] =	sst s10  }
0x35: {  	s10 =	sld [smem:$0x3FB5];
	_ =	sdelay $0x3  }
0x36: {  	p1 =	seq.s32 s10, $0x1;
	s10 =	sld [smem:$0x3FB6];
	_ =	sdelay $0x3  }
0x37: {  	[smem:$0x3FB6] =	sst s10  }
0x38: {  	s10 =	sld [smem:$0x3FB7]  }
0x39: {  	_ = 	snop;
	(pc) =	sbr.ind lr, $3  }
0x3a: {  	_ = 	snop  }
0x3b: {  	_ = 	snop  }
0x3c: {  	p2 =	seq.s32 s10, $0x1;
	s10 =	sld [smem:$0x3FB6]  }
0x3d: {  	_ =	shalt  }
0x3e: {  	_ =	shalt  }
0x3f: {  	_ =	shalt  }
0x40: {  	_ =	shalt  }
0x41: {  	_ =	shalt  }
0x42: {  	_ =	shalt  }
0x43: {  	_ =	shalt  }
0x44: {  	_ =	shalt  }
0x45: {  	_ =	shalt  }
0x46: {  	_ =	shalt  }
0x47: {  	_ =	shalt  }
0x48: {  	_ =	shalt  }
0x49: {  	_ =	shalt  }
0x4a: {  	_ =	shalt  }
0x4b: {  	_ =	shalt  }
0x4c: {  	_ =	shalt  }
0x4d: {  	_ =	shalt  }
0x4e: {  	_ =	shalt  }
0x4f: {  	_ =	shalt  }
0x50: {  	_ =	shalt  }
0x51: {  	_ =	shalt  }
0x52: {  	_ =	shalt  }
0x53: {  	_ =	shalt  }
0x54: {  	_ =	shalt  }
0x55: {  	_ =	shalt  }
0x56: {  	_ =	shalt  }
0x57: {  	_ =	shalt  }
0x58: {  	_ =	shalt  }
0x59: {  	_ =	shalt  }
0x5a: {  	_ =	shalt  }
0x5b: {  	_ =	shalt  }
0x5c: {  	_ =	shalt  }
0x5d: {  	_ =	shalt  }
0x5e: {  	_ =	shalt  }
0x5f: {  	_ =	shalt  }
0x60: {  	_ =	shalt  }
0x61: {  	_ =	shalt  }
0x62: {  	_ =	shalt  }
0x63: {  	_ =	shalt  }
0x64: {  	_ =	shalt  }
0x65: {  	_ =	shalt  }
0x66: {  	_ =	shalt  }
0x67: {  	_ =	shalt  }
0x68: {  	_ =	shalt  }
0x69: {  	_ =	shalt  }
0x6a: {  	_ =	shalt  }
0x6b: {  	_ =	shalt  }
0x6c: {  	_ =	shalt  }
0x6d: {  	_ =	shalt  }
0x6e: {  	_ =	shalt  }
0x6f: {  	_ =	shalt  }
0x70: {  	_ =	shalt  }
0x71: {  	_ =	shalt  }
0x72: {  	_ =	shalt  }
0x73: {  	_ =	shalt  }
0x74: {  	_ =	shalt  }
0x75: {  	_ =	shalt  }
0x76: {  	_ =	shalt  }
0x77: {  	_ =	shalt  }
0x78: {  	_ =	shalt  }
0x79: {  	_ =	shalt  }
0x7a: {  	_ =	shalt  }
0x7b: {  	_ =	shalt  }
0x7c: {  	_ =	shalt  }
0x7d: {  	_ =	shalt  }
0x7e: {  	_ =	shalt  }
0x7f: {  	_ =	shalt  }
0x80: {  	_ =	shalt  }
0x81: {  	_ =	shalt  }
0x82: {  	_ =	shalt  }
0x83: {  	_ =	shalt  }
0x84: {  	_ =	shalt  }
0x85: {  	_ =	shalt  }
0x86: {  	_ =	shalt  }
0x87: {  	_ =	shalt  }
.Lfunc_end0:
.L_simem_size_0:
called_computation.1_lowered:
.L_overlay_start_0:
0x88: {  	s2 =	sld [smem:$0x3FD9]  }
0x89: {  	s3 =	sld [smem:$0x3FFE];
	_ =	sdelay $0x1  }
0x8a: {  	s1 =	srdreg.scid  }
0x8b: {  	s0 =	sand.u32 $0x1, s1  }
0x8c: {  	s16 =	sshll.u32 s0, $0xA;
	s2 =	sadd.s32 s3, s2  }
0x8d: {  	s2 =	sadd.s32 s2, s16  }
0x8e: {  	[smem:$0x3FC2] =	sst s2  }
0x8f: {  	_ = 	snop  }
0x90: {  	(tm) =	ssettm $0x1  }
0x91: {  	s17 =	sld [smem:$0x3FFB];
	_ =	sdelay $0x3  }
0x92: {  	_ =	strace s17  }
0x93: {  	s2 =	sld [smem:$0x3FFC];
	_ =	sdelay $0x3  }
0x94: {  	_ =	strace s2  }
0x95: {  	s2 =	sld [smem:$0x3FFD];
	_ =	sdelay $0x3  }
0x96: {  	_ =	strace s2  }
0x97: {  	_ =	strace $0x8FFFFFFF  }
0x98: {  	s18 =	sld [smem:$0x3FDB];
	_ =	sdelay $0x1  }
0x99: {  	s19 =	simm.s32 $_scs_section_size  }
0x9a: {  	s4 =	simm.s32 $_size__tile_overlayer_lowered;
	s5 =	simm.s32 $_tile_overlayer_lowered  }
0x9b: {  	s22 =	simm.s32 $0x1BFF;
	s21 =	sshll.u32 s5, $0x1;
	s2 =	sadd.s32 s19, s18  }
0x9c: {  	s6 =	simm.s32 $0x0;
	s20 =	sshll.u32 s4, $0x1;
	s4 =	sadd.s32 s21, s2  }
0x9d: {  	[timem:s6], [sflag:s22] =	dma.local [hbm:s4], s20  }
0x9e: {  	_ =	swait.ge [sflag:s22], s20  }
0x9f: {  	s3 =	ssub.s32 $0x0, s20;
	[sflag:s22] =	ssyncset.done $0x0  }
0xa0: {  	[sflag:s22] =	ssyncadd.s32 s3;
	_ =	sdelay $0x1  }
0xa1: {  	s23 =	simm.s32 $0x1B8B  }
0xa2: {  	_ =	swait.ge [sflag:s23], $0x1  }
0xa3: {  	[sflag:s23] =	ssyncset.done $0x0  }
0xa4: {  	s25 =	simm.s32 $0x1B8E;
	s24 =	sld [smem:$0x3FFE];
	[sflag:s23] =	ssyncadd.s32 $0xFFFFFFFF  }
0xa5: {  	s26 =	simm.s32 $execute0_lowered;
	[smem:$0x3FD2] =	sst s25  }
0xa6: {  	s4 =	sshll.u32 s26, $0x1;
	_ =	strace $0x80000049;
	[dreg:$0x1] =	wrdreg $0xFFFFFFFF  }
0xa7: {  	s28 =	simm.s32 $_size_execute0_lowered;
	s2 =	sadd.s32 s2, s4;
	[dreg:$0x0] =	wrdreg $0x0  }
0xa8: {  	s4 =	sshll.u32 s28, $0x1;
	[dreg:$0x2] =	wrdreg s2  }
0xa9: {  	[dreg:$0x3] =	wrdreg s4  }
0xaa: {  	[dreg:$0x4] =	wrdreg $0xC0  }
0xab: {  	_ =	task [dreg:s6], $0x5FFFF  }
0xac: {  	[dreg:$0x1] =	wrdreg $0xFFFFFFFF  }
0xad: {  	[dreg:$0x0] =	wrdreg $0x60  }
0xae: {  	[dreg:$0x2] =	wrdreg s24  }
0xaf: {  	[dreg:$0x3] =	wrdreg $0x78800  }
0xb0: {  	[dreg:$0x4] =	wrdreg $0x9  }
0xb1: {  	_ =	task.clear_ibuf [dreg:s6], $0x5FFFF;
	_ =	strace $0x90000049  }
0xb2: {  	s29 =	simm.s32 $0x9;
	_ =	strace $0x8000004B  }
0xb3: {  	_ =	swait.ge [sflag:s29], $0x1  }
0xb4: {  	[sflag:s29] =	ssyncadd.s32 $0xFFFFFFFF  }
0xb5: {  	_ =	strace $0x9000004B  }
0xb6: {  	_ =	sfence  }
0xb7: {  	s30 =	sld [smem:$0x0];
	_ =	sdelay $0x2  }
0xb8: {  	s31 =	sshll.u32 s1, $0xD;
	s1 =	sshrl.u32 s1, $0x2  }
0xb9: {  	s3 =	sand.u32 $0x4000, s31;
	s1 =	sadd.s32 s1, s30  }
0xba: {  	s0 =	sor.u32 s3, s0;
	s1 =	sshll.u32 s1, $0x11  }
0xbb: {  	s0 =	sor.u32 s1, s0  }
0xbc: {  	s0 =	sadd.s32 $0x8F2B, s0  }
0xbd: {  	[sflag:s0] =	ssyncadd.remote.s32 $0x1  }
0xbe: {  	_ =	sfence.sel $0xFFFF  }
0xbf: {  	[dreg:$0x0] =	wrdreg $0xFFFFFFFF;
	(pc) =	sbr.abs _section_cstart, $3  }
0xc0: {  	[dreg:$0x1] =	wrdreg $0xFFFFFFFF  }
0xc1: {  	_ =	task.clear_ibuf [dreg:s6], $0x2FFFF;
	_ =	strace $0x9FFFFFFF  }
0xc2: {  	(tm) =	ssettm $0x7FFFFFFF  }
0xc3: {  	_ =	shalt  }
tec
execute0_lowered:
.L_overlay_start_1:
0x0: {  	(tag) =	ssettag $0x1  }
0x1: {  	s0 =	srdreg.scid  }
0x2: {  	s1 =	rddreg [dreg:$0x0];
	s10 =	stileid.u32  }
0x3: {  	s2 =	rddreg [dreg:$0x1];
	s3 =	simm.s32 $0x0;
	s5 =	smul.u32 $0x2710, s10  }
0x4: {  	s28 =	simm.s32 $0x5080;
	s29 =	simm.s32 $0x3;
	s8 =	smul.u32 $0x14000, s10  }
0x5: {  	s30 =	simm.s32 $0x2;
	s0 =	sand.u32 $0x1, s0;
	s10 =	smul.u32 $0x50000, s10  }
0x6: {  	s31 =	simm.s32 $0x5;
	[smem:$0x7FF] =	sst s3;
	s4 =	smul.u32 $0x27100, s0  }
0x7: {  	s20 =	sadd.s32 $0x600, s1;
	s16 =	smul.u32 $0x140000, s0;
	s0 =	ssub.s32 $0x2, s0  }
0x8: {  	_ =	strace $0x8000004A;
	s17 =	sshrl.u32 s0, $0x1;
	s10 =	sshrl.u32 s10, $0x2  }
0x9: {  	s6 =	sadd.s32 s5, s4;
	s4 =	sadd.s32 $0x14200, s1;
	s5 =	sadd.s32 s8, s16  }
0xa: {  	s0 =	ssub.s32 s0, s17;
	s7 =	sshrl.u32 s6, $0x3;
	s5 =	sshrl.u32 s5, $0x3  }
0xb: {  	s24 =	sadd.s32 $0x140, s6;
	s6 =	sadd.s32 $0xF0, s6;
	s9 =	sadd.s32 s7, s1  }
0xc: {  	s1 =	sadd.s32 s5, s1;
	s5 =	sadd.s32 s10, s2;
	s14 =	sadd.s32 s20, s7  }
0xd: {  	s25 =	sshrl.u32 s24, $0x3;
	s26 =	sshrl.u32 s6, $0x3;
	s24 =	simm.s32 $0x2780  }
0xe: {  	s6 =	simm.s32 $0x0;
	s18 =	sadd.s32 $0xA400, s9;
	s19 =	sadd.s32 $0x2800, s5  }
0xf: {  	s21 =	sadd.s32 $0x5000, s5;
	s22 =	sadd.s32 $0x7800, s5;
	[dreg:$0x3] =	wrdreg s18  }
0x10: {  	s23 =	sadd.s32 $0xA000, s5;
	s11 =	sadd.s32 $0xC800, s5;
	[dreg:$0x4] =	wrdreg s19  }
0x11: {  	s12 =	sadd.s32 $0xF000, s5;
	s13 =	sadd.s32 $0x11800, s5;
	[dreg:$0x5] =	wrdreg s21  }
0x12: {  	s15 =	sadd.s32 $0xA, s14;
	s16 =	sadd.s32 $0x14, s14;
	[dreg:$0x6] =	wrdreg s22  }
0x13: {  	s17 =	sadd.s32 $0x3C200, s1;
	s1 =	simm.s32 $0x6;
	[dreg:$0x7] =	wrdreg s23  }
0x14: {  	s18 =	smax.u32 s0, $0x1;
	s19 =	sadd.s32 s25, s20;
	s20 =	sadd.s32 s26, s20  }
0x15: {  	s21 =	simm.s32 $0x2880;
	s22 =	simm.s32 $0x7;
	s23 =	simm.s32 $0x1  }
0x16: {  	v0 =	vimm.f32 $0.0e+00;
	s25 =	simm.s32 $0x50;
	s26 =	simm.s32 $0x2800;
	s0 =	simm.s32 $0x4  }
.LBB2_1:
0x17: {  	s7 =	rddreg [dreg:$0x3]  }
0x18: {  	[tilespmem:s3], [sflag:$0x1] =	stream.linear.gather [hbm4b:s7+s3], $0x2710, $0x38;
	[tilespmem:$0x1B880] =	vst v63  }
0x19: {  	s7 =	simm.s32 $0x28C0  }
0x1a: {  	[tilespmem:s7+$0xFFFFFFC0] =	vst v0  }
0x1b: {  	[tilespmem:s7+$0x30] =	vst v0  }
0x1c: {  	[tilespmem:s7+$0x20] =	vst v0  }
0x1d: {  	[tilespmem:s7+$0x10] =	vst v0  }
0x1e: {  	[tilespmem:s7+$0x0] =	vst v0  }
0x1f: {  	[tilespmem:s7+$0xFFFFFFF0] =	vst v0  }
0x20: {  	s8 =	simm.s32 $0x0;
	[tilespmem:s7+$0xFFFFFFE0] =	vst v0  }
.LBB2_2:
0x21: {  	s8 =	sadd.s32 $0x8, s8;
	[tilespmem:s7+$0xFFFFFFD0] =	vst v0;
	s7 =	sadd.s32 $0x80, s7  }
0x22: {  	[tilespmem:s7+$0xFFFFFFC0] =	vst v0;
	p0 =	slt.u32 s8, $0x278  }
0x23: {  	[tilespmem:s7+$0x30] =	vst v0  }
.Ltmp0:
0x24: {  	[tilespmem:s7+$0x20] =	vst v0;
	(pc) =	sbr.rel @p0 .LBB2_2-.Ltmp0, $4  }
0x25: {  	[tilespmem:s7+$0x10] =	vst v0  }
0x26: {  	[tilespmem:s7+$0x0] =	vst v0  }
0x27: {  	[tilespmem:s7+$0xFFFFFFF0] =	vst v0  }
0x28: {  	[tilespmem:s7+$0xFFFFFFE0] =	vst v0  }
0x29: {  	[tilespmem:s7+$0xFFFFFFD0] =	vst v0  }
0x2a: {  	[spmem:s5] =	stream.linear.scatter [tilespmem:s21], [sflag:$0x7], $0x2800, $0x38;
	[tilespmem:$0x1B880] =	vst v63  }
0x2b: {  	_ =	swait.ge [sflag:s22], $0x2800  }
0x2c: {  	[sflag:s22] =	ssyncset.done $0x0  }
0x2d: {  	s10 =	rddreg [dreg:$0x4];
	[sflag:s22] =	ssyncadd.s32 $0xFFFFD800  }
0x2e: {  	[spmem:s10] =	stream.linear.scatter [tilespmem:s21], [sflag:$0x7], $0x2800, $0x38;
	[tilespmem:$0x1B880] =	vst v63  }
0x2f: {  	_ =	swait.ge [sflag:s22], $0x2800  }
0x30: {  	[sflag:s22] =	ssyncset.done $0x0  }
0x31: {  	s8 =	rddreg [dreg:$0x5];
	[sflag:s22] =	ssyncadd.s32 $0xFFFFD800  }
0x32: {  	[spmem:s8] =	stream.linear.scatter [tilespmem:s21], [sflag:$0x7], $0x2800, $0x38;
	[tilespmem:$0x1B880] =	vst v63  }
0x33: {  	_ =	swait.ge [sflag:s22], $0x2800  }
0x34: {  	[sflag:s22] =	ssyncset.done $0x0  }
0x35: {  	s9 =	rddreg [dreg:$0x6];
	[sflag:s22] =	ssyncadd.s32 $0xFFFFD800  }
0x36: {  	[spmem:s9] =	stream.linear.scatter [tilespmem:s21], [sflag:$0x7], $0x2800, $0x38;
	[tilespmem:$0x1B880] =	vst v63  }
0x37: {  	_ =	swait.ge [sflag:s22], $0x2800  }
0x38: {  	[sflag:s22] =	ssyncset.done $0x0  }
0x39: {  	s10 =	rddreg [dreg:$0x7];
	[sflag:s22] =	ssyncadd.s32 $0xFFFFD800  }
0x3a: {  	[spmem:s10] =	stream.linear.scatter [tilespmem:s21], [sflag:$0x7], $0x2800, $0x38;
	[tilespmem:$0x1B880] =	vst v63  }
0x3b: {  	_ =	swait.ge [sflag:s22], $0x2800  }
0x3c: {  	[sflag:s22] =	ssyncset.done $0x0  }
0x3d: {  	[sflag:s22] =	ssyncadd.s32 $0xFFFFD800  }
0x3e: {  	[spmem:s11] =	stream.linear.scatter [tilespmem:s21], [sflag:$0x7], $0x2800, $0x38;
	[tilespmem:$0x1B880] =	vst v63  }
0x3f: {  	_ =	swait.ge [sflag:s22], $0x2800  }
0x40: {  	[sflag:s22] =	ssyncset.done $0x0  }
0x41: {  	[sflag:s22] =	ssyncadd.s32 $0xFFFFD800  }
0x42: {  	[spmem:s12] =	stream.linear.scatter [tilespmem:s21], [sflag:$0x7], $0x2800, $0x38;
	[tilespmem:$0x1B880] =	vst v63  }
0x43: {  	_ =	swait.ge [sflag:s22], $0x2800  }
0x44: {  	[sflag:s22] =	ssyncset.done $0x0  }
0x45: {  	[sflag:s22] =	ssyncadd.s32 $0xFFFFD800  }
0x46: {  	[spmem:s13] =	stream.linear.scatter [tilespmem:s21], [sflag:$0x7], $0x2800, $0x38;
	[tilespmem:$0x1B880] =	vst v63  }
0x47: {  	_ =	swait.ge [sflag:s22], $0x2800  }
0x48: {  	[sflag:s22] =	ssyncset.done $0x0  }
0x49: {  	[sflag:s22] =	ssyncadd.s32 $0xFFFFD800  }
0x4a: {  	_ =	swait.ge [sflag:s23], $0x2710  }
0x4b: {  	[sflag:s23] =	ssyncset.done $0x0  }
0x4c: {  	[sflag:s23] =	ssyncadd.s32 $0xFFFFD8F0  }
0x4d: {  	s8 =	simm.s32 $0x0;
	[bflag:$0x0] =	sbarrier.arrive $0xFFFF  }
0x4e: {  	[tilespmem:s24], [sflag:$0x2] =	stream.linear.gather [hbm4b:s14+s8], $0x50, $0x38;
	[tilespmem:$0x1B880] =	vst v63  }
0x4f: {  	_ = 	snop  }
0x50: {  	[tilespmem:s21], [sflag:$0x3] =	stream.indirect.gather [hbm4b:s4+s25], $0x80, s8, s25, $0xb8;
	[tilespmem:$0x1B880] =	vst v63  }
0x51: {  	_ = 	snop  }
0x52: {  	[tilespmem:s26], [sflag:$0x2] =	stream.linear.gather [hbm4b:s15+s8], $0x50, $0x38;
	[tilespmem:$0x1B880] =	vst v63  }
0x53: {  	_ = 	snop  }
0x54: {  	[tilespmem:s28], [sflag:$0x4] =	stream.indirect.gather [hbm4b:s4+s25], $0x80, s25, s25, $0xb8;
	[tilespmem:$0x1B880] =	vst v63  }
0x55: {  	_ =	swait.ge [sflag:s29], $0x2800  }
0x56: {  	[sflag:s29] =	ssyncset.done $0x0  }
0x57: {  	[sflag:s29] =	ssyncadd.s32 $0xFFFFD800  }
0x58: {  	_ =	swait.ge [sflag:s30], $0x50  }
0x59: {  	[sflag:s30] =	ssyncset.done $0x0  }
0x5a: {  	[sflag:s30] =	ssyncadd.s32 $0xFFFFFFB0  }
0x5b: {  	[spmem:s2] =	stream.indirect.scatter.add.f32 [tilespmem:s21], [sflag:$0x5], $0x80, s24, s25, $0xb8;
	[tilespmem:$0x1B880] =	vst v63  }
0x5c: {  	_ =	swait.ge [sflag:s31], $0x2800  }
0x5d: {  	[sflag:s31] =	ssyncset.done $0x0  }
0x5e: {  	[sflag:s31] =	ssyncadd.s32 $0xFFFFD800  }
0x5f: {  	[tilespmem:s24], [sflag:$0x2] =	stream.linear.gather [hbm4b:s16+s8], $0x50, $0x38;
	[tilespmem:$0x1B880] =	vst v63  }
0x60: {  	s9 =	simm.s32 $0xA0  }
0x61: {  	[tilespmem:s21], [sflag:$0x3] =	stream.indirect.gather [hbm4b:s4+s25], $0x80, s9, s25, $0xb8;
	[tilespmem:$0x1B880] =	vst v63  }
0x62: {  	_ =	swait.ge [sflag:s0], $0x2800  }
0x63: {  	[sflag:s0] =	ssyncset.done $0x0  }
0x64: {  	[sflag:s0] =	ssyncadd.s32 $0xFFFFD800  }
0x65: {  	_ =	swait.ge [sflag:s30], $0x50  }
0x66: {  	[sflag:s30] =	ssyncset.done $0x0  }
0x67: {  	[sflag:s30] =	ssyncadd.s32 $0xFFFFFFB0  }
0x68: {  	[spmem:s2] =	stream.indirect.scatter.add.f32 [tilespmem:s28], [sflag:$0x6], $0x80, s26, s25, $0xb8;
	[tilespmem:$0x1B880] =	vst v63  }
0x69: {  	_ =	swait.ge [sflag:s1], $0x2800  }
0x6a: {  	[sflag:s1] =	ssyncset.done $0x0  }
0x6b: {  	s10 =	sadd.s32 $0x0, s20;
	[sflag:s1] =	ssyncadd.s32 $0xFFFFD800  }
0x6c: {  	[tilespmem:s26], [sflag:$0x2] =	stream.linear.gather [hbm4b:s10+s3], $0x50, $0x38;
	[tilespmem:$0x1B880] =	vst v63  }
0x6d: {  	s8 =	simm.s32 $0xF0  }
0x6e: {  	[tilespmem:s28], [sflag:$0x4] =	stream.indirect.gather [hbm4b:s4+s25], $0x80, s8, s25, $0xb8;
	[tilespmem:$0x1B880] =	vst v63  }
0x6f: {  	_ =	swait.ge [sflag:s29], $0x2800  }
0x70: {  	[sflag:s29] =	ssyncset.done $0x0  }
0x71: {  	[sflag:s29] =	ssyncadd.s32 $0xFFFFD800  }
0x72: {  	_ =	swait.ge [sflag:s30], $0x50  }
0x73: {  	[sflag:s30] =	ssyncset.done $0x0  }
0x74: {  	[sflag:s30] =	ssyncadd.s32 $0xFFFFFFB0  }
0x75: {  	[spmem:s2] =	stream.indirect.scatter.add.f32 [tilespmem:s21], [sflag:$0x5], $0x80, s24, s25, $0xb8;
	[tilespmem:$0x1B880] =	vst v63  }
0x76: {  	_ =	swait.ge [sflag:s31], $0x2800  }
0x77: {  	[sflag:s31] =	ssyncset.done $0x0  }
0x78: {  	s9 =	sadd.s32 $0x0, s19;
	[sflag:s31] =	ssyncadd.s32 $0xFFFFD800  }
0x79: {  	[tilespmem:s24], [sflag:$0x2] =	stream.linear.gather [hbm4b:s9+s3], $0x50, $0x38;
	[tilespmem:$0x1B880] =	vst v63  }
0x7a: {  	s10 =	simm.s32 $0x140  }
0x7b: {  	[tilespmem:s21], [sflag:$0x3] =	stream.indirect.gather [hbm4b:s4+s25], $0x80, s10, s25, $0xb8;
	[tilespmem:$0x1B880] =	vst v63  }
0x7c: {  	_ =	swait.ge [sflag:s0], $0x2800  }
0x7d: {  	[sflag:s0] =	ssyncset.done $0x0  }
0x7e: {  	[sflag:s0] =	ssyncadd.s32 $0xFFFFD800  }
0x7f: {  	_ =	swait.ge [sflag:s30], $0x50  }
0x80: {  	[sflag:s30] =	ssyncset.done $0x0  }
0x81: {  	s7 =	simm.s32 $0x14;
	s8 =	simm.s32 $0x1E0;
	[sflag:s30] =	ssyncadd.s32 $0xFFFFFFB0  }
.LBB2_4:
0x82: {  	[spmem:s2] =	stream.indirect.scatter.add.f32 [tilespmem:s28], [sflag:$0x6], $0x80, s26, s25, $0xb8;
	[tilespmem:$0x1B880] =	vst v63  }
0x83: {  	s9 =	smov.u32 s7  }
0x84: {  	p0 =	sne.s32 s7, $0x4B0;
	s7 =	sadd.s32 $0x14, s7;
	_ =	swait.ge [sflag:s1], $0x2800  }
0x85: {  	[sflag:s1] =	ssyncset.done $0x0  }
0x86: {  	s10 =	sadd.s32 s9, s20;
	[sflag:s1] =	ssyncadd.s32 $0xFFFFD800  }
0x87: {  	[tilespmem:s26], [sflag:$0x2] =	stream.linear.gather [hbm4b:s10+s3], $0x50, $0x38;
	[tilespmem:$0x1B880] =	vst v63  }
0x88: {  	s10 =	sadd.s32 $0xFFFFFFB0, s8  }
0x89: {  	[tilespmem:s28], [sflag:$0x4] =	stream.indirect.gather [hbm4b:s4+s25], $0x80, s10, s25, $0xb8;
	[tilespmem:$0x1B880] =	vst v63  }
0x8a: {  	_ =	swait.ge [sflag:s29], $0x2800  }
0x8b: {  	[sflag:s29] =	ssyncset.done $0x0  }
0x8c: {  	[sflag:s29] =	ssyncadd.s32 $0xFFFFD800  }
0x8d: {  	_ =	swait.ge [sflag:s30], $0x50  }
0x8e: {  	[sflag:s30] =	ssyncset.done $0x0  }
0x8f: {  	[sflag:s30] =	ssyncadd.s32 $0xFFFFFFB0  }
0x90: {  	[spmem:s2] =	stream.indirect.scatter.add.f32 [tilespmem:s21], [sflag:$0x5], $0x80, s24, s25, $0xb8;
	[tilespmem:$0x1B880] =	vst v63  }
0x91: {  	_ =	swait.ge [sflag:s31], $0x2800  }
0x92: {  	[sflag:s31] =	ssyncset.done $0x0  }
0x93: {  	s9 =	sadd.s32 s9, s19;
	[sflag:s31] =	ssyncadd.s32 $0xFFFFD800  }
0x94: {  	[tilespmem:s24], [sflag:$0x2] =	stream.linear.gather [hbm4b:s9+s3], $0x50, $0x38;
	[tilespmem:$0x1B880] =	vst v63  }
0x95: {  	_ = 	snop  }
0x96: {  	[tilespmem:s21], [sflag:$0x3] =	stream.indirect.gather [hbm4b:s4+s25], $0x80, s8, s25, $0xb8;
	[tilespmem:$0x1B880] =	vst v63  }
0x97: {  	_ =	swait.ge [sflag:s0], $0x2800  }
.Ltmp1:
0x98: {  	[sflag:s0] =	ssyncset.done $0x0;
	(pc) =	sbr.rel @p0 .LBB2_4-.Ltmp1, $4  }
0x99: {  	[sflag:s0] =	ssyncadd.s32 $0xFFFFD800  }
0x9a: {  	_ =	swait.ge [sflag:s30], $0x50  }
0x9b: {  	[sflag:s30] =	ssyncset.done $0x0  }
0x9c: {  	s8 =	sadd.s32 $0xA0, s8;
	[sflag:s30] =	ssyncadd.s32 $0xFFFFFFB0  }
0x9d: {  	[spmem:s2] =	stream.indirect.scatter.add.f32 [tilespmem:s28], [sflag:$0x6], $0x80, s26, s25, $0xb8;
	[tilespmem:$0x1B880] =	vst v63  }
0x9e: {  	_ =	swait.ge [sflag:s1], $0x2800  }
0x9f: {  	[sflag:s1] =	ssyncset.done $0x0  }
0xa0: {  	[sflag:s1] =	ssyncadd.s32 $0xFFFFD800  }
0xa1: {  	_ =	swait.ge [sflag:s29], $0x2800  }
0xa2: {  	[sflag:s29] =	ssyncset.done $0x0  }
0xa3: {  	[sflag:s29] =	ssyncadd.s32 $0xFFFFD800  }
0xa4: {  	_ =	swait.ge [sflag:s30], $0x50  }
0xa5: {  	[sflag:s30] =	ssyncset.done $0x0  }
0xa6: {  	[sflag:s30] =	ssyncadd.s32 $0xFFFFFFB0  }
0xa7: {  	[spmem:s2] =	stream.indirect.scatter.add.f32 [tilespmem:s21], [sflag:$0x7], $0x80, s24, s25, $0xb8;
	[tilespmem:$0x1B880] =	vst v63  }
0xa8: {  	s7 =	stileid.u32;
	_ =	swait.ge [sflag:s22], $0x2800  }
0xa9: {  	s8 =	sshrl.u32 s5, $0x3;
	s6 =	sadd.s32 $0x1, s6;
	[sflag:s22] =	ssyncset.done $0x0  }
0xaa: {  	s7 =	sshll.u32 s7, $0x6;
	p0 =	sne.s32 s6, s18;
	[sflag:s22] =	ssyncadd.s32 $0xFFFFD800  }
.Ltmp2:
0xab: {  	s7 =	sor.u32 $0x1C07, s7;
	[bflag:$0x0] =	sbarrier.arrive $0xFFFF;
	(pc) =	sbr.rel @p0 .LBB2_1-.Ltmp2, $4  }
0xac: {  	[hbm:s17], [sflag:s7] =	dma.local [spmem:s8], $0x2800  }
0xad: {  	_ =	swait.ge [sflag:s22], $0x2800  }
0xae: {  	[sflag:s22] =	ssyncset.done $0x0  }
0xaf: {  	[sflag:s22] =	ssyncadd.s32 $0xFFFFD800  }
0xb0: {  	_ =	sfence.sel $0x180000  }
0xb1: {  	[bflag:$0x0] =	sbarrier.arrive $0xFFFF  }
0xb2: {  	_ =	strace $0x9000004A  }
0xb3: {  	s0 =	stileid.u32;
	[bflag:$0x2] =	sbarrier.arrive $0xFFFF  }
0xb4: {  	p0 =	sne.s32 s0, $0x0;
	s0 =	rddreg [dreg:$0x2]  }
0xb5: {  	s0 =	sadd.s32 @!p0 $0x100000, s0  }
0xb6: {  	[sflag:s0] =	ssyncadd.tile.s32 @!p0 $0x1;
	_ =	shalt  }
.Lfunc_end2:
_tile_overlayer_lowered:
.L_overlay_start_2:
0xb7: {  	(tag) =	ssettag $0x2  }
0xb8: {  	s0 =	rddreg [dreg:$0x0];
	s2 =	stileid.u32  }
0xb9: {  	s1 =	rddreg [dreg:$0x1];
	p0 =	sne.s32 s2, $0x0  }
0xba: {  	s3 =	rddreg [dreg:$0x2];
	[bflag:$0x3] =	sbarrier.arrive $0xFFFF;
	s2 =	simm.s32 @!p0 $0x1C07  }
0xbb: {  	[timem:s3], [sflag:s2] =	dma.local @!p0 [hbm:s0], s1  }
0xbc: {  	s0 =	simm.s32 @!p0 $0x7  }
0xbd: {  	_ =	swait.ge @!p0 [sflag:s0], s1  }
0xbe: {  	s1 =	ssub.s32 @!p0 $0x0, s1;
	[sflag:s0] =	ssyncset.done @!p0 $0x0  }
0xbf: {  	[sflag:s0] =	ssyncadd.s32 @!p0 s1  }
0xc0: {  	[bflag:$0x3] =	sbarrier.arrive $0xFFFF  }
0xc1: {  	_ =	shalt  }

// kernel: kernel.13.cloned.1.call-start
scs
__scs_entry_jumppad:
0x0: {  	(pc) =	sbr.rel $0x88, $3  }
0x1: {  	(tag) =	ssettag $0x0;
	lr =	simm.s32 $0x1  }
0x2: {  	[smem:$0x3F9B] =	sst lr;
	_ =	strace $0xD0000000  }
0x3: {  	_ = 	snop  }
0x4: {  	_ = 	snop  }
0x5: {  	_ = 	snop  }
0x6: {  	_ = 	snop  }
0x7: {  	_ = 	snop  }
__scs_overlays_trampoline_lowered:
0x8: {  	[smem:$0x3FAA] =	sst s0  }
0x9: {  	[smem:$0x3FAB] =	sst s1  }
0xa: {  	[smem:$0x3FAC] =	sst s2  }
0xb: {  	[smem:$0x3FAD] =	sst s3  }
0xc: {  	[smem:$0x3FAE] =	sst s4  }
0xd: {  	[smem:$0x3FAF] =	sst s5  }
0xe: {  	[smem:$0x3FB0] =	sst s6  }
0xf: {  	[smem:$0x3FB1] =	sst s7  }
0x10: {  	[smem:$0x3FB2] =	sst s8  }
0x11: {  	[smem:$0x3FB3] =	sst s9;
	s0 =	simm.s32 @!p0 $0x0  }
0x12: {  	s1 =	sld [smem:$0x3F99];
	s0 =	simm.s32 @p0 $0x1  }
0x13: {  	[smem:$0x3FB4] =	sst s0;
	s0 =	simm.s32 @!p1 $0x0  }
0x14: {  	s2 =	sld [smem:$0x3F98];
	s0 =	simm.s32 @p1 $0x1  }
0x15: {  	[smem:$0x3FB5] =	sst s0;
	s0 =	simm.s32 @!p2 $0x0  }
0x16: {  	s3 =	sld [smem:$0x3FDB];
	s0 =	simm.s32 @p2 $0x1  }
0x17: {  	s4 =	simm.s32 $0x1BF5;
	[smem:$0x3FB7] =	sst s0  }
0x18: {  	s0 =	sld [smem:$0x3F9A];
	_ =	swait.ge [sflag:s4], $0x0  }
0x19: {  	s7 =	sld [smem:$0x3F9B]  }
0x1a: {  	s8 =	sadd.s32 $0xFFFFE003, lr  }
0x1b: {  	s9 =	sadd.s32 $0xFFFFFEF7, lr;
	s5 =	simm.s32 $0xFFFFFFFF;
	p2 =	slt.u32 s8, $0xFFFFF086  }
0x1c: {  	p1 =	slt.u32 s9, $0xF7A;
	s5 =	simm.s32 @!p2 $0x0  }
0x1d: {  	s5 =	simm.s32 @p1 $0x1;
	p0 =	seq.s32 s7, s2  }
0x1e: {  	s7 =	smul.u32 @!p0 $0xF7A, s2;
	p2 =	seq.s32 @!p0 s5, $0x0  }
0x1f: {  	s9 =	smul.u32 $0xF7A, s1;
	s8 =	simm.s32 @!p0 $0x1BF5;
	p2 =	por !p2, p0  }
0x20: {  	[sflag:s8] =	ssyncset.s32 @!p0 $0xFFFFF086;
	s6 =	sadd.s32 @!p0 s3, s7;
	s7 =	simm.s32 @!p0 $0x108  }
0x21: {  	s3 =	sadd.s32 s3, s9;
	s6 =	sadd.s32 @!p0 $0x88, s6;
	s7 =	simm.s32 @p2 $0x1082  }
0x22: {  	[simem:s7], [sflag:s8] =	dma.local @!p0 [hbm:s6], $0xF7A  }
0x23: {  	s9 =	sor.u32 $0xD0000000, s2;
	s6 =	simm.s32 $0x108;
	_ =	swait.ge @!p0 [sflag:s8], $0x0  }
0x24: {  	s3 =	sadd.s32 $0x88, s3;
	s6 =	simm.s32 @!p1 $0x1082;
	[sflag:s4] =	ssyncset.s32 $0xFFFFF086  }
0x25: {  	[simem:s6], [sflag:s4] =	dma.local [hbm:s3], $0xF7A  }
0x26: {  	[smem:$0x3F9B] =	sst s1;
	(tag) =	ssettag s2;
	_ =	strace s9  }
0x27: {  	s1 =	sld [smem:$0x3FAB]  }
0x28: {  	s2 =	sld [smem:$0x3FAC]  }
0x29: {  	s4 =	sld [smem:$0x3FAE]  }
0x2a: {  	p0 =	seq.s32 s5, $0x0;
	s5 =	sld [smem:$0x3FAF]  }
0x2b: {  	s6 =	sld [smem:$0x3FB0]  }
0x2c: {  	s7 =	sld [smem:$0x3FB1]  }
0x2d: {  	s3 =	simm.s32 $0x108;
	s8 =	sld [smem:$0x3FB2]  }
0x2e: {  	s3 =	simm.s32 @!p0 $0x1082;
	s9 =	sld [smem:$0x3FB3]  }
0x2f: {  	lr =	sadd.s32 s0, s3;
	s0 =	sld [smem:$0x3FAA]  }
0x30: {  	s3 =	sld [smem:$0x3FAD]  }
0x31: {  	[smem:$0x3FB6] =	sst s10  }
0x32: {  	s10 =	sld [smem:$0x3FB4];
	_ =	sdelay $0x3  }
0x33: {  	p0 =	seq.s32 s10, $0x1;
	s10 =	sld [smem:$0x3FB6];
	_ =	sdelay $0x3  }
0x34: {  	[smem:$0x3FB6] =	sst s10  }
0x35: {  	s10 =	sld [smem:$0x3FB5];
	_ =	sdelay $0x3  }
0x36: {  	p1 =	seq.s32 s10, $0x1;
	s10 =	sld [smem:$0x3FB6];
	_ =	sdelay $0x3  }
0x37: {  	[smem:$0x3FB6] =	sst s10  }
0x38: {  	s10 =	sld [smem:$0x3FB7]  }
0x39: {  	_ = 	snop;
	(pc) =	sbr.ind lr, $3  }
0x3a: {  	_ = 	snop  }
0x3b: {  	_ = 	snop  }
0x3c: {  	p2 =	seq.s32 s10, $0x1;
	s10 =	sld [smem:$0x3FB6]  }
0x3d: {  	_ =	shalt  }
0x3e: {  	_ =	shalt  }
0x3f: {  	_ =	shalt  }
0x40: {  	_ =	shalt  }
0x41: {  	_ =	shalt  }
0x42: {  	_ =	shalt  }
0x43: {  	_ =	shalt  }
0x44: {  	_ =	shalt  }
0x45: {  	_ =	shalt  }
0x46: {  	_ =	shalt  }
0x47: {  	_ =	shalt  }
0x48: {  	_ =	shalt  }
0x49: {  	_ =	shalt  }
0x4a: {  	_ =	shalt  }
0x4b: {  	_ =	shalt  }
0x4c: {  	_ =	shalt  }
0x4d: {  	_ =	shalt  }
0x4e: {  	_ =	shalt  }
0x4f: {  	_ =	shalt  }
0x50: {  	_ =	shalt  }
0x51: {  	_ =	shalt  }
0x52: {  	_ =	shalt  }
0x53: {  	_ =	shalt  }
0x54: {  	_ =	shalt  }
0x55: {  	_ =	shalt  }
0x56: {  	_ =	shalt  }
0x57: {  	_ =	shalt  }
0x58: {  	_ =	shalt  }
0x59: {  	_ =	shalt  }
0x5a: {  	_ =	shalt  }
0x5b: {  	_ =	shalt  }
0x5c: {  	_ =	shalt  }
0x5d: {  	_ =	shalt  }
0x5e: {  	_ =	shalt  }
0x5f: {  	_ =	shalt  }
0x60: {  	_ =	shalt  }
0x61: {  	_ =	shalt  }
0x62: {  	_ =	shalt  }
0x63: {  	_ =	shalt  }
0x64: {  	_ =	shalt  }
0x65: {  	_ =	shalt  }
0x66: {  	_ =	shalt  }
0x67: {  	_ =	shalt  }
0x68: {  	_ =	shalt  }
0x69: {  	_ =	shalt  }
0x6a: {  	_ =	shalt  }
0x6b: {  	_ =	shalt  }
0x6c: {  	_ =	shalt  }
0x6d: {  	_ =	shalt  }
0x6e: {  	_ =	shalt  }
0x6f: {  	_ =	shalt  }
0x70: {  	_ =	shalt  }
0x71: {  	_ =	shalt  }
0x72: {  	_ =	shalt  }
0x73: {  	_ =	shalt  }
0x74: {  	_ =	shalt  }
0x75: {  	_ =	shalt  }
0x76: {  	_ =	shalt  }
0x77: {  	_ =	shalt  }
0x78: {  	_ =	shalt  }
0x79: {  	_ =	shalt  }
0x7a: {  	_ =	shalt  }
0x7b: {  	_ =	shalt  }
0x7c: {  	_ =	shalt  }
0x7d: {  	_ =	shalt  }
0x7e: {  	_ =	shalt  }
0x7f: {  	_ =	shalt  }
0x80: {  	_ =	shalt  }
0x81: {  	_ =	shalt  }
0x82: {  	_ =	shalt  }
0x83: {  	_ =	shalt  }
0x84: {  	_ =	shalt  }
0x85: {  	_ =	shalt  }
0x86: {  	_ =	shalt  }
0x87: {  	_ =	shalt  }
.Lfunc_end0:
.L_simem_size_0:
called_computation.2_lowered:
.L_overlay_start_0:
0x88: {  	s2 =	sld [smem:$0x3FD9]  }
0x89: {  	s3 =	sld [smem:$0x3FFE];
	_ =	sdelay $0x1  }
0x8a: {  	s1 =	srdreg.scid  }
0x8b: {  	s0 =	sand.u32 $0x1, s1  }
0x8c: {  	s17 =	sshll.u32 s0, $0xA;
	s2 =	sadd.s32 s3, s2  }
0x8d: {  	s2 =	sadd.s32 s2, s17  }
0x8e: {  	[smem:$0x3FC2] =	sst s2  }
0x8f: {  	_ = 	snop  }
0x90: {  	s2 =	sld [smem:$0x3FD0];
	(tm) =	ssettm $0x1  }
0x91: {  	s18 =	sld [smem:$0x3FFB];
	_ =	sdelay $0x3  }
0x92: {  	_ =	strace s18  }
0x93: {  	s3 =	sld [smem:$0x3FFC];
	_ =	sdelay $0x3  }
0x94: {  	_ =	strace s3  }
0x95: {  	s3 =	sld [smem:$0x3FFD];
	_ =	sdelay $0x3  }
0x96: {  	_ =	strace s3  }
0x97: {  	_ =	strace $0x8FFFFFFF  }
0x98: {  	s19 =	sld [smem:$0x3FDB];
	_ =	sdelay $0x1  }
0x99: {  	s4 =	simm.s32 $_scs_section_size  }
0x9a: {  	s5 =	simm.s32 $_size__tile_overlayer_lowered;
	s6 =	simm.s32 $_tile_overlayer_lowered  }
0x9b: {  	s22 =	simm.s32 $0x1BFF;
	s21 =	sshll.u32 s6, $0x1;
	s3 =	sadd.s32 s4, s19  }
0x9c: {  	s7 =	simm.s32 $0x0;
	s20 =	sshll.u32 s5, $0x1;
	s5 =	sadd.s32 s21, s3  }
0x9d: {  	[timem:s7], [sflag:s22] =	dma.local [hbm:s5], s20  }
0x9e: {  	_ =	swait.ge [sflag:s22], s20  }
0x9f: {  	s4 =	ssub.s32 $0x0, s20;
	[sflag:s22] =	ssyncset.done $0x0  }
0xa0: {  	[sflag:s22] =	ssyncadd.s32 s4;
	_ =	sdelay $0x1  }
0xa1: {  	s23 =	simm.s32 $0x1B8B  }
0xa2: {  	_ =	swait.ge [sflag:s23], $0x1  }
0xa3: {  	[sflag:s23] =	ssyncset.done $0x0  }
0xa4: {  	s25 =	simm.s32 $0x1B8E;
	s24 =	sld [smem:$0x3FFE];
	[sflag:s23] =	ssyncadd.s32 $0xFFFFFFFF  }
0xa5: {  	s26 =	simm.s32 $execute0_lowered;
	[smem:$0x3FD2] =	sst s25  }
0xa6: {  	s5 =	sshll.u32 s26, $0x1;
	_ =	strace $0x8000004C;
	[dreg:$0x1] =	wrdreg $0xFFFFFFFF  }
0xa7: {  	s28 =	simm.s32 $_size_execute0_lowered;
	s3 =	sadd.s32 s3, s5;
	[dreg:$0x0] =	wrdreg $0x0  }
0xa8: {  	s5 =	sshll.u32 s28, $0x1;
	[dreg:$0x2] =	wrdreg s3  }
0xa9: {  	[dreg:$0x3] =	wrdreg s5  }
0xaa: {  	[dreg:$0x4] =	wrdreg $0xC0  }
0xab: {  	_ =	task [dreg:s7], $0x5FFFF  }
0xac: {  	[dreg:$0x1] =	wrdreg $0xFFFFFFFF  }
0xad: {  	[dreg:$0x0] =	wrdreg $0x60  }
0xae: {  	[dreg:$0x2] =	wrdreg s24  }
0xaf: {  	[dreg:$0x3] =	wrdreg s2  }
0xb0: {  	[dreg:$0x4] =	wrdreg $0xB5800  }
0xb1: {  	[dreg:$0x5] =	wrdreg $0x9  }
0xb2: {  	_ =	task.clear_ibuf [dreg:s7], $0x6FFFF;
	_ =	strace $0x9000004C  }
0xb3: {  	s29 =	simm.s32 $0x9;
	_ =	strace $0x8000004E  }
0xb4: {  	_ =	swait.ge [sflag:s29], $0x1  }
0xb5: {  	[sflag:s29] =	ssyncadd.s32 $0xFFFFFFFF  }
0xb6: {  	_ =	strace $0x9000004E  }
0xb7: {  	_ =	sfence  }
0xb8: {  	s30 =	sld [smem:$0x0];
	_ =	sdelay $0x2  }
0xb9: {  	s31 =	sshll.u32 s1, $0xD;
	s1 =	sshrl.u32 s1, $0x2  }
0xba: {  	s3 =	sand.u32 $0x4000, s31;
	s1 =	sadd.s32 s1, s30  }
0xbb: {  	s0 =	sor.u32 s3, s0;
	s1 =	sshll.u32 s1, $0x11  }
0xbc: {  	s0 =	sor.u32 s1, s0  }
0xbd: {  	s0 =	sadd.s32 $0x8F2B, s0  }
0xbe: {  	[sflag:s0] =	ssyncadd.remote.s32 $0x1  }
0xbf: {  	_ =	sfence.sel $0xFFFF  }
0xc0: {  	[dreg:$0x0] =	wrdreg $0xFFFFFFFF;
	(pc) =	sbr.abs _section_cstart, $3  }
0xc1: {  	[dreg:$0x1] =	wrdreg $0xFFFFFFFF  }
0xc2: {  	_ =	task.clear_ibuf [dreg:s7], $0x2FFFF;
	_ =	strace $0x9FFFFFFF  }
0xc3: {  	(tm) =	ssettm $0x7FFFFFFF  }
tec
execute0_lowered:
.L_overlay_start_1:
0x0: {  	(tag) =	ssettag $0x1  }
0x1: {  	s0 =	rddreg [dreg:$0x0]  }
0x2: {  	s1 =	rddreg [dreg:$0x1]  }
0x3: {  	s8 =	stileid.u32;
	s2 =	srdreg.scid  }
0x4: {  	s3 =	rddreg [dreg:$0x2];
	s28 =	simm.s32 $0x1;
	s29 =	simm.s32 $0x7680  }
0x5: {  	s30 =	simm.s32 $0x2;
	s31 =	simm.s32 $0x0;
	s4 =	smul.u32 $0x9C4, s8  }
0x6: {  	s5 =	sand.u32 $0x1, s2;
	s2 =	simm.s32 $0x0;
	s7 =	smul.u32 $0x140, s8  }
0x7: {  	s21 =	smul.u32 $0xA000, s8;
	s22 =	sadd.s32 $0x600, s0;
	[smem:$0x7FF] =	sst s2  }
0x8: {  	s6 =	smul.u32 $0x1400, s5;
	s5 =	ssub.s32 $0x2, s5;
	_ =	strace $0x8000004D  }
0x9: {  	s4 =	sadd.s32 s4, s0;
	[dreg:$0x4] =	wrdreg s22;
	s9 =	sshrl.u32 s5, $0x1  }
0xa: {  	s6 =	sadd.s32 s7, s6;
	s5 =	ssub.s32 s5, s9;
	s4 =	sadd.s32 $0x8C200, s4  }
0xb: {  	s7 =	sshrl.u32 s21, $0x2;
	s23 =	sshrl.u32 s6, $0x3;
	[dreg:$0x5] =	wrdreg s4  }
0xc: {  	s24 =	sadd.s32 s7, s3;
	s6 =	sadd.s32 s6, s3;
	s0 =	sadd.s32 s23, s0  }
0xd: {  	[dreg:$0x6] =	wrdreg s24;
	s26 =	sadd.s32 $0x2800, s6;
	s10 =	sadd.s32 $0x5000, s6  }
0xe: {  	s11 =	sadd.s32 $0x7800, s6;
	s12 =	sadd.s32 $0xA000, s6;
	s13 =	sadd.s32 $0xC800, s6  }
0xf: {  	s14 =	sadd.s32 $0xF000, s6;
	s15 =	sadd.s32 $0x11800, s6;
	s16 =	sadd.s32 $0x14000, s6  }
0x10: {  	s17 =	sadd.s32 $0x16800, s6;
	s18 =	sadd.s32 $0x19000, s6;
	s19 =	sadd.s32 $0x1B800, s6  }
0x11: {  	s20 =	sadd.s32 $0x1E000, s6;
	s21 =	sadd.s32 $0x20800, s6;
	s22 =	sadd.s32 $0x23000, s6  }
0x12: {  	s23 =	sadd.s32 s1, s23;
	s25 =	sadd.s32 $0x96000, s0;
	[dreg:$0x9] =	wrdreg s26  }
0x13: {  	s24 =	sadd.s32 $0x25800, s6;
	s0 =	sadd.s32 $0xC00, s0;
	[dreg:$0x7] =	wrdreg s25  }
0x14: {  	v0 =	vimm.f32 $0.0e+00;
	s26 =	simm.s32 $0x4E80;
	[dreg:$0x8] =	wrdreg s0;
	s25 =	smax.u32 s5, $0x1  }
.LBB2_1:
0x15: {  	s0 =	rddreg [dreg:$0x5]  }
0x16: {  	[tilespmem:s2], [sflag:$0x1] =	stream.linear.gather [hbm4b:s0+s2], $0x4E20, $0x38;
	[tilespmem:$0xDD80] =	vst v63  }
0x17: {  	s9 =	rddreg [dreg:$0x4];
	s0 =	simm.s32 $0x76C0  }
0x18: {  	[tilespmem:s26], [sflag:$0x1] =	stream.linear.gather [hbm4b:s9+s2], $0x2800, $0x38;
	[tilespmem:$0xDD80] =	vst v63  }
0x19: {  	[tilespmem:s0+$0xFFFFFFC0] =	vst v0  }
0x1a: {  	[tilespmem:s0+$0x30] =	vst v0  }
0x1b: {  	[tilespmem:s0+$0x20] =	vst v0  }
0x1c: {  	[tilespmem:s0+$0x10] =	vst v0  }
0x1d: {  	[tilespmem:s0+$0x0] =	vst v0  }
0x1e: {  	[tilespmem:s0+$0xFFFFFFF0] =	vst v0  }
0x1f: {  	s1 =	simm.s32 $0x0;
	[tilespmem:s0+$0xFFFFFFE0] =	vst v0  }
.LBB2_2:
0x20: {  	s1 =	sadd.s32 $0x8, s1;
	[tilespmem:s0+$0xFFFFFFD0] =	vst v0;
	s0 =	sadd.s32 $0x80, s0  }
0x21: {  	[tilespmem:s0+$0xFFFFFFC0] =	vst v0;
	p0 =	slt.u32 s1, $0x278  }
0x22: {  	[tilespmem:s0+$0x30] =	vst v0  }
.Ltmp0:
0x23: {  	[tilespmem:s0+$0x20] =	vst v0;
	(pc) =	sbr.rel @p0 .LBB2_2-.Ltmp0, $4  }
0x24: {  	[tilespmem:s0+$0x10] =	vst v0  }
0x25: {  	[tilespmem:s0+$0x0] =	vst v0  }
0x26: {  	[tilespmem:s0+$0xFFFFFFF0] =	vst v0  }
0x27: {  	[tilespmem:s0+$0xFFFFFFE0] =	vst v0  }
0x28: {  	[tilespmem:s0+$0xFFFFFFD0] =	vst v0  }
0x29: {  	_ =	swait.ge [sflag:s28], $0x4E20  }
0x2a: {  	[sflag:s28] =	ssyncset.done $0x0  }
0x2b: {  	[sflag:s28] =	ssyncadd.s32 $0xFFFFB1E0  }
0x2c: {  	_ =	swait.ge [sflag:s28], $0x2800  }
0x2d: {  	[sflag:s28] =	ssyncset.done $0x0  }
0x2e: {  	s0 =	simm.s32 $0xFFFFFFFC;
	s1 =	simm.s32 $0x20;
	[sflag:s28] =	ssyncadd.s32 $0xFFFFD800  }
.LBB2_4:
0x2f: {  	v1 =	vld [tilespmem:s1+$0xFFFFFFE0];
	_ =	sdelay $0x4  }
0x30: {  	v2 =	vand.u32 $0xFFFF, v1;
	_ =	sdelay $0x4  }
0x31: {  	v1 =	vshra.s32 v1, $0x10;
	v2 =	vld.idx.msk [tilespmem:v2+s26+$0x0], $0xffff;
	_ =	sdelay $0x4  }
0x32: {  	[tilespmem:v1+s29+$0x0] =	vst.idx.add.f32.msk $0xffff, v2  }
0x33: {  	v1 =	vld [tilespmem:s1+$0xFFFFFFF0];
	_ =	sdelay $0x4  }
0x34: {  	v2 =	vand.u32 $0xFFFF, v1;
	_ =	sdelay $0x4  }
0x35: {  	v1 =	vshra.s32 v1, $0x10;
	v2 =	vld.idx.msk [tilespmem:v2+s26+$0x0], $0xffff;
	_ =	sdelay $0x4  }
0x36: {  	[tilespmem:v1+s29+$0x0] =	vst.idx.add.f32.msk $0xffff, v2  }
0x37: {  	v1 =	vld [tilespmem:s1+$0x0];
	_ =	sdelay $0x4  }
0x38: {  	v2 =	vand.u32 $0xFFFF, v1;
	_ =	sdelay $0x4  }
0x39: {  	v1 =	vshra.s32 v1, $0x10;
	v2 =	vld.idx.msk [tilespmem:v2+s26+$0x0], $0xffff;
	_ =	sdelay $0x4  }
0x3a: {  	[tilespmem:v1+s29+$0x0] =	vst.idx.add.f32.msk $0xffff, v2  }
0x3b: {  	v1 =	vld [tilespmem:s1+$0x10];
	_ =	sdelay $0x4  }
0x3c: {  	v2 =	vand.u32 $0xFFFF, v1;
	_ =	sdelay $0x3  }
0x3d: {  	s0 =	sadd.s32 $0x4, s0  }
0x3e: {  	p0 =	slt.u32 s0, $0x4DC;
	v1 =	vshra.s32 v1, $0x10;
	v2 =	vld.idx.msk [tilespmem:v2+s26+$0x0], $0xffff  }
.Ltmp1:
0x3f: {  	_ = 	snop;
	(pc) =	sbr.rel @p0 .LBB2_4-.Ltmp1, $2  }
0x40: {  	_ =	sdelay $0x2  }
0x41: {  	s1 =	sadd.s32 $0x40, s1;
	[tilespmem:v1+s29+$0x0] =	vst.idx.add.f32.msk $0xffff, v2  }
0x42: {  	v1 =	vld [tilespmem:$0x4E00];
	_ =	sdelay $0x4  }
0x43: {  	v2 =	vand.u32 $0xFFFF, v1;
	_ =	sdelay $0x4  }
0x44: {  	v1 =	vshra.s32 v1, $0x10;
	v2 =	vld.idx.msk [tilespmem:v2+s26+$0x0], $0xffff;
	_ =	sdelay $0x4  }
0x45: {  	[tilespmem:v1+s29+$0x0] =	vst.idx.add.f32.msk $0xffff, v2  }
0x46: {  	v1 =	vld [tilespmem:$0x4E10];
	_ =	sdelay $0x4  }
0x47: {  	v2 =	vand.u32 $0xFFFF, v1;
	_ =	sdelay $0x4  }
0x48: {  	v1 =	vshra.s32 v1, $0x10;
	v2 =	vld.idx.msk [tilespmem:v2+s26+$0x0], $0xffff;
	_ =	sdelay $0x4  }
0x49: {  	s0 =	rddreg [dreg:$0x6];
	[tilespmem:v1+s29+$0x0] =	vst.idx.add.f32.msk $0xffff, v2  }
0x4a: {  	[spmem:s0] =	stream.linear.scatter [tilespmem:s29], [sflag:$0x2], $0x2800, $0x38;
	[tilespmem:$0xDD80] =	vst v63  }
0x4b: {  	_ =	swait.ge [sflag:s30], $0x2800  }
0x4c: {  	[sflag:s30] =	ssyncset.done $0x0  }
0x4d: {  	[sflag:s30] =	ssyncadd.s32 $0xFFFFD800  }
0x4e: {  	[bflag:$0x0] =	sbarrier.arrive $0xFFFF  }
0x4f: {  	s1 =	simm.s32 $0x0;
	s3 =	simm.s32 $0xB280;
	s7 =	rddreg [dreg:$0x7]  }
0x50: {  	[tilespmem:s3], [sflag:$0x1] =	stream.linear.gather [hbm4b:s7+s1], $0x140, $0x38;
	[tilespmem:$0xDD80] =	vst v63  }
0x51: {  	s9 =	simm.s32 $0xB400;
	s8 =	rddreg [dreg:$0x8]  }
0x52: {  	[tilespmem:s9], [sflag:$0x1] =	stream.linear.gather [hbm4b:s8+s1], $0x140, $0x38;
	[tilespmem:$0xDD80] =	vst v63  }
0x53: {  	_ =	swait.ge [sflag:s28], $0x140  }
0x54: {  	[sflag:s28] =	ssyncset.done $0x0  }
0x55: {  	[sflag:s28] =	ssyncadd.s32 $0xFFFFFEC0  }
0x56: {  	_ =	swait.ge [sflag:s28], $0x140  }
0x57: {  	[sflag:s28] =	ssyncset.done $0x0  }
0x58: {  	s3 =	simm.s32 $0x9E80;
	[sflag:s28] =	ssyncadd.s32 $0xFFFFFEC0  }
0x59: {  	[tilespmem:s3], [sflag:$0x1] =	stream.linear.gather [spmem:s6], $0x140, $0x38;
	[tilespmem:$0xDD80] =	vst v63  }
0x5a: {  	s5 =	simm.s32 $0x9FC0;
	s4 =	rddreg [dreg:$0x9]  }
0x5b: {  	[tilespmem:s5], [sflag:$0x1] =	stream.linear.gather [spmem:s4], $0x140, $0x38;
	[tilespmem:$0xDD80] =	vst v63  }
0x5c: {  	s7 =	simm.s32 $0xA100  }
0x5d: {  	[tilespmem:s7], [sflag:$0x1] =	stream.linear.gather [spmem:s10], $0x140, $0x38;
	[tilespmem:$0xDD80] =	vst v63  }
0x5e: {  	s8 =	simm.s32 $0xA240  }
0x5f: {  	[tilespmem:s8], [sflag:$0x1] =	stream.linear.gather [spmem:s11], $0x140, $0x38;
	[tilespmem:$0xDD80] =	vst v63  }
0x60: {  	s9 =	simm.s32 $0xA380  }
0x61: {  	[tilespmem:s9], [sflag:$0x1] =	stream.linear.gather [spmem:s12], $0x140, $0x38;
	[tilespmem:$0xDD80] =	vst v63  }
0x62: {  	s3 =	simm.s32 $0xA4C0  }
0x63: {  	[tilespmem:s3], [sflag:$0x1] =	stream.linear.gather [spmem:s13], $0x140, $0x38;
	[tilespmem:$0xDD80] =	vst v63  }
0x64: {  	s4 =	simm.s32 $0xA600  }
0x65: {  	[tilespmem:s4], [sflag:$0x1] =	stream.linear.gather [spmem:s14], $0x140, $0x38;
	[tilespmem:$0xDD80] =	vst v63  }
0x66: {  	s5 =	simm.s32 $0xA740  }
0x67: {  	[tilespmem:s5], [sflag:$0x1] =	stream.linear.gather [spmem:s15], $0x140, $0x38;
	[tilespmem:$0xDD80] =	vst v63  }
0x68: {  	_ =	swait.ge [sflag:s28], $0x140  }
0x69: {  	[sflag:s28] =	ssyncset.done $0x0  }
0x6a: {  	[sflag:s28] =	ssyncadd.s32 $0xFFFFFEC0  }
0x6b: {  	_ =	swait.ge [sflag:s28], $0x140  }
0x6c: {  	[sflag:s28] =	ssyncset.done $0x0  }
0x6d: {  	[sflag:s28] =	ssyncadd.s32 $0xFFFFFEC0  }
0x6e: {  	_ =	swait.ge [sflag:s28], $0x140  }
0x6f: {  	[sflag:s28] =	ssyncset.done $0x0  }
0x70: {  	[sflag:s28] =	ssyncadd.s32 $0xFFFFFEC0  }
0x71: {  	_ =	swait.ge [sflag:s28], $0x140  }
0x72: {  	[sflag:s28] =	ssyncset.done $0x0  }
0x73: {  	[sflag:s28] =	ssyncadd.s32 $0xFFFFFEC0  }
0x74: {  	_ =	swait.ge [sflag:s28], $0x140  }
0x75: {  	[sflag:s28] =	ssyncset.done $0x0  }
0x76: {  	[sflag:s28] =	ssyncadd.s32 $0xFFFFFEC0  }
0x77: {  	_ =	swait.ge [sflag:s28], $0x140  }
0x78: {  	[sflag:s28] =	ssyncset.done $0x0  }
0x79: {  	[sflag:s28] =	ssyncadd.s32 $0xFFFFFEC0  }
0x7a: {  	_ =	swait.ge [sflag:s28], $0x140  }
0x7b: {  	[sflag:s28] =	ssyncset.done $0x0  }
0x7c: {  	[sflag:s28] =	ssyncadd.s32 $0xFFFFFEC0  }
0x7d: {  	_ =	swait.ge [sflag:s28], $0x140  }
0x7e: {  	[sflag:s28] =	ssyncset.done $0x0  }
0x7f: {  	s7 =	simm.s32 $0xA880;
	[sflag:s28] =	ssyncadd.s32 $0xFFFFFEC0  }
0x80: {  	[tilespmem:s7], [sflag:$0x1] =	stream.linear.gather [spmem:s16], $0x140, $0x38;
	[tilespmem:$0xDD80] =	vst v63  }
0x81: {  	s8 =	simm.s32 $0xA9C0  }
0x82: {  	[tilespmem:s8], [sflag:$0x1] =	stream.linear.gather [spmem:s17], $0x140, $0x38;
	[tilespmem:$0xDD80] =	vst v63  }
0x83: {  	s9 =	simm.s32 $0xAB00  }
0x84: {  	[tilespmem:s9], [sflag:$0x1] =	stream.linear.gather [spmem:s18], $0x140, $0x38;
	[tilespmem:$0xDD80] =	vst v63  }
0x85: {  	s3 =	simm.s32 $0xAC40  }
0x86: {  	[tilespmem:s3], [sflag:$0x1] =	stream.linear.gather [spmem:s19], $0x140, $0x38;
	[tilespmem:$0xDD80] =	vst v63  }
0x87: {  	s4 =	simm.s32 $0xAD80  }
0x88: {  	[tilespmem:s4], [sflag:$0x1] =	stream.linear.gather [spmem:s20], $0x140, $0x38;
	[tilespmem:$0xDD80] =	vst v63  }
0x89: {  	s5 =	simm.s32 $0xAEC0  }
0x8a: {  	[tilespmem:s5], [sflag:$0x1] =	stream.linear.gather [spmem:s21], $0x140, $0x38;
	[tilespmem:$0xDD80] =	vst v63  }
0x8b: {  	s7 =	simm.s32 $0xB000  }
0x8c: {  	[tilespmem:s7], [sflag:$0x1] =	stream.linear.gather [spmem:s22], $0x140, $0x38;
	[tilespmem:$0xDD80] =	vst v63  }
0x8d: {  	s8 =	simm.s32 $0xB140  }
0x8e: {  	[tilespmem:s8], [sflag:$0x1] =	stream.linear.gather [spmem:s24], $0x140, $0x38;
	[tilespmem:$0xDD80] =	vst v63  }
0x8f: {  	_ =	swait.ge [sflag:s28], $0x140  }
0x90: {  	[sflag:s28] =	ssyncset.done $0x0  }
0x91: {  	[sflag:s28] =	ssyncadd.s32 $0xFFFFFEC0  }
0x92: {  	_ =	swait.ge [sflag:s28], $0x140  }
0x93: {  	[sflag:s28] =	ssyncset.done $0x0  }
0x94: {  	[sflag:s28] =	ssyncadd.s32 $0xFFFFFEC0  }
0x95: {  	_ =	swait.ge [sflag:s28], $0x140  }
0x96: {  	[sflag:s28] =	ssyncset.done $0x0  }
0x97: {  	[sflag:s28] =	ssyncadd.s32 $0xFFFFFEC0  }
0x98: {  	_ =	swait.ge [sflag:s28], $0x140  }
0x99: {  	[sflag:s28] =	ssyncset.done $0x0  }
0x9a: {  	[sflag:s28] =	ssyncadd.s32 $0xFFFFFEC0  }
0x9b: {  	_ =	swait.ge [sflag:s28], $0x140  }
0x9c: {  	[sflag:s28] =	ssyncset.done $0x0  }
0x9d: {  	[sflag:s28] =	ssyncadd.s32 $0xFFFFFEC0  }
0x9e: {  	_ =	swait.ge [sflag:s28], $0x140  }
0x9f: {  	[sflag:s28] =	ssyncset.done $0x0  }
0xa0: {  	[sflag:s28] =	ssyncadd.s32 $0xFFFFFEC0  }
0xa1: {  	_ =	swait.ge [sflag:s28], $0x140  }
0xa2: {  	[sflag:s28] =	ssyncset.done $0x0  }
0xa3: {  	[sflag:s28] =	ssyncadd.s32 $0xFFFFFEC0  }
0xa4: {  	_ =	swait.ge [sflag:s28], $0x140  }
0xa5: {  	[sflag:s28] =	ssyncset.done $0x0  }
0xa6: {  	s0 =	simm.s32 $0xA890;
	[sflag:s28] =	ssyncadd.s32 $0xFFFFFEC0  }
0xa7: {  	v1 =	vld [tilespmem:s0+$0xFFFFF730]  }
0xa8: {  	v2 =	vld [tilespmem:s0+$0xFFFFF5F0]  }
0xa9: {  	s9 =	sand.u32 $0x1C0, s1  }
0xaa: {  	v3 =	vld [tilespmem:s9+$0xA100];
	_ =	sdelay $0x1  }
0xab: {  	v4 =	vld [tilespmem:s0+$0xFFFFF9B0]  }
0xac: {  	v1 =	vadd.f32 v1, v2  }
0xad: {  	v2 =	vld [tilespmem:s9+$0xA380]  }
0xae: {  	v1 =	vadd.f32 v3, v1  }
0xaf: {  	v3 =	vld [tilespmem:s0+$0xFFFFFC30]  }
0xb0: {  	v1 =	vadd.f32 v4, v1  }
0xb1: {  	v4 =	vld [tilespmem:s9+$0xA600]  }
0xb2: {  	v1 =	vadd.f32 v2, v1  }
0xb3: {  	v2 =	vld [tilespmem:s0+$0xFFFFFEB0]  }
0xb4: {  	v1 =	vadd.f32 v3, v1  }
0xb5: {  	v3 =	vld [tilespmem:s9+$0xA880]  }
0xb6: {  	v1 =	vadd.f32 v4, v1  }
0xb7: {  	v4 =	vld [tilespmem:s0+$0x130]  }
0xb8: {  	v1 =	vadd.f32 v2, v1  }
0xb9: {  	v2 =	vld [tilespmem:s9+$0xAB00]  }
0xba: {  	v1 =	vadd.f32 v3, v1  }
0xbb: {  	v3 =	vld [tilespmem:s0+$0x3B0]  }
0xbc: {  	v1 =	vadd.f32 v4, v1  }
0xbd: {  	v4 =	vld [tilespmem:s9+$0xAD80]  }
0xbe: {  	v1 =	vadd.f32 v2, v1  }
0xbf: {  	v2 =	vld [tilespmem:s0+$0x630]  }
0xc0: {  	v1 =	vadd.f32 v3, v1  }
0xc1: {  	v3 =	vld [tilespmem:s9+$0xB000]  }
0xc2: {  	v1 =	vadd.f32 v4, v1  }
0xc3: {  	v4 =	vld [tilespmem:s0+$0x8B0]  }
0xc4: {  	s5 =	simm.s32 $0xB2A0;
	v1 =	vadd.f32 v2, v1  }
0xc5: {  	v2 =	vld [tilespmem:s5+$0xFFFFFFE0]  }
0xc6: {  	s7 =	simm.s32 $0xB420;
	v1 =	vadd.f32 v3, v1  }
0xc7: {  	v3 =	vld [tilespmem:s7+$0xFFFFFFE0]  }
0xc8: {  	v1 =	vadd.f32 v4, v1;
	_ =	sdelay $0x1  }
0xc9: {  	v1 =	vmul.f32 v2, v1;
	_ =	sdelay $0x1  }
0xca: {  	v1 =	vadd.f32 v3, v1  }
0xcb: {  	s3 =	simm.s32 $0x76A0  }
0xcc: {  	[tilespmem:s3+$0xFFFFFFE0] =	vst v1  }
0xcd: {  	v1 =	vld [tilespmem:s0+$0xFFFFF600]  }
0xce: {  	v2 =	vld [tilespmem:s0+$0xFFFFF740];
	_ =	sdelay $0x1  }
0xcf: {  	v3 =	vld [tilespmem:s0+$0xFFFFF880];
	_ =	sdelay $0x1  }
0xd0: {  	v4 =	vld [tilespmem:s0+$0xFFFFF9C0]  }
0xd1: {  	v1 =	vadd.f32 v2, v1  }
0xd2: {  	v2 =	vld [tilespmem:s0+$0xFFFFFB00]  }
0xd3: {  	v1 =	vadd.f32 v3, v1  }
0xd4: {  	v3 =	vld [tilespmem:s0+$0xFFFFFC40]  }
0xd5: {  	v1 =	vadd.f32 v4, v1  }
0xd6: {  	v4 =	vld [tilespmem:s0+$0xFFFFFD80]  }
0xd7: {  	v1 =	vadd.f32 v2, v1  }
0xd8: {  	v2 =	vld [tilespmem:s0+$0xFFFFFEC0]  }
0xd9: {  	v1 =	vadd.f32 v3, v1  }
0xda: {  	v3 =	vld [tilespmem:s0+$0x0]  }
0xdb: {  	v1 =	vadd.f32 v4, v1  }
0xdc: {  	v4 =	vld [tilespmem:s0+$0x140]  }
0xdd: {  	v1 =	vadd.f32 v2, v1  }
0xde: {  	v2 =	vld [tilespmem:s0+$0x280]  }
0xdf: {  	v1 =	vadd.f32 v3, v1  }
0xe0: {  	v3 =	vld [tilespmem:s0+$0x3C0]  }
0xe1: {  	v1 =	vadd.f32 v4, v1  }
0xe2: {  	v4 =	vld [tilespmem:s0+$0x500]  }
0xe3: {  	v1 =	vadd.f32 v2, v1  }
0xe4: {  	v2 =	vld [tilespmem:s0+$0x640]  }
0xe5: {  	v1 =	vadd.f32 v3, v1  }
0xe6: {  	v3 =	vld [tilespmem:s0+$0x780]  }
0xe7: {  	v1 =	vadd.f32 v4, v1  }
0xe8: {  	v4 =	vld [tilespmem:s0+$0x8C0]  }
0xe9: {  	v1 =	vadd.f32 v2, v1  }
0xea: {  	v2 =	vld [tilespmem:s5+$0xFFFFFFF0]  }
0xeb: {  	v1 =	vadd.f32 v3, v1  }
0xec: {  	v3 =	vld [tilespmem:s7+$0xFFFFFFF0]  }
0xed: {  	v1 =	vadd.f32 v4, v1;
	_ =	sdelay $0x1  }
0xee: {  	v1 =	vmul.f32 v2, v1;
	_ =	sdelay $0x1  }
0xef: {  	v1 =	vadd.f32 v3, v1;
	_ =	sdelay $0x1  }
0xf0: {  	[tilespmem:s3+$0xFFFFFFF0] =	vst v1  }
0xf1: {  	v1 =	vld [tilespmem:s0+$0xFFFFF610]  }
0xf2: {  	v2 =	vld [tilespmem:s0+$0xFFFFF750];
	_ =	sdelay $0x1  }
0xf3: {  	v3 =	vld [tilespmem:s0+$0xFFFFF890];
	_ =	sdelay $0x1  }
0xf4: {  	v4 =	vld [tilespmem:s0+$0xFFFFF9D0]  }
0xf5: {  	v1 =	vadd.f32 v2, v1  }
0xf6: {  	v2 =	vld [tilespmem:s0+$0xFFFFFB10]  }
0xf7: {  	v1 =	vadd.f32 v3, v1  }
0xf8: {  	v3 =	vld [tilespmem:s0+$0xFFFFFC50]  }
0xf9: {  	v1 =	vadd.f32 v4, v1  }
0xfa: {  	v4 =	vld [tilespmem:s0+$0xFFFFFD90]  }
0xfb: {  	v1 =	vadd.f32 v2, v1  }
0xfc: {  	v2 =	vld [tilespmem:s0+$0xFFFFFED0]  }
0xfd: {  	v1 =	vadd.f32 v3, v1  }
0xfe: {  	v3 =	vld [tilespmem:s0+$0x10]  }
0xff: {  	v1 =	vadd.f32 v4, v1  }
0x100: {  	v4 =	vld [tilespmem:s0+$0x150]  }
0x101: {  	v1 =	vadd.f32 v2, v1  }
0x102: {  	v2 =	vld [tilespmem:s0+$0x290]  }
0x103: {  	v1 =	vadd.f32 v3, v1  }
0x104: {  	v3 =	vld [tilespmem:s0+$0x3D0]  }
0x105: {  	v1 =	vadd.f32 v4, v1  }
0x106: {  	v4 =	vld [tilespmem:s0+$0x510]  }
0x107: {  	v1 =	vadd.f32 v2, v1  }
0x108: {  	v2 =	vld [tilespmem:s0+$0x650]  }
0x109: {  	v1 =	vadd.f32 v3, v1  }
0x10a: {  	v3 =	vld [tilespmem:s0+$0x790]  }
0x10b: {  	v1 =	vadd.f32 v4, v1  }
0x10c: {  	v4 =	vld [tilespmem:s0+$0x8D0]  }
0x10d: {  	v1 =	vadd.f32 v2, v1  }
0x10e: {  	v2 =	vld [tilespmem:s5+$0x0]  }
0x10f: {  	v1 =	vadd.f32 v3, v1  }
0x110: {  	v3 =	vld [tilespmem:s7+$0x0]  }
0x111: {  	v1 =	vadd.f32 v4, v1;
	_ =	sdelay $0x1  }
0x112: {  	v1 =	vmul.f32 v2, v1;
	_ =	sdelay $0x1  }
0x113: {  	v1 =	vadd.f32 v3, v1;
	_ =	sdelay $0x1  }
0x114: {  	[tilespmem:s3+$0x0] =	vst v1  }
0x115: {  	v1 =	vld [tilespmem:s0+$0xFFFFF620]  }
0x116: {  	v2 =	vld [tilespmem:s0+$0xFFFFF760];
	_ =	sdelay $0x1  }
0x117: {  	v3 =	vld [tilespmem:s0+$0xFFFFF8A0];
	_ =	sdelay $0x1  }
0x118: {  	v4 =	vld [tilespmem:s0+$0xFFFFF9E0]  }
0x119: {  	v1 =	vadd.f32 v2, v1  }
0x11a: {  	v2 =	vld [tilespmem:s0+$0xFFFFFB20]  }
0x11b: {  	v1 =	vadd.f32 v3, v1  }
0x11c: {  	v3 =	vld [tilespmem:s0+$0xFFFFFC60]  }
0x11d: {  	v1 =	vadd.f32 v4, v1  }
0x11e: {  	v4 =	vld [tilespmem:s0+$0xFFFFFDA0]  }
0x11f: {  	v1 =	vadd.f32 v2, v1  }
0x120: {  	v2 =	vld [tilespmem:s0+$0xFFFFFEE0]  }
0x121: {  	v1 =	vadd.f32 v3, v1  }
0x122: {  	v3 =	vld [tilespmem:s0+$0x20]  }
0x123: {  	v1 =	vadd.f32 v4, v1  }
0x124: {  	v4 =	vld [tilespmem:s0+$0x160]  }
0x125: {  	v1 =	vadd.f32 v2, v1  }
0x126: {  	v2 =	vld [tilespmem:s0+$0x2A0]  }
0x127: {  	v1 =	vadd.f32 v3, v1  }
0x128: {  	v3 =	vld [tilespmem:s0+$0x3E0]  }
0x129: {  	v1 =	vadd.f32 v4, v1  }
0x12a: {  	v4 =	vld [tilespmem:s0+$0x520]  }
0x12b: {  	v1 =	vadd.f32 v2, v1  }
0x12c: {  	v2 =	vld [tilespmem:s0+$0x660]  }
0x12d: {  	v1 =	vadd.f32 v3, v1  }
0x12e: {  	v3 =	vld [tilespmem:s0+$0x7A0]  }
0x12f: {  	v1 =	vadd.f32 v4, v1  }
0x130: {  	v4 =	vld [tilespmem:s0+$0x8E0]  }
0x131: {  	v1 =	vadd.f32 v2, v1  }
0x132: {  	v2 =	vld [tilespmem:s5+$0x10]  }
0x133: {  	v3 =	vadd.f32 v3, v1  }
0x134: {  	v1 =	vld [tilespmem:s7+$0x10]  }
0x135: {  	s4 =	simm.s32 $0x0;
	v3 =	vadd.f32 v4, v3  }
0x136: {  	s8 =	simm.s32 $0xB2E0;
	s5 =	simm.s32 $0xB460;
	s7 =	simm.s32 $0x76E0  }
.LBB2_6:
0x137: {  	s4 =	sadd.s32 $0x4, s4;
	v2 =	vmul.f32 v2, v3;
	s0 =	sadd.s32 $0x40, s0;
	s1 =	sadd.s32 $0x40, s1  }
0x138: {  	p0 =	slt.u32 s4, $0x10  }
0x139: {  	v1 =	vadd.f32 v1, v2;
	_ =	sdelay $0x1  }
0x13a: {  	[tilespmem:s3+$0x10] =	vst v1;
	s3 =	smov.u32 s7  }
0x13b: {  	v1 =	vld [tilespmem:s0+$0xFFFFF730]  }
0x13c: {  	v2 =	vld [tilespmem:s0+$0xFFFFF5F0]  }
0x13d: {  	s9 =	sand.u32 $0x1C0, s1  }
0x13e: {  	v3 =	vld [tilespmem:s9+$0xA100];
	_ =	sdelay $0x1  }
0x13f: {  	v4 =	vld [tilespmem:s0+$0xFFFFF9B0]  }
0x140: {  	v1 =	vadd.f32 v1, v2  }
0x141: {  	v2 =	vld [tilespmem:s9+$0xA380]  }
0x142: {  	v1 =	vadd.f32 v3, v1  }
0x143: {  	v3 =	vld [tilespmem:s0+$0xFFFFFC30]  }
0x144: {  	v1 =	vadd.f32 v4, v1  }
0x145: {  	v4 =	vld [tilespmem:s9+$0xA600]  }
0x146: {  	v1 =	vadd.f32 v2, v1  }
0x147: {  	v2 =	vld [tilespmem:s0+$0xFFFFFEB0]  }
0x148: {  	v1 =	vadd.f32 v3, v1  }
0x149: {  	v3 =	vld [tilespmem:s9+$0xA880]  }
0x14a: {  	v1 =	vadd.f32 v4, v1  }
0x14b: {  	v4 =	vld [tilespmem:s0+$0x130]  }
0x14c: {  	v1 =	vadd.f32 v2, v1  }
0x14d: {  	v2 =	vld [tilespmem:s9+$0xAB00]  }
0x14e: {  	v1 =	vadd.f32 v3, v1  }
0x14f: {  	v3 =	vld [tilespmem:s0+$0x3B0]  }
0x150: {  	v1 =	vadd.f32 v4, v1  }
0x151: {  	v4 =	vld [tilespmem:s9+$0xAD80]  }
0x152: {  	v1 =	vadd.f32 v2, v1  }
0x153: {  	v2 =	vld [tilespmem:s0+$0x630]  }
0x154: {  	v1 =	vadd.f32 v3, v1  }
0x155: {  	v3 =	vld [tilespmem:s9+$0xB000]  }
0x156: {  	v1 =	vadd.f32 v4, v1  }
0x157: {  	v4 =	vld [tilespmem:s0+$0x8B0]  }
0x158: {  	v1 =	vadd.f32 v2, v1  }
0x159: {  	v2 =	vld [tilespmem:s8+$0xFFFFFFE0]  }
0x15a: {  	v1 =	vadd.f32 v3, v1  }
0x15b: {  	v3 =	vld [tilespmem:s5+$0xFFFFFFE0]  }
0x15c: {  	v1 =	vadd.f32 v4, v1;
	_ =	sdelay $0x1  }
0x15d: {  	v1 =	vmul.f32 v2, v1;
	_ =	sdelay $0x1  }
0x15e: {  	v1 =	vadd.f32 v3, v1;
	_ =	sdelay $0x1  }
0x15f: {  	[tilespmem:s7+$0xFFFFFFE0] =	vst v1  }
0x160: {  	v1 =	vld [tilespmem:s0+$0xFFFFF600]  }
0x161: {  	v2 =	vld [tilespmem:s0+$0xFFFFF740];
	_ =	sdelay $0x1  }
0x162: {  	v3 =	vld [tilespmem:s0+$0xFFFFF880];
	_ =	sdelay $0x1  }
0x163: {  	v4 =	vld [tilespmem:s0+$0xFFFFF9C0]  }
0x164: {  	v1 =	vadd.f32 v2, v1  }
0x165: {  	v2 =	vld [tilespmem:s0+$0xFFFFFB00]  }
0x166: {  	v1 =	vadd.f32 v3, v1  }
0x167: {  	v3 =	vld [tilespmem:s0+$0xFFFFFC40]  }
0x168: {  	v1 =	vadd.f32 v4, v1  }
0x169: {  	v4 =	vld [tilespmem:s0+$0xFFFFFD80]  }
0x16a: {  	v1 =	vadd.f32 v2, v1  }
0x16b: {  	v2 =	vld [tilespmem:s0+$0xFFFFFEC0]  }
0x16c: {  	v1 =	vadd.f32 v3, v1  }
0x16d: {  	v3 =	vld [tilespmem:s0+$0x0]  }
0x16e: {  	v1 =	vadd.f32 v4, v1  }
0x16f: {  	v4 =	vld [tilespmem:s0+$0x140]  }
0x170: {  	v1 =	vadd.f32 v2, v1  }
0x171: {  	v2 =	vld [tilespmem:s0+$0x280]  }
0x172: {  	v1 =	vadd.f32 v3, v1  }
0x173: {  	v3 =	vld [tilespmem:s0+$0x3C0]  }
0x174: {  	v1 =	vadd.f32 v4, v1  }
0x175: {  	v4 =	vld [tilespmem:s0+$0x500]  }
0x176: {  	v1 =	vadd.f32 v2, v1  }
0x177: {  	v2 =	vld [tilespmem:s0+$0x640]  }
0x178: {  	v1 =	vadd.f32 v3, v1  }
0x179: {  	v3 =	vld [tilespmem:s0+$0x780]  }
0x17a: {  	v1 =	vadd.f32 v4, v1  }
0x17b: {  	v4 =	vld [tilespmem:s0+$0x8C0]  }
0x17c: {  	v1 =	vadd.f32 v2, v1  }
0x17d: {  	v2 =	vld [tilespmem:s8+$0xFFFFFFF0]  }
0x17e: {  	v1 =	vadd.f32 v3, v1  }
0x17f: {  	v3 =	vld [tilespmem:s5+$0xFFFFFFF0]  }
0x180: {  	v1 =	vadd.f32 v4, v1;
	_ =	sdelay $0x1  }
0x181: {  	v1 =	vmul.f32 v2, v1;
	_ =	sdelay $0x1  }
0x182: {  	v1 =	vadd.f32 v3, v1;
	_ =	sdelay $0x1  }
0x183: {  	[tilespmem:s7+$0xFFFFFFF0] =	vst v1  }
0x184: {  	v1 =	vld [tilespmem:s0+$0xFFFFF610]  }
0x185: {  	v2 =	vld [tilespmem:s0+$0xFFFFF750];
	_ =	sdelay $0x1  }
0x186: {  	v3 =	vld [tilespmem:s0+$0xFFFFF890];
	_ =	sdelay $0x1  }
0x187: {  	v4 =	vld [tilespmem:s0+$0xFFFFF9D0]  }
0x188: {  	v1 =	vadd.f32 v2, v1  }
0x189: {  	v2 =	vld [tilespmem:s0+$0xFFFFFB10]  }
0x18a: {  	v1 =	vadd.f32 v3, v1  }
0x18b: {  	v3 =	vld [tilespmem:s0+$0xFFFFFC50]  }
0x18c: {  	v1 =	vadd.f32 v4, v1  }
0x18d: {  	v4 =	vld [tilespmem:s0+$0xFFFFFD90]  }
0x18e: {  	v1 =	vadd.f32 v2, v1  }
0x18f: {  	v2 =	vld [tilespmem:s0+$0xFFFFFED0]  }
0x190: {  	v1 =	vadd.f32 v3, v1  }
0x191: {  	v3 =	vld [tilespmem:s0+$0x10]  }
0x192: {  	v1 =	vadd.f32 v4, v1  }
0x193: {  	v4 =	vld [tilespmem:s0+$0x150]  }
0x194: {  	v1 =	vadd.f32 v2, v1  }
0x195: {  	v2 =	vld [tilespmem:s0+$0x290]  }
0x196: {  	v1 =	vadd.f32 v3, v1  }
0x197: {  	v3 =	vld [tilespmem:s0+$0x3D0]  }
0x198: {  	v1 =	vadd.f32 v4, v1  }
0x199: {  	v4 =	vld [tilespmem:s0+$0x510]  }
0x19a: {  	v1 =	vadd.f32 v2, v1  }
0x19b: {  	v2 =	vld [tilespmem:s0+$0x650]  }
0x19c: {  	v1 =	vadd.f32 v3, v1  }
0x19d: {  	v3 =	vld [tilespmem:s0+$0x790]  }
0x19e: {  	v1 =	vadd.f32 v4, v1  }
0x19f: {  	v4 =	vld [tilespmem:s0+$0x8D0]  }
0x1a0: {  	v1 =	vadd.f32 v2, v1  }
0x1a1: {  	v2 =	vld [tilespmem:s8+$0x0]  }
0x1a2: {  	v1 =	vadd.f32 v3, v1  }
0x1a3: {  	v3 =	vld [tilespmem:s5+$0x0]  }
0x1a4: {  	v1 =	vadd.f32 v4, v1;
	_ =	sdelay $0x1  }
0x1a5: {  	v1 =	vmul.f32 v2, v1;
	_ =	sdelay $0x1  }
0x1a6: {  	v1 =	vadd.f32 v3, v1;
	_ =	sdelay $0x1  }
0x1a7: {  	[tilespmem:s7+$0x0] =	vst v1  }
0x1a8: {  	v1 =	vld [tilespmem:s0+$0xFFFFF620]  }
0x1a9: {  	v2 =	vld [tilespmem:s0+$0xFFFFF760]  }
0x1aa: {  	v3 =	vld [tilespmem:s0+$0xFFFFF8A0]  }
0x1ab: {  	v4 =	vld [tilespmem:s0+$0xFFFFF9E0]  }
0x1ac: {  	v5 =	vld [tilespmem:s0+$0xFFFFFB20]  }
0x1ad: {  	v6 =	vld [tilespmem:s0+$0xFFFFFC60]  }
0x1ae: {  	v1 =	vadd.f32 v2, v1;
	v2 =	vld [tilespmem:s0+$0xFFFFFDA0]  }
0x1af: {  	v7 =	vld [tilespmem:s0+$0xFFFFFEE0]  }
0x1b0: {  	v1 =	vadd.f32 v3, v1;
	v3 =	vld [tilespmem:s0+$0x20]  }
0x1b1: {  	v8 =	vld [tilespmem:s0+$0x160]  }
0x1b2: {  	v1 =	vadd.f32 v4, v1;
	v4 =	vld [tilespmem:s0+$0x2A0]  }
0x1b3: {  	v9 =	vld [tilespmem:s0+$0x3E0]  }
0x1b4: {  	v1 =	vadd.f32 v5, v1;
	v5 =	vld [tilespmem:s0+$0x520]  }
0x1b5: {  	v10 =	vld [tilespmem:s0+$0x660]  }
0x1b6: {  	v1 =	vadd.f32 v6, v1;
	v6 =	vld [tilespmem:s0+$0x7A0]  }
0x1b7: {  	v11 =	vld [tilespmem:s0+$0x8E0]  }
0x1b8: {  	v12 =	vadd.f32 v2, v1;
	v2 =	vld [tilespmem:s8+$0x10]  }
0x1b9: {  	v1 =	vld [tilespmem:s5+$0x10]  }
0x1ba: {  	v7 =	vadd.f32 v7, v12;
	_ =	sdelay $0x1  }
0x1bb: {  	v3 =	vadd.f32 v3, v7;
	_ =	sdelay $0x1  }
0x1bc: {  	v3 =	vadd.f32 v8, v3;
	_ =	sdelay $0x1  }
0x1bd: {  	v3 =	vadd.f32 v4, v3;
	_ =	sdelay $0x1  }
0x1be: {  	v3 =	vadd.f32 v9, v3;
	_ =	sdelay $0x1  }
0x1bf: {  	v3 =	vadd.f32 v5, v3;
	_ =	sdelay $0x1  }
0x1c0: {  	v3 =	vadd.f32 v10, v3  }
.Ltmp2:
0x1c1: {  	(pc) =	sbr.rel @p0 .LBB2_6-.Ltmp2, $3  }
0x1c2: {  	v3 =	vadd.f32 v6, v3;
	_ =	sdelay $0x1  }
0x1c3: {  	v3 =	vadd.f32 v11, v3  }
0x1c4: {  	s7 =	sadd.s32 $0x40, s7;
	s8 =	sadd.s32 $0x40, s8;
	s5 =	sadd.s32 $0x40, s5  }
0x1c5: {  	v2 =	vmul.f32 v2, v3;
	_ =	sdelay $0x1  }
0x1c6: {  	s31 =	sadd.s32 $0x1, s31;
	v1 =	vadd.f32 v1, v2  }
0x1c7: {  	p0 =	sne.s32 s31, s25  }
.Ltmp3:
0x1c8: {  	[tilespmem:s3+$0x10] =	vst v1;
	(pc) =	sbr.rel @p0 .LBB2_1-.Ltmp3, $4  }
0x1c9: {  	[hbm4b:s23+s2] =	stream.linear.scatter [tilespmem:s29], [sflag:$0x2], $0x140, $0x38;
	[tilespmem:$0xDD80] =	vst v63  }
0x1ca: {  	_ =	swait.ge [sflag:s30], $0x140  }
0x1cb: {  	[sflag:s30] =	ssyncset.done $0x0  }
0x1cc: {  	[sflag:s30] =	ssyncadd.s32 $0xFFFFFEC0  }
0x1cd: {  	_ =	sfence.sel $0x180000  }
0x1ce: {  	[bflag:$0x0] =	sbarrier.arrive $0xFFFF  }
0x1cf: {  	_ =	strace $0x9000004D  }
0x1d0: {  	s0 =	stileid.u32;
	[bflag:$0x2] =	sbarrier.arrive $0xFFFF  }
0x1d1: {  	p0 =	sne.s32 s0, $0x0;
	s0 =	rddreg [dreg:$0x3]  }
0x1d2: {  	s0 =	sadd.s32 @!p0 $0x100000, s0  }
0x1d3: {  	[sflag:s0] =	ssyncadd.tile.s32 @!p0 $0x1;
	_ =	shalt  }
.Lfunc_end2:
_tile_overlayer_lowered:
.L_overlay_start_2:
0x1d4: {  	(tag) =	ssettag $0x2  }
0x1d5: {  	s0 =	rddreg [dreg:$0x0];
	s2 =	stileid.u32  }
0x1d6: {  	s1 =	rddreg [dreg:$0x1];
	p0 =	sne.s32 s2, $0x0  }
0x1d7: {  	s3 =	rddreg [dreg:$0x2];
	[bflag:$0x3] =	sbarrier.arrive $0xFFFF;
	s2 =	simm.s32 @!p0 $0x1C02  }
0x1d8: {  	[timem:s3], [sflag:s2] =	dma.local @!p0 [hbm:s0], s1  }
0x1d9: {  	s0 =	simm.s32 @!p0 $0x2  }
0x1da: {  	_ =	swait.ge @!p0 [sflag:s0], s1  }
0x1db: {  	s1 =	ssub.s32 @!p0 $0x0, s1;
	[sflag:s0] =	ssyncset.done @!p0 $0x0  }
0x1dc: {  	[sflag:s0] =	ssyncadd.s32 @!p0 s1  }
0x1dd: {  	[bflag:$0x3] =	sbarrier.arrive $0xFFFF  }
0x1de: {  	_ =	shalt  }

// kernel: kernel.7.cloned.1.call-start
scs
__scs_entry_jumppad:
0x0: {  	(pc) =	sbr.rel $0x88, $3  }
0x1: {  	(tag) =	ssettag $0x0;
	lr =	simm.s32 $0x1  }
0x2: {  	[smem:$0x3F9B] =	sst lr;
	_ =	strace $0xD0000000  }
0x3: {  	_ = 	snop  }
0x4: {  	_ = 	snop  }
0x5: {  	_ = 	snop  }
0x6: {  	_ = 	snop  }
0x7: {  	_ = 	snop  }
__scs_overlays_trampoline_lowered:
0x8: {  	[smem:$0x3FAA] =	sst s0  }
0x9: {  	[smem:$0x3FAB] =	sst s1  }
0xa: {  	[smem:$0x3FAC] =	sst s2  }
0xb: {  	[smem:$0x3FAD] =	sst s3  }
0xc: {  	[smem:$0x3FAE] =	sst s4  }
0xd: {  	[smem:$0x3FAF] =	sst s5  }
0xe: {  	[smem:$0x3FB0] =	sst s6  }
0xf: {  	[smem:$0x3FB1] =	sst s7  }
0x10: {  	[smem:$0x3FB2] =	sst s8  }
0x11: {  	[smem:$0x3FB3] =	sst s9;
	s0 =	simm.s32 @!p0 $0x0  }
0x12: {  	s1 =	sld [smem:$0x3F99];
	s0 =	simm.s32 @p0 $0x1  }
0x13: {  	[smem:$0x3FB4] =	sst s0;
	s0 =	simm.s32 @!p1 $0x0  }
0x14: {  	s2 =	sld [smem:$0x3F98];
	s0 =	simm.s32 @p1 $0x1  }
0x15: {  	[smem:$0x3FB5] =	sst s0;
	s0 =	simm.s32 @!p2 $0x0  }
0x16: {  	s3 =	sld [smem:$0x3FDB];
	s0 =	simm.s32 @p2 $0x1  }
0x17: {  	s4 =	simm.s32 $0x1BF5;
	[smem:$0x3FB7] =	sst s0  }
0x18: {  	s0 =	sld [smem:$0x3F9A];
	_ =	swait.ge [sflag:s4], $0x0  }
0x19: {  	s7 =	sld [smem:$0x3F9B]  }
0x1a: {  	s8 =	sadd.s32 $0xFFFFE003, lr  }
0x1b: {  	s9 =	sadd.s32 $0xFFFFFEF7, lr;
	s5 =	simm.s32 $0xFFFFFFFF;
	p2 =	slt.u32 s8, $0xFFFFF086  }
0x1c: {  	p1 =	slt.u32 s9, $0xF7A;
	s5 =	simm.s32 @!p2 $0x0  }
0x1d: {  	s5 =	simm.s32 @p1 $0x1;
	p0 =	seq.s32 s7, s2  }
0x1e: {  	s7 =	smul.u32 @!p0 $0xF7A, s2;
	p2 =	seq.s32 @!p0 s5, $0x0  }
0x1f: {  	s9 =	smul.u32 $0xF7A, s1;
	s8 =	simm.s32 @!p0 $0x1BF5;
	p2 =	por !p2, p0  }
0x20: {  	[sflag:s8] =	ssyncset.s32 @!p0 $0xFFFFF086;
	s6 =	sadd.s32 @!p0 s3, s7;
	s7 =	simm.s32 @!p0 $0x108  }
0x21: {  	s3 =	sadd.s32 s3, s9;
	s6 =	sadd.s32 @!p0 $0x88, s6;
	s7 =	simm.s32 @p2 $0x1082  }
0x22: {  	[simem:s7], [sflag:s8] =	dma.local @!p0 [hbm:s6], $0xF7A  }
0x23: {  	s9 =	sor.u32 $0xD0000000, s2;
	s6 =	simm.s32 $0x108;
	_ =	swait.ge @!p0 [sflag:s8], $0x0  }
0x24: {  	s3 =	sadd.s32 $0x88, s3;
	s6 =	simm.s32 @!p1 $0x1082;
	[sflag:s4] =	ssyncset.s32 $0xFFFFF086  }
0x25: {  	[simem:s6], [sflag:s4] =	dma.local [hbm:s3], $0xF7A  }
0x26: {  	[smem:$0x3F9B] =	sst s1;
	(tag) =	ssettag s2;
	_ =	strace s9  }
0x27: {  	s1 =	sld [smem:$0x3FAB]  }
0x28: {  	s2 =	sld [smem:$0x3FAC]  }
0x29: {  	s4 =	sld [smem:$0x3FAE]  }
0x2a: {  	p0 =	seq.s32 s5, $0x0;
	s5 =	sld [smem:$0x3FAF]  }
0x2b: {  	s6 =	sld [smem:$0x3FB0]  }
0x2c: {  	s7 =	sld [smem:$0x3FB1]  }
0x2d: {  	s3 =	simm.s32 $0x108;
	s8 =	sld [smem:$0x3FB2]  }
0x2e: {  	s3 =	simm.s32 @!p0 $0x1082;
	s9 =	sld [smem:$0x3FB3]  }
0x2f: {  	lr =	sadd.s32 s0, s3;
	s0 =	sld [smem:$0x3FAA]  }
0x30: {  	s3 =	sld [smem:$0x3FAD]  }
0x31: {  	[smem:$0x3FB6] =	sst s10  }
0x32: {  	s10 =	sld [smem:$0x3FB4];
	_ =	sdelay $0x3  }
0x33: {  	p0 =	seq.s32 s10, $0x1;
	s10 =	sld [smem:$0x3FB6];
	_ =	sdelay $0x3  }
0x34: {  	[smem:$0x3FB6] =	sst s10  }
0x35: {  	s10 =	sld [smem:$0x3FB5];
	_ =	sdelay $0x3  }
0x36: {  	p1 =	seq.s32 s10, $0x1;
	s10 =	sld [smem:$0x3FB6];
	_ =	sdelay $0x3  }
0x37: {  	[smem:$0x3FB6] =	sst s10  }
0x38: {  	s10 =	sld [smem:$0x3FB7]  }
0x39: {  	_ = 	snop;
	(pc) =	sbr.ind lr, $3  }
0x3a: {  	_ = 	snop  }
0x3b: {  	_ = 	snop  }
0x3c: {  	p2 =	seq.s32 s10, $0x1;
	s10 =	sld [smem:$0x3FB6]  }
0x3d: {  	_ =	shalt  }
0x3e: {  	_ =	shalt  }
0x3f: {  	_ =	shalt  }
0x40: {  	_ =	shalt  }
0x41: {  	_ =	shalt  }
0x42: {  	_ =	shalt  }
0x43: {  	_ =	shalt  }
0x44: {  	_ =	shalt  }
0x45: {  	_ =	shalt  }
0x46: {  	_ =	shalt  }
0x47: {  	_ =	shalt  }
0x48: {  	_ =	shalt  }
0x49: {  	_ =	shalt  }
0x4a: {  	_ =	shalt  }
0x4b: {  	_ =	shalt  }
0x4c: {  	_ =	shalt  }
0x4d: {  	_ =	shalt  }
0x4e: {  	_ =	shalt  }
0x4f: {  	_ =	shalt  }
0x50: {  	_ =	shalt  }
0x51: {  	_ =	shalt  }
0x52: {  	_ =	shalt  }
0x53: {  	_ =	shalt  }
0x54: {  	_ =	shalt  }
0x55: {  	_ =	shalt  }
0x56: {  	_ =	shalt  }
0x57: {  	_ =	shalt  }
0x58: {  	_ =	shalt  }
0x59: {  	_ =	shalt  }
0x5a: {  	_ =	shalt  }
0x5b: {  	_ =	shalt  }
0x5c: {  	_ =	shalt  }
0x5d: {  	_ =	shalt  }
0x5e: {  	_ =	shalt  }
0x5f: {  	_ =	shalt  }
0x60: {  	_ =	shalt  }
0x61: {  	_ =	shalt  }
0x62: {  	_ =	shalt  }
0x63: {  	_ =	shalt  }
0x64: {  	_ =	shalt  }
0x65: {  	_ =	shalt  }
0x66: {  	_ =	shalt  }
0x67: {  	_ =	shalt  }
0x68: {  	_ =	shalt  }
0x69: {  	_ =	shalt  }
0x6a: {  	_ =	shalt  }
0x6b: {  	_ =	shalt  }
0x6c: {  	_ =	shalt  }
0x6d: {  	_ =	shalt  }
0x6e: {  	_ =	shalt  }
0x6f: {  	_ =	shalt  }
0x70: {  	_ =	shalt  }
0x71: {  	_ =	shalt  }
0x72: {  	_ =	shalt  }
0x73: {  	_ =	shalt  }
0x74: {  	_ =	shalt  }
0x75: {  	_ =	shalt  }
0x76: {  	_ =	shalt  }
0x77: {  	_ =	shalt  }
0x78: {  	_ =	shalt  }
0x79: {  	_ =	shalt  }
0x7a: {  	_ =	shalt  }
0x7b: {  	_ =	shalt  }
0x7c: {  	_ =	shalt  }
0x7d: {  	_ =	shalt  }
0x7e: {  	_ =	shalt  }
0x7f: {  	_ =	shalt  }
0x80: {  	_ =	shalt  }
0x81: {  	_ =	shalt  }
0x82: {  	_ =	shalt  }
0x83: {  	_ =	shalt  }
0x84: {  	_ =	shalt  }
0x85: {  	_ =	shalt  }
0x86: {  	_ =	shalt  }
0x87: {  	_ =	shalt  }
.Lfunc_end0:
.L_simem_size_0:
called_computation_lowered:
.L_overlay_start_0:
0x88: {  	s2 =	sld [smem:$0x3FD9]  }
0x89: {  	s3 =	sld [smem:$0x3FFE];
	_ =	sdelay $0x1  }
0x8a: {  	s1 =	srdreg.scid  }
0x8b: {  	s0 =	sand.u32 $0x1, s1  }
0x8c: {  	s17 =	sshll.u32 s0, $0xA;
	s2 =	sadd.s32 s3, s2  }
0x8d: {  	s2 =	sadd.s32 s2, s17  }
0x8e: {  	[smem:$0x3FC2] =	sst s2  }
0x8f: {  	_ = 	snop  }
0x90: {  	s2 =	sld [smem:$0x3FD0];
	(tm) =	ssettm $0x1  }
0x91: {  	s18 =	sld [smem:$0x3FFB];
	_ =	sdelay $0x3  }
0x92: {  	_ =	strace s18  }
0x93: {  	s3 =	sld [smem:$0x3FFC];
	_ =	sdelay $0x3  }
0x94: {  	_ =	strace s3  }
0x95: {  	s3 =	sld [smem:$0x3FFD];
	_ =	sdelay $0x3  }
0x96: {  	_ =	strace s3  }
0x97: {  	_ =	strace $0x8FFFFFFF  }
0x98: {  	s19 =	sld [smem:$0x3FDB];
	_ =	sdelay $0x1  }
0x99: {  	s4 =	simm.s32 $_scs_section_size  }
0x9a: {  	s5 =	simm.s32 $_size__tile_overlayer_lowered;
	s6 =	simm.s32 $_tile_overlayer_lowered  }
0x9b: {  	s22 =	simm.s32 $0x1BFF;
	s21 =	sshll.u32 s6, $0x1;
	s3 =	sadd.s32 s4, s19  }
0x9c: {  	s7 =	simm.s32 $0x0;
	s20 =	sshll.u32 s5, $0x1;
	s5 =	sadd.s32 s21, s3  }
0x9d: {  	[timem:s7], [sflag:s22] =	dma.local [hbm:s5], s20  }
0x9e: {  	_ =	swait.ge [sflag:s22], s20  }
0x9f: {  	s4 =	ssub.s32 $0x0, s20;
	[sflag:s22] =	ssyncset.done $0x0  }
0xa0: {  	[sflag:s22] =	ssyncadd.s32 s4;
	_ =	sdelay $0x1  }
0xa1: {  	s23 =	simm.s32 $0x1B8B  }
0xa2: {  	_ =	swait.ge [sflag:s23], $0x1  }
0xa3: {  	[sflag:s23] =	ssyncset.done $0x0  }
0xa4: {  	s25 =	simm.s32 $0x1B8E;
	s24 =	sld [smem:$0x3FFE];
	[sflag:s23] =	ssyncadd.s32 $0xFFFFFFFF  }
0xa5: {  	s26 =	simm.s32 $execute0_lowered;
	[smem:$0x3FD2] =	sst s25  }
0xa6: {  	s5 =	sshll.u32 s26, $0x1;
	_ =	strace $0x80000046;
	[dreg:$0x1] =	wrdreg $0xFFFFFFFF  }
0xa7: {  	s28 =	simm.s32 $_size_execute0_lowered;
	s3 =	sadd.s32 s3, s5;
	[dreg:$0x0] =	wrdreg $0x0  }
0xa8: {  	s5 =	sshll.u32 s28, $0x1;
	[dreg:$0x2] =	wrdreg s3  }
0xa9: {  	[dreg:$0x3] =	wrdreg s5  }
0xaa: {  	[dreg:$0x4] =	wrdreg $0xC0  }
0xab: {  	_ =	task [dreg:s7], $0x5FFFF  }
0xac: {  	[dreg:$0x1] =	wrdreg $0xFFFFFFFF  }
0xad: {  	[dreg:$0x0] =	wrdreg $0x60  }
0xae: {  	[dreg:$0x2] =	wrdreg s24  }
0xaf: {  	[dreg:$0x3] =	wrdreg s2  }
0xb0: {  	[dreg:$0x4] =	wrdreg $0x8A800  }
0xb1: {  	[dreg:$0x5] =	wrdreg $0x9  }
0xb2: {  	_ =	task.clear_ibuf [dreg:s7], $0x6FFFF;
	_ =	strace $0x90000046  }
0xb3: {  	s29 =	simm.s32 $0x9;
	_ =	strace $0x80000048  }
0xb4: {  	_ =	swait.ge [sflag:s29], $0x1  }
0xb5: {  	[sflag:s29] =	ssyncadd.s32 $0xFFFFFFFF  }
0xb6: {  	_ =	strace $0x90000048  }
0xb7: {  	_ =	sfence  }
0xb8: {  	s30 =	sld [smem:$0x0];
	_ =	sdelay $0x2  }
0xb9: {  	s31 =	sshll.u32 s1, $0xD;
	s1 =	sshrl.u32 s1, $0x2  }
0xba: {  	s3 =	sand.u32 $0x4000, s31;
	s1 =	sadd.s32 s1, s30  }
0xbb: {  	s0 =	sor.u32 s3, s0;
	s1 =	sshll.u32 s1, $0x11  }
0xbc: {  	s0 =	sor.u32 s1, s0  }
0xbd: {  	s0 =	sadd.s32 $0x8F2B, s0  }
0xbe: {  	[sflag:s0] =	ssyncadd.remote.s32 $0x1  }
0xbf: {  	_ =	sfence.sel $0xFFFF  }
0xc0: {  	[dreg:$0x0] =	wrdreg $0xFFFFFFFF;
	(pc) =	sbr.abs _section_cstart, $3  }
0xc1: {  	[dreg:$0x1] =	wrdreg $0xFFFFFFFF  }
0xc2: {  	_ =	task.clear_ibuf [dreg:s7], $0x2FFFF;
	_ =	strace $0x9FFFFFFF  }
0xc3: {  	(tm) =	ssettm $0x7FFFFFFF  }
tec
execute0_lowered:
.L_overlay_start_1:
0x0: {  	(tag) =	ssettag $0x1  }
0x1: {  	s0 =	rddreg [dreg:$0x0]  }
0x2: {  	s1 =	rddreg [dreg:$0x1];
	s9 =	stileid.u32  }
0x3: {  	s2 =	srdreg.scid;
	s5 =	rddreg [dreg:$0x2]  }
0x4: {  	s23 =	simm.s32 $0x2;
	s24 =	simm.s32 $0x4E80;
	s3 =	smul.u32 $0x9C4, s9  }
0x5: {  	s25 =	simm.s32 $0x1;
	s28 =	simm.s32 $0x0;
	s7 =	smul.u32 $0x140, s9  }
0x6: {  	s4 =	sand.u32 $0x1, s2;
	s2 =	simm.s32 $0x0;
	s9 =	smul.u32 $0xA000, s9  }
0x7: {  	s6 =	smul.u32 $0x1400, s4;
	[smem:$0x7FF] =	sst s2;
	s4 =	ssub.s32 $0x2, s4  }
0x8: {  	_ =	strace $0x80000047;
	s8 =	sshrl.u32 s4, $0x1;
	s0 =	sadd.s32 s3, s0  }
0x9: {  	s30 =	sshrl.u32 s9, $0x2;
	s22 =	ssub.s32 s4, s8;
	s19 =	sadd.s32 s7, s6  }
0xa: {  	s3 =	sadd.s32 $0x600, s0;
	s4 =	sadd.s32 s19, s5;
	s5 =	sadd.s32 s30, s5  }
0xb: {  	s31 =	sshrl.u32 s19, $0x3;
	s22 =	smax.u32 s22, $0x1;
	s6 =	sadd.s32 $0x2800, s4  }
0xc: {  	s7 =	sadd.s32 $0x5000, s4;
	s8 =	sadd.s32 $0x7800, s4;
	s9 =	sadd.s32 $0xA000, s4  }
0xd: {  	s10 =	sadd.s32 $0xC800, s4;
	s11 =	sadd.s32 $0xF000, s4;
	s12 =	sadd.s32 $0x11800, s4  }
0xe: {  	s13 =	sadd.s32 $0x14000, s4;
	s14 =	sadd.s32 $0x16800, s4;
	s15 =	sadd.s32 $0x19000, s4  }
0xf: {  	s16 =	sadd.s32 $0x1B800, s4;
	s17 =	sadd.s32 $0x1E000, s4;
	s18 =	sadd.s32 $0x20800, s4  }
0x10: {  	v0 =	vimm.s32 $0x0;
	v1 =	vimm.s32 $0x1;
	s19 =	sadd.s32 $0x23000, s4;
	s20 =	sadd.s32 $0x25800, s4;
	s21 =	sadd.s32 s1, s31  }
.LBB2_1:
0x11: {  	s0 =	simm.s32 $0x4EC0  }
0x12: {  	[tilespmem:s0+$0xFFFFFFC0] =	vst v0  }
0x13: {  	[tilespmem:s0+$0x30] =	vst v0  }
0x14: {  	[tilespmem:s0+$0x20] =	vst v0  }
0x15: {  	[tilespmem:s0+$0x10] =	vst v0  }
0x16: {  	[tilespmem:s0+$0x0] =	vst v0  }
0x17: {  	[tilespmem:s0+$0xFFFFFFF0] =	vst v0  }
0x18: {  	s1 =	simm.s32 $0x0;
	[tilespmem:s0+$0xFFFFFFE0] =	vst v0  }
.LBB2_2:
0x19: {  	s1 =	sadd.s32 $0x8, s1;
	[tilespmem:s0+$0xFFFFFFD0] =	vst v0;
	s0 =	sadd.s32 $0x80, s0  }
0x1a: {  	[tilespmem:s0+$0xFFFFFFC0] =	vst v0;
	p0 =	slt.u32 s1, $0x278  }
0x1b: {  	[tilespmem:s0+$0x30] =	vst v0  }
.Ltmp0:
0x1c: {  	[tilespmem:s0+$0x20] =	vst v0;
	(pc) =	sbr.rel @p0 .LBB2_2-.Ltmp0, $4  }
0x1d: {  	[tilespmem:s0+$0x10] =	vst v0  }
0x1e: {  	[tilespmem:s0+$0x0] =	vst v0  }
0x1f: {  	[tilespmem:s0+$0xFFFFFFF0] =	vst v0  }
0x20: {  	[tilespmem:s0+$0xFFFFFFE0] =	vst v0  }
0x21: {  	[tilespmem:s0+$0xFFFFFFD0] =	vst v0  }
0x22: {  	[tilespmem:s2], [sflag:$0x2] =	stream.linear.gather [hbm4b:s3+s2], $0x4E20, $0x38;
	[tilespmem:$0xB280] =	vst v63  }
0x23: {  	_ =	swait.ge [sflag:s23], $0x4E20  }
0x24: {  	[sflag:s23] =	ssyncset.done $0x0  }
0x25: {  	s0 =	simm.s32 $0xFFFFFFFC;
	s1 =	simm.s32 $0x20;
	[sflag:s23] =	ssyncadd.s32 $0xFFFFB1E0  }
.LBB2_4:
0x26: {  	v2 =	vld [tilespmem:s1+$0xFFFFFFE0];
	_ =	sdelay $0x7  }
0x27: {  	[tilespmem:v2+s24+$0x0] =	vst.idx.add.s32.msk $0xffff, v1  }
0x28: {  	v2 =	vld [tilespmem:s1+$0xFFFFFFF0];
	_ =	sdelay $0x7  }
0x29: {  	[tilespmem:v2+s24+$0x0] =	vst.idx.add.s32.msk $0xffff, v1  }
0x2a: {  	v2 =	vld [tilespmem:s1+$0x0];
	_ =	sdelay $0x7  }
0x2b: {  	[tilespmem:v2+s24+$0x0] =	vst.idx.add.s32.msk $0xffff, v1  }
0x2c: {  	v2 =	vld [tilespmem:s1+$0x10];
	_ =	sdelay $0x1  }
0x2d: {  	s0 =	sadd.s32 $0x4, s0  }
0x2e: {  	p0 =	slt.u32 s0, $0x4DC  }
.Ltmp1:
0x2f: {  	_ = 	snop;
	(pc) =	sbr.rel @p0 .LBB2_4-.Ltmp1, $2  }
0x30: {  	_ =	sdelay $0x2  }
0x31: {  	s1 =	sadd.s32 $0x40, s1;
	[tilespmem:v2+s24+$0x0] =	vst.idx.add.s32.msk $0xffff, v1  }
0x32: {  	v2 =	vld [tilespmem:$0x4E00];
	_ =	sdelay $0x7  }
0x33: {  	[tilespmem:v2+s24+$0x0] =	vst.idx.add.s32.msk $0xffff, v1  }
0x34: {  	v2 =	vld [tilespmem:$0x4E10];
	_ =	sdelay $0x7  }
0x35: {  	[tilespmem:v2+s24+$0x0] =	vst.idx.add.s32.msk $0xffff, v1  }
0x36: {  	[spmem:s5] =	stream.linear.scatter [tilespmem:s24], [sflag:$0x2], $0x2800, $0x38;
	[tilespmem:$0xB280] =	vst v63  }
0x37: {  	_ =	swait.ge [sflag:s23], $0x2800  }
0x38: {  	[sflag:s23] =	ssyncset.done $0x0  }
0x39: {  	[sflag:s23] =	ssyncadd.s32 $0xFFFFD800  }
0x3a: {  	s0 =	simm.s32 $0x7680;
	[bflag:$0x0] =	sbarrier.arrive $0xFFFF  }
0x3b: {  	[tilespmem:s0], [sflag:$0x1] =	stream.linear.gather [spmem:s4], $0x140, $0x38;
	[tilespmem:$0xB280] =	vst v63  }
0x3c: {  	s1 =	simm.s32 $0x77C0  }
0x3d: {  	[tilespmem:s1], [sflag:$0x1] =	stream.linear.gather [spmem:s6], $0x140, $0x38;
	[tilespmem:$0xB280] =	vst v63  }
0x3e: {  	s26 =	simm.s32 $0x7900  }
0x3f: {  	[tilespmem:s26], [sflag:$0x1] =	stream.linear.gather [spmem:s7], $0x140, $0x38;
	[tilespmem:$0xB280] =	vst v63  }
0x40: {  	s1 =	simm.s32 $0x7A40  }
0x41: {  	[tilespmem:s1], [sflag:$0x1] =	stream.linear.gather [spmem:s8], $0x140, $0x38;
	[tilespmem:$0xB280] =	vst v63  }
0x42: {  	s26 =	simm.s32 $0x7B80  }
0x43: {  	[tilespmem:s26], [sflag:$0x1] =	stream.linear.gather [spmem:s9], $0x140, $0x38;
	[tilespmem:$0xB280] =	vst v63  }
0x44: {  	s1 =	simm.s32 $0x7CC0  }
0x45: {  	[tilespmem:s1], [sflag:$0x1] =	stream.linear.gather [spmem:s10], $0x140, $0x38;
	[tilespmem:$0xB280] =	vst v63  }
0x46: {  	s26 =	simm.s32 $0x7E00  }
0x47: {  	[tilespmem:s26], [sflag:$0x1] =	stream.linear.gather [spmem:s11], $0x140, $0x38;
	[tilespmem:$0xB280] =	vst v63  }
0x48: {  	s1 =	simm.s32 $0x7F40  }
0x49: {  	[tilespmem:s1], [sflag:$0x1] =	stream.linear.gather [spmem:s12], $0x140, $0x38;
	[tilespmem:$0xB280] =	vst v63  }
0x4a: {  	_ =	swait.ge [sflag:s25], $0x140  }
0x4b: {  	[sflag:s25] =	ssyncset.done $0x0  }
0x4c: {  	[sflag:s25] =	ssyncadd.s32 $0xFFFFFEC0  }
0x4d: {  	_ =	swait.ge [sflag:s25], $0x140  }
0x4e: {  	[sflag:s25] =	ssyncset.done $0x0  }
0x4f: {  	[sflag:s25] =	ssyncadd.s32 $0xFFFFFEC0  }
0x50: {  	_ =	swait.ge [sflag:s25], $0x140  }
0x51: {  	[sflag:s25] =	ssyncset.done $0x0  }
0x52: {  	[sflag:s25] =	ssyncadd.s32 $0xFFFFFEC0  }
0x53: {  	_ =	swait.ge [sflag:s25], $0x140  }
0x54: {  	[sflag:s25] =	ssyncset.done $0x0  }
0x55: {  	[sflag:s25] =	ssyncadd.s32 $0xFFFFFEC0  }
0x56: {  	_ =	swait.ge [sflag:s25], $0x140  }
0x57: {  	[sflag:s25] =	ssyncset.done $0x0  }
0x58: {  	[sflag:s25] =	ssyncadd.s32 $0xFFFFFEC0  }
0x59: {  	_ =	swait.ge [sflag:s25], $0x140  }
0x5a: {  	[sflag:s25] =	ssyncset.done $0x0  }
0x5b: {  	[sflag:s25] =	ssyncadd.s32 $0xFFFFFEC0  }
0x5c: {  	_ =	swait.ge [sflag:s25], $0x140  }
0x5d: {  	[sflag:s25] =	ssyncset.done $0x0  }
0x5e: {  	[sflag:s25] =	ssyncadd.s32 $0xFFFFFEC0  }
0x5f: {  	_ =	swait.ge [sflag:s25], $0x140  }
0x60: {  	[sflag:s25] =	ssyncset.done $0x0  }
0x61: {  	s26 =	simm.s32 $0x8080;
	[sflag:s25] =	ssyncadd.s32 $0xFFFFFEC0  }
0x62: {  	[tilespmem:s26], [sflag:$0x1] =	stream.linear.gather [spmem:s13], $0x140, $0x38;
	[tilespmem:$0xB280] =	vst v63  }
0x63: {  	s1 =	simm.s32 $0x81C0  }
0x64: {  	[tilespmem:s1], [sflag:$0x1] =	stream.linear.gather [spmem:s14], $0x140, $0x38;
	[tilespmem:$0xB280] =	vst v63  }
0x65: {  	s26 =	simm.s32 $0x8300  }
0x66: {  	[tilespmem:s26], [sflag:$0x1] =	stream.linear.gather [spmem:s15], $0x140, $0x38;
	[tilespmem:$0xB280] =	vst v63  }
0x67: {  	s1 =	simm.s32 $0x8440  }
0x68: {  	[tilespmem:s1], [sflag:$0x1] =	stream.linear.gather [spmem:s16], $0x140, $0x38;
	[tilespmem:$0xB280] =	vst v63  }
0x69: {  	s26 =	simm.s32 $0x8580  }
0x6a: {  	[tilespmem:s26], [sflag:$0x1] =	stream.linear.gather [spmem:s17], $0x140, $0x38;
	[tilespmem:$0xB280] =	vst v63  }
0x6b: {  	s1 =	simm.s32 $0x86C0  }
0x6c: {  	[tilespmem:s1], [sflag:$0x1] =	stream.linear.gather [spmem:s18], $0x140, $0x38;
	[tilespmem:$0xB280] =	vst v63  }
0x6d: {  	s26 =	simm.s32 $0x8800  }
0x6e: {  	[tilespmem:s26], [sflag:$0x1] =	stream.linear.gather [spmem:s19], $0x140, $0x38;
	[tilespmem:$0xB280] =	vst v63  }
0x6f: {  	s1 =	simm.s32 $0x8940  }
0x70: {  	[tilespmem:s1], [sflag:$0x1] =	stream.linear.gather [spmem:s20], $0x140, $0x38;
	[tilespmem:$0xB280] =	vst v63  }
0x71: {  	_ =	swait.ge [sflag:s25], $0x140  }
0x72: {  	[sflag:s25] =	ssyncset.done $0x0  }
0x73: {  	[sflag:s25] =	ssyncadd.s32 $0xFFFFFEC0  }
0x74: {  	_ =	swait.ge [sflag:s25], $0x140  }
0x75: {  	[sflag:s25] =	ssyncset.done $0x0  }
0x76: {  	[sflag:s25] =	ssyncadd.s32 $0xFFFFFEC0  }
0x77: {  	_ =	swait.ge [sflag:s25], $0x140  }
0x78: {  	[sflag:s25] =	ssyncset.done $0x0  }
0x79: {  	[sflag:s25] =	ssyncadd.s32 $0xFFFFFEC0  }
0x7a: {  	_ =	swait.ge [sflag:s25], $0x140  }
0x7b: {  	[sflag:s25] =	ssyncset.done $0x0  }
0x7c: {  	[sflag:s25] =	ssyncadd.s32 $0xFFFFFEC0  }
0x7d: {  	_ =	swait.ge [sflag:s25], $0x140  }
0x7e: {  	[sflag:s25] =	ssyncset.done $0x0  }
0x7f: {  	[sflag:s25] =	ssyncadd.s32 $0xFFFFFEC0  }
0x80: {  	_ =	swait.ge [sflag:s25], $0x140  }
0x81: {  	[sflag:s25] =	ssyncset.done $0x0  }
0x82: {  	[sflag:s25] =	ssyncadd.s32 $0xFFFFFEC0  }
0x83: {  	_ =	swait.ge [sflag:s25], $0x140  }
0x84: {  	[sflag:s25] =	ssyncset.done $0x0  }
0x85: {  	[sflag:s25] =	ssyncadd.s32 $0xFFFFFEC0  }
0x86: {  	_ =	swait.ge [sflag:s25], $0x140  }
0x87: {  	[sflag:s25] =	ssyncset.done $0x0  }
0x88: {  	s29 =	simm.s32 $0x8090;
	[sflag:s25] =	ssyncadd.s32 $0xFFFFFEC0  }
0x89: {  	s30 =	simm.s32 $0x0;
	v2 =	vld [tilespmem:s29+$0xFFFFF730]  }
0x8a: {  	s26 =	sand.u32 $0x1C0, s30;
	v3 =	vld [tilespmem:s29+$0xFFFFF5F0]  }
0x8b: {  	v4 =	vld [tilespmem:s26+$0x7900]  }
0x8c: {  	v5 =	vld [tilespmem:s29+$0xFFFFF9B0]  }
0x8d: {  	v6 =	vld [tilespmem:s26+$0x7B80]  }
0x8e: {  	v7 =	vld [tilespmem:s29+$0xFFFFFC30]  }
0x8f: {  	v2 =	vadd.s32 v3, v2;
	v3 =	vld [tilespmem:s26+$0x7E00]  }
0x90: {  	v2 =	vadd.s32 v4, v2;
	v4 =	vld [tilespmem:s29+$0xFFFFFEB0]  }
0x91: {  	v2 =	vadd.s32 v5, v2;
	v5 =	vld [tilespmem:s26+$0x8080]  }
0x92: {  	v2 =	vadd.s32 v6, v2;
	v6 =	vld [tilespmem:s29+$0x130]  }
0x93: {  	v2 =	vadd.s32 v7, v2;
	v7 =	vld [tilespmem:s26+$0x8300]  }
0x94: {  	v2 =	vadd.s32 v3, v2;
	v3 =	vld [tilespmem:s29+$0x3B0]  }
0x95: {  	v2 =	vadd.s32 v4, v2;
	v4 =	vld [tilespmem:s26+$0x8580]  }
0x96: {  	v2 =	vadd.s32 v5, v2;
	v5 =	vld [tilespmem:s29+$0x630]  }
0x97: {  	v2 =	vadd.s32 v6, v2;
	v6 =	vld [tilespmem:s26+$0x8800]  }
0x98: {  	v2 =	vadd.s32 v7, v2;
	v7 =	vld [tilespmem:s29+$0x8B0]  }
0x99: {  	v2 =	vadd.s32 v3, v2  }
0x9a: {  	v2 =	vadd.s32 v4, v2  }
0x9b: {  	v2 =	vadd.s32 v5, v2  }
0x9c: {  	v2 =	vadd.s32 v6, v2  }
0x9d: {  	s31 =	simm.s32 $0x4EA0;
	v2 =	vadd.s32 v7, v2  }
0x9e: {  	[tilespmem:s31+$0xFFFFFFE0] =	vst v2  }
0x9f: {  	v2 =	vld [tilespmem:s29+$0xFFFFF600]  }
0xa0: {  	v3 =	vld [tilespmem:s29+$0xFFFFF740]  }
0xa1: {  	v4 =	vld [tilespmem:s29+$0xFFFFF880]  }
0xa2: {  	v5 =	vld [tilespmem:s29+$0xFFFFF9C0]  }
0xa3: {  	v6 =	vld [tilespmem:s29+$0xFFFFFB00]  }
0xa4: {  	v7 =	vld [tilespmem:s29+$0xFFFFFC40]  }
0xa5: {  	v2 =	vadd.s32 v2, v3;
	v3 =	vld [tilespmem:s29+$0xFFFFFD80]  }
0xa6: {  	v2 =	vadd.s32 v4, v2;
	v4 =	vld [tilespmem:s29+$0xFFFFFEC0]  }
0xa7: {  	v2 =	vadd.s32 v5, v2;
	v5 =	vld [tilespmem:s29+$0x0]  }
0xa8: {  	v2 =	vadd.s32 v6, v2;
	v6 =	vld [tilespmem:s29+$0x140]  }
0xa9: {  	v2 =	vadd.s32 v7, v2;
	v7 =	vld [tilespmem:s29+$0x280]  }
0xaa: {  	v2 =	vadd.s32 v3, v2;
	v3 =	vld [tilespmem:s29+$0x3C0]  }
0xab: {  	v2 =	vadd.s32 v4, v2;
	v4 =	vld [tilespmem:s29+$0x500]  }
0xac: {  	v2 =	vadd.s32 v5, v2;
	v5 =	vld [tilespmem:s29+$0x640]  }
0xad: {  	v2 =	vadd.s32 v6, v2;
	v6 =	vld [tilespmem:s29+$0x780]  }
0xae: {  	v2 =	vadd.s32 v7, v2;
	v7 =	vld [tilespmem:s29+$0x8C0]  }
0xaf: {  	v2 =	vadd.s32 v3, v2  }
0xb0: {  	v2 =	vadd.s32 v4, v2  }
0xb1: {  	v2 =	vadd.s32 v5, v2  }
0xb2: {  	v2 =	vadd.s32 v6, v2  }
0xb3: {  	v2 =	vadd.s32 v7, v2  }
0xb4: {  	[tilespmem:s31+$0xFFFFFFF0] =	vst v2  }
0xb5: {  	v2 =	vld [tilespmem:s29+$0xFFFFF610]  }
0xb6: {  	v3 =	vld [tilespmem:s29+$0xFFFFF750]  }
0xb7: {  	v4 =	vld [tilespmem:s29+$0xFFFFF890]  }
0xb8: {  	v5 =	vld [tilespmem:s29+$0xFFFFF9D0]  }
0xb9: {  	v6 =	vld [tilespmem:s29+$0xFFFFFB10]  }
0xba: {  	v7 =	vld [tilespmem:s29+$0xFFFFFC50]  }
0xbb: {  	v2 =	vadd.s32 v2, v3;
	v3 =	vld [tilespmem:s29+$0xFFFFFD90]  }
0xbc: {  	v2 =	vadd.s32 v4, v2;
	v4 =	vld [tilespmem:s29+$0xFFFFFED0]  }
0xbd: {  	v2 =	vadd.s32 v5, v2;
	v5 =	vld [tilespmem:s29+$0x10]  }
0xbe: {  	v2 =	vadd.s32 v6, v2;
	v6 =	vld [tilespmem:s29+$0x150]  }
0xbf: {  	v2 =	vadd.s32 v7, v2;
	v7 =	vld [tilespmem:s29+$0x290]  }
0xc0: {  	v2 =	vadd.s32 v3, v2;
	v3 =	vld [tilespmem:s29+$0x3D0]  }
0xc1: {  	v2 =	vadd.s32 v4, v2;
	v4 =	vld [tilespmem:s29+$0x510]  }
0xc2: {  	v2 =	vadd.s32 v5, v2;
	v5 =	vld [tilespmem:s29+$0x650]  }
0xc3: {  	v2 =	vadd.s32 v6, v2;
	v6 =	vld [tilespmem:s29+$0x790]  }
0xc4: {  	v2 =	vadd.s32 v7, v2;
	v7 =	vld [tilespmem:s29+$0x8D0]  }
0xc5: {  	v2 =	vadd.s32 v3, v2  }
0xc6: {  	v2 =	vadd.s32 v4, v2  }
0xc7: {  	v2 =	vadd.s32 v5, v2  }
0xc8: {  	v2 =	vadd.s32 v6, v2  }
0xc9: {  	v2 =	vadd.s32 v7, v2  }
0xca: {  	[tilespmem:s31+$0x0] =	vst v2  }
0xcb: {  	v2 =	vld [tilespmem:s29+$0xFFFFF620]  }
0xcc: {  	v3 =	vld [tilespmem:s29+$0xFFFFF760]  }
0xcd: {  	v4 =	vld [tilespmem:s29+$0xFFFFF8A0]  }
0xce: {  	v5 =	vld [tilespmem:s29+$0xFFFFF9E0]  }
0xcf: {  	v6 =	vld [tilespmem:s29+$0xFFFFFB20]  }
0xd0: {  	v7 =	vld [tilespmem:s29+$0xFFFFFC60]  }
0xd1: {  	v2 =	vadd.s32 v2, v3;
	v3 =	vld [tilespmem:s29+$0xFFFFFDA0]  }
0xd2: {  	v2 =	vadd.s32 v4, v2;
	v4 =	vld [tilespmem:s29+$0xFFFFFEE0]  }
0xd3: {  	v2 =	vadd.s32 v5, v2;
	v5 =	vld [tilespmem:s29+$0x20]  }
0xd4: {  	v2 =	vadd.s32 v6, v2;
	v6 =	vld [tilespmem:s29+$0x160]  }
0xd5: {  	v2 =	vadd.s32 v7, v2;
	v7 =	vld [tilespmem:s29+$0x2A0]  }
0xd6: {  	v8 =	vld [tilespmem:s29+$0x3E0];
	v2 =	vadd.s32 v3, v2  }
0xd7: {  	v3 =	vld [tilespmem:s29+$0x520];
	v2 =	vadd.s32 v4, v2  }
0xd8: {  	v4 =	vadd.s32 v5, v2;
	v2 =	vld [tilespmem:s29+$0x660]  }
0xd9: {  	v5 =	vadd.s32 v6, v4;
	v4 =	vld [tilespmem:s29+$0x7A0]  }
0xda: {  	v6 =	vadd.s32 v7, v5;
	v5 =	vld [tilespmem:s29+$0x8E0]  }
0xdb: {  	s0 =	simm.s32 $0x4EE0;
	s1 =	simm.s32 $0x0;
	v6 =	vadd.s32 v8, v6  }
.LBB2_6:
0xdc: {  	s1 =	sadd.s32 $0x4, s1;
	v3 =	vadd.s32 v3, v6;
	s29 =	sadd.s32 $0x40, s29;
	s30 =	sadd.s32 $0x40, s30  }
0xdd: {  	p0 =	slt.u32 s1, $0x10;
	v2 =	vadd.s32 v2, v3  }
0xde: {  	v2 =	vadd.s32 v4, v2  }
0xdf: {  	v2 =	vadd.s32 v5, v2  }
0xe0: {  	[tilespmem:s31+$0x10] =	vst v2;
	s31 =	smov.u32 s0;
	_ =	sdelay $0x1  }
0xe1: {  	v2 =	vld [tilespmem:s29+$0xFFFFF730]  }
0xe2: {  	s26 =	sand.u32 $0x1C0, s30;
	v3 =	vld [tilespmem:s29+$0xFFFFF5F0]  }
0xe3: {  	v4 =	vld [tilespmem:s26+$0x7900]  }
0xe4: {  	v5 =	vld [tilespmem:s29+$0xFFFFF9B0]  }
0xe5: {  	v6 =	vld [tilespmem:s26+$0x7B80]  }
0xe6: {  	v7 =	vld [tilespmem:s29+$0xFFFFFC30]  }
0xe7: {  	v2 =	vadd.s32 v3, v2;
	v3 =	vld [tilespmem:s26+$0x7E00]  }
0xe8: {  	v2 =	vadd.s32 v4, v2;
	v4 =	vld [tilespmem:s29+$0xFFFFFEB0]  }
0xe9: {  	v2 =	vadd.s32 v5, v2;
	v5 =	vld [tilespmem:s26+$0x8080]  }
0xea: {  	v2 =	vadd.s32 v6, v2;
	v6 =	vld [tilespmem:s29+$0x130]  }
0xeb: {  	v2 =	vadd.s32 v7, v2;
	v7 =	vld [tilespmem:s26+$0x8300]  }
0xec: {  	v2 =	vadd.s32 v3, v2;
	v3 =	vld [tilespmem:s29+$0x3B0]  }
0xed: {  	v2 =	vadd.s32 v4, v2;
	v4 =	vld [tilespmem:s26+$0x8580]  }
0xee: {  	v2 =	vadd.s32 v5, v2;
	v5 =	vld [tilespmem:s29+$0x630]  }
0xef: {  	v2 =	vadd.s32 v6, v2;
	v6 =	vld [tilespmem:s26+$0x8800]  }
0xf0: {  	v2 =	vadd.s32 v7, v2;
	v7 =	vld [tilespmem:s29+$0x8B0]  }
0xf1: {  	v2 =	vadd.s32 v3, v2  }
0xf2: {  	v2 =	vadd.s32 v4, v2  }
0xf3: {  	v2 =	vadd.s32 v5, v2  }
0xf4: {  	v2 =	vadd.s32 v6, v2  }
0xf5: {  	v2 =	vadd.s32 v7, v2  }
0xf6: {  	[tilespmem:s0+$0xFFFFFFE0] =	vst v2  }
0xf7: {  	v2 =	vld [tilespmem:s29+$0xFFFFF600]  }
0xf8: {  	v3 =	vld [tilespmem:s29+$0xFFFFF740]  }
0xf9: {  	v4 =	vld [tilespmem:s29+$0xFFFFF880]  }
0xfa: {  	v5 =	vld [tilespmem:s29+$0xFFFFF9C0]  }
0xfb: {  	v6 =	vld [tilespmem:s29+$0xFFFFFB00]  }
0xfc: {  	v7 =	vld [tilespmem:s29+$0xFFFFFC40]  }
0xfd: {  	v2 =	vadd.s32 v2, v3;
	v3 =	vld [tilespmem:s29+$0xFFFFFD80]  }
0xfe: {  	v2 =	vadd.s32 v4, v2;
	v4 =	vld [tilespmem:s29+$0xFFFFFEC0]  }
0xff: {  	v2 =	vadd.s32 v5, v2;
	v5 =	vld [tilespmem:s29+$0x0]  }
0x100: {  	v2 =	vadd.s32 v6, v2;
	v6 =	vld [tilespmem:s29+$0x140]  }
0x101: {  	v2 =	vadd.s32 v7, v2;
	v7 =	vld [tilespmem:s29+$0x280]  }
0x102: {  	v2 =	vadd.s32 v3, v2;
	v3 =	vld [tilespmem:s29+$0x3C0]  }
0x103: {  	v2 =	vadd.s32 v4, v2;
	v4 =	vld [tilespmem:s29+$0x500]  }
0x104: {  	v2 =	vadd.s32 v5, v2;
	v5 =	vld [tilespmem:s29+$0x640]  }
0x105: {  	v2 =	vadd.s32 v6, v2;
	v6 =	vld [tilespmem:s29+$0x780]  }
0x106: {  	v2 =	vadd.s32 v7, v2;
	v7 =	vld [tilespmem:s29+$0x8C0]  }
0x107: {  	v2 =	vadd.s32 v3, v2  }
0x108: {  	v2 =	vadd.s32 v4, v2  }
0x109: {  	v2 =	vadd.s32 v5, v2  }
0x10a: {  	v2 =	vadd.s32 v6, v2  }
0x10b: {  	v2 =	vadd.s32 v7, v2  }
0x10c: {  	[tilespmem:s0+$0xFFFFFFF0] =	vst v2  }
0x10d: {  	v2 =	vld [tilespmem:s29+$0xFFFFF610]  }
0x10e: {  	v3 =	vld [tilespmem:s29+$0xFFFFF750]  }
0x10f: {  	v4 =	vld [tilespmem:s29+$0xFFFFF890]  }
0x110: {  	v5 =	vld [tilespmem:s29+$0xFFFFF9D0]  }
0x111: {  	v6 =	vld [tilespmem:s29+$0xFFFFFB10]  }
0x112: {  	v7 =	vld [tilespmem:s29+$0xFFFFFC50]  }
0x113: {  	v2 =	vadd.s32 v2, v3;
	v3 =	vld [tilespmem:s29+$0xFFFFFD90]  }
0x114: {  	v2 =	vadd.s32 v4, v2;
	v4 =	vld [tilespmem:s29+$0xFFFFFED0]  }
0x115: {  	v2 =	vadd.s32 v5, v2;
	v5 =	vld [tilespmem:s29+$0x10]  }
0x116: {  	v2 =	vadd.s32 v6, v2;
	v6 =	vld [tilespmem:s29+$0x150]  }
0x117: {  	v2 =	vadd.s32 v7, v2;
	v7 =	vld [tilespmem:s29+$0x290]  }
0x118: {  	v2 =	vadd.s32 v3, v2;
	v3 =	vld [tilespmem:s29+$0x3D0]  }
0x119: {  	v2 =	vadd.s32 v4, v2;
	v4 =	vld [tilespmem:s29+$0x510]  }
0x11a: {  	v2 =	vadd.s32 v5, v2;
	v5 =	vld [tilespmem:s29+$0x650]  }
0x11b: {  	v2 =	vadd.s32 v6, v2;
	v6 =	vld [tilespmem:s29+$0x790]  }
0x11c: {  	v2 =	vadd.s32 v7, v2;
	v7 =	vld [tilespmem:s29+$0x8D0]  }
0x11d: {  	v2 =	vadd.s32 v3, v2  }
0x11e: {  	v2 =	vadd.s32 v4, v2  }
0x11f: {  	v2 =	vadd.s32 v5, v2  }
0x120: {  	v2 =	vadd.s32 v6, v2  }
0x121: {  	v2 =	vadd.s32 v7, v2  }
0x122: {  	[tilespmem:s0+$0x0] =	vst v2  }
0x123: {  	v2 =	vld [tilespmem:s29+$0xFFFFF620]  }
0x124: {  	v3 =	vld [tilespmem:s29+$0xFFFFF760]  }
0x125: {  	v4 =	vld [tilespmem:s29+$0xFFFFF8A0]  }
0x126: {  	v5 =	vld [tilespmem:s29+$0xFFFFF9E0]  }
0x127: {  	v6 =	vld [tilespmem:s29+$0xFFFFFB20]  }
0x128: {  	v7 =	vld [tilespmem:s29+$0xFFFFFC60]  }
0x129: {  	v2 =	vadd.s32 v2, v3;
	v3 =	vld [tilespmem:s29+$0xFFFFFDA0]  }
0x12a: {  	v2 =	vadd.s32 v4, v2;
	v4 =	vld [tilespmem:s29+$0xFFFFFEE0]  }
0x12b: {  	v2 =	vadd.s32 v5, v2;
	v5 =	vld [tilespmem:s29+$0x20]  }
0x12c: {  	v2 =	vadd.s32 v6, v2;
	v6 =	vld [tilespmem:s29+$0x160]  }
0x12d: {  	v2 =	vadd.s32 v7, v2;
	v7 =	vld [tilespmem:s29+$0x2A0]  }
0x12e: {  	v2 =	vadd.s32 v3, v2;
	v8 =	vld [tilespmem:s29+$0x3E0]  }
.Ltmp2:
0x12f: {  	v2 =	vadd.s32 v4, v2;
	v3 =	vld [tilespmem:s29+$0x520];
	(pc) =	sbr.rel @p0 .LBB2_6-.Ltmp2, $4  }
0x130: {  	v4 =	vadd.s32 v5, v2;
	v2 =	vld [tilespmem:s29+$0x660]  }
0x131: {  	v5 =	vadd.s32 v6, v4;
	v4 =	vld [tilespmem:s29+$0x7A0]  }
0x132: {  	v6 =	vadd.s32 v7, v5;
	v5 =	vld [tilespmem:s29+$0x8E0]  }
0x133: {  	s0 =	sadd.s32 $0x40, s0;
	v6 =	vadd.s32 v8, v6  }
0x134: {  	v3 =	vadd.s32 v3, v6  }
0x135: {  	v2 =	vadd.s32 v2, v3  }
0x136: {  	s28 =	sadd.s32 $0x1, s28;
	v2 =	vadd.s32 v4, v2  }
0x137: {  	p0 =	sne.s32 s28, s22;
	v2 =	vadd.s32 v5, v2  }
.Ltmp3:
0x138: {  	[tilespmem:s31+$0x10] =	vst v2;
	(pc) =	sbr.rel @p0 .LBB2_1-.Ltmp3, $4  }
0x139: {  	[hbm4b:s21+s2] =	stream.linear.scatter [tilespmem:s24], [sflag:$0x2], $0x140, $0x38;
	[tilespmem:$0xB280] =	vst v63  }
0x13a: {  	_ =	swait.ge [sflag:s23], $0x140  }
0x13b: {  	[sflag:s23] =	ssyncset.done $0x0  }
0x13c: {  	[sflag:s23] =	ssyncadd.s32 $0xFFFFFEC0  }
0x13d: {  	_ =	sfence.sel $0x180000  }
0x13e: {  	[bflag:$0x0] =	sbarrier.arrive $0xFFFF  }
0x13f: {  	_ =	strace $0x90000047  }
0x140: {  	s0 =	stileid.u32;
	[bflag:$0x2] =	sbarrier.arrive $0xFFFF  }
0x141: {  	p0 =	sne.s32 s0, $0x0;
	s0 =	rddreg [dreg:$0x3]  }
0x142: {  	s0 =	sadd.s32 @!p0 $0x100000, s0  }
0x143: {  	[sflag:s0] =	ssyncadd.tile.s32 @!p0 $0x1;
	_ =	shalt  }
.Lfunc_end2:
_tile_overlayer_lowered:
.L_overlay_start_2:
0x144: {  	(tag) =	ssettag $0x2  }
0x145: {  	s0 =	rddreg [dreg:$0x0];
	s2 =	stileid.u32  }
0x146: {  	s1 =	rddreg [dreg:$0x1];
	p0 =	sne.s32 s2, $0x0  }
0x147: {  	s3 =	rddreg [dreg:$0x2];
	[bflag:$0x3] =	sbarrier.arrive $0xFFFF;
	s2 =	simm.s32 @!p0 $0x1C02  }
0x148: {  	[timem:s3], [sflag:s2] =	dma.local @!p0 [hbm:s0], s1  }
0x149: {  	s0 =	simm.s32 @!p0 $0x2  }
0x14a: {  	_ =	swait.ge @!p0 [sflag:s0], s1  }
0x14b: {  	s1 =	ssub.s32 @!p0 $0x0, s1;
	[sflag:s0] =	ssyncset.done @!p0 $0x0  }
0x14c: {  	[sflag:s0] =	ssyncadd.s32 @!p0 s1  }
0x14d: {  	[bflag:$0x3] =	sbarrier.arrive $0xFFFF  }
0x14e: {  	_ =	shalt  }

</sc_bundles>
